<compile_context>
chip_gen: v7x
topology: tpu7x:2x2x1
jax: 0.10.2.dev20260603
libtpu: 0.0.44.dev20260713+nightly
codegen_flags: <defaults>
</compile_context>

<pallas_src>
import functools

import jax
import jax.numpy as jnp
from jax import lax
from jax.experimental import pallas as pl
from jax.experimental.pallas import tpu as pltpu
from jax.experimental.pallas import tpu_sc as plsc

N = 10000
NP = 10240
D = 128
K1 = 21
G = 32
NG = NP // G
SG = 128
NSG = NP // SG

RB = 256

CC = 1024

RE = 512
WE = K1 * G

NH = NP // 2
CHUNKS = 32
CHW = 128
NWACT = (24 * NH) // (CHUNKS * CHW)
B_PAD = 24 * NH

NEG = -1e30
BIGI = 1 << 30


def _mlp_norm_body(x_ref, w1_ref, b1_ref, w2_ref, b2_ref, out_ref):
    x = x_ref[:]
    h = jax.lax.dot_general(x, w1_ref[:], (((1,), (1,)), ((), ())),
                            preferred_element_type=jnp.float32)
    h = jnp.maximum(h + b1_ref[:], 0.0)
    e = jax.lax.dot_general(h, w2_ref[:], (((1,), (1,)), ((), ())),
                            preferred_element_type=jnp.float32)
    e = e + b2_ref[:]
    n = jnp.sqrt(jnp.sum(e * e, axis=1, keepdims=True))
    n = jnp.maximum(n, 1e-12)
    out_ref[:] = e / n


def _sims_gm_body(xr_ref, xc_ref, tab_ref, gm_ref):
    i = pl.program_id(0)
    s = jax.lax.dot_general(xr_ref[:], xc_ref[:], (((1,), (1,)), ((), ())),
                            preferred_element_type=jnp.float32)
    col = lax.broadcasted_iota(jnp.int32, (RB, NP), 1)
    sw = jnp.where(col >= N, NEG, s)
    tab_ref[:] = sw.reshape(RB, NSG, SG)
    row = i * RB + lax.broadcasted_iota(jnp.int32, (RB, NP), 0)
    sg = jnp.where(row >= N, NEG, s)
    gm_ref[:] = jnp.max(sg.reshape(RB // G, G, NP), axis=1)


def _group_sel_body(half, gm_ref, out_ref, idx_ref):
    k = half * (NH // CC) + pl.program_id(0)
    g = gm_ref[:]
    riota = lax.broadcasted_iota(jnp.int32, (NG, CC), 0)
    oiota = lax.broadcasted_iota(jnp.int32, (24, CC), 0)
    acc = jnp.zeros((24, CC), jnp.int32)
    for j in range(K1):
        m = jnp.max(g, axis=0, keepdims=True)
        sel = jnp.min(jnp.where(g == m, riota, BIGI), axis=0, keepdims=True)
        acc = jnp.where(oiota == j, sel, acc)
        g = jnp.where(riota == sel, NEG, g)
    out_ref[:] = acc
    i_glob = k * CC + lax.broadcasted_iota(jnp.int32, (24, CC), 1)
    idx_ref[:] = (i_glob * NSG + (acc >> 2)).reshape(24, CC // SG, SG)


_HI = jax.lax.Precision.HIGHEST


def _final_topk_body(half, *refs):
    cand_refs = refs[:K1]
    grpt_ref = refs[K1]
    ei_ref = refs[K1 + 1]
    ew_ref = refs[K1 + 2]
    k = half * (NH // RE) + pl.program_id(0)
    f32 = jnp.float32
    grptf = grpt_ref[:].astype(f32)

    ejs = (lax.broadcasted_iota(jnp.int32, (24, WE), 0)
           == lax.broadcasted_iota(jnp.int32, (24, WE), 1) // G).astype(f32)
    qfull = jax.lax.dot_general(grptf, ejs, (((0,), (0,)), ((), ())),
                                preferred_element_type=f32,
                                precision=_HI).astype(jnp.int32)
    gt = jax.lax.dot_general(ejs, grptf, (((0,), (0,)), ((), ())),
                             preferred_element_type=f32,
                             precision=_HI).astype(jnp.int32)
    siota = lax.broadcasted_iota(jnp.int32, (WE, RE), 0)
    gidx = gt * G + siota % G

    cats = []
    for q in range(4):
        cats.append(jnp.concatenate(
            [cand_refs[j][:][:, q * G:(q + 1) * G] for j in range(K1)], axis=1))
    qsel = qfull & 3
    ext = jnp.where(qsel == 0, cats[0],
                    jnp.where(qsel == 1, cats[1],
                              jnp.where(qsel == 2, cats[2], cats[3])))
    eye = (lax.broadcasted_iota(jnp.int32, (RE, RE), 0)
           == lax.broadcasted_iota(jnp.int32, (RE, RE), 1)).astype(f32)
    big = jax.lax.dot_general(ext, eye, (((0,), (0,)), ((), ())),
                              preferred_element_type=f32,
                              precision=_HI)

    oiota = lax.broadcasted_iota(jnp.int32, (24, RE), 0)
    accv = jnp.zeros((24, RE), f32)
    acci = jnp.zeros((24, RE), jnp.int32)
    for j in range(K1):
        m = jnp.max(big, axis=0, keepdims=True)
        sel = jnp.min(jnp.where(big == m, gidx, BIGI), axis=0, keepdims=True)
        accv = jnp.where(oiota == j, jnp.maximum(m, 0.0), accv)
        acci = jnp.where(oiota == j, sel, acci)
        big = jnp.where(gidx == sel, NEG, big)

    accv_rm = jax.lax.dot_general(eye, accv, (((1,), (1,)), ((), ())),
                                  preferred_element_type=f32,
                                  precision=_HI)
    acci_rm = jax.lax.dot_general(eye, acci.astype(f32), (((1,), (1,)), ((), ())),
                                  preferred_element_type=f32,
                                  precision=_HI).astype(jnp.int32)
    w = accv_rm[:, :K1]
    c = acci_rm[:, :K1]
    r = k * RE + lax.broadcasted_iota(jnp.int32, (RE, K1), 0)
    ei_ref[:] = jnp.concatenate(
        [r[None], c[None], c[None], r[None]], axis=0).reshape(2, 2, RE, K1)
    ew_ref[:] = jnp.concatenate([w[None], w[None]], axis=0)


_sc_mesh = plsc.VectorSubcoreMesh(core_axis_name="c", subcore_axis_name="s")


@functools.partial(
    pl.kernel,
    mesh=_sc_mesh,
    out_type=jax.ShapeDtypeStruct((B_PAD, SG), jnp.float32),
    scratch_types=[
        pltpu.VMEM((CHUNKS, CHW), jnp.int32),
        pltpu.VMEM((4 * CHW, SG), jnp.float32),
        pltpu.SemaphoreType.DMA,
    ],
)
def _sc_gather(table_hbm, idx_hbm, out_hbm, idx_v, buf, sem):
    wid = lax.axis_index("s") * 2 + lax.axis_index("c")

    @pl.when(wid < NWACT)
    def _():
        base = wid * CHUNKS
        pltpu.sync_copy(idx_hbm.at[pl.ds(base, CHUNKS)], idx_v)
        out_base = base * CHW

        def body(t, carry):
            cps = []
            for u in range(4):
                cps.append(pltpu.async_copy(
                    table_hbm.at[idx_v.at[4 * t + u]],
                    buf.at[pl.ds(u * CHW, CHW)], sem))
            for cp in cps:
                cp.wait()
            pltpu.sync_copy(
                buf, out_hbm.at[pl.ds(out_base + t * 4 * CHW, 4 * CHW)])
            return carry

        lax.fori_loop(0, CHUNKS // 4, body, 0)


def kernel(features, W1, b1, W2, b2):
    f32 = jnp.float32
    x = jnp.pad(features, ((0, NP - features.shape[0]), (0, 0)))

    xn = pl.pallas_call(
        _mlp_norm_body,
        out_shape=jax.ShapeDtypeStruct((NP, D), f32),
    )(x, W1, b1.reshape(1, D), W2, b2.reshape(1, D))

    tab3, gmT = pl.pallas_call(
        _sims_gm_body,
        grid=(NP // RB,),
        in_specs=[
            pl.BlockSpec((RB, D), lambda i: (i, 0)),
            pl.BlockSpec((NP, D), lambda i: (0, 0)),
        ],
        out_specs=[
            pl.BlockSpec((RB, NSG, SG), lambda i: (i, 0, 0)),
            pl.BlockSpec((RB // G, NP), lambda i: (i, 0)),
        ],
        out_shape=[
            jax.ShapeDtypeStruct((NP, NSG, SG), f32),
            jax.ShapeDtypeStruct((NG, NP), f32),
        ],
    )(xn, xn)

    table = tab3.reshape(NP * NSG, SG)
    cand_specs = [
        pl.BlockSpec((RE, SG), functools.partial(lambda j, k: (j * (NH // RE) + k, 0), j))
        for j in range(K1)
    ]

    halves = []
    for h in range(2):
        grpT_h, idx3_h = pl.pallas_call(
            functools.partial(_group_sel_body, h),
            grid=(NH // CC,),
            in_specs=[pl.BlockSpec((NG, CC),
                                   functools.partial(lambda h, k: (0, h * (NH // CC) + k), h))],
            out_specs=[
                pl.BlockSpec((24, CC), lambda k: (0, k)),
                pl.BlockSpec((24, CC // SG, SG), lambda k: (0, k, 0)),
            ],
            out_shape=[
                jax.ShapeDtypeStruct((24, NH), jnp.int32),
                jax.ShapeDtypeStruct((24, NH // SG, SG), jnp.int32),
            ],
        )(gmT)
        cand_h = _sc_gather(table, idx3_h.reshape(B_PAD // CHW, CHW))
        halves.append((grpT_h, cand_h))

    outs = []
    for h in range(2):
        grpT_h, cand_h = halves[h]
        ei4_h, ew3_h = pl.pallas_call(
            functools.partial(_final_topk_body, h),
            grid=(NH // RE,),
            in_specs=cand_specs + [
                pl.BlockSpec((24, RE), lambda k: (0, k)),
            ],
            out_specs=[
                pl.BlockSpec((2, 2, RE, K1), lambda k: (0, 0, k, 0)),
                pl.BlockSpec((2, RE, K1), lambda k: (0, k, 0)),
            ],
            out_shape=[
                jax.ShapeDtypeStruct((2, 2, NH, K1), jnp.int32),
                jax.ShapeDtypeStruct((2, NH, K1), f32),
            ],
        )(*([cand_h] * K1), grpT_h)
        outs.append((ei4_h, ew3_h))

    (ei0, ew0), (ei1, ew1) = outs
    nh1 = N - NH
    edge_index = jnp.concatenate(
        [ei0[:, 0].reshape(2, -1), ei1[:, 0, :nh1].reshape(2, -1),
         ei0[:, 1].reshape(2, -1), ei1[:, 1, :nh1].reshape(2, -1)], axis=1)
    edge_weight = jnp.concatenate(
        [ew0[0].reshape(-1), ew1[0, :nh1].reshape(-1),
         ew0[1].reshape(-1), ew1[1, :nh1].reshape(-1)])
    return edge_index, edge_weight

# --- scband reference (transcript-rebuilt; emitter-appended) ---
"""Pipeline reference for scband-co-g-17308718202964 (READ-ONLY COPY).

The authoritative reference and input builder live on the scoring server;
editing this copy changes nothing except your own understanding.
"""

import jax, jax.numpy as jnp
import numpy as np

K = 20
BLK = 1000

def setup_inputs(seed: int = 0):
    key = jax.random.key(seed)
    k1, k2, k3 = jax.random.split(key, 3)
    features = jax.random.normal(k1, (10000, 128), dtype=jnp.float32)
    # MLP_learner params: param_init sets weights to identity; biases default init (small random here)
    W1 = jnp.eye(128, dtype=jnp.float32)
    b1 = jax.random.normal(k2, (128,), dtype=jnp.float32) * 0.01
    W2 = jnp.eye(128, dtype=jnp.float32)
    b2 = jax.random.normal(k3, (128,), dtype=jnp.float32) * 0.01
    return {"features": features, "W1": W1, "b1": b1, "W2": W2, "b2": b2}

def _knn_vals_inds(Xn, k, b):
    # blocked all-pairs similarity + top-(k+1), mirroring knn_fast's batching with b=1000
    vals_list = []
    inds_list = []
    n = Xn.shape[0]
    for i in range(0, n, b):
        sub = Xn[i:i + b]
        sims = sub @ Xn.T
        v, idx = jax.lax.top_k(sims, k + 1)
        vals_list.append(v)
        inds_list.append(idx)
    return jnp.concatenate(vals_list, axis=0), jnp.concatenate(inds_list, axis=0)

def reference(features, W1, b1, W2, b2):
    # MLP_learner.internal_forward: Linear -> ReLU -> Linear
    h = jax.nn.relu(features @ W1.T + b1)
    emb = h @ W2.T + b2
    # knn_fast: L2 normalize rows (F.normalize eps=1e-12)
    norms = jnp.clip(jnp.linalg.norm(emb, axis=1, keepdims=True), 1e-12, None)
    Xn = emb / norms
    vals, inds = _knn_vals_inds(Xn, K, BLK)
    n = features.shape[0]
    values = vals.reshape(-1)
    cols = inds.reshape(-1).astype(jnp.int32)
    rows = jnp.repeat(jnp.arange(n, dtype=jnp.int32), K + 1)
    rows_ = jnp.concatenate([rows, cols])
    cols_ = jnp.concatenate([cols, rows])
    edge_index = jnp.stack([rows_, cols_])
    edge_weight = jax.nn.relu(jnp.concatenate([values, values]))
    return edge_index, edge_weight

if __name__ == "__main__":
    import jax
    _d = setup_inputs()
    print(jax.jit(kernel)(*tuple(_d.values())))

</pallas_src>

<mosaic_0001>
#map = affine_map<(d0, d1) -> (0, 0)>
module attributes {stable_mosaic.version = 14 : i64} {
  func.func @_sc_gather(%arg0: i32, %arg1: i32, %arg2: memref<819200x128xf32, #tpu.memory_space<hbm>>, %arg3: memref<960x128xi32, #tpu.memory_space<hbm>>, %arg4: memref<122880x128xf32, #tpu.memory_space<hbm>>, %arg5: memref<32x128xi32, #tpu.memory_space<vmem>>, %arg6: memref<512x128xf32, #tpu.memory_space<vmem>>, %arg7: memref<!tpu.dma_semaphore, #tpu.memory_space<semaphore_mem>>) attributes {dimension_semantics = [#tpu.dimension_semantics<core_parallel>, #tpu.dimension_semantics<subcore_parallel>], iteration_bounds = array<i64: 2, 16>, scalar_prefetch = 0 : i64, scratch_operands = 3 : i64, tpu.core_type = #tpu.core_type<sc_vector_subcore>, window_params = [{transform_indices = #map}, {transform_indices = #map}, {transform_indices = #map}]} {
    %mul3A = arith.constant 2 : i32
    %mul3A_0 = arith.muli %arg1, %mul3A : i32
    %add3A = arith.addi %mul3A_0, %arg0 : i32
    %lt3A = arith.constant 30 : i32
    %lt3A_1 = arith.cmpi slt, %add3A, %lt3A : i32
    %convert_element_type3A = arith.extui %lt3A_1 : i1 to i32
    %cond3A = arith.constant 0 : i32
    %cond3A_2 = arith.cmpi ne, %convert_element_type3A, %cond3A : i32
    scf.if %cond3A_2 {
      %mul3A_3 = arith.constant 32 : i32
      %mul3A_4 = arith.muli %add3A, %mul3A_3 : i32
      "tpu.region"() ({
        %run_scoped3A = tpu.sem_alloc : memref<!tpu.dma_semaphore, #tpu.memory_space<semaphore_mem>>
        %dma_start3A = arith.constant 0 : i32
        %dma_start3A_12 = tpu.memref_slice %arg3[%mul3A_4, %dma_start3A] : memref<960x128xi32, #tpu.memory_space<hbm>> -> memref<32x128xi32, #tpu.memory_space<hbm>>
        %dma_start3A_13 = arith.constant 0 : i32
        %dma_start3A_14 = tpu.memref_slice %arg3[%mul3A_4, %dma_start3A_13] : memref<960x128xi32, #tpu.memory_space<hbm>> -> memref<32x128xi32, #tpu.memory_space<hbm>>
        tpu.enqueue_dma source(%dma_start3A_14 : memref<32x128xi32, #tpu.memory_space<hbm>>) target(%arg5 : memref<32x128xi32, #tpu.memory_space<vmem>>) target_semaphore(%run_scoped3A : memref<!tpu.dma_semaphore, #tpu.memory_space<semaphore_mem>>)
        %dma_wait3A = arith.constant 0 : i32
        %dma_wait3A_15 = tpu.memref_slice %arg3[%mul3A_4, %dma_wait3A] : memref<960x128xi32, #tpu.memory_space<hbm>> -> memref<32x128xi32, #tpu.memory_space<hbm>>
        %dma_wait3A_16 = arith.constant 0 : i32
        %dma_wait3A_17 = tpu.memref_slice %arg3[%mul3A_4, %dma_wait3A_16] : memref<960x128xi32, #tpu.memory_space<hbm>> -> memref<32x128xi32, #tpu.memory_space<hbm>>
        tpu.wait_dma2 semaphore(%run_scoped3A : memref<!tpu.dma_semaphore, #tpu.memory_space<semaphore_mem>>) src(%dma_wait3A_17 : memref<32x128xi32, #tpu.memory_space<hbm>>) dst(%arg5 : memref<32x128xi32, #tpu.memory_space<vmem>>)
        tpu.yield
      }) : () -> ()
      %mul3A_5 = arith.constant 128 : i32
      %mul3A_6 = arith.muli %mul3A_4, %mul3A_5 : i32
      %scan3A = arith.constant 0 : i32
      %scan3A_7 = arith.constant 0 : i32
      %scan3A_8 = arith.constant 8 : i32
      %scan3A_9 = arith.addi %scan3A_7, %scan3A_8 : i32
      %scan3A_10 = arith.constant 1 : i32
      scf.for %scan3A_12 = %scan3A_7 to %scan3A_9 step %scan3A_10  : i32 {
        %mul3A_13 = arith.constant 4 : i32
        %mul3A_14 = arith.muli %mul3A_13, %scan3A_12 : i32
        %add3A_15 = arith.constant 0 : i32
        %add3A_16 = arith.addi %mul3A_14, %add3A_15 : i32
        %dma_start3A = arith.constant 0 : i32
        %dma_start3A_17 = arith.constant 0 : i32
        %dma_start3A_18 = tpu.memref_slice %arg6[%dma_start3A, %dma_start3A_17] : memref<512x128xf32, #tpu.memory_space<vmem>> -> memref<128x128xf32, #tpu.memory_space<vmem>>
        %dma_start3A_19 = arith.constant 0 : i32
        %dma_start3A_20 = tpu.memref_slice %arg5[%add3A_16, %dma_start3A_19] : memref<32x128xi32, #tpu.memory_space<vmem>> -> memref<1x128xi32, #tpu.memory_space<vmem>>
        %dma_start3A_21 = tpu.memref_squeeze %dma_start3A_20 : memref<1x128xi32, #tpu.memory_space<vmem>> -> memref<128xi32, #tpu.memory_space<vmem>>
        %dma_start3A_22 = arith.constant 0 : i32
        %dma_start3A_23 = arith.constant 0 : i32
        %dma_start3A_24 = tpu.memref_slice %arg2[%dma_start3A_22, %dma_start3A_23] : memref<819200x128xf32, #tpu.memory_space<hbm>> -> memref<819200x128xf32, #tpu.memory_space<hbm>>
        tpu.enqueue_indirect_dma source(%dma_start3A_24 : memref<819200x128xf32, #tpu.memory_space<hbm>>) target(%dma_start3A_18 : memref<128x128xf32, #tpu.memory_space<vmem>>) offsets(%dma_start3A_21 : memref<128xi32, #tpu.memory_space<vmem>>) semaphore(%arg7 : memref<!tpu.dma_semaphore, #tpu.memory_space<semaphore_mem>>)
        %mul3A_25 = arith.constant 4 : i32
        %mul3A_26 = arith.muli %mul3A_25, %scan3A_12 : i32
        %add3A_27 = arith.constant 1 : i32
        %add3A_28 = arith.addi %mul3A_26, %add3A_27 : i32
        %dma_start3A_29 = arith.constant 128 : i32
        %dma_start3A_30 = arith.constant 0 : i32
        %dma_start3A_31 = tpu.memref_slice %arg6[%dma_start3A_29, %dma_start3A_30] : memref<512x128xf32, #tpu.memory_space<vmem>> -> memref<128x128xf32, #tpu.memory_space<vmem>>
        %dma_start3A_32 = arith.constant 0 : i32
        %dma_start3A_33 = tpu.memref_slice %arg5[%add3A_28, %dma_start3A_32] : memref<32x128xi32, #tpu.memory_space<vmem>> -> memref<1x128xi32, #tpu.memory_space<vmem>>
        %dma_start3A_34 = tpu.memref_squeeze %dma_start3A_33 : memref<1x128xi32, #tpu.memory_space<vmem>> -> memref<128xi32, #tpu.memory_space<vmem>>
        %dma_start3A_35 = arith.constant 0 : i32
        %dma_start3A_36 = arith.constant 0 : i32
        %dma_start3A_37 = tpu.memref_slice %arg2[%dma_start3A_35, %dma_start3A_36] : memref<819200x128xf32, #tpu.memory_space<hbm>> -> memref<819200x128xf32, #tpu.memory_space<hbm>>
        tpu.enqueue_indirect_dma source(%dma_start3A_37 : memref<819200x128xf32, #tpu.memory_space<hbm>>) target(%dma_start3A_31 : memref<128x128xf32, #tpu.memory_space<vmem>>) offsets(%dma_start3A_34 : memref<128xi32, #tpu.memory_space<vmem>>) semaphore(%arg7 : memref<!tpu.dma_semaphore, #tpu.memory_space<semaphore_mem>>)
        %mul3A_38 = arith.constant 4 : i32
        %mul3A_39 = arith.muli %mul3A_38, %scan3A_12 : i32
        %add3A_40 = arith.constant 2 : i32
        %add3A_41 = arith.addi %mul3A_39, %add3A_40 : i32
        %dma_start3A_42 = arith.constant 256 : i32
        %dma_start3A_43 = arith.constant 0 : i32
        %dma_start3A_44 = tpu.memref_slice %arg6[%dma_start3A_42, %dma_start3A_43] : memref<512x128xf32, #tpu.memory_space<vmem>> -> memref<128x128xf32, #tpu.memory_space<vmem>>
        %dma_start3A_45 = arith.constant 0 : i32
        %dma_start3A_46 = tpu.memref_slice %arg5[%add3A_41, %dma_start3A_45] : memref<32x128xi32, #tpu.memory_space<vmem>> -> memref<1x128xi32, #tpu.memory_space<vmem>>
        %dma_start3A_47 = tpu.memref_squeeze %dma_start3A_46 : memref<1x128xi32, #tpu.memory_space<vmem>> -> memref<128xi32, #tpu.memory_space<vmem>>
        %dma_start3A_48 = arith.constant 0 : i32
        %dma_start3A_49 = arith.constant 0 : i32
        %dma_start3A_50 = tpu.memref_slice %arg2[%dma_start3A_48, %dma_start3A_49] : memref<819200x128xf32, #tpu.memory_space<hbm>> -> memref<819200x128xf32, #tpu.memory_space<hbm>>
        tpu.enqueue_indirect_dma source(%dma_start3A_50 : memref<819200x128xf32, #tpu.memory_space<hbm>>) target(%dma_start3A_44 : memref<128x128xf32, #tpu.memory_space<vmem>>) offsets(%dma_start3A_47 : memref<128xi32, #tpu.memory_space<vmem>>) semaphore(%arg7 : memref<!tpu.dma_semaphore, #tpu.memory_space<semaphore_mem>>)
        %mul3A_51 = arith.constant 4 : i32
        %mul3A_52 = arith.muli %mul3A_51, %scan3A_12 : i32
        %add3A_53 = arith.constant 3 : i32
        %add3A_54 = arith.addi %mul3A_52, %add3A_53 : i32
        %dma_start3A_55 = arith.constant 384 : i32
        %dma_start3A_56 = arith.constant 0 : i32
        %dma_start3A_57 = tpu.memref_slice %arg6[%dma_start3A_55, %dma_start3A_56] : memref<512x128xf32, #tpu.memory_space<vmem>> -> memref<128x128xf32, #tpu.memory_space<vmem>>
        %dma_start3A_58 = arith.constant 0 : i32
        %dma_start3A_59 = tpu.memref_slice %arg5[%add3A_54, %dma_start3A_58] : memref<32x128xi32, #tpu.memory_space<vmem>> -> memref<1x128xi32, #tpu.memory_space<vmem>>
        %dma_start3A_60 = tpu.memref_squeeze %dma_start3A_59 : memref<1x128xi32, #tpu.memory_space<vmem>> -> memref<128xi32, #tpu.memory_space<vmem>>
        %dma_start3A_61 = arith.constant 0 : i32
        %dma_start3A_62 = arith.constant 0 : i32
        %dma_start3A_63 = tpu.memref_slice %arg2[%dma_start3A_61, %dma_start3A_62] : memref<819200x128xf32, #tpu.memory_space<hbm>> -> memref<819200x128xf32, #tpu.memory_space<hbm>>
        tpu.enqueue_indirect_dma source(%dma_start3A_63 : memref<819200x128xf32, #tpu.memory_space<hbm>>) target(%dma_start3A_57 : memref<128x128xf32, #tpu.memory_space<vmem>>) offsets(%dma_start3A_60 : memref<128xi32, #tpu.memory_space<vmem>>) semaphore(%arg7 : memref<!tpu.dma_semaphore, #tpu.memory_space<semaphore_mem>>)
        %dma_wait3A = arith.constant 0 : i32
        %dma_wait3A_64 = arith.constant 0 : i32
        %dma_wait3A_65 = tpu.memref_slice %arg6[%dma_wait3A, %dma_wait3A_64] : memref<512x128xf32, #tpu.memory_space<vmem>> -> memref<128x128xf32, #tpu.memory_space<vmem>>
        %dma_wait3A_66 = arith.constant 0 : i32
        %dma_wait3A_67 = tpu.memref_slice %arg5[%add3A_16, %dma_wait3A_66] : memref<32x128xi32, #tpu.memory_space<vmem>> -> memref<1x128xi32, #tpu.memory_space<vmem>>
        %dma_wait3A_68 = tpu.memref_squeeze %dma_wait3A_67 : memref<1x128xi32, #tpu.memory_space<vmem>> -> memref<128xi32, #tpu.memory_space<vmem>>
        %dma_wait3A_69 = arith.constant 0 : i32
        %dma_wait3A_70 = arith.constant 0 : i32
        %dma_wait3A_71 = tpu.memref_slice %arg2[%dma_wait3A_69, %dma_wait3A_70] : memref<819200x128xf32, #tpu.memory_space<hbm>> -> memref<819200x128xf32, #tpu.memory_space<hbm>>
        tpu.wait_indirect_dma semaphore(%arg7 : memref<!tpu.dma_semaphore, #tpu.memory_space<semaphore_mem>>) src(%dma_wait3A_71 : memref<819200x128xf32, #tpu.memory_space<hbm>>) dst(%dma_wait3A_65 : memref<128x128xf32, #tpu.memory_space<vmem>>)
        %dma_wait3A_72 = arith.constant 128 : i32
        %dma_wait3A_73 = arith.constant 0 : i32
        %dma_wait3A_74 = tpu.memref_slice %arg6[%dma_wait3A_72, %dma_wait3A_73] : memref<512x128xf32, #tpu.memory_space<vmem>> -> memref<128x128xf32, #tpu.memory_space<vmem>>
        %dma_wait3A_75 = arith.constant 0 : i32
        %dma_wait3A_76 = tpu.memref_slice %arg5[%add3A_28, %dma_wait3A_75] : memref<32x128xi32, #tpu.memory_space<vmem>> -> memref<1x128xi32, #tpu.memory_space<vmem>>
        %dma_wait3A_77 = tpu.memref_squeeze %dma_wait3A_76 : memref<1x128xi32, #tpu.memory_space<vmem>> -> memref<128xi32, #tpu.memory_space<vmem>>
        %dma_wait3A_78 = arith.constant 0 : i32
        %dma_wait3A_79 = arith.constant 0 : i32
        %dma_wait3A_80 = tpu.memref_slice %arg2[%dma_wait3A_78, %dma_wait3A_79] : memref<819200x128xf32, #tpu.memory_space<hbm>> -> memref<819200x128xf32, #tpu.memory_space<hbm>>
        tpu.wait_indirect_dma semaphore(%arg7 : memref<!tpu.dma_semaphore, #tpu.memory_space<semaphore_mem>>) src(%dma_wait3A_80 : memref<819200x128xf32, #tpu.memory_space<hbm>>) dst(%dma_wait3A_74 : memref<128x128xf32, #tpu.memory_space<vmem>>)
        %dma_wait3A_81 = arith.constant 256 : i32
        %dma_wait3A_82 = arith.constant 0 : i32
        %dma_wait3A_83 = tpu.memref_slice %arg6[%dma_wait3A_81, %dma_wait3A_82] : memref<512x128xf32, #tpu.memory_space<vmem>> -> memref<128x128xf32, #tpu.memory_space<vmem>>
        %dma_wait3A_84 = arith.constant 0 : i32
        %dma_wait3A_85 = tpu.memref_slice %arg5[%add3A_41, %dma_wait3A_84] : memref<32x128xi32, #tpu.memory_space<vmem>> -> memref<1x128xi32, #tpu.memory_space<vmem>>
        %dma_wait3A_86 = tpu.memref_squeeze %dma_wait3A_85 : memref<1x128xi32, #tpu.memory_space<vmem>> -> memref<128xi32, #tpu.memory_space<vmem>>
        %dma_wait3A_87 = arith.constant 0 : i32
        %dma_wait3A_88 = arith.constant 0 : i32
        %dma_wait3A_89 = tpu.memref_slice %arg2[%dma_wait3A_87, %dma_wait3A_88] : memref<819200x128xf32, #tpu.memory_space<hbm>> -> memref<819200x128xf32, #tpu.memory_space<hbm>>
        tpu.wait_indirect_dma semaphore(%arg7 : memref<!tpu.dma_semaphore, #tpu.memory_space<semaphore_mem>>) src(%dma_wait3A_89 : memref<819200x128xf32, #tpu.memory_space<hbm>>) dst(%dma_wait3A_83 : memref<128x128xf32, #tpu.memory_space<vmem>>)
        %dma_wait3A_90 = arith.constant 384 : i32
        %dma_wait3A_91 = arith.constant 0 : i32
        %dma_wait3A_92 = tpu.memref_slice %arg6[%dma_wait3A_90, %dma_wait3A_91] : memref<512x128xf32, #tpu.memory_space<vmem>> -> memref<128x128xf32, #tpu.memory_space<vmem>>
        %dma_wait3A_93 = arith.constant 0 : i32
        %dma_wait3A_94 = tpu.memref_slice %arg5[%add3A_54, %dma_wait3A_93] : memref<32x128xi32, #tpu.memory_space<vmem>> -> memref<1x128xi32, #tpu.memory_space<vmem>>
        %dma_wait3A_95 = tpu.memref_squeeze %dma_wait3A_94 : memref<1x128xi32, #tpu.memory_space<vmem>> -> memref<128xi32, #tpu.memory_space<vmem>>
        %dma_wait3A_96 = arith.constant 0 : i32
        %dma_wait3A_97 = arith.constant 0 : i32
        %dma_wait3A_98 = tpu.memref_slice %arg2[%dma_wait3A_96, %dma_wait3A_97] : memref<819200x128xf32, #tpu.memory_space<hbm>> -> memref<819200x128xf32, #tpu.memory_space<hbm>>
        tpu.wait_indirect_dma semaphore(%arg7 : memref<!tpu.dma_semaphore, #tpu.memory_space<semaphore_mem>>) src(%dma_wait3A_98 : memref<819200x128xf32, #tpu.memory_space<hbm>>) dst(%dma_wait3A_92 : memref<128x128xf32, #tpu.memory_space<vmem>>)
        %mul3A_99 = arith.constant 4 : i32
        %mul3A_100 = arith.muli %scan3A_12, %mul3A_99 : i32
        %mul3A_101 = arith.constant 128 : i32
        %mul3A_102 = arith.muli %mul3A_100, %mul3A_101 : i32
        %add3A_103 = arith.addi %mul3A_6, %mul3A_102 : i32
        "tpu.region"() ({
          %run_scoped3A = tpu.sem_alloc : memref<!tpu.dma_semaphore, #tpu.memory_space<semaphore_mem>>
          %dma_start3A_104 = arith.constant 0 : i32
          %dma_start3A_105 = tpu.memref_slice %arg4[%add3A_103, %dma_start3A_104] : memref<122880x128xf32, #tpu.memory_space<hbm>> -> memref<512x128xf32, #tpu.memory_space<hbm>>
          %dma_start3A_106 = arith.constant 0 : i32
          %dma_start3A_107 = tpu.memref_slice %arg4[%add3A_103, %dma_start3A_106] : memref<122880x128xf32, #tpu.memory_space<hbm>> -> memref<512x128xf32, #tpu.memory_space<hbm>>
          tpu.enqueue_dma source(%arg6 : memref<512x128xf32, #tpu.memory_space<vmem>>) target(%dma_start3A_107 : memref<512x128xf32, #tpu.memory_space<hbm>>) target_semaphore(%run_scoped3A : memref<!tpu.dma_semaphore, #tpu.memory_space<semaphore_mem>>)
          %dma_wait3A_108 = arith.constant 0 : i32
          %dma_wait3A_109 = tpu.memref_slice %arg4[%add3A_103, %dma_wait3A_108] : memref<122880x128xf32, #tpu.memory_space<hbm>> -> memref<512x128xf32, #tpu.memory_space<hbm>>
          %dma_wait3A_110 = arith.constant 0 : i32
          %dma_wait3A_111 = tpu.memref_slice %arg4[%add3A_103, %dma_wait3A_110] : memref<122880x128xf32, #tpu.memory_space<hbm>> -> memref<512x128xf32, #tpu.memory_space<hbm>>
          tpu.wait_dma2 semaphore(%run_scoped3A : memref<!tpu.dma_semaphore, #tpu.memory_space<semaphore_mem>>) src(%arg6 : memref<512x128xf32, #tpu.memory_space<vmem>>) dst(%dma_wait3A_111 : memref<512x128xf32, #tpu.memory_space<hbm>>)
          tpu.yield
        }) : () -> ()
      }
      %scan3A_11 = arith.constant 8 : i32
    } else {
    }
    return
  }
}

#map = affine_map<(d0, d1) -> (0, 0)>
module attributes {stable_mosaic.version = 14 : i64} {
  func.func @_sc_gather(%arg0: i32, %arg1: i32, %arg2: memref<819200x128xf32, #tpu.memory_space<hbm>>, %arg3: memref<960x128xi32, #tpu.memory_space<hbm>>, %arg4: memref<122880x128xf32, #tpu.memory_space<hbm>>, %arg5: memref<32x128xi32, #tpu.memory_space<vmem>>, %arg6: memref<512x128xf32, #tpu.memory_space<vmem>>, %arg7: memref<!tpu.dma_semaphore, #tpu.memory_space<semaphore_mem>>) attributes {dimension_semantics = [#tpu.dimension_semantics<core_parallel>, #tpu.dimension_semantics<subcore_parallel>], iteration_bounds = array<i64: 2, 16>, scalar_prefetch = 0 : i64, scratch_operands = 3 : i64, tpu.core_type = #tpu.core_type<sc_vector_subcore>, window_params = [{transform_indices = #map}, {transform_indices = #map}, {transform_indices = #map}]} {
    %mul3A = arith.constant 2 : i32
    %mul3A_0 = arith.muli %arg1, %mul3A : i32
    %add3A = arith.addi %mul3A_0, %arg0 : i32
    %lt3A = arith.constant 30 : i32
    %lt3A_1 = arith.cmpi slt, %add3A, %lt3A : i32
    %convert_element_type3A = arith.extui %lt3A_1 : i1 to i32
    %cond3A = arith.constant 0 : i32
    %cond3A_2 = arith.cmpi ne, %convert_element_type3A, %cond3A : i32
    scf.if %cond3A_2 {
      %mul3A_3 = arith.constant 32 : i32
      %mul3A_4 = arith.muli %add3A, %mul3A_3 : i32
      "tpu.region"() ({
        %run_scoped3A = tpu.sem_alloc : memref<!tpu.dma_semaphore, #tpu.memory_space<semaphore_mem>>
        %dma_start3A = arith.constant 0 : i32
        %dma_start3A_12 = tpu.memref_slice %arg3[%mul3A_4, %dma_start3A] : memref<960x128xi32, #tpu.memory_space<hbm>> -> memref<32x128xi32, #tpu.memory_space<hbm>>
        %dma_start3A_13 = arith.constant 0 : i32
        %dma_start3A_14 = tpu.memref_slice %arg3[%mul3A_4, %dma_start3A_13] : memref<960x128xi32, #tpu.memory_space<hbm>> -> memref<32x128xi32, #tpu.memory_space<hbm>>
        tpu.enqueue_dma source(%dma_start3A_14 : memref<32x128xi32, #tpu.memory_space<hbm>>) target(%arg5 : memref<32x128xi32, #tpu.memory_space<vmem>>) target_semaphore(%run_scoped3A : memref<!tpu.dma_semaphore, #tpu.memory_space<semaphore_mem>>)
        %dma_wait3A = arith.constant 0 : i32
        %dma_wait3A_15 = tpu.memref_slice %arg3[%mul3A_4, %dma_wait3A] : memref<960x128xi32, #tpu.memory_space<hbm>> -> memref<32x128xi32, #tpu.memory_space<hbm>>
        %dma_wait3A_16 = arith.constant 0 : i32
        %dma_wait3A_17 = tpu.memref_slice %arg3[%mul3A_4, %dma_wait3A_16] : memref<960x128xi32, #tpu.memory_space<hbm>> -> memref<32x128xi32, #tpu.memory_space<hbm>>
        tpu.wait_dma2 semaphore(%run_scoped3A : memref<!tpu.dma_semaphore, #tpu.memory_space<semaphore_mem>>) src(%dma_wait3A_17 : memref<32x128xi32, #tpu.memory_space<hbm>>) dst(%arg5 : memref<32x128xi32, #tpu.memory_space<vmem>>)
        tpu.yield
      }) : () -> ()
      %mul3A_5 = arith.constant 128 : i32
      %mul3A_6 = arith.muli %mul3A_4, %mul3A_5 : i32
      %scan3A = arith.constant 0 : i32
      %scan3A_7 = arith.constant 0 : i32
      %scan3A_8 = arith.constant 8 : i32
      %scan3A_9 = arith.addi %scan3A_7, %scan3A_8 : i32
      %scan3A_10 = arith.constant 1 : i32
      scf.for %scan3A_12 = %scan3A_7 to %scan3A_9 step %scan3A_10  : i32 {
        %mul3A_13 = arith.constant 4 : i32
        %mul3A_14 = arith.muli %mul3A_13, %scan3A_12 : i32
        %add3A_15 = arith.constant 0 : i32
        %add3A_16 = arith.addi %mul3A_14, %add3A_15 : i32
        %dma_start3A = arith.constant 0 : i32
        %dma_start3A_17 = arith.constant 0 : i32
        %dma_start3A_18 = tpu.memref_slice %arg6[%dma_start3A, %dma_start3A_17] : memref<512x128xf32, #tpu.memory_space<vmem>> -> memref<128x128xf32, #tpu.memory_space<vmem>>
        %dma_start3A_19 = arith.constant 0 : i32
        %dma_start3A_20 = tpu.memref_slice %arg5[%add3A_16, %dma_start3A_19] : memref<32x128xi32, #tpu.memory_space<vmem>> -> memref<1x128xi32, #tpu.memory_space<vmem>>
        %dma_start3A_21 = tpu.memref_squeeze %dma_start3A_20 : memref<1x128xi32, #tpu.memory_space<vmem>> -> memref<128xi32, #tpu.memory_space<vmem>>
        %dma_start3A_22 = arith.constant 0 : i32
        %dma_start3A_23 = arith.constant 0 : i32
        %dma_start3A_24 = tpu.memref_slice %arg2[%dma_start3A_22, %dma_start3A_23] : memref<819200x128xf32, #tpu.memory_space<hbm>> -> memref<819200x128xf32, #tpu.memory_space<hbm>>
        tpu.enqueue_indirect_dma source(%dma_start3A_24 : memref<819200x128xf32, #tpu.memory_space<hbm>>) target(%dma_start3A_18 : memref<128x128xf32, #tpu.memory_space<vmem>>) offsets(%dma_start3A_21 : memref<128xi32, #tpu.memory_space<vmem>>) semaphore(%arg7 : memref<!tpu.dma_semaphore, #tpu.memory_space<semaphore_mem>>)
        %mul3A_25 = arith.constant 4 : i32
        %mul3A_26 = arith.muli %mul3A_25, %scan3A_12 : i32
        %add3A_27 = arith.constant 1 : i32
        %add3A_28 = arith.addi %mul3A_26, %add3A_27 : i32
        %dma_start3A_29 = arith.constant 128 : i32
        %dma_start3A_30 = arith.constant 0 : i32
        %dma_start3A_31 = tpu.memref_slice %arg6[%dma_start3A_29, %dma_start3A_30] : memref<512x128xf32, #tpu.memory_space<vmem>> -> memref<128x128xf32, #tpu.memory_space<vmem>>
        %dma_start3A_32 = arith.constant 0 : i32
        %dma_start3A_33 = tpu.memref_slice %arg5[%add3A_28, %dma_start3A_32] : memref<32x128xi32, #tpu.memory_space<vmem>> -> memref<1x128xi32, #tpu.memory_space<vmem>>
        %dma_start3A_34 = tpu.memref_squeeze %dma_start3A_33 : memref<1x128xi32, #tpu.memory_space<vmem>> -> memref<128xi32, #tpu.memory_space<vmem>>
        %dma_start3A_35 = arith.constant 0 : i32
        %dma_start3A_36 = arith.constant 0 : i32
        %dma_start3A_37 = tpu.memref_slice %arg2[%dma_start3A_35, %dma_start3A_36] : memref<819200x128xf32, #tpu.memory_space<hbm>> -> memref<819200x128xf32, #tpu.memory_space<hbm>>
        tpu.enqueue_indirect_dma source(%dma_start3A_37 : memref<819200x128xf32, #tpu.memory_space<hbm>>) target(%dma_start3A_31 : memref<128x128xf32, #tpu.memory_space<vmem>>) offsets(%dma_start3A_34 : memref<128xi32, #tpu.memory_space<vmem>>) semaphore(%arg7 : memref<!tpu.dma_semaphore, #tpu.memory_space<semaphore_mem>>)
        %mul3A_38 = arith.constant 4 : i32
        %mul3A_39 = arith.muli %mul3A_38, %scan3A_12 : i32
        %add3A_40 = arith.constant 2 : i32
        %add3A_41 = arith.addi %mul3A_39, %add3A_40 : i32
        %dma_start3A_42 = arith.constant 256 : i32
        %dma_start3A_43 = arith.constant 0 : i32
        %dma_start3A_44 = tpu.memref_slice %arg6[%dma_start3A_42, %dma_start3A_43] : memref<512x128xf32, #tpu.memory_space<vmem>> -> memref<128x128xf32, #tpu.memory_space<vmem>>
        %dma_start3A_45 = arith.constant 0 : i32
        %dma_start3A_46 = tpu.memref_slice %arg5[%add3A_41, %dma_start3A_45] : memref<32x128xi32, #tpu.memory_space<vmem>> -> memref<1x128xi32, #tpu.memory_space<vmem>>
        %dma_start3A_47 = tpu.memref_squeeze %dma_start3A_46 : memref<1x128xi32, #tpu.memory_space<vmem>> -> memref<128xi32, #tpu.memory_space<vmem>>
        %dma_start3A_48 = arith.constant 0 : i32
        %dma_start3A_49 = arith.constant 0 : i32
        %dma_start3A_50 = tpu.memref_slice %arg2[%dma_start3A_48, %dma_start3A_49] : memref<819200x128xf32, #tpu.memory_space<hbm>> -> memref<819200x128xf32, #tpu.memory_space<hbm>>
        tpu.enqueue_indirect_dma source(%dma_start3A_50 : memref<819200x128xf32, #tpu.memory_space<hbm>>) target(%dma_start3A_44 : memref<128x128xf32, #tpu.memory_space<vmem>>) offsets(%dma_start3A_47 : memref<128xi32, #tpu.memory_space<vmem>>) semaphore(%arg7 : memref<!tpu.dma_semaphore, #tpu.memory_space<semaphore_mem>>)
        %mul3A_51 = arith.constant 4 : i32
        %mul3A_52 = arith.muli %mul3A_51, %scan3A_12 : i32
        %add3A_53 = arith.constant 3 : i32
        %add3A_54 = arith.addi %mul3A_52, %add3A_53 : i32
        %dma_start3A_55 = arith.constant 384 : i32
        %dma_start3A_56 = arith.constant 0 : i32
        %dma_start3A_57 = tpu.memref_slice %arg6[%dma_start3A_55, %dma_start3A_56] : memref<512x128xf32, #tpu.memory_space<vmem>> -> memref<128x128xf32, #tpu.memory_space<vmem>>
        %dma_start3A_58 = arith.constant 0 : i32
        %dma_start3A_59 = tpu.memref_slice %arg5[%add3A_54, %dma_start3A_58] : memref<32x128xi32, #tpu.memory_space<vmem>> -> memref<1x128xi32, #tpu.memory_space<vmem>>
        %dma_start3A_60 = tpu.memref_squeeze %dma_start3A_59 : memref<1x128xi32, #tpu.memory_space<vmem>> -> memref<128xi32, #tpu.memory_space<vmem>>
        %dma_start3A_61 = arith.constant 0 : i32
        %dma_start3A_62 = arith.constant 0 : i32
        %dma_start3A_63 = tpu.memref_slice %arg2[%dma_start3A_61, %dma_start3A_62] : memref<819200x128xf32, #tpu.memory_space<hbm>> -> memref<819200x128xf32, #tpu.memory_space<hbm>>
        tpu.enqueue_indirect_dma source(%dma_start3A_63 : memref<819200x128xf32, #tpu.memory_space<hbm>>) target(%dma_start3A_57 : memref<128x128xf32, #tpu.memory_space<vmem>>) offsets(%dma_start3A_60 : memref<128xi32, #tpu.memory_space<vmem>>) semaphore(%arg7 : memref<!tpu.dma_semaphore, #tpu.memory_space<semaphore_mem>>)
        %dma_wait3A = arith.constant 0 : i32
        %dma_wait3A_64 = arith.constant 0 : i32
        %dma_wait3A_65 = tpu.memref_slice %arg6[%dma_wait3A, %dma_wait3A_64] : memref<512x128xf32, #tpu.memory_space<vmem>> -> memref<128x128xf32, #tpu.memory_space<vmem>>
        %dma_wait3A_66 = arith.constant 0 : i32
        %dma_wait3A_67 = tpu.memref_slice %arg5[%add3A_16, %dma_wait3A_66] : memref<32x128xi32, #tpu.memory_space<vmem>> -> memref<1x128xi32, #tpu.memory_space<vmem>>
        %dma_wait3A_68 = tpu.memref_squeeze %dma_wait3A_67 : memref<1x128xi32, #tpu.memory_space<vmem>> -> memref<128xi32, #tpu.memory_space<vmem>>
        %dma_wait3A_69 = arith.constant 0 : i32
        %dma_wait3A_70 = arith.constant 0 : i32
        %dma_wait3A_71 = tpu.memref_slice %arg2[%dma_wait3A_69, %dma_wait3A_70] : memref<819200x128xf32, #tpu.memory_space<hbm>> -> memref<819200x128xf32, #tpu.memory_space<hbm>>
        tpu.wait_indirect_dma semaphore(%arg7 : memref<!tpu.dma_semaphore, #tpu.memory_space<semaphore_mem>>) src(%dma_wait3A_71 : memref<819200x128xf32, #tpu.memory_space<hbm>>) dst(%dma_wait3A_65 : memref<128x128xf32, #tpu.memory_space<vmem>>)
        %dma_wait3A_72 = arith.constant 128 : i32
        %dma_wait3A_73 = arith.constant 0 : i32
        %dma_wait3A_74 = tpu.memref_slice %arg6[%dma_wait3A_72, %dma_wait3A_73] : memref<512x128xf32, #tpu.memory_space<vmem>> -> memref<128x128xf32, #tpu.memory_space<vmem>>
        %dma_wait3A_75 = arith.constant 0 : i32
        %dma_wait3A_76 = tpu.memref_slice %arg5[%add3A_28, %dma_wait3A_75] : memref<32x128xi32, #tpu.memory_space<vmem>> -> memref<1x128xi32, #tpu.memory_space<vmem>>
        %dma_wait3A_77 = tpu.memref_squeeze %dma_wait3A_76 : memref<1x128xi32, #tpu.memory_space<vmem>> -> memref<128xi32, #tpu.memory_space<vmem>>
        %dma_wait3A_78 = arith.constant 0 : i32
        %dma_wait3A_79 = arith.constant 0 : i32
        %dma_wait3A_80 = tpu.memref_slice %arg2[%dma_wait3A_78, %dma_wait3A_79] : memref<819200x128xf32, #tpu.memory_space<hbm>> -> memref<819200x128xf32, #tpu.memory_space<hbm>>
        tpu.wait_indirect_dma semaphore(%arg7 : memref<!tpu.dma_semaphore, #tpu.memory_space<semaphore_mem>>) src(%dma_wait3A_80 : memref<819200x128xf32, #tpu.memory_space<hbm>>) dst(%dma_wait3A_74 : memref<128x128xf32, #tpu.memory_space<vmem>>)
        %dma_wait3A_81 = arith.constant 256 : i32
        %dma_wait3A_82 = arith.constant 0 : i32
        %dma_wait3A_83 = tpu.memref_slice %arg6[%dma_wait3A_81, %dma_wait3A_82] : memref<512x128xf32, #tpu.memory_space<vmem>> -> memref<128x128xf32, #tpu.memory_space<vmem>>
        %dma_wait3A_84 = arith.constant 0 : i32
        %dma_wait3A_85 = tpu.memref_slice %arg5[%add3A_41, %dma_wait3A_84] : memref<32x128xi32, #tpu.memory_space<vmem>> -> memref<1x128xi32, #tpu.memory_space<vmem>>
        %dma_wait3A_86 = tpu.memref_squeeze %dma_wait3A_85 : memref<1x128xi32, #tpu.memory_space<vmem>> -> memref<128xi32, #tpu.memory_space<vmem>>
        %dma_wait3A_87 = arith.constant 0 : i32
        %dma_wait3A_88 = arith.constant 0 : i32
        %dma_wait3A_89 = tpu.memref_slice %arg2[%dma_wait3A_87, %dma_wait3A_88] : memref<819200x128xf32, #tpu.memory_space<hbm>> -> memref<819200x128xf32, #tpu.memory_space<hbm>>
        tpu.wait_indirect_dma semaphore(%arg7 : memref<!tpu.dma_semaphore, #tpu.memory_space<semaphore_mem>>) src(%dma_wait3A_89 : memref<819200x128xf32, #tpu.memory_space<hbm>>) dst(%dma_wait3A_83 : memref<128x128xf32, #tpu.memory_space<vmem>>)
        %dma_wait3A_90 = arith.constant 384 : i32
        %dma_wait3A_91 = arith.constant 0 : i32
        %dma_wait3A_92 = tpu.memref_slice %arg6[%dma_wait3A_90, %dma_wait3A_91] : memref<512x128xf32, #tpu.memory_space<vmem>> -> memref<128x128xf32, #tpu.memory_space<vmem>>
        %dma_wait3A_93 = arith.constant 0 : i32
        %dma_wait3A_94 = tpu.memref_slice %arg5[%add3A_54, %dma_wait3A_93] : memref<32x128xi32, #tpu.memory_space<vmem>> -> memref<1x128xi32, #tpu.memory_space<vmem>>
        %dma_wait3A_95 = tpu.memref_squeeze %dma_wait3A_94 : memref<1x128xi32, #tpu.memory_space<vmem>> -> memref<128xi32, #tpu.memory_space<vmem>>
        %dma_wait3A_96 = arith.constant 0 : i32
        %dma_wait3A_97 = arith.constant 0 : i32
        %dma_wait3A_98 = tpu.memref_slice %arg2[%dma_wait3A_96, %dma_wait3A_97] : memref<819200x128xf32, #tpu.memory_space<hbm>> -> memref<819200x128xf32, #tpu.memory_space<hbm>>
        tpu.wait_indirect_dma semaphore(%arg7 : memref<!tpu.dma_semaphore, #tpu.memory_space<semaphore_mem>>) src(%dma_wait3A_98 : memref<819200x128xf32, #tpu.memory_space<hbm>>) dst(%dma_wait3A_92 : memref<128x128xf32, #tpu.memory_space<vmem>>)
        %mul3A_99 = arith.constant 4 : i32
        %mul3A_100 = arith.muli %scan3A_12, %mul3A_99 : i32
        %mul3A_101 = arith.constant 128 : i32
        %mul3A_102 = arith.muli %mul3A_100, %mul3A_101 : i32
        %add3A_103 = arith.addi %mul3A_6, %mul3A_102 : i32
        "tpu.region"() ({
          %run_scoped3A = tpu.sem_alloc : memref<!tpu.dma_semaphore, #tpu.memory_space<semaphore_mem>>
          %dma_start3A_104 = arith.constant 0 : i32
          %dma_start3A_105 = tpu.memref_slice %arg4[%add3A_103, %dma_start3A_104] : memref<122880x128xf32, #tpu.memory_space<hbm>> -> memref<512x128xf32, #tpu.memory_space<hbm>>
          %dma_start3A_106 = arith.constant 0 : i32
          %dma_start3A_107 = tpu.memref_slice %arg4[%add3A_103, %dma_start3A_106] : memref<122880x128xf32, #tpu.memory_space<hbm>> -> memref<512x128xf32, #tpu.memory_space<hbm>>
          tpu.enqueue_dma source(%arg6 : memref<512x128xf32, #tpu.memory_space<vmem>>) target(%dma_start3A_107 : memref<512x128xf32, #tpu.memory_space<hbm>>) target_semaphore(%run_scoped3A : memref<!tpu.dma_semaphore, #tpu.memory_space<semaphore_mem>>)
          %dma_wait3A_108 = arith.constant 0 : i32
          %dma_wait3A_109 = tpu.memref_slice %arg4[%add3A_103, %dma_wait3A_108] : memref<122880x128xf32, #tpu.memory_space<hbm>> -> memref<512x128xf32, #tpu.memory_space<hbm>>
          %dma_wait3A_110 = arith.constant 0 : i32
          %dma_wait3A_111 = tpu.memref_slice %arg4[%add3A_103, %dma_wait3A_110] : memref<122880x128xf32, #tpu.memory_space<hbm>> -> memref<512x128xf32, #tpu.memory_space<hbm>>
          tpu.wait_dma2 semaphore(%run_scoped3A : memref<!tpu.dma_semaphore, #tpu.memory_space<semaphore_mem>>) src(%arg6 : memref<512x128xf32, #tpu.memory_space<vmem>>) dst(%dma_wait3A_111 : memref<512x128xf32, #tpu.memory_space<hbm>>)
          tpu.yield
        }) : () -> ()
      }
      %scan3A_11 = arith.constant 8 : i32
    } else {
    }
    return
  }
}

module attributes {stable_mosaic.version = 14 : i64} {
  func.func @_mlp_norm_body(%arg0: memref<10240x128xf32, #tpu.memory_space<vmem>>, %arg1: memref<128x128xf32, #tpu.memory_space<vmem>>, %arg2: memref<1x128xf32, #tpu.memory_space<vmem>>, %arg3: memref<128x128xf32, #tpu.memory_space<vmem>>, %arg4: memref<1x128xf32, #tpu.memory_space<vmem>>, %arg5: memref<10240x128xf32, #tpu.memory_space<vmem>>) attributes {dimension_semantics = [], scalar_prefetch = 0 : i64, scratch_operands = 0 : i64, tpu.core_type = #tpu.core_type<tc>} {
    %get3A = arith.constant 0 : index
    %get3A_0 = arith.constant 0 : index
    %get3A_1 = vector.load %arg0[%get3A, %get3A_0] : memref<10240x128xf32, #tpu.memory_space<vmem>>, vector<10240x128xf32>
    %get3A_2 = arith.constant 0 : index
    %get3A_3 = arith.constant 0 : index
    %get3A_4 = vector.load %arg1[%get3A_2, %get3A_3] : memref<128x128xf32, #tpu.memory_space<vmem>>, vector<128x128xf32>
    %dot_general3A = arith.constant dense<0.000000e+00> : vector<10240x128xf32>
    %dot_general3A_5 = tpu.matmul %get3A_1, %get3A_4, %dot_general3A {dimension_numbers = #tpu.dot_dimension_numbers<[1], [1], [0], [0], [0, 0, 1, 0], [], []>, transpose_lhs_hint = false} : vector<10240x128xf32>, vector<128x128xf32>, vector<10240x128xf32> -> vector<10240x128xf32>
    %get3A_6 = arith.constant 0 : index
    %get3A_7 = arith.constant 0 : index
    %get3A_8 = vector.load %arg2[%get3A_6, %get3A_7] : memref<1x128xf32, #tpu.memory_space<vmem>>, vector<1x128xf32>
    %add3A = vector.broadcast %get3A_8 : vector<1x128xf32> to vector<10240x128xf32>
    %add3A_9 = arith.addf %dot_general3A_5, %add3A : vector<10240x128xf32>
    %max3A = arith.constant 0.000000e+00 : f32
    %max3A_10 = vector.broadcast %max3A : f32 to vector<10240x128xf32>
    %max3A_11 = arith.maximumf %add3A_9, %max3A_10 : vector<10240x128xf32>
    %get3A_12 = arith.constant 0 : index
    %get3A_13 = arith.constant 0 : index
    %get3A_14 = vector.load %arg3[%get3A_12, %get3A_13] : memref<128x128xf32, #tpu.memory_space<vmem>>, vector<128x128xf32>
    %dot_general3A_15 = arith.constant dense<0.000000e+00> : vector<10240x128xf32>
    %dot_general3A_16 = tpu.matmul %max3A_11, %get3A_14, %dot_general3A_15 {dimension_numbers = #tpu.dot_dimension_numbers<[1], [1], [0], [0], [0, 0, 1, 0], [], []>, transpose_lhs_hint = false} : vector<10240x128xf32>, vector<128x128xf32>, vector<10240x128xf32> -> vector<10240x128xf32>
    %get3A_17 = arith.constant 0 : index
    %get3A_18 = arith.constant 0 : index
    %get3A_19 = vector.load %arg4[%get3A_17, %get3A_18] : memref<1x128xf32, #tpu.memory_space<vmem>>, vector<1x128xf32>
    %add3A_20 = vector.broadcast %get3A_19 : vector<1x128xf32> to vector<10240x128xf32>
    %add3A_21 = arith.addf %dot_general3A_16, %add3A_20 : vector<10240x128xf32>
    %mul3A = arith.mulf %add3A_21, %add3A_21 : vector<10240x128xf32>
    %reduce_sum3A = arith.constant dense<0.000000e+00> : vector<10240xf32>
    %reduce_sum3A_22 = vector.multi_reduction <add>, %mul3A, %reduce_sum3A [1] : vector<10240x128xf32> to vector<10240xf32>
    %broadcast_in_dim3A = vector.shape_cast %reduce_sum3A_22 : vector<10240xf32> to vector<10240x1xf32>
    %sqrt3A = math.sqrt %broadcast_in_dim3A : vector<10240x1xf32>
    %max3A_23 = arith.constant 9.99999996E-13 : f32
    %max3A_24 = vector.broadcast %max3A_23 : f32 to vector<10240x1xf32>
    %max3A_25 = arith.maximumf %sqrt3A, %max3A_24 : vector<10240x1xf32>
    %div3A = vector.broadcast %max3A_25 : vector<10240x1xf32> to vector<10240x128xf32>
    %div3A_26 = arith.divf %add3A_21, %div3A : vector<10240x128xf32>
    %swap3A = arith.constant 0 : index
    %swap3A_27 = arith.constant 0 : index
    %swap3A_28 = vector.load %arg5[%swap3A, %swap3A_27] : memref<10240x128xf32, #tpu.memory_space<vmem>>, vector<10240x128xf32>
    tpu.vector_store %arg5[%swap3A, %swap3A_27], %div3A_26 {strides = array<i32>} : memref<10240x128xf32, #tpu.memory_space<vmem>>, vector<10240x128xf32>,
    return
  }
}

module attributes {stable_mosaic.version = 14 : i64} {
  func.func @_group_sel_body(%arg0: i32, %arg1: memref<320x1024xf32, #tpu.memory_space<vmem>>, %arg2: memref<24x1024xi32, #tpu.memory_space<vmem>>, %arg3: memref<24x8x128xi32, #tpu.memory_space<vmem>>) attributes {dimension_semantics = [#tpu.dimension_semantics<arbitrary>], iteration_bounds = array<i64: 5>, scalar_prefetch = 0 : i64, scratch_operands = 0 : i64, tpu.core_type = #tpu.core_type<tc>, window_params = [{transform_indices = @transform_0, window_bounds = array<i64: 320, 1024>}, {transform_indices = @transform_1, window_bounds = array<i64: 24, 1024>}, {transform_indices = @transform_2, window_bounds = array<i64: 24, 8, 128>}]} {
    %add3A = arith.constant 5 : i32
    %add3A_0 = arith.addi %add3A, %arg0 : i32
    %get3A = arith.constant 0 : index
    %get3A_1 = arith.constant 0 : index
    %get3A_2 = vector.load %arg1[%get3A, %get3A_1] : memref<320x1024xf32, #tpu.memory_space<vmem>>, vector<320x1024xf32>
    %iota3A = tpu.iota {dimensions = array<i32: 0>} : vector<320x1024xi32>
    %iota3A_3 = tpu.iota {dimensions = array<i32: 0>} : vector<24x1024xi32>
    %broadcast_in_dim3A = arith.constant 0 : i32
    %broadcast_in_dim3A_4 = vector.broadcast %broadcast_in_dim3A : i32 to vector<24x1024xi32>
    %reduce_max3A = arith.constant dense<0xFF800000> : vector<1024xf32>
    %reduce_max3A_5 = vector.multi_reduction <maximumf>, %get3A_2, %reduce_max3A [0] : vector<320x1024xf32> to vector<1024xf32>
    %broadcast_in_dim3A_6 = vector.shape_cast %reduce_max3A_5 : vector<1024xf32> to vector<1x1024xf32>
    %eq3A = vector.broadcast %broadcast_in_dim3A_6 : vector<1x1024xf32> to vector<320x1024xf32>
    %eq3A_7 = arith.cmpf oeq, %get3A_2, %eq3A : vector<320x1024xf32>
    %jit3A = arith.constant 1073741824 : i32
    %broadcast_in_dim3A_8 = vector.broadcast %jit3A : i32 to vector<320x1024xi32>
    %select_n3A = arith.select %eq3A_7, %iota3A, %broadcast_in_dim3A_8 : vector<320x1024xi1>, vector<320x1024xi32>
    %reduce_min3A = arith.constant dense<2147483647> : vector<1024xi32>
    %reduce_min3A_9 = vector.multi_reduction <minsi>, %select_n3A, %reduce_min3A [0] : vector<320x1024xi32> to vector<1024xi32>
    %broadcast_in_dim3A_10 = vector.shape_cast %reduce_min3A_9 : vector<1024xi32> to vector<1x1024xi32>
    %eq3A_11 = arith.constant 0 : i32
    %eq3A_12 = vector.broadcast %eq3A_11 : i32 to vector<24x1024xi32>
    %eq3A_13 = arith.cmpi eq, %iota3A_3, %eq3A_12 : vector<24x1024xi32>
    %broadcast_in_dim3A_14 = vector.shape_cast %broadcast_in_dim3A_10 : vector<1x1024xi32> to vector<1x1024xi32>
    %broadcast_in_dim3A_15 = vector.broadcast %broadcast_in_dim3A_14 : vector<1x1024xi32> to vector<24x1024xi32>
    %select_n3A_16 = arith.select %eq3A_13, %broadcast_in_dim3A_15, %broadcast_in_dim3A_4 : vector<24x1024xi1>, vector<24x1024xi32>
    %eq3A_17 = vector.broadcast %broadcast_in_dim3A_10 : vector<1x1024xi32> to vector<320x1024xi32>
    %eq3A_18 = arith.cmpi eq, %iota3A, %eq3A_17 : vector<320x1024xi32>
    %jit3A_19 = arith.constant -1.000000e+30 : f32
    %broadcast_in_dim3A_20 = vector.broadcast %jit3A_19 : f32 to vector<320x1024xf32>
    %select_n3A_21 = arith.select %eq3A_18, %broadcast_in_dim3A_20, %get3A_2 : vector<320x1024xi1>, vector<320x1024xf32>
    %reduce_max3A_22 = arith.constant dense<0xFF800000> : vector<1024xf32>
    %reduce_max3A_23 = vector.multi_reduction <maximumf>, %select_n3A_21, %reduce_max3A_22 [0] : vector<320x1024xf32> to vector<1024xf32>
    %broadcast_in_dim3A_24 = vector.shape_cast %reduce_max3A_23 : vector<1024xf32> to vector<1x1024xf32>
    %eq3A_25 = vector.broadcast %broadcast_in_dim3A_24 : vector<1x1024xf32> to vector<320x1024xf32>
    %eq3A_26 = arith.cmpf oeq, %select_n3A_21, %eq3A_25 : vector<320x1024xf32>
    %jit3A_27 = arith.constant 1073741824 : i32
    %broadcast_in_dim3A_28 = vector.broadcast %jit3A_27 : i32 to vector<320x1024xi32>
    %select_n3A_29 = arith.select %eq3A_26, %iota3A, %broadcast_in_dim3A_28 : vector<320x1024xi1>, vector<320x1024xi32>
    %reduce_min3A_30 = arith.constant dense<2147483647> : vector<1024xi32>
    %reduce_min3A_31 = vector.multi_reduction <minsi>, %select_n3A_29, %reduce_min3A_30 [0] : vector<320x1024xi32> to vector<1024xi32>
    %broadcast_in_dim3A_32 = vector.shape_cast %reduce_min3A_31 : vector<1024xi32> to vector<1x1024xi32>
    %eq3A_33 = arith.constant 1 : i32
    %eq3A_34 = vector.broadcast %eq3A_33 : i32 to vector<24x1024xi32>
    %eq3A_35 = arith.cmpi eq, %iota3A_3, %eq3A_34 : vector<24x1024xi32>
    %broadcast_in_dim3A_36 = vector.shape_cast %broadcast_in_dim3A_32 : vector<1x1024xi32> to vector<1x1024xi32>
    %broadcast_in_dim3A_37 = vector.broadcast %broadcast_in_dim3A_36 : vector<1x1024xi32> to vector<24x1024xi32>
    %select_n3A_38 = arith.select %eq3A_35, %broadcast_in_dim3A_37, %select_n3A_16 : vector<24x1024xi1>, vector<24x1024xi32>
    %eq3A_39 = vector.broadcast %broadcast_in_dim3A_32 : vector<1x1024xi32> to vector<320x1024xi32>
    %eq3A_40 = arith.cmpi eq, %iota3A, %eq3A_39 : vector<320x1024xi32>
    %jit3A_41 = arith.constant -1.000000e+30 : f32
    %broadcast_in_dim3A_42 = vector.broadcast %jit3A_41 : f32 to vector<320x1024xf32>
    %select_n3A_43 = arith.select %eq3A_40, %broadcast_in_dim3A_42, %select_n3A_21 : vector<320x1024xi1>, vector<320x1024xf32>
    %reduce_max3A_44 = arith.constant dense<0xFF800000> : vector<1024xf32>
    %reduce_max3A_45 = vector.multi_reduction <maximumf>, %select_n3A_43, %reduce_max3A_44 [0] : vector<320x1024xf32> to vector<1024xf32>
    %broadcast_in_dim3A_46 = vector.shape_cast %reduce_max3A_45 : vector<1024xf32> to vector<1x1024xf32>
    %eq3A_47 = vector.broadcast %broadcast_in_dim3A_46 : vector<1x1024xf32> to vector<320x1024xf32>
    %eq3A_48 = arith.cmpf oeq, %select_n3A_43, %eq3A_47 : vector<320x1024xf32>
    %jit3A_49 = arith.constant 1073741824 : i32
    %broadcast_in_dim3A_50 = vector.broadcast %jit3A_49 : i32 to vector<320x1024xi32>
    %select_n3A_51 = arith.select %eq3A_48, %iota3A, %broadcast_in_dim3A_50 : vector<320x1024xi1>, vector<320x1024xi32>
    %reduce_min3A_52 = arith.constant dense<2147483647> : vector<1024xi32>
    %reduce_min3A_53 = vector.multi_reduction <minsi>, %select_n3A_51, %reduce_min3A_52 [0] : vector<320x1024xi32> to vector<1024xi32>
    %broadcast_in_dim3A_54 = vector.shape_cast %reduce_min3A_53 : vector<1024xi32> to vector<1x1024xi32>
    %eq3A_55 = arith.constant 2 : i32
    %eq3A_56 = vector.broadcast %eq3A_55 : i32 to vector<24x1024xi32>
    %eq3A_57 = arith.cmpi eq, %iota3A_3, %eq3A_56 : vector<24x1024xi32>
    %broadcast_in_dim3A_58 = vector.shape_cast %broadcast_in_dim3A_54 : vector<1x1024xi32> to vector<1x1024xi32>
    %broadcast_in_dim3A_59 = vector.broadcast %broadcast_in_dim3A_58 : vector<1x1024xi32> to vector<24x1024xi32>
    %select_n3A_60 = arith.select %eq3A_57, %broadcast_in_dim3A_59, %select_n3A_38 : vector<24x1024xi1>, vector<24x1024xi32>
    %eq3A_61 = vector.broadcast %broadcast_in_dim3A_54 : vector<1x1024xi32> to vector<320x1024xi32>
    %eq3A_62 = arith.cmpi eq, %iota3A, %eq3A_61 : vector<320x1024xi32>
    %jit3A_63 = arith.constant -1.000000e+30 : f32
    %broadcast_in_dim3A_64 = vector.broadcast %jit3A_63 : f32 to vector<320x1024xf32>
    %select_n3A_65 = arith.select %eq3A_62, %broadcast_in_dim3A_64, %select_n3A_43 : vector<320x1024xi1>, vector<320x1024xf32>
    %reduce_max3A_66 = arith.constant dense<0xFF800000> : vector<1024xf32>
    %reduce_max3A_67 = vector.multi_reduction <maximumf>, %select_n3A_65, %reduce_max3A_66 [0] : vector<320x1024xf32> to vector<1024xf32>
    %broadcast_in_dim3A_68 = vector.shape_cast %reduce_max3A_67 : vector<1024xf32> to vector<1x1024xf32>
    %eq3A_69 = vector.broadcast %broadcast_in_dim3A_68 : vector<1x1024xf32> to vector<320x1024xf32>
    %eq3A_70 = arith.cmpf oeq, %select_n3A_65, %eq3A_69 : vector<320x1024xf32>
    %jit3A_71 = arith.constant 1073741824 : i32
    %broadcast_in_dim3A_72 = vector.broadcast %jit3A_71 : i32 to vector<320x1024xi32>
    %select_n3A_73 = arith.select %eq3A_70, %iota3A, %broadcast_in_dim3A_72 : vector<320x1024xi1>, vector<320x1024xi32>
    %reduce_min3A_74 = arith.constant dense<2147483647> : vector<1024xi32>
    %reduce_min3A_75 = vector.multi_reduction <minsi>, %select_n3A_73, %reduce_min3A_74 [0] : vector<320x1024xi32> to vector<1024xi32>
    %broadcast_in_dim3A_76 = vector.shape_cast %reduce_min3A_75 : vector<1024xi32> to vector<1x1024xi32>
    %eq3A_77 = arith.constant 3 : i32
    %eq3A_78 = vector.broadcast %eq3A_77 : i32 to vector<24x1024xi32>
    %eq3A_79 = arith.cmpi eq, %iota3A_3, %eq3A_78 : vector<24x1024xi32>
    %broadcast_in_dim3A_80 = vector.shape_cast %broadcast_in_dim3A_76 : vector<1x1024xi32> to vector<1x1024xi32>
    %broadcast_in_dim3A_81 = vector.broadcast %broadcast_in_dim3A_80 : vector<1x1024xi32> to vector<24x1024xi32>
    %select_n3A_82 = arith.select %eq3A_79, %broadcast_in_dim3A_81, %select_n3A_60 : vector<24x1024xi1>, vector<24x1024xi32>
    %eq3A_83 = vector.broadcast %broadcast_in_dim3A_76 : vector<1x1024xi32> to vector<320x1024xi32>
    %eq3A_84 = arith.cmpi eq, %iota3A, %eq3A_83 : vector<320x1024xi32>
    %jit3A_85 = arith.constant -1.000000e+30 : f32
    %broadcast_in_dim3A_86 = vector.broadcast %jit3A_85 : f32 to vector<320x1024xf32>
    %select_n3A_87 = arith.select %eq3A_84, %broadcast_in_dim3A_86, %select_n3A_65 : vector<320x1024xi1>, vector<320x1024xf32>
    %reduce_max3A_88 = arith.constant dense<0xFF800000> : vector<1024xf32>
    %reduce_max3A_89 = vector.multi_reduction <maximumf>, %select_n3A_87, %reduce_max3A_88 [0] : vector<320x1024xf32> to vector<1024xf32>
    %broadcast_in_dim3A_90 = vector.shape_cast %reduce_max3A_89 : vector<1024xf32> to vector<1x1024xf32>
    %eq3A_91 = vector.broadcast %broadcast_in_dim3A_90 : vector<1x1024xf32> to vector<320x1024xf32>
    %eq3A_92 = arith.cmpf oeq, %select_n3A_87, %eq3A_91 : vector<320x1024xf32>
    %jit3A_93 = arith.constant 1073741824 : i32
    %broadcast_in_dim3A_94 = vector.broadcast %jit3A_93 : i32 to vector<320x1024xi32>
    %select_n3A_95 = arith.select %eq3A_92, %iota3A, %broadcast_in_dim3A_94 : vector<320x1024xi1>, vector<320x1024xi32>
    %reduce_min3A_96 = arith.constant dense<2147483647> : vector<1024xi32>
    %reduce_min3A_97 = vector.multi_reduction <minsi>, %select_n3A_95, %reduce_min3A_96 [0] : vector<320x1024xi32> to vector<1024xi32>
    %broadcast_in_dim3A_98 = vector.shape_cast %reduce_min3A_97 : vector<1024xi32> to vector<1x1024xi32>
    %eq3A_99 = arith.constant 4 : i32
    %eq3A_100 = vector.broadcast %eq3A_99 : i32 to vector<24x1024xi32>
    %eq3A_101 = arith.cmpi eq, %iota3A_3, %eq3A_100 : vector<24x1024xi32>
    %broadcast_in_dim3A_102 = vector.shape_cast %broadcast_in_dim3A_98 : vector<1x1024xi32> to vector<1x1024xi32>
    %broadcast_in_dim3A_103 = vector.broadcast %broadcast_in_dim3A_102 : vector<1x1024xi32> to vector<24x1024xi32>
    %select_n3A_104 = arith.select %eq3A_101, %broadcast_in_dim3A_103, %select_n3A_82 : vector<24x1024xi1>, vector<24x1024xi32>
    %eq3A_105 = vector.broadcast %broadcast_in_dim3A_98 : vector<1x1024xi32> to vector<320x1024xi32>
    %eq3A_106 = arith.cmpi eq, %iota3A, %eq3A_105 : vector<320x1024xi32>
    %jit3A_107 = arith.constant -1.000000e+30 : f32
    %broadcast_in_dim3A_108 = vector.broadcast %jit3A_107 : f32 to vector<320x1024xf32>
    %select_n3A_109 = arith.select %eq3A_106, %broadcast_in_dim3A_108, %select_n3A_87 : vector<320x1024xi1>, vector<320x1024xf32>
    %reduce_max3A_110 = arith.constant dense<0xFF800000> : vector<1024xf32>
    %reduce_max3A_111 = vector.multi_reduction <maximumf>, %select_n3A_109, %reduce_max3A_110 [0] : vector<320x1024xf32> to vector<1024xf32>
    %broadcast_in_dim3A_112 = vector.shape_cast %reduce_max3A_111 : vector<1024xf32> to vector<1x1024xf32>
    %eq3A_113 = vector.broadcast %broadcast_in_dim3A_112 : vector<1x1024xf32> to vector<320x1024xf32>
    %eq3A_114 = arith.cmpf oeq, %select_n3A_109, %eq3A_113 : vector<320x1024xf32>
    %jit3A_115 = arith.constant 1073741824 : i32
    %broadcast_in_dim3A_116 = vector.broadcast %jit3A_115 : i32 to vector<320x1024xi32>
    %select_n3A_117 = arith.select %eq3A_114, %iota3A, %broadcast_in_dim3A_116 : vector<320x1024xi1>, vector<320x1024xi32>
    %reduce_min3A_118 = arith.constant dense<2147483647> : vector<1024xi32>
    %reduce_min3A_119 = vector.multi_reduction <minsi>, %select_n3A_117, %reduce_min3A_118 [0] : vector<320x1024xi32> to vector<1024xi32>
    %broadcast_in_dim3A_120 = vector.shape_cast %reduce_min3A_119 : vector<1024xi32> to vector<1x1024xi32>
    %eq3A_121 = arith.constant 5 : i32
    %eq3A_122 = vector.broadcast %eq3A_121 : i32 to vector<24x1024xi32>
    %eq3A_123 = arith.cmpi eq, %iota3A_3, %eq3A_122 : vector<24x1024xi32>
    %broadcast_in_dim3A_124 = vector.shape_cast %broadcast_in_dim3A_120 : vector<1x1024xi32> to vector<1x1024xi32>
    %broadcast_in_dim3A_125 = vector.broadcast %broadcast_in_dim3A_124 : vector<1x1024xi32> to vector<24x1024xi32>
    %select_n3A_126 = arith.select %eq3A_123, %broadcast_in_dim3A_125, %select_n3A_104 : vector<24x1024xi1>, vector<24x1024xi32>
    %eq3A_127 = vector.broadcast %broadcast_in_dim3A_120 : vector<1x1024xi32> to vector<320x1024xi32>
    %eq3A_128 = arith.cmpi eq, %iota3A, %eq3A_127 : vector<320x1024xi32>
    %jit3A_129 = arith.constant -1.000000e+30 : f32
    %broadcast_in_dim3A_130 = vector.broadcast %jit3A_129 : f32 to vector<320x1024xf32>
    %select_n3A_131 = arith.select %eq3A_128, %broadcast_in_dim3A_130, %select_n3A_109 : vector<320x1024xi1>, vector<320x1024xf32>
    %reduce_max3A_132 = arith.constant dense<0xFF800000> : vector<1024xf32>
    %reduce_max3A_133 = vector.multi_reduction <maximumf>, %select_n3A_131, %reduce_max3A_132 [0] : vector<320x1024xf32> to vector<1024xf32>
    %broadcast_in_dim3A_134 = vector.shape_cast %reduce_max3A_133 : vector<1024xf32> to vector<1x1024xf32>
    %eq3A_135 = vector.broadcast %broadcast_in_dim3A_134 : vector<1x1024xf32> to vector<320x1024xf32>
    %eq3A_136 = arith.cmpf oeq, %select_n3A_131, %eq3A_135 : vector<320x1024xf32>
    %jit3A_137 = arith.constant 1073741824 : i32
    %broadcast_in_dim3A_138 = vector.broadcast %jit3A_137 : i32 to vector<320x1024xi32>
    %select_n3A_139 = arith.select %eq3A_136, %iota3A, %broadcast_in_dim3A_138 : vector<320x1024xi1>, vector<320x1024xi32>
    %reduce_min3A_140 = arith.constant dense<2147483647> : vector<1024xi32>
    %reduce_min3A_141 = vector.multi_reduction <minsi>, %select_n3A_139, %reduce_min3A_140 [0] : vector<320x1024xi32> to vector<1024xi32>
    %broadcast_in_dim3A_142 = vector.shape_cast %reduce_min3A_141 : vector<1024xi32> to vector<1x1024xi32>
    %eq3A_143 = arith.constant 6 : i32
    %eq3A_144 = vector.broadcast %eq3A_143 : i32 to vector<24x1024xi32>
    %eq3A_145 = arith.cmpi eq, %iota3A_3, %eq3A_144 : vector<24x1024xi32>
    %broadcast_in_dim3A_146 = vector.shape_cast %broadcast_in_dim3A_142 : vector<1x1024xi32> to vector<1x1024xi32>
    %broadcast_in_dim3A_147 = vector.broadcast %broadcast_in_dim3A_146 : vector<1x1024xi32> to vector<24x1024xi32>
    %select_n3A_148 = arith.select %eq3A_145, %broadcast_in_dim3A_147, %select_n3A_126 : vector<24x1024xi1>, vector<24x1024xi32>
    %eq3A_149 = vector.broadcast %broadcast_in_dim3A_142 : vector<1x1024xi32> to vector<320x1024xi32>
    %eq3A_150 = arith.cmpi eq, %iota3A, %eq3A_149 : vector<320x1024xi32>
    %jit3A_151 = arith.constant -1.000000e+30 : f32
    %broadcast_in_dim3A_152 = vector.broadcast %jit3A_151 : f32 to vector<320x1024xf32>
    %select_n3A_153 = arith.select %eq3A_150, %broadcast_in_dim3A_152, %select_n3A_131 : vector<320x1024xi1>, vector<320x1024xf32>
    %reduce_max3A_154 = arith.constant dense<0xFF800000> : vector<1024xf32>
    %reduce_max3A_155 = vector.multi_reduction <maximumf>, %select_n3A_153, %reduce_max3A_154 [0] : vector<320x1024xf32> to vector<1024xf32>
    %broadcast_in_dim3A_156 = vector.shape_cast %reduce_max3A_155 : vector<1024xf32> to vector<1x1024xf32>
    %eq3A_157 = vector.broadcast %broadcast_in_dim3A_156 : vector<1x1024xf32> to vector<320x1024xf32>
    %eq3A_158 = arith.cmpf oeq, %select_n3A_153, %eq3A_157 : vector<320x1024xf32>
    %jit3A_159 = arith.constant 1073741824 : i32
    %broadcast_in_dim3A_160 = vector.broadcast %jit3A_159 : i32 to vector<320x1024xi32>
    %select_n3A_161 = arith.select %eq3A_158, %iota3A, %broadcast_in_dim3A_160 : vector<320x1024xi1>, vector<320x1024xi32>
    %reduce_min3A_162 = arith.constant dense<2147483647> : vector<1024xi32>
    %reduce_min3A_163 = vector.multi_reduction <minsi>, %select_n3A_161, %reduce_min3A_162 [0] : vector<320x1024xi32> to vector<1024xi32>
    %broadcast_in_dim3A_164 = vector.shape_cast %reduce_min3A_163 : vector<1024xi32> to vector<1x1024xi32>
    %eq3A_165 = arith.constant 7 : i32
    %eq3A_166 = vector.broadcast %eq3A_165 : i32 to vector<24x1024xi32>
    %eq3A_167 = arith.cmpi eq, %iota3A_3, %eq3A_166 : vector<24x1024xi32>
    %broadcast_in_dim3A_168 = vector.shape_cast %broadcast_in_dim3A_164 : vector<1x1024xi32> to vector<1x1024xi32>
    %broadcast_in_dim3A_169 = vector.broadcast %broadcast_in_dim3A_168 : vector<1x1024xi32> to vector<24x1024xi32>
    %select_n3A_170 = arith.select %eq3A_167, %broadcast_in_dim3A_169, %select_n3A_148 : vector<24x1024xi1>, vector<24x1024xi32>
    %eq3A_171 = vector.broadcast %broadcast_in_dim3A_164 : vector<1x1024xi32> to vector<320x1024xi32>
    %eq3A_172 = arith.cmpi eq, %iota3A, %eq3A_171 : vector<320x1024xi32>
    %jit3A_173 = arith.constant -1.000000e+30 : f32
    %broadcast_in_dim3A_174 = vector.broadcast %jit3A_173 : f32 to vector<320x1024xf32>
    %select_n3A_175 = arith.select %eq3A_172, %broadcast_in_dim3A_174, %select_n3A_153 : vector<320x1024xi1>, vector<320x1024xf32>
    %reduce_max3A_176 = arith.constant dense<0xFF800000> : vector<1024xf32>
    %reduce_max3A_177 = vector.multi_reduction <maximumf>, %select_n3A_175, %reduce_max3A_176 [0] : vector<320x1024xf32> to vector<1024xf32>
    %broadcast_in_dim3A_178 = vector.shape_cast %reduce_max3A_177 : vector<1024xf32> to vector<1x1024xf32>
    %eq3A_179 = vector.broadcast %broadcast_in_dim3A_178 : vector<1x1024xf32> to vector<320x1024xf32>
    %eq3A_180 = arith.cmpf oeq, %select_n3A_175, %eq3A_179 : vector<320x1024xf32>
    %jit3A_181 = arith.constant 1073741824 : i32
    %broadcast_in_dim3A_182 = vector.broadcast %jit3A_181 : i32 to vector<320x1024xi32>
    %select_n3A_183 = arith.select %eq3A_180, %iota3A, %broadcast_in_dim3A_182 : vector<320x1024xi1>, vector<320x1024xi32>
    %reduce_min3A_184 = arith.constant dense<2147483647> : vector<1024xi32>
    %reduce_min3A_185 = vector.multi_reduction <minsi>, %select_n3A_183, %reduce_min3A_184 [0] : vector<320x1024xi32> to vector<1024xi32>
    %broadcast_in_dim3A_186 = vector.shape_cast %reduce_min3A_185 : vector<1024xi32> to vector<1x1024xi32>
    %eq3A_187 = arith.constant 8 : i32
    %eq3A_188 = vector.broadcast %eq3A_187 : i32 to vector<24x1024xi32>
    %eq3A_189 = arith.cmpi eq, %iota3A_3, %eq3A_188 : vector<24x1024xi32>
    %broadcast_in_dim3A_190 = vector.shape_cast %broadcast_in_dim3A_186 : vector<1x1024xi32> to vector<1x1024xi32>
    %broadcast_in_dim3A_191 = vector.broadcast %broadcast_in_dim3A_190 : vector<1x1024xi32> to vector<24x1024xi32>
    %select_n3A_192 = arith.select %eq3A_189, %broadcast_in_dim3A_191, %select_n3A_170 : vector<24x1024xi1>, vector<24x1024xi32>
    %eq3A_193 = vector.broadcast %broadcast_in_dim3A_186 : vector<1x1024xi32> to vector<320x1024xi32>
    %eq3A_194 = arith.cmpi eq, %iota3A, %eq3A_193 : vector<320x1024xi32>
    %jit3A_195 = arith.constant -1.000000e+30 : f32
    %broadcast_in_dim3A_196 = vector.broadcast %jit3A_195 : f32 to vector<320x1024xf32>
    %select_n3A_197 = arith.select %eq3A_194, %broadcast_in_dim3A_196, %select_n3A_175 : vector<320x1024xi1>, vector<320x1024xf32>
    %reduce_max3A_198 = arith.constant dense<0xFF800000> : vector<1024xf32>
    %reduce_max3A_199 = vector.multi_reduction <maximumf>, %select_n3A_197, %reduce_max3A_198 [0] : vector<320x1024xf32> to vector<1024xf32>
    %broadcast_in_dim3A_200 = vector.shape_cast %reduce_max3A_199 : vector<1024xf32> to vector<1x1024xf32>
    %eq3A_201 = vector.broadcast %broadcast_in_dim3A_200 : vector<1x1024xf32> to vector<320x1024xf32>
    %eq3A_202 = arith.cmpf oeq, %select_n3A_197, %eq3A_201 : vector<320x1024xf32>
    %jit3A_203 = arith.constant 1073741824 : i32
    %broadcast_in_dim3A_204 = vector.broadcast %jit3A_203 : i32 to vector<320x1024xi32>
    %select_n3A_205 = arith.select %eq3A_202, %iota3A, %broadcast_in_dim3A_204 : vector<320x1024xi1>, vector<320x1024xi32>
    %reduce_min3A_206 = arith.constant dense<2147483647> : vector<1024xi32>
    %reduce_min3A_207 = vector.multi_reduction <minsi>, %select_n3A_205, %reduce_min3A_206 [0] : vector<320x1024xi32> to vector<1024xi32>
    %broadcast_in_dim3A_208 = vector.shape_cast %reduce_min3A_207 : vector<1024xi32> to vector<1x1024xi32>
    %eq3A_209 = arith.constant 9 : i32
    %eq3A_210 = vector.broadcast %eq3A_209 : i32 to vector<24x1024xi32>
    %eq3A_211 = arith.cmpi eq, %iota3A_3, %eq3A_210 : vector<24x1024xi32>
    %broadcast_in_dim3A_212 = vector.shape_cast %broadcast_in_dim3A_208 : vector<1x1024xi32> to vector<1x1024xi32>
    %broadcast_in_dim3A_213 = vector.broadcast %broadcast_in_dim3A_212 : vector<1x1024xi32> to vector<24x1024xi32>
    %select_n3A_214 = arith.select %eq3A_211, %broadcast_in_dim3A_213, %select_n3A_192 : vector<24x1024xi1>, vector<24x1024xi32>
    %eq3A_215 = vector.broadcast %broadcast_in_dim3A_208 : vector<1x1024xi32> to vector<320x1024xi32>
    %eq3A_216 = arith.cmpi eq, %iota3A, %eq3A_215 : vector<320x1024xi32>
    %jit3A_217 = arith.constant -1.000000e+30 : f32
    %broadcast_in_dim3A_218 = vector.broadcast %jit3A_217 : f32 to vector<320x1024xf32>
    %select_n3A_219 = arith.select %eq3A_216, %broadcast_in_dim3A_218, %select_n3A_197 : vector<320x1024xi1>, vector<320x1024xf32>
    %reduce_max3A_220 = arith.constant dense<0xFF800000> : vector<1024xf32>
    %reduce_max3A_221 = vector.multi_reduction <maximumf>, %select_n3A_219, %reduce_max3A_220 [0] : vector<320x1024xf32> to vector<1024xf32>
    %broadcast_in_dim3A_222 = vector.shape_cast %reduce_max3A_221 : vector<1024xf32> to vector<1x1024xf32>
    %eq3A_223 = vector.broadcast %broadcast_in_dim3A_222 : vector<1x1024xf32> to vector<320x1024xf32>
    %eq3A_224 = arith.cmpf oeq, %select_n3A_219, %eq3A_223 : vector<320x1024xf32>
    %jit3A_225 = arith.constant 1073741824 : i32
    %broadcast_in_dim3A_226 = vector.broadcast %jit3A_225 : i32 to vector<320x1024xi32>
    %select_n3A_227 = arith.select %eq3A_224, %iota3A, %broadcast_in_dim3A_226 : vector<320x1024xi1>, vector<320x1024xi32>
    %reduce_min3A_228 = arith.constant dense<2147483647> : vector<1024xi32>
    %reduce_min3A_229 = vector.multi_reduction <minsi>, %select_n3A_227, %reduce_min3A_228 [0] : vector<320x1024xi32> to vector<1024xi32>
    %broadcast_in_dim3A_230 = vector.shape_cast %reduce_min3A_229 : vector<1024xi32> to vector<1x1024xi32>
    %eq3A_231 = arith.constant 10 : i32
    %eq3A_232 = vector.broadcast %eq3A_231 : i32 to vector<24x1024xi32>
    %eq3A_233 = arith.cmpi eq, %iota3A_3, %eq3A_232 : vector<24x1024xi32>
    %broadcast_in_dim3A_234 = vector.shape_cast %broadcast_in_dim3A_230 : vector<1x1024xi32> to vector<1x1024xi32>
    %broadcast_in_dim3A_235 = vector.broadcast %broadcast_in_dim3A_234 : vector<1x1024xi32> to vector<24x1024xi32>
    %select_n3A_236 = arith.select %eq3A_233, %broadcast_in_dim3A_235, %select_n3A_214 : vector<24x1024xi1>, vector<24x1024xi32>
    %eq3A_237 = vector.broadcast %broadcast_in_dim3A_230 : vector<1x1024xi32> to vector<320x1024xi32>
    %eq3A_238 = arith.cmpi eq, %iota3A, %eq3A_237 : vector<320x1024xi32>
    %jit3A_239 = arith.constant -1.000000e+30 : f32
    %broadcast_in_dim3A_240 = vector.broadcast %jit3A_239 : f32 to vector<320x1024xf32>
    %select_n3A_241 = arith.select %eq3A_238, %broadcast_in_dim3A_240, %select_n3A_219 : vector<320x1024xi1>, vector<320x1024xf32>
    %reduce_max3A_242 = arith.constant dense<0xFF800000> : vector<1024xf32>
    %reduce_max3A_243 = vector.multi_reduction <maximumf>, %select_n3A_241, %reduce_max3A_242 [0] : vector<320x1024xf32> to vector<1024xf32>
    %broadcast_in_dim3A_244 = vector.shape_cast %reduce_max3A_243 : vector<1024xf32> to vector<1x1024xf32>
    %eq3A_245 = vector.broadcast %broadcast_in_dim3A_244 : vector<1x1024xf32> to vector<320x1024xf32>
    %eq3A_246 = arith.cmpf oeq, %select_n3A_241, %eq3A_245 : vector<320x1024xf32>
    %jit3A_247 = arith.constant 1073741824 : i32
    %broadcast_in_dim3A_248 = vector.broadcast %jit3A_247 : i32 to vector<320x1024xi32>
    %select_n3A_249 = arith.select %eq3A_246, %iota3A, %broadcast_in_dim3A_248 : vector<320x1024xi1>, vector<320x1024xi32>
    %reduce_min3A_250 = arith.constant dense<2147483647> : vector<1024xi32>
    %reduce_min3A_251 = vector.multi_reduction <minsi>, %select_n3A_249, %reduce_min3A_250 [0] : vector<320x1024xi32> to vector<1024xi32>
    %broadcast_in_dim3A_252 = vector.shape_cast %reduce_min3A_251 : vector<1024xi32> to vector<1x1024xi32>
    %eq3A_253 = arith.constant 11 : i32
    %eq3A_254 = vector.broadcast %eq3A_253 : i32 to vector<24x1024xi32>
    %eq3A_255 = arith.cmpi eq, %iota3A_3, %eq3A_254 : vector<24x1024xi32>
    %broadcast_in_dim3A_256 = vector.shape_cast %broadcast_in_dim3A_252 : vector<1x1024xi32> to vector<1x1024xi32>
    %broadcast_in_dim3A_257 = vector.broadcast %broadcast_in_dim3A_256 : vector<1x1024xi32> to vector<24x1024xi32>
    %select_n3A_258 = arith.select %eq3A_255, %broadcast_in_dim3A_257, %select_n3A_236 : vector<24x1024xi1>, vector<24x1024xi32>
    %eq3A_259 = vector.broadcast %broadcast_in_dim3A_252 : vector<1x1024xi32> to vector<320x1024xi32>
    %eq3A_260 = arith.cmpi eq, %iota3A, %eq3A_259 : vector<320x1024xi32>
    %jit3A_261 = arith.constant -1.000000e+30 : f32
    %broadcast_in_dim3A_262 = vector.broadcast %jit3A_261 : f32 to vector<320x1024xf32>
    %select_n3A_263 = arith.select %eq3A_260, %broadcast_in_dim3A_262, %select_n3A_241 : vector<320x1024xi1>, vector<320x1024xf32>
    %reduce_max3A_264 = arith.constant dense<0xFF800000> : vector<1024xf32>
    %reduce_max3A_265 = vector.multi_reduction <maximumf>, %select_n3A_263, %reduce_max3A_264 [0] : vector<320x1024xf32> to vector<1024xf32>
    %broadcast_in_dim3A_266 = vector.shape_cast %reduce_max3A_265 : vector<1024xf32> to vector<1x1024xf32>
    %eq3A_267 = vector.broadcast %broadcast_in_dim3A_266 : vector<1x1024xf32> to vector<320x1024xf32>
    %eq3A_268 = arith.cmpf oeq, %select_n3A_263, %eq3A_267 : vector<320x1024xf32>
    %jit3A_269 = arith.constant 1073741824 : i32
    %broadcast_in_dim3A_270 = vector.broadcast %jit3A_269 : i32 to vector<320x1024xi32>
    %select_n3A_271 = arith.select %eq3A_268, %iota3A, %broadcast_in_dim3A_270 : vector<320x1024xi1>, vector<320x1024xi32>
    %reduce_min3A_272 = arith.constant dense<2147483647> : vector<1024xi32>
    %reduce_min3A_273 = vector.multi_reduction <minsi>, %select_n3A_271, %reduce_min3A_272 [0] : vector<320x1024xi32> to vector<1024xi32>
    %broadcast_in_dim3A_274 = vector.shape_cast %reduce_min3A_273 : vector<1024xi32> to vector<1x1024xi32>
    %eq3A_275 = arith.constant 12 : i32
    %eq3A_276 = vector.broadcast %eq3A_275 : i32 to vector<24x1024xi32>
    %eq3A_277 = arith.cmpi eq, %iota3A_3, %eq3A_276 : vector<24x1024xi32>
    %broadcast_in_dim3A_278 = vector.shape_cast %broadcast_in_dim3A_274 : vector<1x1024xi32> to vector<1x1024xi32>
    %broadcast_in_dim3A_279 = vector.broadcast %broadcast_in_dim3A_278 : vector<1x1024xi32> to vector<24x1024xi32>
    %select_n3A_280 = arith.select %eq3A_277, %broadcast_in_dim3A_279, %select_n3A_258 : vector<24x1024xi1>, vector<24x1024xi32>
    %eq3A_281 = vector.broadcast %broadcast_in_dim3A_274 : vector<1x1024xi32> to vector<320x1024xi32>
    %eq3A_282 = arith.cmpi eq, %iota3A, %eq3A_281 : vector<320x1024xi32>
    %jit3A_283 = arith.constant -1.000000e+30 : f32
    %broadcast_in_dim3A_284 = vector.broadcast %jit3A_283 : f32 to vector<320x1024xf32>
    %select_n3A_285 = arith.select %eq3A_282, %broadcast_in_dim3A_284, %select_n3A_263 : vector<320x1024xi1>, vector<320x1024xf32>
    %reduce_max3A_286 = arith.constant dense<0xFF800000> : vector<1024xf32>
    %reduce_max3A_287 = vector.multi_reduction <maximumf>, %select_n3A_285, %reduce_max3A_286 [0] : vector<320x1024xf32> to vector<1024xf32>
    %broadcast_in_dim3A_288 = vector.shape_cast %reduce_max3A_287 : vector<1024xf32> to vector<1x1024xf32>
    %eq3A_289 = vector.broadcast %broadcast_in_dim3A_288 : vector<1x1024xf32> to vector<320x1024xf32>
    %eq3A_290 = arith.cmpf oeq, %select_n3A_285, %eq3A_289 : vector<320x1024xf32>
    %jit3A_291 = arith.constant 1073741824 : i32
    %broadcast_in_dim3A_292 = vector.broadcast %jit3A_291 : i32 to vector<320x1024xi32>
    %select_n3A_293 = arith.select %eq3A_290, %iota3A, %broadcast_in_dim3A_292 : vector<320x1024xi1>, vector<320x1024xi32>
    %reduce_min3A_294 = arith.constant dense<2147483647> : vector<1024xi32>
    %reduce_min3A_295 = vector.multi_reduction <minsi>, %select_n3A_293, %reduce_min3A_294 [0] : vector<320x1024xi32> to vector<1024xi32>
    %broadcast_in_dim3A_296 = vector.shape_cast %reduce_min3A_295 : vector<1024xi32> to vector<1x1024xi32>
    %eq3A_297 = arith.constant 13 : i32
    %eq3A_298 = vector.broadcast %eq3A_297 : i32 to vector<24x1024xi32>
    %eq3A_299 = arith.cmpi eq, %iota3A_3, %eq3A_298 : vector<24x1024xi32>
    %broadcast_in_dim3A_300 = vector.shape_cast %broadcast_in_dim3A_296 : vector<1x1024xi32> to vector<1x1024xi32>
    %broadcast_in_dim3A_301 = vector.broadcast %broadcast_in_dim3A_300 : vector<1x1024xi32> to vector<24x1024xi32>
    %select_n3A_302 = arith.select %eq3A_299, %broadcast_in_dim3A_301, %select_n3A_280 : vector<24x1024xi1>, vector<24x1024xi32>
    %eq3A_303 = vector.broadcast %broadcast_in_dim3A_296 : vector<1x1024xi32> to vector<320x1024xi32>
    %eq3A_304 = arith.cmpi eq, %iota3A, %eq3A_303 : vector<320x1024xi32>
    %jit3A_305 = arith.constant -1.000000e+30 : f32
    %broadcast_in_dim3A_306 = vector.broadcast %jit3A_305 : f32 to vector<320x1024xf32>
    %select_n3A_307 = arith.select %eq3A_304, %broadcast_in_dim3A_306, %select_n3A_285 : vector<320x1024xi1>, vector<320x1024xf32>
    %reduce_max3A_308 = arith.constant dense<0xFF800000> : vector<1024xf32>
    %reduce_max3A_309 = vector.multi_reduction <maximumf>, %select_n3A_307, %reduce_max3A_308 [0] : vector<320x1024xf32> to vector<1024xf32>
    %broadcast_in_dim3A_310 = vector.shape_cast %reduce_max3A_309 : vector<1024xf32> to vector<1x1024xf32>
    %eq3A_311 = vector.broadcast %broadcast_in_dim3A_310 : vector<1x1024xf32> to vector<320x1024xf32>
    %eq3A_312 = arith.cmpf oeq, %select_n3A_307, %eq3A_311 : vector<320x1024xf32>
    %jit3A_313 = arith.constant 1073741824 : i32
    %broadcast_in_dim3A_314 = vector.broadcast %jit3A_313 : i32 to vector<320x1024xi32>
    %select_n3A_315 = arith.select %eq3A_312, %iota3A, %broadcast_in_dim3A_314 : vector<320x1024xi1>, vector<320x1024xi32>
    %reduce_min3A_316 = arith.constant dense<2147483647> : vector<1024xi32>
    %reduce_min3A_317 = vector.multi_reduction <minsi>, %select_n3A_315, %reduce_min3A_316 [0] : vector<320x1024xi32> to vector<1024xi32>
    %broadcast_in_dim3A_318 = vector.shape_cast %reduce_min3A_317 : vector<1024xi32> to vector<1x1024xi32>
    %eq3A_319 = arith.constant 14 : i32
    %eq3A_320 = vector.broadcast %eq3A_319 : i32 to vector<24x1024xi32>
    %eq3A_321 = arith.cmpi eq, %iota3A_3, %eq3A_320 : vector<24x1024xi32>
    %broadcast_in_dim3A_322 = vector.shape_cast %broadcast_in_dim3A_318 : vector<1x1024xi32> to vector<1x1024xi32>
    %broadcast_in_dim3A_323 = vector.broadcast %broadcast_in_dim3A_322 : vector<1x1024xi32> to vector<24x1024xi32>
    %select_n3A_324 = arith.select %eq3A_321, %broadcast_in_dim3A_323, %select_n3A_302 : vector<24x1024xi1>, vector<24x1024xi32>
    %eq3A_325 = vector.broadcast %broadcast_in_dim3A_318 : vector<1x1024xi32> to vector<320x1024xi32>
    %eq3A_326 = arith.cmpi eq, %iota3A, %eq3A_325 : vector<320x1024xi32>
    %jit3A_327 = arith.constant -1.000000e+30 : f32
    %broadcast_in_dim3A_328 = vector.broadcast %jit3A_327 : f32 to vector<320x1024xf32>
    %select_n3A_329 = arith.select %eq3A_326, %broadcast_in_dim3A_328, %select_n3A_307 : vector<320x1024xi1>, vector<320x1024xf32>
    %reduce_max3A_330 = arith.constant dense<0xFF800000> : vector<1024xf32>
    %reduce_max3A_331 = vector.multi_reduction <maximumf>, %select_n3A_329, %reduce_max3A_330 [0] : vector<320x1024xf32> to vector<1024xf32>
    %broadcast_in_dim3A_332 = vector.shape_cast %reduce_max3A_331 : vector<1024xf32> to vector<1x1024xf32>
    %eq3A_333 = vector.broadcast %broadcast_in_dim3A_332 : vector<1x1024xf32> to vector<320x1024xf32>
    %eq3A_334 = arith.cmpf oeq, %select_n3A_329, %eq3A_333 : vector<320x1024xf32>
    %jit3A_335 = arith.constant 1073741824 : i32
    %broadcast_in_dim3A_336 = vector.broadcast %jit3A_335 : i32 to vector<320x1024xi32>
    %select_n3A_337 = arith.select %eq3A_334, %iota3A, %broadcast_in_dim3A_336 : vector<320x1024xi1>, vector<320x1024xi32>
    %reduce_min3A_338 = arith.constant dense<2147483647> : vector<1024xi32>
    %reduce_min3A_339 = vector.multi_reduction <minsi>, %select_n3A_337, %reduce_min3A_338 [0] : vector<320x1024xi32> to vector<1024xi32>
    %broadcast_in_dim3A_340 = vector.shape_cast %reduce_min3A_339 : vector<1024xi32> to vector<1x1024xi32>
    %eq3A_341 = arith.constant 15 : i32
    %eq3A_342 = vector.broadcast %eq3A_341 : i32 to vector<24x1024xi32>
    %eq3A_343 = arith.cmpi eq, %iota3A_3, %eq3A_342 : vector<24x1024xi32>
    %broadcast_in_dim3A_344 = vector.shape_cast %broadcast_in_dim3A_340 : vector<1x1024xi32> to vector<1x1024xi32>
    %broadcast_in_dim3A_345 = vector.broadcast %broadcast_in_dim3A_344 : vector<1x1024xi32> to vector<24x1024xi32>
    %select_n3A_346 = arith.select %eq3A_343, %broadcast_in_dim3A_345, %select_n3A_324 : vector<24x1024xi1>, vector<24x1024xi32>
    %eq3A_347 = vector.broadcast %broadcast_in_dim3A_340 : vector<1x1024xi32> to vector<320x1024xi32>
    %eq3A_348 = arith.cmpi eq, %iota3A, %eq3A_347 : vector<320x1024xi32>
    %jit3A_349 = arith.constant -1.000000e+30 : f32
    %broadcast_in_dim3A_350 = vector.broadcast %jit3A_349 : f32 to vector<320x1024xf32>
    %select_n3A_351 = arith.select %eq3A_348, %broadcast_in_dim3A_350, %select_n3A_329 : vector<320x1024xi1>, vector<320x1024xf32>
    %reduce_max3A_352 = arith.constant dense<0xFF800000> : vector<1024xf32>
    %reduce_max3A_353 = vector.multi_reduction <maximumf>, %select_n3A_351, %reduce_max3A_352 [0] : vector<320x1024xf32> to vector<1024xf32>
    %broadcast_in_dim3A_354 = vector.shape_cast %reduce_max3A_353 : vector<1024xf32> to vector<1x1024xf32>
    %eq3A_355 = vector.broadcast %broadcast_in_dim3A_354 : vector<1x1024xf32> to vector<320x1024xf32>
    %eq3A_356 = arith.cmpf oeq, %select_n3A_351, %eq3A_355 : vector<320x1024xf32>
    %jit3A_357 = arith.constant 1073741824 : i32
    %broadcast_in_dim3A_358 = vector.broadcast %jit3A_357 : i32 to vector<320x1024xi32>
    %select_n3A_359 = arith.select %eq3A_356, %iota3A, %broadcast_in_dim3A_358 : vector<320x1024xi1>, vector<320x1024xi32>
    %reduce_min3A_360 = arith.constant dense<2147483647> : vector<1024xi32>
    %reduce_min3A_361 = vector.multi_reduction <minsi>, %select_n3A_359, %reduce_min3A_360 [0] : vector<320x1024xi32> to vector<1024xi32>
    %broadcast_in_dim3A_362 = vector.shape_cast %reduce_min3A_361 : vector<1024xi32> to vector<1x1024xi32>
    %eq3A_363 = arith.constant 16 : i32
    %eq3A_364 = vector.broadcast %eq3A_363 : i32 to vector<24x1024xi32>
    %eq3A_365 = arith.cmpi eq, %iota3A_3, %eq3A_364 : vector<24x1024xi32>
    %broadcast_in_dim3A_366 = vector.shape_cast %broadcast_in_dim3A_362 : vector<1x1024xi32> to vector<1x1024xi32>
    %broadcast_in_dim3A_367 = vector.broadcast %broadcast_in_dim3A_366 : vector<1x1024xi32> to vector<24x1024xi32>
    %select_n3A_368 = arith.select %eq3A_365, %broadcast_in_dim3A_367, %select_n3A_346 : vector<24x1024xi1>, vector<24x1024xi32>
    %eq3A_369 = vector.broadcast %broadcast_in_dim3A_362 : vector<1x1024xi32> to vector<320x1024xi32>
    %eq3A_370 = arith.cmpi eq, %iota3A, %eq3A_369 : vector<320x1024xi32>
    %jit3A_371 = arith.constant -1.000000e+30 : f32
    %broadcast_in_dim3A_372 = vector.broadcast %jit3A_371 : f32 to vector<320x1024xf32>
    %select_n3A_373 = arith.select %eq3A_370, %broadcast_in_dim3A_372, %select_n3A_351 : vector<320x1024xi1>, vector<320x1024xf32>
    %reduce_max3A_374 = arith.constant dense<0xFF800000> : vector<1024xf32>
    %reduce_max3A_375 = vector.multi_reduction <maximumf>, %select_n3A_373, %reduce_max3A_374 [0] : vector<320x1024xf32> to vector<1024xf32>
    %broadcast_in_dim3A_376 = vector.shape_cast %reduce_max3A_375 : vector<1024xf32> to vector<1x1024xf32>
    %eq3A_377 = vector.broadcast %broadcast_in_dim3A_376 : vector<1x1024xf32> to vector<320x1024xf32>
    %eq3A_378 = arith.cmpf oeq, %select_n3A_373, %eq3A_377 : vector<320x1024xf32>
    %jit3A_379 = arith.constant 1073741824 : i32
    %broadcast_in_dim3A_380 = vector.broadcast %jit3A_379 : i32 to vector<320x1024xi32>
    %select_n3A_381 = arith.select %eq3A_378, %iota3A, %broadcast_in_dim3A_380 : vector<320x1024xi1>, vector<320x1024xi32>
    %reduce_min3A_382 = arith.constant dense<2147483647> : vector<1024xi32>
    %reduce_min3A_383 = vector.multi_reduction <minsi>, %select_n3A_381, %reduce_min3A_382 [0] : vector<320x1024xi32> to vector<1024xi32>
    %broadcast_in_dim3A_384 = vector.shape_cast %reduce_min3A_383 : vector<1024xi32> to vector<1x1024xi32>
    %eq3A_385 = arith.constant 17 : i32
    %eq3A_386 = vector.broadcast %eq3A_385 : i32 to vector<24x1024xi32>
    %eq3A_387 = arith.cmpi eq, %iota3A_3, %eq3A_386 : vector<24x1024xi32>
    %broadcast_in_dim3A_388 = vector.shape_cast %broadcast_in_dim3A_384 : vector<1x1024xi32> to vector<1x1024xi32>
    %broadcast_in_dim3A_389 = vector.broadcast %broadcast_in_dim3A_388 : vector<1x1024xi32> to vector<24x1024xi32>
    %select_n3A_390 = arith.select %eq3A_387, %broadcast_in_dim3A_389, %select_n3A_368 : vector<24x1024xi1>, vector<24x1024xi32>
    %eq3A_391 = vector.broadcast %broadcast_in_dim3A_384 : vector<1x1024xi32> to vector<320x1024xi32>
    %eq3A_392 = arith.cmpi eq, %iota3A, %eq3A_391 : vector<320x1024xi32>
    %jit3A_393 = arith.constant -1.000000e+30 : f32
    %broadcast_in_dim3A_394 = vector.broadcast %jit3A_393 : f32 to vector<320x1024xf32>
    %select_n3A_395 = arith.select %eq3A_392, %broadcast_in_dim3A_394, %select_n3A_373 : vector<320x1024xi1>, vector<320x1024xf32>
    %reduce_max3A_396 = arith.constant dense<0xFF800000> : vector<1024xf32>
    %reduce_max3A_397 = vector.multi_reduction <maximumf>, %select_n3A_395, %reduce_max3A_396 [0] : vector<320x1024xf32> to vector<1024xf32>
    %broadcast_in_dim3A_398 = vector.shape_cast %reduce_max3A_397 : vector<1024xf32> to vector<1x1024xf32>
    %eq3A_399 = vector.broadcast %broadcast_in_dim3A_398 : vector<1x1024xf32> to vector<320x1024xf32>
    %eq3A_400 = arith.cmpf oeq, %select_n3A_395, %eq3A_399 : vector<320x1024xf32>
    %jit3A_401 = arith.constant 1073741824 : i32
    %broadcast_in_dim3A_402 = vector.broadcast %jit3A_401 : i32 to vector<320x1024xi32>
    %select_n3A_403 = arith.select %eq3A_400, %iota3A, %broadcast_in_dim3A_402 : vector<320x1024xi1>, vector<320x1024xi32>
    %reduce_min3A_404 = arith.constant dense<2147483647> : vector<1024xi32>
    %reduce_min3A_405 = vector.multi_reduction <minsi>, %select_n3A_403, %reduce_min3A_404 [0] : vector<320x1024xi32> to vector<1024xi32>
    %broadcast_in_dim3A_406 = vector.shape_cast %reduce_min3A_405 : vector<1024xi32> to vector<1x1024xi32>
    %eq3A_407 = arith.constant 18 : i32
    %eq3A_408 = vector.broadcast %eq3A_407 : i32 to vector<24x1024xi32>
    %eq3A_409 = arith.cmpi eq, %iota3A_3, %eq3A_408 : vector<24x1024xi32>
    %broadcast_in_dim3A_410 = vector.shape_cast %broadcast_in_dim3A_406 : vector<1x1024xi32> to vector<1x1024xi32>
    %broadcast_in_dim3A_411 = vector.broadcast %broadcast_in_dim3A_410 : vector<1x1024xi32> to vector<24x1024xi32>
    %select_n3A_412 = arith.select %eq3A_409, %broadcast_in_dim3A_411, %select_n3A_390 : vector<24x1024xi1>, vector<24x1024xi32>
    %eq3A_413 = vector.broadcast %broadcast_in_dim3A_406 : vector<1x1024xi32> to vector<320x1024xi32>
    %eq3A_414 = arith.cmpi eq, %iota3A, %eq3A_413 : vector<320x1024xi32>
    %jit3A_415 = arith.constant -1.000000e+30 : f32
    %broadcast_in_dim3A_416 = vector.broadcast %jit3A_415 : f32 to vector<320x1024xf32>
    %select_n3A_417 = arith.select %eq3A_414, %broadcast_in_dim3A_416, %select_n3A_395 : vector<320x1024xi1>, vector<320x1024xf32>
    %reduce_max3A_418 = arith.constant dense<0xFF800000> : vector<1024xf32>
    %reduce_max3A_419 = vector.multi_reduction <maximumf>, %select_n3A_417, %reduce_max3A_418 [0] : vector<320x1024xf32> to vector<1024xf32>
    %broadcast_in_dim3A_420 = vector.shape_cast %reduce_max3A_419 : vector<1024xf32> to vector<1x1024xf32>
    %eq3A_421 = vector.broadcast %broadcast_in_dim3A_420 : vector<1x1024xf32> to vector<320x1024xf32>
    %eq3A_422 = arith.cmpf oeq, %select_n3A_417, %eq3A_421 : vector<320x1024xf32>
    %jit3A_423 = arith.constant 1073741824 : i32
    %broadcast_in_dim3A_424 = vector.broadcast %jit3A_423 : i32 to vector<320x1024xi32>
    %select_n3A_425 = arith.select %eq3A_422, %iota3A, %broadcast_in_dim3A_424 : vector<320x1024xi1>, vector<320x1024xi32>
    %reduce_min3A_426 = arith.constant dense<2147483647> : vector<1024xi32>
    %reduce_min3A_427 = vector.multi_reduction <minsi>, %select_n3A_425, %reduce_min3A_426 [0] : vector<320x1024xi32> to vector<1024xi32>
    %broadcast_in_dim3A_428 = vector.shape_cast %reduce_min3A_427 : vector<1024xi32> to vector<1x1024xi32>
    %eq3A_429 = arith.constant 19 : i32
    %eq3A_430 = vector.broadcast %eq3A_429 : i32 to vector<24x1024xi32>
    %eq3A_431 = arith.cmpi eq, %iota3A_3, %eq3A_430 : vector<24x1024xi32>
    %broadcast_in_dim3A_432 = vector.shape_cast %broadcast_in_dim3A_428 : vector<1x1024xi32> to vector<1x1024xi32>
    %broadcast_in_dim3A_433 = vector.broadcast %broadcast_in_dim3A_432 : vector<1x1024xi32> to vector<24x1024xi32>
    %select_n3A_434 = arith.select %eq3A_431, %broadcast_in_dim3A_433, %select_n3A_412 : vector<24x1024xi1>, vector<24x1024xi32>
    %eq3A_435 = vector.broadcast %broadcast_in_dim3A_428 : vector<1x1024xi32> to vector<320x1024xi32>
    %eq3A_436 = arith.cmpi eq, %iota3A, %eq3A_435 : vector<320x1024xi32>
    %jit3A_437 = arith.constant -1.000000e+30 : f32
    %broadcast_in_dim3A_438 = vector.broadcast %jit3A_437 : f32 to vector<320x1024xf32>
    %select_n3A_439 = arith.select %eq3A_436, %broadcast_in_dim3A_438, %select_n3A_417 : vector<320x1024xi1>, vector<320x1024xf32>
    %reduce_max3A_440 = arith.constant dense<0xFF800000> : vector<1024xf32>
    %reduce_max3A_441 = vector.multi_reduction <maximumf>, %select_n3A_439, %reduce_max3A_440 [0] : vector<320x1024xf32> to vector<1024xf32>
    %broadcast_in_dim3A_442 = vector.shape_cast %reduce_max3A_441 : vector<1024xf32> to vector<1x1024xf32>
    %eq3A_443 = vector.broadcast %broadcast_in_dim3A_442 : vector<1x1024xf32> to vector<320x1024xf32>
    %eq3A_444 = arith.cmpf oeq, %select_n3A_439, %eq3A_443 : vector<320x1024xf32>
    %jit3A_445 = arith.constant 1073741824 : i32
    %broadcast_in_dim3A_446 = vector.broadcast %jit3A_445 : i32 to vector<320x1024xi32>
    %select_n3A_447 = arith.select %eq3A_444, %iota3A, %broadcast_in_dim3A_446 : vector<320x1024xi1>, vector<320x1024xi32>
    %reduce_min3A_448 = arith.constant dense<2147483647> : vector<1024xi32>
    %reduce_min3A_449 = vector.multi_reduction <minsi>, %select_n3A_447, %reduce_min3A_448 [0] : vector<320x1024xi32> to vector<1024xi32>
    %broadcast_in_dim3A_450 = vector.shape_cast %reduce_min3A_449 : vector<1024xi32> to vector<1x1024xi32>
    %eq3A_451 = arith.constant 20 : i32
    %eq3A_452 = vector.broadcast %eq3A_451 : i32 to vector<24x1024xi32>
    %eq3A_453 = arith.cmpi eq, %iota3A_3, %eq3A_452 : vector<24x1024xi32>
    %broadcast_in_dim3A_454 = vector.shape_cast %broadcast_in_dim3A_450 : vector<1x1024xi32> to vector<1x1024xi32>
    %broadcast_in_dim3A_455 = vector.broadcast %broadcast_in_dim3A_454 : vector<1x1024xi32> to vector<24x1024xi32>
    %select_n3A_456 = arith.select %eq3A_453, %broadcast_in_dim3A_455, %select_n3A_434 : vector<24x1024xi1>, vector<24x1024xi32>
    %swap3A = arith.constant 0 : index
    %swap3A_457 = arith.constant 0 : index
    %swap3A_458 = vector.load %arg2[%swap3A, %swap3A_457] : memref<24x1024xi32, #tpu.memory_space<vmem>>, vector<24x1024xi32>
    tpu.vector_store %arg2[%swap3A, %swap3A_457], %select_n3A_456 {strides = array<i32>} : memref<24x1024xi32, #tpu.memory_space<vmem>>, vector<24x1024xi32>,
    %mul3A = arith.constant 1024 : i32
    %mul3A_459 = arith.muli %add3A_0, %mul3A : i32
    %iota3A_460 = tpu.iota {dimensions = array<i32: 1>} : vector<24x1024xi32>
    %add3A_461 = vector.broadcast %mul3A_459 : i32 to vector<24x1024xi32>
    %add3A_462 = arith.addi %add3A_461, %iota3A_460 : vector<24x1024xi32>
    %mul3A_463 = arith.constant 80 : i32
    %mul3A_464 = vector.broadcast %mul3A_463 : i32 to vector<24x1024xi32>
    %mul3A_465 = arith.muli %add3A_462, %mul3A_464 : vector<24x1024xi32>
    %shift_right_arithmetic3A = arith.constant 2 : i32
    %shift_right_arithmetic3A_466 = vector.broadcast %shift_right_arithmetic3A : i32 to vector<24x1024xi32>
    %shift_right_arithmetic3A_467 = arith.shrsi %select_n3A_456, %shift_right_arithmetic3A_466 : vector<24x1024xi32>
    %add3A_468 = arith.addi %mul3A_465, %shift_right_arithmetic3A_467 : vector<24x1024xi32>
    %reshape3A = vector.shape_cast %add3A_468 : vector<24x1024xi32> to vector<24x8x128xi32>
    %swap3A_469 = arith.constant 0 : index
    %swap3A_470 = arith.constant 0 : index
    %swap3A_471 = arith.constant 0 : index
    %swap3A_472 = vector.load %arg3[%swap3A_469, %swap3A_470, %swap3A_471] : memref<24x8x128xi32, #tpu.memory_space<vmem>>, vector<24x8x128xi32>
    tpu.vector_store %arg3[%swap3A_469, %swap3A_470, %swap3A_471], %reshape3A {strides = array<i32>} : memref<24x8x128xi32, #tpu.memory_space<vmem>>, vector<24x8x128xi32>,
    return
  }
  func.func @transform_0(%arg0: i32) -> (i32, i32) {
    %add3A = arith.constant 5 : i32
    %add3A_0 = arith.addi %add3A, %arg0 : i32
    %c0_i32 = arith.constant 0 : i32
    %c0_i32_1 = arith.constant 0 : i32
    return %c0_i32, %add3A_0 : i32, i32
  }
  func.func @transform_1(%arg0: i32) -> (i32, i32) {
    %c0_i32 = arith.constant 0 : i32
    %c0_i32_0 = arith.constant 0 : i32
    return %c0_i32, %arg0 : i32, i32
  }
  func.func @transform_2(%arg0: i32) -> (i32, i32, i32) {
    %c0_i32 = arith.constant 0 : i32
    %c0_i32_0 = arith.constant 0 : i32
    %c0_i32_1 = arith.constant 0 : i32
    return %c0_i32, %arg0, %c0_i32_0 : i32, i32, i32
  }
}

module attributes {stable_mosaic.version = 14 : i64} {
  func.func @_sims_gm_body(%arg0: i32, %arg1: memref<256x128xf32, #tpu.memory_space<vmem>>, %arg2: memref<10240x128xf32, #tpu.memory_space<vmem>>, %arg3: memref<256x80x128xf32, #tpu.memory_space<vmem>>, %arg4: memref<8x10240xf32, #tpu.memory_space<vmem>>) attributes {dimension_semantics = [#tpu.dimension_semantics<arbitrary>], iteration_bounds = array<i64: 40>, scalar_prefetch = 0 : i64, scratch_operands = 0 : i64, tpu.core_type = #tpu.core_type<tc>, window_params = [{transform_indices = @transform_0, window_bounds = array<i64: 256, 128>}, {pipeline_mode = #tpu.pipeline_mode<synchronous>, transform_indices = @transform_1, window_bounds = array<i64: 10240, 128>}, {transform_indices = @transform_2, window_bounds = array<i64: 256, 80, 128>}, {transform_indices = @transform_3, window_bounds = array<i64: 8, 10240>}]} {
    %get3A = arith.constant 0 : index
    %get3A_0 = arith.constant 0 : index
    %get3A_1 = vector.load %arg1[%get3A, %get3A_0] : memref<256x128xf32, #tpu.memory_space<vmem>>, vector<256x128xf32>
    %get3A_2 = arith.constant 0 : index
    %get3A_3 = arith.constant 0 : index
    %get3A_4 = vector.load %arg2[%get3A_2, %get3A_3] : memref<10240x128xf32, #tpu.memory_space<vmem>>, vector<10240x128xf32>
    %dot_general3A = arith.constant dense<0.000000e+00> : vector<256x10240xf32>
    %dot_general3A_5 = tpu.matmul %get3A_1, %get3A_4, %dot_general3A {dimension_numbers = #tpu.dot_dimension_numbers<[1], [1], [0], [0], [0, 0, 1, 0], [], []>, transpose_lhs_hint = false} : vector<256x128xf32>, vector<10240x128xf32>, vector<256x10240xf32> -> vector<256x10240xf32>
    %iota3A = tpu.iota {dimensions = array<i32: 1>} : vector<256x10240xi32>
    %ge3A = arith.constant 10000 : i32
    %ge3A_6 = vector.broadcast %ge3A : i32 to vector<256x10240xi32>
    %ge3A_7 = arith.cmpi sge, %iota3A, %ge3A_6 : vector<256x10240xi32>
    %jit3A = arith.constant -1.000000e+30 : f32
    %broadcast_in_dim3A = vector.broadcast %jit3A : f32 to vector<256x10240xf32>
    %select_n3A = arith.select %ge3A_7, %broadcast_in_dim3A, %dot_general3A_5 : vector<256x10240xi1>, vector<256x10240xf32>
    %reshape3A = vector.shape_cast %select_n3A : vector<256x10240xf32> to vector<256x80x128xf32>
    %swap3A = arith.constant 0 : index
    %swap3A_8 = arith.constant 0 : index
    %swap3A_9 = arith.constant 0 : index
    %swap3A_10 = vector.load %arg3[%swap3A, %swap3A_8, %swap3A_9] : memref<256x80x128xf32, #tpu.memory_space<vmem>>, vector<256x80x128xf32>
    tpu.vector_store %arg3[%swap3A, %swap3A_8, %swap3A_9], %reshape3A {strides = array<i32>} : memref<256x80x128xf32, #tpu.memory_space<vmem>>, vector<256x80x128xf32>,
    %mul3A = arith.constant 256 : i32
    %mul3A_11 = arith.muli %arg0, %mul3A : i32
    %iota3A_12 = tpu.iota {dimensions = array<i32: 0>} : vector<256x10240xi32>
    %add3A = vector.broadcast %mul3A_11 : i32 to vector<256x10240xi32>
    %add3A_13 = arith.addi %add3A, %iota3A_12 : vector<256x10240xi32>
    %ge3A_14 = arith.constant 10000 : i32
    %ge3A_15 = vector.broadcast %ge3A_14 : i32 to vector<256x10240xi32>
    %ge3A_16 = arith.cmpi sge, %add3A_13, %ge3A_15 : vector<256x10240xi32>
    %jit3A_17 = arith.constant -1.000000e+30 : f32
    %broadcast_in_dim3A_18 = vector.broadcast %jit3A_17 : f32 to vector<256x10240xf32>
    %select_n3A_19 = arith.select %ge3A_16, %broadcast_in_dim3A_18, %dot_general3A_5 : vector<256x10240xi1>, vector<256x10240xf32>
    %reshape3A_20 = vector.shape_cast %select_n3A_19 : vector<256x10240xf32> to vector<8x32x10240xf32>
    %reduce_max3A = arith.constant dense<0xFF800000> : vector<8x10240xf32>
    %reduce_max3A_21 = vector.multi_reduction <maximumf>, %reshape3A_20, %reduce_max3A [1] : vector<8x32x10240xf32> to vector<8x10240xf32>
    %swap3A_22 = arith.constant 0 : index
    %swap3A_23 = arith.constant 0 : index
    %swap3A_24 = vector.load %arg4[%swap3A_22, %swap3A_23] : memref<8x10240xf32, #tpu.memory_space<vmem>>, vector<8x10240xf32>
    tpu.vector_store %arg4[%swap3A_22, %swap3A_23], %reduce_max3A_21 {strides = array<i32>} : memref<8x10240xf32, #tpu.memory_space<vmem>>, vector<8x10240xf32>,
    return
  }
  func.func @transform_0(%arg0: i32) -> (i32, i32) {
    %c0_i32 = arith.constant 0 : i32
    %c0_i32_0 = arith.constant 0 : i32
    return %arg0, %c0_i32 : i32, i32
  }
  func.func @transform_1(%arg0: i32) -> (i32, i32) {
    %c0_i32 = arith.constant 0 : i32
    %c0_i32_0 = arith.constant 0 : i32
    %c0_i32_1 = arith.constant 0 : i32
    return %c0_i32, %c0_i32_0 : i32, i32
  }
  func.func @transform_2(%arg0: i32) -> (i32, i32, i32) {
    %c0_i32 = arith.constant 0 : i32
    %c0_i32_0 = arith.constant 0 : i32
    %c0_i32_1 = arith.constant 0 : i32
    return %arg0, %c0_i32, %c0_i32_0 : i32, i32, i32
  }
  func.func @transform_3(%arg0: i32) -> (i32, i32) {
    %c0_i32 = arith.constant 0 : i32
    %c0_i32_0 = arith.constant 0 : i32
    return %arg0, %c0_i32 : i32, i32
  }
}

module attributes {stable_mosaic.version = 14 : i64} {
  func.func @_group_sel_body(%arg0: i32, %arg1: memref<320x1024xf32, #tpu.memory_space<vmem>>, %arg2: memref<24x1024xi32, #tpu.memory_space<vmem>>, %arg3: memref<24x8x128xi32, #tpu.memory_space<vmem>>) attributes {dimension_semantics = [#tpu.dimension_semantics<arbitrary>], iteration_bounds = array<i64: 5>, scalar_prefetch = 0 : i64, scratch_operands = 0 : i64, tpu.core_type = #tpu.core_type<tc>, window_params = [{transform_indices = @transform_0, window_bounds = array<i64: 320, 1024>}, {transform_indices = @transform_1, window_bounds = array<i64: 24, 1024>}, {transform_indices = @transform_2, window_bounds = array<i64: 24, 8, 128>}]} {
    %add3A = arith.constant 0 : i32
    %add3A_0 = arith.addi %add3A, %arg0 : i32
    %get3A = arith.constant 0 : index
    %get3A_1 = arith.constant 0 : index
    %get3A_2 = vector.load %arg1[%get3A, %get3A_1] : memref<320x1024xf32, #tpu.memory_space<vmem>>, vector<320x1024xf32>
    %iota3A = tpu.iota {dimensions = array<i32: 0>} : vector<320x1024xi32>
    %iota3A_3 = tpu.iota {dimensions = array<i32: 0>} : vector<24x1024xi32>
    %broadcast_in_dim3A = arith.constant 0 : i32
    %broadcast_in_dim3A_4 = vector.broadcast %broadcast_in_dim3A : i32 to vector<24x1024xi32>
    %reduce_max3A = arith.constant dense<0xFF800000> : vector<1024xf32>
    %reduce_max3A_5 = vector.multi_reduction <maximumf>, %get3A_2, %reduce_max3A [0] : vector<320x1024xf32> to vector<1024xf32>
    %broadcast_in_dim3A_6 = vector.shape_cast %reduce_max3A_5 : vector<1024xf32> to vector<1x1024xf32>
    %eq3A = vector.broadcast %broadcast_in_dim3A_6 : vector<1x1024xf32> to vector<320x1024xf32>
    %eq3A_7 = arith.cmpf oeq, %get3A_2, %eq3A : vector<320x1024xf32>
    %jit3A = arith.constant 1073741824 : i32
    %broadcast_in_dim3A_8 = vector.broadcast %jit3A : i32 to vector<320x1024xi32>
    %select_n3A = arith.select %eq3A_7, %iota3A, %broadcast_in_dim3A_8 : vector<320x1024xi1>, vector<320x1024xi32>
    %reduce_min3A = arith.constant dense<2147483647> : vector<1024xi32>
    %reduce_min3A_9 = vector.multi_reduction <minsi>, %select_n3A, %reduce_min3A [0] : vector<320x1024xi32> to vector<1024xi32>
    %broadcast_in_dim3A_10 = vector.shape_cast %reduce_min3A_9 : vector<1024xi32> to vector<1x1024xi32>
    %eq3A_11 = arith.constant 0 : i32
    %eq3A_12 = vector.broadcast %eq3A_11 : i32 to vector<24x1024xi32>
    %eq3A_13 = arith.cmpi eq, %iota3A_3, %eq3A_12 : vector<24x1024xi32>
    %broadcast_in_dim3A_14 = vector.shape_cast %broadcast_in_dim3A_10 : vector<1x1024xi32> to vector<1x1024xi32>
    %broadcast_in_dim3A_15 = vector.broadcast %broadcast_in_dim3A_14 : vector<1x1024xi32> to vector<24x1024xi32>
    %select_n3A_16 = arith.select %eq3A_13, %broadcast_in_dim3A_15, %broadcast_in_dim3A_4 : vector<24x1024xi1>, vector<24x1024xi32>
    %eq3A_17 = vector.broadcast %broadcast_in_dim3A_10 : vector<1x1024xi32> to vector<320x1024xi32>
    %eq3A_18 = arith.cmpi eq, %iota3A, %eq3A_17 : vector<320x1024xi32>
    %jit3A_19 = arith.constant -1.000000e+30 : f32
    %broadcast_in_dim3A_20 = vector.broadcast %jit3A_19 : f32 to vector<320x1024xf32>
    %select_n3A_21 = arith.select %eq3A_18, %broadcast_in_dim3A_20, %get3A_2 : vector<320x1024xi1>, vector<320x1024xf32>
    %reduce_max3A_22 = arith.constant dense<0xFF800000> : vector<1024xf32>
    %reduce_max3A_23 = vector.multi_reduction <maximumf>, %select_n3A_21, %reduce_max3A_22 [0] : vector<320x1024xf32> to vector<1024xf32>
    %broadcast_in_dim3A_24 = vector.shape_cast %reduce_max3A_23 : vector<1024xf32> to vector<1x1024xf32>
    %eq3A_25 = vector.broadcast %broadcast_in_dim3A_24 : vector<1x1024xf32> to vector<320x1024xf32>
    %eq3A_26 = arith.cmpf oeq, %select_n3A_21, %eq3A_25 : vector<320x1024xf32>
    %jit3A_27 = arith.constant 1073741824 : i32
    %broadcast_in_dim3A_28 = vector.broadcast %jit3A_27 : i32 to vector<320x1024xi32>
    %select_n3A_29 = arith.select %eq3A_26, %iota3A, %broadcast_in_dim3A_28 : vector<320x1024xi1>, vector<320x1024xi32>
    %reduce_min3A_30 = arith.constant dense<2147483647> : vector<1024xi32>
    %reduce_min3A_31 = vector.multi_reduction <minsi>, %select_n3A_29, %reduce_min3A_30 [0] : vector<320x1024xi32> to vector<1024xi32>
    %broadcast_in_dim3A_32 = vector.shape_cast %reduce_min3A_31 : vector<1024xi32> to vector<1x1024xi32>
    %eq3A_33 = arith.constant 1 : i32
    %eq3A_34 = vector.broadcast %eq3A_33 : i32 to vector<24x1024xi32>
    %eq3A_35 = arith.cmpi eq, %iota3A_3, %eq3A_34 : vector<24x1024xi32>
    %broadcast_in_dim3A_36 = vector.shape_cast %broadcast_in_dim3A_32 : vector<1x1024xi32> to vector<1x1024xi32>
    %broadcast_in_dim3A_37 = vector.broadcast %broadcast_in_dim3A_36 : vector<1x1024xi32> to vector<24x1024xi32>
    %select_n3A_38 = arith.select %eq3A_35, %broadcast_in_dim3A_37, %select_n3A_16 : vector<24x1024xi1>, vector<24x1024xi32>
    %eq3A_39 = vector.broadcast %broadcast_in_dim3A_32 : vector<1x1024xi32> to vector<320x1024xi32>
    %eq3A_40 = arith.cmpi eq, %iota3A, %eq3A_39 : vector<320x1024xi32>
    %jit3A_41 = arith.constant -1.000000e+30 : f32
    %broadcast_in_dim3A_42 = vector.broadcast %jit3A_41 : f32 to vector<320x1024xf32>
    %select_n3A_43 = arith.select %eq3A_40, %broadcast_in_dim3A_42, %select_n3A_21 : vector<320x1024xi1>, vector<320x1024xf32>
    %reduce_max3A_44 = arith.constant dense<0xFF800000> : vector<1024xf32>
    %reduce_max3A_45 = vector.multi_reduction <maximumf>, %select_n3A_43, %reduce_max3A_44 [0] : vector<320x1024xf32> to vector<1024xf32>
    %broadcast_in_dim3A_46 = vector.shape_cast %reduce_max3A_45 : vector<1024xf32> to vector<1x1024xf32>
    %eq3A_47 = vector.broadcast %broadcast_in_dim3A_46 : vector<1x1024xf32> to vector<320x1024xf32>
    %eq3A_48 = arith.cmpf oeq, %select_n3A_43, %eq3A_47 : vector<320x1024xf32>
    %jit3A_49 = arith.constant 1073741824 : i32
    %broadcast_in_dim3A_50 = vector.broadcast %jit3A_49 : i32 to vector<320x1024xi32>
    %select_n3A_51 = arith.select %eq3A_48, %iota3A, %broadcast_in_dim3A_50 : vector<320x1024xi1>, vector<320x1024xi32>
    %reduce_min3A_52 = arith.constant dense<2147483647> : vector<1024xi32>
    %reduce_min3A_53 = vector.multi_reduction <minsi>, %select_n3A_51, %reduce_min3A_52 [0] : vector<320x1024xi32> to vector<1024xi32>
    %broadcast_in_dim3A_54 = vector.shape_cast %reduce_min3A_53 : vector<1024xi32> to vector<1x1024xi32>
    %eq3A_55 = arith.constant 2 : i32
    %eq3A_56 = vector.broadcast %eq3A_55 : i32 to vector<24x1024xi32>
    %eq3A_57 = arith.cmpi eq, %iota3A_3, %eq3A_56 : vector<24x1024xi32>
    %broadcast_in_dim3A_58 = vector.shape_cast %broadcast_in_dim3A_54 : vector<1x1024xi32> to vector<1x1024xi32>
    %broadcast_in_dim3A_59 = vector.broadcast %broadcast_in_dim3A_58 : vector<1x1024xi32> to vector<24x1024xi32>
    %select_n3A_60 = arith.select %eq3A_57, %broadcast_in_dim3A_59, %select_n3A_38 : vector<24x1024xi1>, vector<24x1024xi32>
    %eq3A_61 = vector.broadcast %broadcast_in_dim3A_54 : vector<1x1024xi32> to vector<320x1024xi32>
    %eq3A_62 = arith.cmpi eq, %iota3A, %eq3A_61 : vector<320x1024xi32>
    %jit3A_63 = arith.constant -1.000000e+30 : f32
    %broadcast_in_dim3A_64 = vector.broadcast %jit3A_63 : f32 to vector<320x1024xf32>
    %select_n3A_65 = arith.select %eq3A_62, %broadcast_in_dim3A_64, %select_n3A_43 : vector<320x1024xi1>, vector<320x1024xf32>
    %reduce_max3A_66 = arith.constant dense<0xFF800000> : vector<1024xf32>
    %reduce_max3A_67 = vector.multi_reduction <maximumf>, %select_n3A_65, %reduce_max3A_66 [0] : vector<320x1024xf32> to vector<1024xf32>
    %broadcast_in_dim3A_68 = vector.shape_cast %reduce_max3A_67 : vector<1024xf32> to vector<1x1024xf32>
    %eq3A_69 = vector.broadcast %broadcast_in_dim3A_68 : vector<1x1024xf32> to vector<320x1024xf32>
    %eq3A_70 = arith.cmpf oeq, %select_n3A_65, %eq3A_69 : vector<320x1024xf32>
    %jit3A_71 = arith.constant 1073741824 : i32
    %broadcast_in_dim3A_72 = vector.broadcast %jit3A_71 : i32 to vector<320x1024xi32>
    %select_n3A_73 = arith.select %eq3A_70, %iota3A, %broadcast_in_dim3A_72 : vector<320x1024xi1>, vector<320x1024xi32>
    %reduce_min3A_74 = arith.constant dense<2147483647> : vector<1024xi32>
    %reduce_min3A_75 = vector.multi_reduction <minsi>, %select_n3A_73, %reduce_min3A_74 [0] : vector<320x1024xi32> to vector<1024xi32>
    %broadcast_in_dim3A_76 = vector.shape_cast %reduce_min3A_75 : vector<1024xi32> to vector<1x1024xi32>
    %eq3A_77 = arith.constant 3 : i32
    %eq3A_78 = vector.broadcast %eq3A_77 : i32 to vector<24x1024xi32>
    %eq3A_79 = arith.cmpi eq, %iota3A_3, %eq3A_78 : vector<24x1024xi32>
    %broadcast_in_dim3A_80 = vector.shape_cast %broadcast_in_dim3A_76 : vector<1x1024xi32> to vector<1x1024xi32>
    %broadcast_in_dim3A_81 = vector.broadcast %broadcast_in_dim3A_80 : vector<1x1024xi32> to vector<24x1024xi32>
    %select_n3A_82 = arith.select %eq3A_79, %broadcast_in_dim3A_81, %select_n3A_60 : vector<24x1024xi1>, vector<24x1024xi32>
    %eq3A_83 = vector.broadcast %broadcast_in_dim3A_76 : vector<1x1024xi32> to vector<320x1024xi32>
    %eq3A_84 = arith.cmpi eq, %iota3A, %eq3A_83 : vector<320x1024xi32>
    %jit3A_85 = arith.constant -1.000000e+30 : f32
    %broadcast_in_dim3A_86 = vector.broadcast %jit3A_85 : f32 to vector<320x1024xf32>
    %select_n3A_87 = arith.select %eq3A_84, %broadcast_in_dim3A_86, %select_n3A_65 : vector<320x1024xi1>, vector<320x1024xf32>
    %reduce_max3A_88 = arith.constant dense<0xFF800000> : vector<1024xf32>
    %reduce_max3A_89 = vector.multi_reduction <maximumf>, %select_n3A_87, %reduce_max3A_88 [0] : vector<320x1024xf32> to vector<1024xf32>
    %broadcast_in_dim3A_90 = vector.shape_cast %reduce_max3A_89 : vector<1024xf32> to vector<1x1024xf32>
    %eq3A_91 = vector.broadcast %broadcast_in_dim3A_90 : vector<1x1024xf32> to vector<320x1024xf32>
    %eq3A_92 = arith.cmpf oeq, %select_n3A_87, %eq3A_91 : vector<320x1024xf32>
    %jit3A_93 = arith.constant 1073741824 : i32
    %broadcast_in_dim3A_94 = vector.broadcast %jit3A_93 : i32 to vector<320x1024xi32>
    %select_n3A_95 = arith.select %eq3A_92, %iota3A, %broadcast_in_dim3A_94 : vector<320x1024xi1>, vector<320x1024xi32>
    %reduce_min3A_96 = arith.constant dense<2147483647> : vector<1024xi32>
    %reduce_min3A_97 = vector.multi_reduction <minsi>, %select_n3A_95, %reduce_min3A_96 [0] : vector<320x1024xi32> to vector<1024xi32>
    %broadcast_in_dim3A_98 = vector.shape_cast %reduce_min3A_97 : vector<1024xi32> to vector<1x1024xi32>
    %eq3A_99 = arith.constant 4 : i32
    %eq3A_100 = vector.broadcast %eq3A_99 : i32 to vector<24x1024xi32>
    %eq3A_101 = arith.cmpi eq, %iota3A_3, %eq3A_100 : vector<24x1024xi32>
    %broadcast_in_dim3A_102 = vector.shape_cast %broadcast_in_dim3A_98 : vector<1x1024xi32> to vector<1x1024xi32>
    %broadcast_in_dim3A_103 = vector.broadcast %broadcast_in_dim3A_102 : vector<1x1024xi32> to vector<24x1024xi32>
    %select_n3A_104 = arith.select %eq3A_101, %broadcast_in_dim3A_103, %select_n3A_82 : vector<24x1024xi1>, vector<24x1024xi32>
    %eq3A_105 = vector.broadcast %broadcast_in_dim3A_98 : vector<1x1024xi32> to vector<320x1024xi32>
    %eq3A_106 = arith.cmpi eq, %iota3A, %eq3A_105 : vector<320x1024xi32>
    %jit3A_107 = arith.constant -1.000000e+30 : f32
    %broadcast_in_dim3A_108 = vector.broadcast %jit3A_107 : f32 to vector<320x1024xf32>
    %select_n3A_109 = arith.select %eq3A_106, %broadcast_in_dim3A_108, %select_n3A_87 : vector<320x1024xi1>, vector<320x1024xf32>
    %reduce_max3A_110 = arith.constant dense<0xFF800000> : vector<1024xf32>
    %reduce_max3A_111 = vector.multi_reduction <maximumf>, %select_n3A_109, %reduce_max3A_110 [0] : vector<320x1024xf32> to vector<1024xf32>
    %broadcast_in_dim3A_112 = vector.shape_cast %reduce_max3A_111 : vector<1024xf32> to vector<1x1024xf32>
    %eq3A_113 = vector.broadcast %broadcast_in_dim3A_112 : vector<1x1024xf32> to vector<320x1024xf32>
    %eq3A_114 = arith.cmpf oeq, %select_n3A_109, %eq3A_113 : vector<320x1024xf32>
    %jit3A_115 = arith.constant 1073741824 : i32
    %broadcast_in_dim3A_116 = vector.broadcast %jit3A_115 : i32 to vector<320x1024xi32>
    %select_n3A_117 = arith.select %eq3A_114, %iota3A, %broadcast_in_dim3A_116 : vector<320x1024xi1>, vector<320x1024xi32>
    %reduce_min3A_118 = arith.constant dense<2147483647> : vector<1024xi32>
    %reduce_min3A_119 = vector.multi_reduction <minsi>, %select_n3A_117, %reduce_min3A_118 [0] : vector<320x1024xi32> to vector<1024xi32>
    %broadcast_in_dim3A_120 = vector.shape_cast %reduce_min3A_119 : vector<1024xi32> to vector<1x1024xi32>
    %eq3A_121 = arith.constant 5 : i32
    %eq3A_122 = vector.broadcast %eq3A_121 : i32 to vector<24x1024xi32>
    %eq3A_123 = arith.cmpi eq, %iota3A_3, %eq3A_122 : vector<24x1024xi32>
    %broadcast_in_dim3A_124 = vector.shape_cast %broadcast_in_dim3A_120 : vector<1x1024xi32> to vector<1x1024xi32>
    %broadcast_in_dim3A_125 = vector.broadcast %broadcast_in_dim3A_124 : vector<1x1024xi32> to vector<24x1024xi32>
    %select_n3A_126 = arith.select %eq3A_123, %broadcast_in_dim3A_125, %select_n3A_104 : vector<24x1024xi1>, vector<24x1024xi32>
    %eq3A_127 = vector.broadcast %broadcast_in_dim3A_120 : vector<1x1024xi32> to vector<320x1024xi32>
    %eq3A_128 = arith.cmpi eq, %iota3A, %eq3A_127 : vector<320x1024xi32>
    %jit3A_129 = arith.constant -1.000000e+30 : f32
    %broadcast_in_dim3A_130 = vector.broadcast %jit3A_129 : f32 to vector<320x1024xf32>
    %select_n3A_131 = arith.select %eq3A_128, %broadcast_in_dim3A_130, %select_n3A_109 : vector<320x1024xi1>, vector<320x1024xf32>
    %reduce_max3A_132 = arith.constant dense<0xFF800000> : vector<1024xf32>
    %reduce_max3A_133 = vector.multi_reduction <maximumf>, %select_n3A_131, %reduce_max3A_132 [0] : vector<320x1024xf32> to vector<1024xf32>
    %broadcast_in_dim3A_134 = vector.shape_cast %reduce_max3A_133 : vector<1024xf32> to vector<1x1024xf32>
    %eq3A_135 = vector.broadcast %broadcast_in_dim3A_134 : vector<1x1024xf32> to vector<320x1024xf32>
    %eq3A_136 = arith.cmpf oeq, %select_n3A_131, %eq3A_135 : vector<320x1024xf32>
    %jit3A_137 = arith.constant 1073741824 : i32
    %broadcast_in_dim3A_138 = vector.broadcast %jit3A_137 : i32 to vector<320x1024xi32>
    %select_n3A_139 = arith.select %eq3A_136, %iota3A, %broadcast_in_dim3A_138 : vector<320x1024xi1>, vector<320x1024xi32>
    %reduce_min3A_140 = arith.constant dense<2147483647> : vector<1024xi32>
    %reduce_min3A_141 = vector.multi_reduction <minsi>, %select_n3A_139, %reduce_min3A_140 [0] : vector<320x1024xi32> to vector<1024xi32>
    %broadcast_in_dim3A_142 = vector.shape_cast %reduce_min3A_141 : vector<1024xi32> to vector<1x1024xi32>
    %eq3A_143 = arith.constant 6 : i32
    %eq3A_144 = vector.broadcast %eq3A_143 : i32 to vector<24x1024xi32>
    %eq3A_145 = arith.cmpi eq, %iota3A_3, %eq3A_144 : vector<24x1024xi32>
    %broadcast_in_dim3A_146 = vector.shape_cast %broadcast_in_dim3A_142 : vector<1x1024xi32> to vector<1x1024xi32>
    %broadcast_in_dim3A_147 = vector.broadcast %broadcast_in_dim3A_146 : vector<1x1024xi32> to vector<24x1024xi32>
    %select_n3A_148 = arith.select %eq3A_145, %broadcast_in_dim3A_147, %select_n3A_126 : vector<24x1024xi1>, vector<24x1024xi32>
    %eq3A_149 = vector.broadcast %broadcast_in_dim3A_142 : vector<1x1024xi32> to vector<320x1024xi32>
    %eq3A_150 = arith.cmpi eq, %iota3A, %eq3A_149 : vector<320x1024xi32>
    %jit3A_151 = arith.constant -1.000000e+30 : f32
    %broadcast_in_dim3A_152 = vector.broadcast %jit3A_151 : f32 to vector<320x1024xf32>
    %select_n3A_153 = arith.select %eq3A_150, %broadcast_in_dim3A_152, %select_n3A_131 : vector<320x1024xi1>, vector<320x1024xf32>
    %reduce_max3A_154 = arith.constant dense<0xFF800000> : vector<1024xf32>
    %reduce_max3A_155 = vector.multi_reduction <maximumf>, %select_n3A_153, %reduce_max3A_154 [0] : vector<320x1024xf32> to vector<1024xf32>
    %broadcast_in_dim3A_156 = vector.shape_cast %reduce_max3A_155 : vector<1024xf32> to vector<1x1024xf32>
    %eq3A_157 = vector.broadcast %broadcast_in_dim3A_156 : vector<1x1024xf32> to vector<320x1024xf32>
    %eq3A_158 = arith.cmpf oeq, %select_n3A_153, %eq3A_157 : vector<320x1024xf32>
    %jit3A_159 = arith.constant 1073741824 : i32
    %broadcast_in_dim3A_160 = vector.broadcast %jit3A_159 : i32 to vector<320x1024xi32>
    %select_n3A_161 = arith.select %eq3A_158, %iota3A, %broadcast_in_dim3A_160 : vector<320x1024xi1>, vector<320x1024xi32>
    %reduce_min3A_162 = arith.constant dense<2147483647> : vector<1024xi32>
    %reduce_min3A_163 = vector.multi_reduction <minsi>, %select_n3A_161, %reduce_min3A_162 [0] : vector<320x1024xi32> to vector<1024xi32>
    %broadcast_in_dim3A_164 = vector.shape_cast %reduce_min3A_163 : vector<1024xi32> to vector<1x1024xi32>
    %eq3A_165 = arith.constant 7 : i32
    %eq3A_166 = vector.broadcast %eq3A_165 : i32 to vector<24x1024xi32>
    %eq3A_167 = arith.cmpi eq, %iota3A_3, %eq3A_166 : vector<24x1024xi32>
    %broadcast_in_dim3A_168 = vector.shape_cast %broadcast_in_dim3A_164 : vector<1x1024xi32> to vector<1x1024xi32>
    %broadcast_in_dim3A_169 = vector.broadcast %broadcast_in_dim3A_168 : vector<1x1024xi32> to vector<24x1024xi32>
    %select_n3A_170 = arith.select %eq3A_167, %broadcast_in_dim3A_169, %select_n3A_148 : vector<24x1024xi1>, vector<24x1024xi32>
    %eq3A_171 = vector.broadcast %broadcast_in_dim3A_164 : vector<1x1024xi32> to vector<320x1024xi32>
    %eq3A_172 = arith.cmpi eq, %iota3A, %eq3A_171 : vector<320x1024xi32>
    %jit3A_173 = arith.constant -1.000000e+30 : f32
    %broadcast_in_dim3A_174 = vector.broadcast %jit3A_173 : f32 to vector<320x1024xf32>
    %select_n3A_175 = arith.select %eq3A_172, %broadcast_in_dim3A_174, %select_n3A_153 : vector<320x1024xi1>, vector<320x1024xf32>
    %reduce_max3A_176 = arith.constant dense<0xFF800000> : vector<1024xf32>
    %reduce_max3A_177 = vector.multi_reduction <maximumf>, %select_n3A_175, %reduce_max3A_176 [0] : vector<320x1024xf32> to vector<1024xf32>
    %broadcast_in_dim3A_178 = vector.shape_cast %reduce_max3A_177 : vector<1024xf32> to vector<1x1024xf32>
    %eq3A_179 = vector.broadcast %broadcast_in_dim3A_178 : vector<1x1024xf32> to vector<320x1024xf32>
    %eq3A_180 = arith.cmpf oeq, %select_n3A_175, %eq3A_179 : vector<320x1024xf32>
    %jit3A_181 = arith.constant 1073741824 : i32
    %broadcast_in_dim3A_182 = vector.broadcast %jit3A_181 : i32 to vector<320x1024xi32>
    %select_n3A_183 = arith.select %eq3A_180, %iota3A, %broadcast_in_dim3A_182 : vector<320x1024xi1>, vector<320x1024xi32>
    %reduce_min3A_184 = arith.constant dense<2147483647> : vector<1024xi32>
    %reduce_min3A_185 = vector.multi_reduction <minsi>, %select_n3A_183, %reduce_min3A_184 [0] : vector<320x1024xi32> to vector<1024xi32>
    %broadcast_in_dim3A_186 = vector.shape_cast %reduce_min3A_185 : vector<1024xi32> to vector<1x1024xi32>
    %eq3A_187 = arith.constant 8 : i32
    %eq3A_188 = vector.broadcast %eq3A_187 : i32 to vector<24x1024xi32>
    %eq3A_189 = arith.cmpi eq, %iota3A_3, %eq3A_188 : vector<24x1024xi32>
    %broadcast_in_dim3A_190 = vector.shape_cast %broadcast_in_dim3A_186 : vector<1x1024xi32> to vector<1x1024xi32>
    %broadcast_in_dim3A_191 = vector.broadcast %broadcast_in_dim3A_190 : vector<1x1024xi32> to vector<24x1024xi32>
    %select_n3A_192 = arith.select %eq3A_189, %broadcast_in_dim3A_191, %select_n3A_170 : vector<24x1024xi1>, vector<24x1024xi32>
    %eq3A_193 = vector.broadcast %broadcast_in_dim3A_186 : vector<1x1024xi32> to vector<320x1024xi32>
    %eq3A_194 = arith.cmpi eq, %iota3A, %eq3A_193 : vector<320x1024xi32>
    %jit3A_195 = arith.constant -1.000000e+30 : f32
    %broadcast_in_dim3A_196 = vector.broadcast %jit3A_195 : f32 to vector<320x1024xf32>
    %select_n3A_197 = arith.select %eq3A_194, %broadcast_in_dim3A_196, %select_n3A_175 : vector<320x1024xi1>, vector<320x1024xf32>
    %reduce_max3A_198 = arith.constant dense<0xFF800000> : vector<1024xf32>
    %reduce_max3A_199 = vector.multi_reduction <maximumf>, %select_n3A_197, %reduce_max3A_198 [0] : vector<320x1024xf32> to vector<1024xf32>
    %broadcast_in_dim3A_200 = vector.shape_cast %reduce_max3A_199 : vector<1024xf32> to vector<1x1024xf32>
    %eq3A_201 = vector.broadcast %broadcast_in_dim3A_200 : vector<1x1024xf32> to vector<320x1024xf32>
    %eq3A_202 = arith.cmpf oeq, %select_n3A_197, %eq3A_201 : vector<320x1024xf32>
    %jit3A_203 = arith.constant 1073741824 : i32
    %broadcast_in_dim3A_204 = vector.broadcast %jit3A_203 : i32 to vector<320x1024xi32>
    %select_n3A_205 = arith.select %eq3A_202, %iota3A, %broadcast_in_dim3A_204 : vector<320x1024xi1>, vector<320x1024xi32>
    %reduce_min3A_206 = arith.constant dense<2147483647> : vector<1024xi32>
    %reduce_min3A_207 = vector.multi_reduction <minsi>, %select_n3A_205, %reduce_min3A_206 [0] : vector<320x1024xi32> to vector<1024xi32>
    %broadcast_in_dim3A_208 = vector.shape_cast %reduce_min3A_207 : vector<1024xi32> to vector<1x1024xi32>
    %eq3A_209 = arith.constant 9 : i32
    %eq3A_210 = vector.broadcast %eq3A_209 : i32 to vector<24x1024xi32>
    %eq3A_211 = arith.cmpi eq, %iota3A_3, %eq3A_210 : vector<24x1024xi32>
    %broadcast_in_dim3A_212 = vector.shape_cast %broadcast_in_dim3A_208 : vector<1x1024xi32> to vector<1x1024xi32>
    %broadcast_in_dim3A_213 = vector.broadcast %broadcast_in_dim3A_212 : vector<1x1024xi32> to vector<24x1024xi32>
    %select_n3A_214 = arith.select %eq3A_211, %broadcast_in_dim3A_213, %select_n3A_192 : vector<24x1024xi1>, vector<24x1024xi32>
    %eq3A_215 = vector.broadcast %broadcast_in_dim3A_208 : vector<1x1024xi32> to vector<320x1024xi32>
    %eq3A_216 = arith.cmpi eq, %iota3A, %eq3A_215 : vector<320x1024xi32>
    %jit3A_217 = arith.constant -1.000000e+30 : f32
    %broadcast_in_dim3A_218 = vector.broadcast %jit3A_217 : f32 to vector<320x1024xf32>
    %select_n3A_219 = arith.select %eq3A_216, %broadcast_in_dim3A_218, %select_n3A_197 : vector<320x1024xi1>, vector<320x1024xf32>
    %reduce_max3A_220 = arith.constant dense<0xFF800000> : vector<1024xf32>
    %reduce_max3A_221 = vector.multi_reduction <maximumf>, %select_n3A_219, %reduce_max3A_220 [0] : vector<320x1024xf32> to vector<1024xf32>
    %broadcast_in_dim3A_222 = vector.shape_cast %reduce_max3A_221 : vector<1024xf32> to vector<1x1024xf32>
    %eq3A_223 = vector.broadcast %broadcast_in_dim3A_222 : vector<1x1024xf32> to vector<320x1024xf32>
    %eq3A_224 = arith.cmpf oeq, %select_n3A_219, %eq3A_223 : vector<320x1024xf32>
    %jit3A_225 = arith.constant 1073741824 : i32
    %broadcast_in_dim3A_226 = vector.broadcast %jit3A_225 : i32 to vector<320x1024xi32>
    %select_n3A_227 = arith.select %eq3A_224, %iota3A, %broadcast_in_dim3A_226 : vector<320x1024xi1>, vector<320x1024xi32>
    %reduce_min3A_228 = arith.constant dense<2147483647> : vector<1024xi32>
    %reduce_min3A_229 = vector.multi_reduction <minsi>, %select_n3A_227, %reduce_min3A_228 [0] : vector<320x1024xi32> to vector<1024xi32>
    %broadcast_in_dim3A_230 = vector.shape_cast %reduce_min3A_229 : vector<1024xi32> to vector<1x1024xi32>
    %eq3A_231 = arith.constant 10 : i32
    %eq3A_232 = vector.broadcast %eq3A_231 : i32 to vector<24x1024xi32>
    %eq3A_233 = arith.cmpi eq, %iota3A_3, %eq3A_232 : vector<24x1024xi32>
    %broadcast_in_dim3A_234 = vector.shape_cast %broadcast_in_dim3A_230 : vector<1x1024xi32> to vector<1x1024xi32>
    %broadcast_in_dim3A_235 = vector.broadcast %broadcast_in_dim3A_234 : vector<1x1024xi32> to vector<24x1024xi32>
    %select_n3A_236 = arith.select %eq3A_233, %broadcast_in_dim3A_235, %select_n3A_214 : vector<24x1024xi1>, vector<24x1024xi32>
    %eq3A_237 = vector.broadcast %broadcast_in_dim3A_230 : vector<1x1024xi32> to vector<320x1024xi32>
    %eq3A_238 = arith.cmpi eq, %iota3A, %eq3A_237 : vector<320x1024xi32>
    %jit3A_239 = arith.constant -1.000000e+30 : f32
    %broadcast_in_dim3A_240 = vector.broadcast %jit3A_239 : f32 to vector<320x1024xf32>
    %select_n3A_241 = arith.select %eq3A_238, %broadcast_in_dim3A_240, %select_n3A_219 : vector<320x1024xi1>, vector<320x1024xf32>
    %reduce_max3A_242 = arith.constant dense<0xFF800000> : vector<1024xf32>
    %reduce_max3A_243 = vector.multi_reduction <maximumf>, %select_n3A_241, %reduce_max3A_242 [0] : vector<320x1024xf32> to vector<1024xf32>
    %broadcast_in_dim3A_244 = vector.shape_cast %reduce_max3A_243 : vector<1024xf32> to vector<1x1024xf32>
    %eq3A_245 = vector.broadcast %broadcast_in_dim3A_244 : vector<1x1024xf32> to vector<320x1024xf32>
    %eq3A_246 = arith.cmpf oeq, %select_n3A_241, %eq3A_245 : vector<320x1024xf32>
    %jit3A_247 = arith.constant 1073741824 : i32
    %broadcast_in_dim3A_248 = vector.broadcast %jit3A_247 : i32 to vector<320x1024xi32>
    %select_n3A_249 = arith.select %eq3A_246, %iota3A, %broadcast_in_dim3A_248 : vector<320x1024xi1>, vector<320x1024xi32>
    %reduce_min3A_250 = arith.constant dense<2147483647> : vector<1024xi32>
    %reduce_min3A_251 = vector.multi_reduction <minsi>, %select_n3A_249, %reduce_min3A_250 [0] : vector<320x1024xi32> to vector<1024xi32>
    %broadcast_in_dim3A_252 = vector.shape_cast %reduce_min3A_251 : vector<1024xi32> to vector<1x1024xi32>
    %eq3A_253 = arith.constant 11 : i32
    %eq3A_254 = vector.broadcast %eq3A_253 : i32 to vector<24x1024xi32>
    %eq3A_255 = arith.cmpi eq, %iota3A_3, %eq3A_254 : vector<24x1024xi32>
    %broadcast_in_dim3A_256 = vector.shape_cast %broadcast_in_dim3A_252 : vector<1x1024xi32> to vector<1x1024xi32>
    %broadcast_in_dim3A_257 = vector.broadcast %broadcast_in_dim3A_256 : vector<1x1024xi32> to vector<24x1024xi32>
    %select_n3A_258 = arith.select %eq3A_255, %broadcast_in_dim3A_257, %select_n3A_236 : vector<24x1024xi1>, vector<24x1024xi32>
    %eq3A_259 = vector.broadcast %broadcast_in_dim3A_252 : vector<1x1024xi32> to vector<320x1024xi32>
    %eq3A_260 = arith.cmpi eq, %iota3A, %eq3A_259 : vector<320x1024xi32>
    %jit3A_261 = arith.constant -1.000000e+30 : f32
    %broadcast_in_dim3A_262 = vector.broadcast %jit3A_261 : f32 to vector<320x1024xf32>
    %select_n3A_263 = arith.select %eq3A_260, %broadcast_in_dim3A_262, %select_n3A_241 : vector<320x1024xi1>, vector<320x1024xf32>
    %reduce_max3A_264 = arith.constant dense<0xFF800000> : vector<1024xf32>
    %reduce_max3A_265 = vector.multi_reduction <maximumf>, %select_n3A_263, %reduce_max3A_264 [0] : vector<320x1024xf32> to vector<1024xf32>
    %broadcast_in_dim3A_266 = vector.shape_cast %reduce_max3A_265 : vector<1024xf32> to vector<1x1024xf32>
    %eq3A_267 = vector.broadcast %broadcast_in_dim3A_266 : vector<1x1024xf32> to vector<320x1024xf32>
    %eq3A_268 = arith.cmpf oeq, %select_n3A_263, %eq3A_267 : vector<320x1024xf32>
    %jit3A_269 = arith.constant 1073741824 : i32
    %broadcast_in_dim3A_270 = vector.broadcast %jit3A_269 : i32 to vector<320x1024xi32>
    %select_n3A_271 = arith.select %eq3A_268, %iota3A, %broadcast_in_dim3A_270 : vector<320x1024xi1>, vector<320x1024xi32>
    %reduce_min3A_272 = arith.constant dense<2147483647> : vector<1024xi32>
    %reduce_min3A_273 = vector.multi_reduction <minsi>, %select_n3A_271, %reduce_min3A_272 [0] : vector<320x1024xi32> to vector<1024xi32>
    %broadcast_in_dim3A_274 = vector.shape_cast %reduce_min3A_273 : vector<1024xi32> to vector<1x1024xi32>
    %eq3A_275 = arith.constant 12 : i32
    %eq3A_276 = vector.broadcast %eq3A_275 : i32 to vector<24x1024xi32>
    %eq3A_277 = arith.cmpi eq, %iota3A_3, %eq3A_276 : vector<24x1024xi32>
    %broadcast_in_dim3A_278 = vector.shape_cast %broadcast_in_dim3A_274 : vector<1x1024xi32> to vector<1x1024xi32>
    %broadcast_in_dim3A_279 = vector.broadcast %broadcast_in_dim3A_278 : vector<1x1024xi32> to vector<24x1024xi32>
    %select_n3A_280 = arith.select %eq3A_277, %broadcast_in_dim3A_279, %select_n3A_258 : vector<24x1024xi1>, vector<24x1024xi32>
    %eq3A_281 = vector.broadcast %broadcast_in_dim3A_274 : vector<1x1024xi32> to vector<320x1024xi32>
    %eq3A_282 = arith.cmpi eq, %iota3A, %eq3A_281 : vector<320x1024xi32>
    %jit3A_283 = arith.constant -1.000000e+30 : f32
    %broadcast_in_dim3A_284 = vector.broadcast %jit3A_283 : f32 to vector<320x1024xf32>
    %select_n3A_285 = arith.select %eq3A_282, %broadcast_in_dim3A_284, %select_n3A_263 : vector<320x1024xi1>, vector<320x1024xf32>
    %reduce_max3A_286 = arith.constant dense<0xFF800000> : vector<1024xf32>
    %reduce_max3A_287 = vector.multi_reduction <maximumf>, %select_n3A_285, %reduce_max3A_286 [0] : vector<320x1024xf32> to vector<1024xf32>
    %broadcast_in_dim3A_288 = vector.shape_cast %reduce_max3A_287 : vector<1024xf32> to vector<1x1024xf32>
    %eq3A_289 = vector.broadcast %broadcast_in_dim3A_288 : vector<1x1024xf32> to vector<320x1024xf32>
    %eq3A_290 = arith.cmpf oeq, %select_n3A_285, %eq3A_289 : vector<320x1024xf32>
    %jit3A_291 = arith.constant 1073741824 : i32
    %broadcast_in_dim3A_292 = vector.broadcast %jit3A_291 : i32 to vector<320x1024xi32>
    %select_n3A_293 = arith.select %eq3A_290, %iota3A, %broadcast_in_dim3A_292 : vector<320x1024xi1>, vector<320x1024xi32>
    %reduce_min3A_294 = arith.constant dense<2147483647> : vector<1024xi32>
    %reduce_min3A_295 = vector.multi_reduction <minsi>, %select_n3A_293, %reduce_min3A_294 [0] : vector<320x1024xi32> to vector<1024xi32>
    %broadcast_in_dim3A_296 = vector.shape_cast %reduce_min3A_295 : vector<1024xi32> to vector<1x1024xi32>
    %eq3A_297 = arith.constant 13 : i32
    %eq3A_298 = vector.broadcast %eq3A_297 : i32 to vector<24x1024xi32>
    %eq3A_299 = arith.cmpi eq, %iota3A_3, %eq3A_298 : vector<24x1024xi32>
    %broadcast_in_dim3A_300 = vector.shape_cast %broadcast_in_dim3A_296 : vector<1x1024xi32> to vector<1x1024xi32>
    %broadcast_in_dim3A_301 = vector.broadcast %broadcast_in_dim3A_300 : vector<1x1024xi32> to vector<24x1024xi32>
    %select_n3A_302 = arith.select %eq3A_299, %broadcast_in_dim3A_301, %select_n3A_280 : vector<24x1024xi1>, vector<24x1024xi32>
    %eq3A_303 = vector.broadcast %broadcast_in_dim3A_296 : vector<1x1024xi32> to vector<320x1024xi32>
    %eq3A_304 = arith.cmpi eq, %iota3A, %eq3A_303 : vector<320x1024xi32>
    %jit3A_305 = arith.constant -1.000000e+30 : f32
    %broadcast_in_dim3A_306 = vector.broadcast %jit3A_305 : f32 to vector<320x1024xf32>
    %select_n3A_307 = arith.select %eq3A_304, %broadcast_in_dim3A_306, %select_n3A_285 : vector<320x1024xi1>, vector<320x1024xf32>
    %reduce_max3A_308 = arith.constant dense<0xFF800000> : vector<1024xf32>
    %reduce_max3A_309 = vector.multi_reduction <maximumf>, %select_n3A_307, %reduce_max3A_308 [0] : vector<320x1024xf32> to vector<1024xf32>
    %broadcast_in_dim3A_310 = vector.shape_cast %reduce_max3A_309 : vector<1024xf32> to vector<1x1024xf32>
    %eq3A_311 = vector.broadcast %broadcast_in_dim3A_310 : vector<1x1024xf32> to vector<320x1024xf32>
    %eq3A_312 = arith.cmpf oeq, %select_n3A_307, %eq3A_311 : vector<320x1024xf32>
    %jit3A_313 = arith.constant 1073741824 : i32
    %broadcast_in_dim3A_314 = vector.broadcast %jit3A_313 : i32 to vector<320x1024xi32>
    %select_n3A_315 = arith.select %eq3A_312, %iota3A, %broadcast_in_dim3A_314 : vector<320x1024xi1>, vector<320x1024xi32>
    %reduce_min3A_316 = arith.constant dense<2147483647> : vector<1024xi32>
    %reduce_min3A_317 = vector.multi_reduction <minsi>, %select_n3A_315, %reduce_min3A_316 [0] : vector<320x1024xi32> to vector<1024xi32>
    %broadcast_in_dim3A_318 = vector.shape_cast %reduce_min3A_317 : vector<1024xi32> to vector<1x1024xi32>
    %eq3A_319 = arith.constant 14 : i32
    %eq3A_320 = vector.broadcast %eq3A_319 : i32 to vector<24x1024xi32>
    %eq3A_321 = arith.cmpi eq, %iota3A_3, %eq3A_320 : vector<24x1024xi32>
    %broadcast_in_dim3A_322 = vector.shape_cast %broadcast_in_dim3A_318 : vector<1x1024xi32> to vector<1x1024xi32>
    %broadcast_in_dim3A_323 = vector.broadcast %broadcast_in_dim3A_322 : vector<1x1024xi32> to vector<24x1024xi32>
    %select_n3A_324 = arith.select %eq3A_321, %broadcast_in_dim3A_323, %select_n3A_302 : vector<24x1024xi1>, vector<24x1024xi32>
    %eq3A_325 = vector.broadcast %broadcast_in_dim3A_318 : vector<1x1024xi32> to vector<320x1024xi32>
    %eq3A_326 = arith.cmpi eq, %iota3A, %eq3A_325 : vector<320x1024xi32>
    %jit3A_327 = arith.constant -1.000000e+30 : f32
    %broadcast_in_dim3A_328 = vector.broadcast %jit3A_327 : f32 to vector<320x1024xf32>
    %select_n3A_329 = arith.select %eq3A_326, %broadcast_in_dim3A_328, %select_n3A_307 : vector<320x1024xi1>, vector<320x1024xf32>
    %reduce_max3A_330 = arith.constant dense<0xFF800000> : vector<1024xf32>
    %reduce_max3A_331 = vector.multi_reduction <maximumf>, %select_n3A_329, %reduce_max3A_330 [0] : vector<320x1024xf32> to vector<1024xf32>
    %broadcast_in_dim3A_332 = vector.shape_cast %reduce_max3A_331 : vector<1024xf32> to vector<1x1024xf32>
    %eq3A_333 = vector.broadcast %broadcast_in_dim3A_332 : vector<1x1024xf32> to vector<320x1024xf32>
    %eq3A_334 = arith.cmpf oeq, %select_n3A_329, %eq3A_333 : vector<320x1024xf32>
    %jit3A_335 = arith.constant 1073741824 : i32
    %broadcast_in_dim3A_336 = vector.broadcast %jit3A_335 : i32 to vector<320x1024xi32>
    %select_n3A_337 = arith.select %eq3A_334, %iota3A, %broadcast_in_dim3A_336 : vector<320x1024xi1>, vector<320x1024xi32>
    %reduce_min3A_338 = arith.constant dense<2147483647> : vector<1024xi32>
    %reduce_min3A_339 = vector.multi_reduction <minsi>, %select_n3A_337, %reduce_min3A_338 [0] : vector<320x1024xi32> to vector<1024xi32>
    %broadcast_in_dim3A_340 = vector.shape_cast %reduce_min3A_339 : vector<1024xi32> to vector<1x1024xi32>
    %eq3A_341 = arith.constant 15 : i32
    %eq3A_342 = vector.broadcast %eq3A_341 : i32 to vector<24x1024xi32>
    %eq3A_343 = arith.cmpi eq, %iota3A_3, %eq3A_342 : vector<24x1024xi32>
    %broadcast_in_dim3A_344 = vector.shape_cast %broadcast_in_dim3A_340 : vector<1x1024xi32> to vector<1x1024xi32>
    %broadcast_in_dim3A_345 = vector.broadcast %broadcast_in_dim3A_344 : vector<1x1024xi32> to vector<24x1024xi32>
    %select_n3A_346 = arith.select %eq3A_343, %broadcast_in_dim3A_345, %select_n3A_324 : vector<24x1024xi1>, vector<24x1024xi32>
    %eq3A_347 = vector.broadcast %broadcast_in_dim3A_340 : vector<1x1024xi32> to vector<320x1024xi32>
    %eq3A_348 = arith.cmpi eq, %iota3A, %eq3A_347 : vector<320x1024xi32>
    %jit3A_349 = arith.constant -1.000000e+30 : f32
    %broadcast_in_dim3A_350 = vector.broadcast %jit3A_349 : f32 to vector<320x1024xf32>
    %select_n3A_351 = arith.select %eq3A_348, %broadcast_in_dim3A_350, %select_n3A_329 : vector<320x1024xi1>, vector<320x1024xf32>
    %reduce_max3A_352 = arith.constant dense<0xFF800000> : vector<1024xf32>
    %reduce_max3A_353 = vector.multi_reduction <maximumf>, %select_n3A_351, %reduce_max3A_352 [0] : vector<320x1024xf32> to vector<1024xf32>
    %broadcast_in_dim3A_354 = vector.shape_cast %reduce_max3A_353 : vector<1024xf32> to vector<1x1024xf32>
    %eq3A_355 = vector.broadcast %broadcast_in_dim3A_354 : vector<1x1024xf32> to vector<320x1024xf32>
    %eq3A_356 = arith.cmpf oeq, %select_n3A_351, %eq3A_355 : vector<320x1024xf32>
    %jit3A_357 = arith.constant 1073741824 : i32
    %broadcast_in_dim3A_358 = vector.broadcast %jit3A_357 : i32 to vector<320x1024xi32>
    %select_n3A_359 = arith.select %eq3A_356, %iota3A, %broadcast_in_dim3A_358 : vector<320x1024xi1>, vector<320x1024xi32>
    %reduce_min3A_360 = arith.constant dense<2147483647> : vector<1024xi32>
    %reduce_min3A_361 = vector.multi_reduction <minsi>, %select_n3A_359, %reduce_min3A_360 [0] : vector<320x1024xi32> to vector<1024xi32>
    %broadcast_in_dim3A_362 = vector.shape_cast %reduce_min3A_361 : vector<1024xi32> to vector<1x1024xi32>
    %eq3A_363 = arith.constant 16 : i32
    %eq3A_364 = vector.broadcast %eq3A_363 : i32 to vector<24x1024xi32>
    %eq3A_365 = arith.cmpi eq, %iota3A_3, %eq3A_364 : vector<24x1024xi32>
    %broadcast_in_dim3A_366 = vector.shape_cast %broadcast_in_dim3A_362 : vector<1x1024xi32> to vector<1x1024xi32>
    %broadcast_in_dim3A_367 = vector.broadcast %broadcast_in_dim3A_366 : vector<1x1024xi32> to vector<24x1024xi32>
    %select_n3A_368 = arith.select %eq3A_365, %broadcast_in_dim3A_367, %select_n3A_346 : vector<24x1024xi1>, vector<24x1024xi32>
    %eq3A_369 = vector.broadcast %broadcast_in_dim3A_362 : vector<1x1024xi32> to vector<320x1024xi32>
    %eq3A_370 = arith.cmpi eq, %iota3A, %eq3A_369 : vector<320x1024xi32>
    %jit3A_371 = arith.constant -1.000000e+30 : f32
    %broadcast_in_dim3A_372 = vector.broadcast %jit3A_371 : f32 to vector<320x1024xf32>
    %select_n3A_373 = arith.select %eq3A_370, %broadcast_in_dim3A_372, %select_n3A_351 : vector<320x1024xi1>, vector<320x1024xf32>
    %reduce_max3A_374 = arith.constant dense<0xFF800000> : vector<1024xf32>
    %reduce_max3A_375 = vector.multi_reduction <maximumf>, %select_n3A_373, %reduce_max3A_374 [0] : vector<320x1024xf32> to vector<1024xf32>
    %broadcast_in_dim3A_376 = vector.shape_cast %reduce_max3A_375 : vector<1024xf32> to vector<1x1024xf32>
    %eq3A_377 = vector.broadcast %broadcast_in_dim3A_376 : vector<1x1024xf32> to vector<320x1024xf32>
    %eq3A_378 = arith.cmpf oeq, %select_n3A_373, %eq3A_377 : vector<320x1024xf32>
    %jit3A_379 = arith.constant 1073741824 : i32
    %broadcast_in_dim3A_380 = vector.broadcast %jit3A_379 : i32 to vector<320x1024xi32>
    %select_n3A_381 = arith.select %eq3A_378, %iota3A, %broadcast_in_dim3A_380 : vector<320x1024xi1>, vector<320x1024xi32>
    %reduce_min3A_382 = arith.constant dense<2147483647> : vector<1024xi32>
    %reduce_min3A_383 = vector.multi_reduction <minsi>, %select_n3A_381, %reduce_min3A_382 [0] : vector<320x1024xi32> to vector<1024xi32>
    %broadcast_in_dim3A_384 = vector.shape_cast %reduce_min3A_383 : vector<1024xi32> to vector<1x1024xi32>
    %eq3A_385 = arith.constant 17 : i32
    %eq3A_386 = vector.broadcast %eq3A_385 : i32 to vector<24x1024xi32>
    %eq3A_387 = arith.cmpi eq, %iota3A_3, %eq3A_386 : vector<24x1024xi32>
    %broadcast_in_dim3A_388 = vector.shape_cast %broadcast_in_dim3A_384 : vector<1x1024xi32> to vector<1x1024xi32>
    %broadcast_in_dim3A_389 = vector.broadcast %broadcast_in_dim3A_388 : vector<1x1024xi32> to vector<24x1024xi32>
    %select_n3A_390 = arith.select %eq3A_387, %broadcast_in_dim3A_389, %select_n3A_368 : vector<24x1024xi1>, vector<24x1024xi32>
    %eq3A_391 = vector.broadcast %broadcast_in_dim3A_384 : vector<1x1024xi32> to vector<320x1024xi32>
    %eq3A_392 = arith.cmpi eq, %iota3A, %eq3A_391 : vector<320x1024xi32>
    %jit3A_393 = arith.constant -1.000000e+30 : f32
    %broadcast_in_dim3A_394 = vector.broadcast %jit3A_393 : f32 to vector<320x1024xf32>
    %select_n3A_395 = arith.select %eq3A_392, %broadcast_in_dim3A_394, %select_n3A_373 : vector<320x1024xi1>, vector<320x1024xf32>
    %reduce_max3A_396 = arith.constant dense<0xFF800000> : vector<1024xf32>
    %reduce_max3A_397 = vector.multi_reduction <maximumf>, %select_n3A_395, %reduce_max3A_396 [0] : vector<320x1024xf32> to vector<1024xf32>
    %broadcast_in_dim3A_398 = vector.shape_cast %reduce_max3A_397 : vector<1024xf32> to vector<1x1024xf32>
    %eq3A_399 = vector.broadcast %broadcast_in_dim3A_398 : vector<1x1024xf32> to vector<320x1024xf32>
    %eq3A_400 = arith.cmpf oeq, %select_n3A_395, %eq3A_399 : vector<320x1024xf32>
    %jit3A_401 = arith.constant 1073741824 : i32
    %broadcast_in_dim3A_402 = vector.broadcast %jit3A_401 : i32 to vector<320x1024xi32>
    %select_n3A_403 = arith.select %eq3A_400, %iota3A, %broadcast_in_dim3A_402 : vector<320x1024xi1>, vector<320x1024xi32>
    %reduce_min3A_404 = arith.constant dense<2147483647> : vector<1024xi32>
    %reduce_min3A_405 = vector.multi_reduction <minsi>, %select_n3A_403, %reduce_min3A_404 [0] : vector<320x1024xi32> to vector<1024xi32>
    %broadcast_in_dim3A_406 = vector.shape_cast %reduce_min3A_405 : vector<1024xi32> to vector<1x1024xi32>
    %eq3A_407 = arith.constant 18 : i32
    %eq3A_408 = vector.broadcast %eq3A_407 : i32 to vector<24x1024xi32>
    %eq3A_409 = arith.cmpi eq, %iota3A_3, %eq3A_408 : vector<24x1024xi32>
    %broadcast_in_dim3A_410 = vector.shape_cast %broadcast_in_dim3A_406 : vector<1x1024xi32> to vector<1x1024xi32>
    %broadcast_in_dim3A_411 = vector.broadcast %broadcast_in_dim3A_410 : vector<1x1024xi32> to vector<24x1024xi32>
    %select_n3A_412 = arith.select %eq3A_409, %broadcast_in_dim3A_411, %select_n3A_390 : vector<24x1024xi1>, vector<24x1024xi32>
    %eq3A_413 = vector.broadcast %broadcast_in_dim3A_406 : vector<1x1024xi32> to vector<320x1024xi32>
    %eq3A_414 = arith.cmpi eq, %iota3A, %eq3A_413 : vector<320x1024xi32>
    %jit3A_415 = arith.constant -1.000000e+30 : f32
    %broadcast_in_dim3A_416 = vector.broadcast %jit3A_415 : f32 to vector<320x1024xf32>
    %select_n3A_417 = arith.select %eq3A_414, %broadcast_in_dim3A_416, %select_n3A_395 : vector<320x1024xi1>, vector<320x1024xf32>
    %reduce_max3A_418 = arith.constant dense<0xFF800000> : vector<1024xf32>
    %reduce_max3A_419 = vector.multi_reduction <maximumf>, %select_n3A_417, %reduce_max3A_418 [0] : vector<320x1024xf32> to vector<1024xf32>
    %broadcast_in_dim3A_420 = vector.shape_cast %reduce_max3A_419 : vector<1024xf32> to vector<1x1024xf32>
    %eq3A_421 = vector.broadcast %broadcast_in_dim3A_420 : vector<1x1024xf32> to vector<320x1024xf32>
    %eq3A_422 = arith.cmpf oeq, %select_n3A_417, %eq3A_421 : vector<320x1024xf32>
    %jit3A_423 = arith.constant 1073741824 : i32
    %broadcast_in_dim3A_424 = vector.broadcast %jit3A_423 : i32 to vector<320x1024xi32>
    %select_n3A_425 = arith.select %eq3A_422, %iota3A, %broadcast_in_dim3A_424 : vector<320x1024xi1>, vector<320x1024xi32>
    %reduce_min3A_426 = arith.constant dense<2147483647> : vector<1024xi32>
    %reduce_min3A_427 = vector.multi_reduction <minsi>, %select_n3A_425, %reduce_min3A_426 [0] : vector<320x1024xi32> to vector<1024xi32>
    %broadcast_in_dim3A_428 = vector.shape_cast %reduce_min3A_427 : vector<1024xi32> to vector<1x1024xi32>
    %eq3A_429 = arith.constant 19 : i32
    %eq3A_430 = vector.broadcast %eq3A_429 : i32 to vector<24x1024xi32>
    %eq3A_431 = arith.cmpi eq, %iota3A_3, %eq3A_430 : vector<24x1024xi32>
    %broadcast_in_dim3A_432 = vector.shape_cast %broadcast_in_dim3A_428 : vector<1x1024xi32> to vector<1x1024xi32>
    %broadcast_in_dim3A_433 = vector.broadcast %broadcast_in_dim3A_432 : vector<1x1024xi32> to vector<24x1024xi32>
    %select_n3A_434 = arith.select %eq3A_431, %broadcast_in_dim3A_433, %select_n3A_412 : vector<24x1024xi1>, vector<24x1024xi32>
    %eq3A_435 = vector.broadcast %broadcast_in_dim3A_428 : vector<1x1024xi32> to vector<320x1024xi32>
    %eq3A_436 = arith.cmpi eq, %iota3A, %eq3A_435 : vector<320x1024xi32>
    %jit3A_437 = arith.constant -1.000000e+30 : f32
    %broadcast_in_dim3A_438 = vector.broadcast %jit3A_437 : f32 to vector<320x1024xf32>
    %select_n3A_439 = arith.select %eq3A_436, %broadcast_in_dim3A_438, %select_n3A_417 : vector<320x1024xi1>, vector<320x1024xf32>
    %reduce_max3A_440 = arith.constant dense<0xFF800000> : vector<1024xf32>
    %reduce_max3A_441 = vector.multi_reduction <maximumf>, %select_n3A_439, %reduce_max3A_440 [0] : vector<320x1024xf32> to vector<1024xf32>
    %broadcast_in_dim3A_442 = vector.shape_cast %reduce_max3A_441 : vector<1024xf32> to vector<1x1024xf32>
    %eq3A_443 = vector.broadcast %broadcast_in_dim3A_442 : vector<1x1024xf32> to vector<320x1024xf32>
    %eq3A_444 = arith.cmpf oeq, %select_n3A_439, %eq3A_443 : vector<320x1024xf32>
    %jit3A_445 = arith.constant 1073741824 : i32
    %broadcast_in_dim3A_446 = vector.broadcast %jit3A_445 : i32 to vector<320x1024xi32>
    %select_n3A_447 = arith.select %eq3A_444, %iota3A, %broadcast_in_dim3A_446 : vector<320x1024xi1>, vector<320x1024xi32>
    %reduce_min3A_448 = arith.constant dense<2147483647> : vector<1024xi32>
    %reduce_min3A_449 = vector.multi_reduction <minsi>, %select_n3A_447, %reduce_min3A_448 [0] : vector<320x1024xi32> to vector<1024xi32>
    %broadcast_in_dim3A_450 = vector.shape_cast %reduce_min3A_449 : vector<1024xi32> to vector<1x1024xi32>
    %eq3A_451 = arith.constant 20 : i32
    %eq3A_452 = vector.broadcast %eq3A_451 : i32 to vector<24x1024xi32>
    %eq3A_453 = arith.cmpi eq, %iota3A_3, %eq3A_452 : vector<24x1024xi32>
    %broadcast_in_dim3A_454 = vector.shape_cast %broadcast_in_dim3A_450 : vector<1x1024xi32> to vector<1x1024xi32>
    %broadcast_in_dim3A_455 = vector.broadcast %broadcast_in_dim3A_454 : vector<1x1024xi32> to vector<24x1024xi32>
    %select_n3A_456 = arith.select %eq3A_453, %broadcast_in_dim3A_455, %select_n3A_434 : vector<24x1024xi1>, vector<24x1024xi32>
    %swap3A = arith.constant 0 : index
    %swap3A_457 = arith.constant 0 : index
    %swap3A_458 = vector.load %arg2[%swap3A, %swap3A_457] : memref<24x1024xi32, #tpu.memory_space<vmem>>, vector<24x1024xi32>
    tpu.vector_store %arg2[%swap3A, %swap3A_457], %select_n3A_456 {strides = array<i32>} : memref<24x1024xi32, #tpu.memory_space<vmem>>, vector<24x1024xi32>,
    %mul3A = arith.constant 1024 : i32
    %mul3A_459 = arith.muli %add3A_0, %mul3A : i32
    %iota3A_460 = tpu.iota {dimensions = array<i32: 1>} : vector<24x1024xi32>
    %add3A_461 = vector.broadcast %mul3A_459 : i32 to vector<24x1024xi32>
    %add3A_462 = arith.addi %add3A_461, %iota3A_460 : vector<24x1024xi32>
    %mul3A_463 = arith.constant 80 : i32
    %mul3A_464 = vector.broadcast %mul3A_463 : i32 to vector<24x1024xi32>
    %mul3A_465 = arith.muli %add3A_462, %mul3A_464 : vector<24x1024xi32>
    %shift_right_arithmetic3A = arith.constant 2 : i32
    %shift_right_arithmetic3A_466 = vector.broadcast %shift_right_arithmetic3A : i32 to vector<24x1024xi32>
    %shift_right_arithmetic3A_467 = arith.shrsi %select_n3A_456, %shift_right_arithmetic3A_466 : vector<24x1024xi32>
    %add3A_468 = arith.addi %mul3A_465, %shift_right_arithmetic3A_467 : vector<24x1024xi32>
    %reshape3A = vector.shape_cast %add3A_468 : vector<24x1024xi32> to vector<24x8x128xi32>
    %swap3A_469 = arith.constant 0 : index
    %swap3A_470 = arith.constant 0 : index
    %swap3A_471 = arith.constant 0 : index
    %swap3A_472 = vector.load %arg3[%swap3A_469, %swap3A_470, %swap3A_471] : memref<24x8x128xi32, #tpu.memory_space<vmem>>, vector<24x8x128xi32>
    tpu.vector_store %arg3[%swap3A_469, %swap3A_470, %swap3A_471], %reshape3A {strides = array<i32>} : memref<24x8x128xi32, #tpu.memory_space<vmem>>, vector<24x8x128xi32>,
    return
  }
  func.func @transform_0(%arg0: i32) -> (i32, i32) {
    %add3A = arith.constant 0 : i32
    %add3A_0 = arith.addi %add3A, %arg0 : i32
    %c0_i32 = arith.constant 0 : i32
    %c0_i32_1 = arith.constant 0 : i32
    return %c0_i32, %add3A_0 : i32, i32
  }
  func.func @transform_1(%arg0: i32) -> (i32, i32) {
    %c0_i32 = arith.constant 0 : i32
    %c0_i32_0 = arith.constant 0 : i32
    return %c0_i32, %arg0 : i32, i32
  }
  func.func @transform_2(%arg0: i32) -> (i32, i32, i32) {
    %c0_i32 = arith.constant 0 : i32
    %c0_i32_0 = arith.constant 0 : i32
    %c0_i32_1 = arith.constant 0 : i32
    return %c0_i32, %arg0, %c0_i32_0 : i32, i32, i32
  }
}

module attributes {stable_mosaic.version = 14 : i64} {
  func.func @_final_topk_body(%arg0: i32, %arg1: memref<512x128xf32, #tpu.memory_space<vmem>>, %arg2: memref<512x128xf32, #tpu.memory_space<vmem>>, %arg3: memref<512x128xf32, #tpu.memory_space<vmem>>, %arg4: memref<512x128xf32, #tpu.memory_space<vmem>>, %arg5: memref<512x128xf32, #tpu.memory_space<vmem>>, %arg6: memref<512x128xf32, #tpu.memory_space<vmem>>, %arg7: memref<512x128xf32, #tpu.memory_space<vmem>>, %arg8: memref<512x128xf32, #tpu.memory_space<vmem>>, %arg9: memref<512x128xf32, #tpu.memory_space<vmem>>, %arg10: memref<512x128xf32, #tpu.memory_space<vmem>>, %arg11: memref<512x128xf32, #tpu.memory_space<vmem>>, %arg12: memref<512x128xf32, #tpu.memory_space<vmem>>, %arg13: memref<512x128xf32, #tpu.memory_space<vmem>>, %arg14: memref<512x128xf32, #tpu.memory_space<vmem>>, %arg15: memref<512x128xf32, #tpu.memory_space<vmem>>, %arg16: memref<512x128xf32, #tpu.memory_space<vmem>>, %arg17: memref<512x128xf32, #tpu.memory_space<vmem>>, %arg18: memref<512x128xf32, #tpu.memory_space<vmem>>, %arg19: memref<512x128xf32, #tpu.memory_space<vmem>>, %arg20: memref<512x128xf32, #tpu.memory_space<vmem>>, %arg21: memref<512x128xf32, #tpu.memory_space<vmem>>, %arg22: memref<24x512xi32, #tpu.memory_space<vmem>>, %arg23: memref<2x2x512x21xi32, #tpu.memory_space<vmem>>, %arg24: memref<2x512x21xf32, #tpu.memory_space<vmem>>) attributes {dimension_semantics = [#tpu.dimension_semantics<arbitrary>], iteration_bounds = array<i64: 10>, scalar_prefetch = 0 : i64, scratch_operands = 0 : i64, tpu.core_type = #tpu.core_type<tc>, window_params = [{transform_indices = @transform_0, window_bounds = array<i64: 512, 128>}, {transform_indices = @transform_1, window_bounds = array<i64: 512, 128>}, {transform_indices = @transform_2, window_bounds = array<i64: 512, 128>}, {transform_indices = @transform_3, window_bounds = array<i64: 512, 128>}, {transform_indices = @transform_4, window_bounds = array<i64: 512, 128>}, {transform_indices = @transform_5, window_bounds = array<i64: 512, 128>}, {transform_indices = @transform_6, window_bounds = array<i64: 512, 128>}, {transform_indices = @transform_7, window_bounds = array<i64: 512, 128>}, {transform_indices = @transform_8, window_bounds = array<i64: 512, 128>}, {transform_indices = @transform_9, window_bounds = array<i64: 512, 128>}, {transform_indices = @transform_10, window_bounds = array<i64: 512, 128>}, {transform_indices = @transform_11, window_bounds = array<i64: 512, 128>}, {transform_indices = @transform_12, window_bounds = array<i64: 512, 128>}, {transform_indices = @transform_13, window_bounds = array<i64: 512, 128>}, {transform_indices = @transform_14, window_bounds = array<i64: 512, 128>}, {transform_indices = @transform_15, window_bounds = array<i64: 512, 128>}, {transform_indices = @transform_16, window_bounds = array<i64: 512, 128>}, {transform_indices = @transform_17, window_bounds = array<i64: 512, 128>}, {transform_indices = @transform_18, window_bounds = array<i64: 512, 128>}, {transform_indices = @transform_19, window_bounds = array<i64: 512, 128>}, {transform_indices = @transform_20, window_bounds = array<i64: 512, 128>}, {transform_indices = @transform_21, window_bounds = array<i64: 24, 512>}, {transform_indices = @transform_22, window_bounds = array<i64: 2, 2, 512, 21>}, {transform_indices = @transform_23, window_bounds = array<i64: 2, 512, 21>}]} {
    %add3A = arith.constant 10 : i32
    %add3A_0 = arith.addi %add3A, %arg0 : i32
    %get3A = arith.constant 0 : index
    %get3A_1 = arith.constant 0 : index
    %get3A_2 = vector.load %arg22[%get3A, %get3A_1] : memref<24x512xi32, #tpu.memory_space<vmem>>, vector<24x512xi32>
    %convert_element_type3A = arith.sitofp %get3A_2 : vector<24x512xi32> to vector<24x512xf32>
    %iota3A = tpu.iota {dimensions = array<i32: 0>} : vector<24x672xi32>
    %iota3A_3 = tpu.iota {dimensions = array<i32: 1>} : vector<24x672xi32>
    %jit3A = arith.constant 32 : i32
    %div3A = vector.broadcast %jit3A : i32 to vector<24x672xi32>
    %div3A_4 = arith.divsi %iota3A_3, %div3A : vector<24x672xi32>
    %sign3A = arith.constant 0 : i32
    %sign3A_5 = vector.broadcast %sign3A : i32 to vector<24x672xi32>
    %sign3A_6 = arith.cmpi sgt, %iota3A_3, %sign3A_5 : vector<24x672xi32>
    %sign3A_7 = arith.extui %sign3A_6 : vector<24x672xi1> to vector<24x672xi32>
    %sign3A_8 = arith.constant 0 : i32
    %sign3A_9 = vector.broadcast %sign3A_8 : i32 to vector<24x672xi32>
    %sign3A_10 = arith.cmpi slt, %iota3A_3, %sign3A_9 : vector<24x672xi32>
    %sign3A_11 = arith.extui %sign3A_10 : vector<24x672xi1> to vector<24x672xi32>
    %sign3A_12 = arith.subi %sign3A_7, %sign3A_11 : vector<24x672xi32>
    %sign3A_13 = arith.constant 0 : i32
    %sign3A_14 = arith.cmpi sgt, %jit3A, %sign3A_13 : i32
    %sign3A_15 = arith.extui %sign3A_14 : i1 to i32
    %sign3A_16 = arith.constant 0 : i32
    %sign3A_17 = arith.cmpi slt, %jit3A, %sign3A_16 : i32
    %sign3A_18 = arith.extui %sign3A_17 : i1 to i32
    %sign3A_19 = arith.subi %sign3A_15, %sign3A_18 : i32
    %ne3A = vector.broadcast %sign3A_19 : i32 to vector<24x672xi32>
    %ne3A_20 = arith.cmpi ne, %sign3A_12, %ne3A : vector<24x672xi32>
    %rem3A = vector.broadcast %jit3A : i32 to vector<24x672xi32>
    %rem3A_21 = arith.remsi %iota3A_3, %rem3A : vector<24x672xi32>
    %ne3A_22 = arith.constant 0 : i32
    %ne3A_23 = vector.broadcast %ne3A_22 : i32 to vector<24x672xi32>
    %ne3A_24 = arith.cmpi ne, %rem3A_21, %ne3A_23 : vector<24x672xi32>
    %and3A = arith.andi %ne3A_20, %ne3A_24 : vector<24x672xi1>
    %sub3A = arith.constant 1 : i32
    %sub3A_25 = vector.broadcast %sub3A : i32 to vector<24x672xi32>
    %sub3A_26 = arith.subi %div3A_4, %sub3A_25 : vector<24x672xi32>
    %select_n3A = arith.select %and3A, %sub3A_26, %div3A_4 : vector<24x672xi1>, vector<24x672xi32>
    %eq3A = arith.cmpi eq, %iota3A, %select_n3A : vector<24x672xi32>
    %convert_element_type3A_27 = arith.extui %eq3A : vector<24x672xi1> to vector<24x672xi32>
    %convert_element_type3A_28 = arith.sitofp %convert_element_type3A_27 : vector<24x672xi32> to vector<24x672xf32>
    %dot_general3A = arith.constant dense<0.000000e+00> : vector<512x672xf32>
    %dot_general3A_29 = tpu.matmul %convert_element_type3A, %convert_element_type3A_28, %dot_general3A {dimension_numbers = #tpu.dot_dimension_numbers<[0], [0], [1], [1], [0, 1, 1, 1], [], []>, precision = #tpu.contract_precision<fp32>, transpose_lhs_hint = false} : vector<24x512xf32>, vector<24x672xf32>, vector<512x672xf32> -> vector<512x672xf32>
    %convert_element_type3A_30 = arith.fptosi %dot_general3A_29 : vector<512x672xf32> to vector<512x672xi32>
    %dot_general3A_31 = arith.constant dense<0.000000e+00> : vector<672x512xf32>
    %dot_general3A_32 = tpu.matmul %convert_element_type3A_28, %convert_element_type3A, %dot_general3A_31 {dimension_numbers = #tpu.dot_dimension_numbers<[0], [0], [1], [1], [0, 1, 1, 1], [], []>, precision = #tpu.contract_precision<fp32>, transpose_lhs_hint = false} : vector<24x672xf32>, vector<24x512xf32>, vector<672x512xf32> -> vector<672x512xf32>
    %convert_element_type3A_33 = arith.fptosi %dot_general3A_32 : vector<672x512xf32> to vector<672x512xi32>
    %iota3A_34 = tpu.iota {dimensions = array<i32: 0>} : vector<672x512xi32>
    %mul3A = arith.constant 32 : i32
    %mul3A_35 = vector.broadcast %mul3A : i32 to vector<672x512xi32>
    %mul3A_36 = arith.muli %convert_element_type3A_33, %mul3A_35 : vector<672x512xi32>
    %jit3A_37 = arith.constant 32 : i32
    %eq3A_38 = arith.constant 0 : i32
    %eq3A_39 = arith.cmpi eq, %jit3A_37, %eq3A_38 : i32
    %jit3A_40 = arith.constant 1 : i32
    %select_n3A_41 = arith.select %eq3A_39, %jit3A_40, %jit3A_37 : i32
    %rem3A_42 = vector.broadcast %select_n3A_41 : i32 to vector<672x512xi32>
    %rem3A_43 = arith.remsi %iota3A_34, %rem3A_42 : vector<672x512xi32>
    %ne3A_44 = arith.constant 0 : i32
    %ne3A_45 = vector.broadcast %ne3A_44 : i32 to vector<672x512xi32>
    %ne3A_46 = arith.cmpi ne, %rem3A_43, %ne3A_45 : vector<672x512xi32>
    %lt3A = arith.constant 0 : i32
    %lt3A_47 = vector.broadcast %lt3A : i32 to vector<672x512xi32>
    %lt3A_48 = arith.cmpi slt, %rem3A_43, %lt3A_47 : vector<672x512xi32>
    %lt3A_49 = arith.constant 0 : i32
    %lt3A_50 = arith.cmpi slt, %select_n3A_41, %lt3A_49 : i32
    %ne3A_51 = vector.broadcast %lt3A_50 : i1 to vector<672x512xi1>
    %ne3A_52 = vector.broadcast %ne3A_51 : vector<672x512xi1> to vector<672x512xi1>
    %ne3A_53 = arith.xori %lt3A_48, %ne3A_52 : vector<672x512xi1>
    %and3A_54 = arith.andi %ne3A_53, %ne3A_46 : vector<672x512xi1>
    %add3A_55 = vector.broadcast %select_n3A_41 : i32 to vector<672x512xi32>
    %add3A_56 = arith.addi %rem3A_43, %add3A_55 : vector<672x512xi32>
    %select_n3A_57 = arith.select %and3A_54, %add3A_56, %rem3A_43 : vector<672x512xi1>, vector<672x512xi32>
    %add3A_58 = arith.addi %mul3A_36, %select_n3A_57 : vector<672x512xi32>
    %get3A_59 = arith.constant 0 : index
    %get3A_60 = arith.constant 0 : index
    %get3A_61 = vector.load %arg1[%get3A_59, %get3A_60] : memref<512x128xf32, #tpu.memory_space<vmem>>, vector<512x128xf32>
    %slice3A = vector.extract_strided_slice %get3A_61 {offsets = [0, 0], sizes = [512, 32], strides = [1, 1]} : vector<512x128xf32> to vector<512x32xf32>
    %get3A_62 = arith.constant 0 : index
    %get3A_63 = arith.constant 0 : index
    %get3A_64 = vector.load %arg2[%get3A_62, %get3A_63] : memref<512x128xf32, #tpu.memory_space<vmem>>, vector<512x128xf32>
    %slice3A_65 = vector.extract_strided_slice %get3A_64 {offsets = [0, 0], sizes = [512, 32], strides = [1, 1]} : vector<512x128xf32> to vector<512x32xf32>
    %get3A_66 = arith.constant 0 : index
    %get3A_67 = arith.constant 0 : index
    %get3A_68 = vector.load %arg3[%get3A_66, %get3A_67] : memref<512x128xf32, #tpu.memory_space<vmem>>, vector<512x128xf32>
    %slice3A_69 = vector.extract_strided_slice %get3A_68 {offsets = [0, 0], sizes = [512, 32], strides = [1, 1]} : vector<512x128xf32> to vector<512x32xf32>
    %get3A_70 = arith.constant 0 : index
    %get3A_71 = arith.constant 0 : index
    %get3A_72 = vector.load %arg4[%get3A_70, %get3A_71] : memref<512x128xf32, #tpu.memory_space<vmem>>, vector<512x128xf32>
    %slice3A_73 = vector.extract_strided_slice %get3A_72 {offsets = [0, 0], sizes = [512, 32], strides = [1, 1]} : vector<512x128xf32> to vector<512x32xf32>
    %get3A_74 = arith.constant 0 : index
    %get3A_75 = arith.constant 0 : index
    %get3A_76 = vector.load %arg5[%get3A_74, %get3A_75] : memref<512x128xf32, #tpu.memory_space<vmem>>, vector<512x128xf32>
    %slice3A_77 = vector.extract_strided_slice %get3A_76 {offsets = [0, 0], sizes = [512, 32], strides = [1, 1]} : vector<512x128xf32> to vector<512x32xf32>
    %get3A_78 = arith.constant 0 : index
    %get3A_79 = arith.constant 0 : index
    %get3A_80 = vector.load %arg6[%get3A_78, %get3A_79] : memref<512x128xf32, #tpu.memory_space<vmem>>, vector<512x128xf32>
    %slice3A_81 = vector.extract_strided_slice %get3A_80 {offsets = [0, 0], sizes = [512, 32], strides = [1, 1]} : vector<512x128xf32> to vector<512x32xf32>
    %get3A_82 = arith.constant 0 : index
    %get3A_83 = arith.constant 0 : index
    %get3A_84 = vector.load %arg7[%get3A_82, %get3A_83] : memref<512x128xf32, #tpu.memory_space<vmem>>, vector<512x128xf32>
    %slice3A_85 = vector.extract_strided_slice %get3A_84 {offsets = [0, 0], sizes = [512, 32], strides = [1, 1]} : vector<512x128xf32> to vector<512x32xf32>
    %get3A_86 = arith.constant 0 : index
    %get3A_87 = arith.constant 0 : index
    %get3A_88 = vector.load %arg8[%get3A_86, %get3A_87] : memref<512x128xf32, #tpu.memory_space<vmem>>, vector<512x128xf32>
    %slice3A_89 = vector.extract_strided_slice %get3A_88 {offsets = [0, 0], sizes = [512, 32], strides = [1, 1]} : vector<512x128xf32> to vector<512x32xf32>
    %get3A_90 = arith.constant 0 : index
    %get3A_91 = arith.constant 0 : index
    %get3A_92 = vector.load %arg9[%get3A_90, %get3A_91] : memref<512x128xf32, #tpu.memory_space<vmem>>, vector<512x128xf32>
    %slice3A_93 = vector.extract_strided_slice %get3A_92 {offsets = [0, 0], sizes = [512, 32], strides = [1, 1]} : vector<512x128xf32> to vector<512x32xf32>
    %get3A_94 = arith.constant 0 : index
    %get3A_95 = arith.constant 0 : index
    %get3A_96 = vector.load %arg10[%get3A_94, %get3A_95] : memref<512x128xf32, #tpu.memory_space<vmem>>, vector<512x128xf32>
    %slice3A_97 = vector.extract_strided_slice %get3A_96 {offsets = [0, 0], sizes = [512, 32], strides = [1, 1]} : vector<512x128xf32> to vector<512x32xf32>
    %get3A_98 = arith.constant 0 : index
    %get3A_99 = arith.constant 0 : index
    %get3A_100 = vector.load %arg11[%get3A_98, %get3A_99] : memref<512x128xf32, #tpu.memory_space<vmem>>, vector<512x128xf32>
    %slice3A_101 = vector.extract_strided_slice %get3A_100 {offsets = [0, 0], sizes = [512, 32], strides = [1, 1]} : vector<512x128xf32> to vector<512x32xf32>
    %get3A_102 = arith.constant 0 : index
    %get3A_103 = arith.constant 0 : index
    %get3A_104 = vector.load %arg12[%get3A_102, %get3A_103] : memref<512x128xf32, #tpu.memory_space<vmem>>, vector<512x128xf32>
    %slice3A_105 = vector.extract_strided_slice %get3A_104 {offsets = [0, 0], sizes = [512, 32], strides = [1, 1]} : vector<512x128xf32> to vector<512x32xf32>
    %get3A_106 = arith.constant 0 : index
    %get3A_107 = arith.constant 0 : index
    %get3A_108 = vector.load %arg13[%get3A_106, %get3A_107] : memref<512x128xf32, #tpu.memory_space<vmem>>, vector<512x128xf32>
    %slice3A_109 = vector.extract_strided_slice %get3A_108 {offsets = [0, 0], sizes = [512, 32], strides = [1, 1]} : vector<512x128xf32> to vector<512x32xf32>
    %get3A_110 = arith.constant 0 : index
    %get3A_111 = arith.constant 0 : index
    %get3A_112 = vector.load %arg14[%get3A_110, %get3A_111] : memref<512x128xf32, #tpu.memory_space<vmem>>, vector<512x128xf32>
    %slice3A_113 = vector.extract_strided_slice %get3A_112 {offsets = [0, 0], sizes = [512, 32], strides = [1, 1]} : vector<512x128xf32> to vector<512x32xf32>
    %get3A_114 = arith.constant 0 : index
    %get3A_115 = arith.constant 0 : index
    %get3A_116 = vector.load %arg15[%get3A_114, %get3A_115] : memref<512x128xf32, #tpu.memory_space<vmem>>, vector<512x128xf32>
    %slice3A_117 = vector.extract_strided_slice %get3A_116 {offsets = [0, 0], sizes = [512, 32], strides = [1, 1]} : vector<512x128xf32> to vector<512x32xf32>
    %get3A_118 = arith.constant 0 : index
    %get3A_119 = arith.constant 0 : index
    %get3A_120 = vector.load %arg16[%get3A_118, %get3A_119] : memref<512x128xf32, #tpu.memory_space<vmem>>, vector<512x128xf32>
    %slice3A_121 = vector.extract_strided_slice %get3A_120 {offsets = [0, 0], sizes = [512, 32], strides = [1, 1]} : vector<512x128xf32> to vector<512x32xf32>
    %get3A_122 = arith.constant 0 : index
    %get3A_123 = arith.constant 0 : index
    %get3A_124 = vector.load %arg17[%get3A_122, %get3A_123] : memref<512x128xf32, #tpu.memory_space<vmem>>, vector<512x128xf32>
    %slice3A_125 = vector.extract_strided_slice %get3A_124 {offsets = [0, 0], sizes = [512, 32], strides = [1, 1]} : vector<512x128xf32> to vector<512x32xf32>
    %get3A_126 = arith.constant 0 : index
    %get3A_127 = arith.constant 0 : index
    %get3A_128 = vector.load %arg18[%get3A_126, %get3A_127] : memref<512x128xf32, #tpu.memory_space<vmem>>, vector<512x128xf32>
    %slice3A_129 = vector.extract_strided_slice %get3A_128 {offsets = [0, 0], sizes = [512, 32], strides = [1, 1]} : vector<512x128xf32> to vector<512x32xf32>
    %get3A_130 = arith.constant 0 : index
    %get3A_131 = arith.constant 0 : index
    %get3A_132 = vector.load %arg19[%get3A_130, %get3A_131] : memref<512x128xf32, #tpu.memory_space<vmem>>, vector<512x128xf32>
    %slice3A_133 = vector.extract_strided_slice %get3A_132 {offsets = [0, 0], sizes = [512, 32], strides = [1, 1]} : vector<512x128xf32> to vector<512x32xf32>
    %get3A_134 = arith.constant 0 : index
    %get3A_135 = arith.constant 0 : index
    %get3A_136 = vector.load %arg20[%get3A_134, %get3A_135] : memref<512x128xf32, #tpu.memory_space<vmem>>, vector<512x128xf32>
    %slice3A_137 = vector.extract_strided_slice %get3A_136 {offsets = [0, 0], sizes = [512, 32], strides = [1, 1]} : vector<512x128xf32> to vector<512x32xf32>
    %get3A_138 = arith.constant 0 : index
    %get3A_139 = arith.constant 0 : index
    %get3A_140 = vector.load %arg21[%get3A_138, %get3A_139] : memref<512x128xf32, #tpu.memory_space<vmem>>, vector<512x128xf32>
    %slice3A_141 = vector.extract_strided_slice %get3A_140 {offsets = [0, 0], sizes = [512, 32], strides = [1, 1]} : vector<512x128xf32> to vector<512x32xf32>
    %concatenate3A = tpu.concatenate %slice3A, %slice3A_65, %slice3A_69, %slice3A_73, %slice3A_77, %slice3A_81, %slice3A_85, %slice3A_89, %slice3A_93, %slice3A_97, %slice3A_101, %slice3A_105, %slice3A_109, %slice3A_113, %slice3A_117, %slice3A_121, %slice3A_125, %slice3A_129, %slice3A_133, %slice3A_137, %slice3A_141 in 1 : vector<512x32xf32>, vector<512x32xf32>, vector<512x32xf32>, vector<512x32xf32>, vector<512x32xf32>, vector<512x32xf32>, vector<512x32xf32>, vector<512x32xf32>, vector<512x32xf32>, vector<512x32xf32>, vector<512x32xf32>, vector<512x32xf32>, vector<512x32xf32>, vector<512x32xf32>, vector<512x32xf32>, vector<512x32xf32>, vector<512x32xf32>, vector<512x32xf32>, vector<512x32xf32>, vector<512x32xf32>, vector<512x32xf32> -> vector<512x672xf32>
    %get3A_142 = arith.constant 0 : index
    %get3A_143 = arith.constant 0 : index
    %get3A_144 = vector.load %arg1[%get3A_142, %get3A_143] : memref<512x128xf32, #tpu.memory_space<vmem>>, vector<512x128xf32>
    %slice3A_145 = vector.extract_strided_slice %get3A_144 {offsets = [0, 32], sizes = [512, 32], strides = [1, 1]} : vector<512x128xf32> to vector<512x32xf32>
    %get3A_146 = arith.constant 0 : index
    %get3A_147 = arith.constant 0 : index
    %get3A_148 = vector.load %arg2[%get3A_146, %get3A_147] : memref<512x128xf32, #tpu.memory_space<vmem>>, vector<512x128xf32>
    %slice3A_149 = vector.extract_strided_slice %get3A_148 {offsets = [0, 32], sizes = [512, 32], strides = [1, 1]} : vector<512x128xf32> to vector<512x32xf32>
    %get3A_150 = arith.constant 0 : index
    %get3A_151 = arith.constant 0 : index
    %get3A_152 = vector.load %arg3[%get3A_150, %get3A_151] : memref<512x128xf32, #tpu.memory_space<vmem>>, vector<512x128xf32>
    %slice3A_153 = vector.extract_strided_slice %get3A_152 {offsets = [0, 32], sizes = [512, 32], strides = [1, 1]} : vector<512x128xf32> to vector<512x32xf32>
    %get3A_154 = arith.constant 0 : index
    %get3A_155 = arith.constant 0 : index
    %get3A_156 = vector.load %arg4[%get3A_154, %get3A_155] : memref<512x128xf32, #tpu.memory_space<vmem>>, vector<512x128xf32>
    %slice3A_157 = vector.extract_strided_slice %get3A_156 {offsets = [0, 32], sizes = [512, 32], strides = [1, 1]} : vector<512x128xf32> to vector<512x32xf32>
    %get3A_158 = arith.constant 0 : index
    %get3A_159 = arith.constant 0 : index
    %get3A_160 = vector.load %arg5[%get3A_158, %get3A_159] : memref<512x128xf32, #tpu.memory_space<vmem>>, vector<512x128xf32>
    %slice3A_161 = vector.extract_strided_slice %get3A_160 {offsets = [0, 32], sizes = [512, 32], strides = [1, 1]} : vector<512x128xf32> to vector<512x32xf32>
    %get3A_162 = arith.constant 0 : index
    %get3A_163 = arith.constant 0 : index
    %get3A_164 = vector.load %arg6[%get3A_162, %get3A_163] : memref<512x128xf32, #tpu.memory_space<vmem>>, vector<512x128xf32>
    %slice3A_165 = vector.extract_strided_slice %get3A_164 {offsets = [0, 32], sizes = [512, 32], strides = [1, 1]} : vector<512x128xf32> to vector<512x32xf32>
    %get3A_166 = arith.constant 0 : index
    %get3A_167 = arith.constant 0 : index
    %get3A_168 = vector.load %arg7[%get3A_166, %get3A_167] : memref<512x128xf32, #tpu.memory_space<vmem>>, vector<512x128xf32>
    %slice3A_169 = vector.extract_strided_slice %get3A_168 {offsets = [0, 32], sizes = [512, 32], strides = [1, 1]} : vector<512x128xf32> to vector<512x32xf32>
    %get3A_170 = arith.constant 0 : index
    %get3A_171 = arith.constant 0 : index
    %get3A_172 = vector.load %arg8[%get3A_170, %get3A_171] : memref<512x128xf32, #tpu.memory_space<vmem>>, vector<512x128xf32>
    %slice3A_173 = vector.extract_strided_slice %get3A_172 {offsets = [0, 32], sizes = [512, 32], strides = [1, 1]} : vector<512x128xf32> to vector<512x32xf32>
    %get3A_174 = arith.constant 0 : index
    %get3A_175 = arith.constant 0 : index
    %get3A_176 = vector.load %arg9[%get3A_174, %get3A_175] : memref<512x128xf32, #tpu.memory_space<vmem>>, vector<512x128xf32>
    %slice3A_177 = vector.extract_strided_slice %get3A_176 {offsets = [0, 32], sizes = [512, 32], strides = [1, 1]} : vector<512x128xf32> to vector<512x32xf32>
    %get3A_178 = arith.constant 0 : index
    %get3A_179 = arith.constant 0 : index
    %get3A_180 = vector.load %arg10[%get3A_178, %get3A_179] : memref<512x128xf32, #tpu.memory_space<vmem>>, vector<512x128xf32>
    %slice3A_181 = vector.extract_strided_slice %get3A_180 {offsets = [0, 32], sizes = [512, 32], strides = [1, 1]} : vector<512x128xf32> to vector<512x32xf32>
    %get3A_182 = arith.constant 0 : index
    %get3A_183 = arith.constant 0 : index
    %get3A_184 = vector.load %arg11[%get3A_182, %get3A_183] : memref<512x128xf32, #tpu.memory_space<vmem>>, vector<512x128xf32>
    %slice3A_185 = vector.extract_strided_slice %get3A_184 {offsets = [0, 32], sizes = [512, 32], strides = [1, 1]} : vector<512x128xf32> to vector<512x32xf32>
    %get3A_186 = arith.constant 0 : index
    %get3A_187 = arith.constant 0 : index
    %get3A_188 = vector.load %arg12[%get3A_186, %get3A_187] : memref<512x128xf32, #tpu.memory_space<vmem>>, vector<512x128xf32>
    %slice3A_189 = vector.extract_strided_slice %get3A_188 {offsets = [0, 32], sizes = [512, 32], strides = [1, 1]} : vector<512x128xf32> to vector<512x32xf32>
    %get3A_190 = arith.constant 0 : index
    %get3A_191 = arith.constant 0 : index
    %get3A_192 = vector.load %arg13[%get3A_190, %get3A_191] : memref<512x128xf32, #tpu.memory_space<vmem>>, vector<512x128xf32>
    %slice3A_193 = vector.extract_strided_slice %get3A_192 {offsets = [0, 32], sizes = [512, 32], strides = [1, 1]} : vector<512x128xf32> to vector<512x32xf32>
    %get3A_194 = arith.constant 0 : index
    %get3A_195 = arith.constant 0 : index
    %get3A_196 = vector.load %arg14[%get3A_194, %get3A_195] : memref<512x128xf32, #tpu.memory_space<vmem>>, vector<512x128xf32>
    %slice3A_197 = vector.extract_strided_slice %get3A_196 {offsets = [0, 32], sizes = [512, 32], strides = [1, 1]} : vector<512x128xf32> to vector<512x32xf32>
    %get3A_198 = arith.constant 0 : index
    %get3A_199 = arith.constant 0 : index
    %get3A_200 = vector.load %arg15[%get3A_198, %get3A_199] : memref<512x128xf32, #tpu.memory_space<vmem>>, vector<512x128xf32>
    %slice3A_201 = vector.extract_strided_slice %get3A_200 {offsets = [0, 32], sizes = [512, 32], strides = [1, 1]} : vector<512x128xf32> to vector<512x32xf32>
    %get3A_202 = arith.constant 0 : index
    %get3A_203 = arith.constant 0 : index
    %get3A_204 = vector.load %arg16[%get3A_202, %get3A_203] : memref<512x128xf32, #tpu.memory_space<vmem>>, vector<512x128xf32>
    %slice3A_205 = vector.extract_strided_slice %get3A_204 {offsets = [0, 32], sizes = [512, 32], strides = [1, 1]} : vector<512x128xf32> to vector<512x32xf32>
    %get3A_206 = arith.constant 0 : index
    %get3A_207 = arith.constant 0 : index
    %get3A_208 = vector.load %arg17[%get3A_206, %get3A_207] : memref<512x128xf32, #tpu.memory_space<vmem>>, vector<512x128xf32>
    %slice3A_209 = vector.extract_strided_slice %get3A_208 {offsets = [0, 32], sizes = [512, 32], strides = [1, 1]} : vector<512x128xf32> to vector<512x32xf32>
    %get3A_210 = arith.constant 0 : index
    %get3A_211 = arith.constant 0 : index
    %get3A_212 = vector.load %arg18[%get3A_210, %get3A_211] : memref<512x128xf32, #tpu.memory_space<vmem>>, vector<512x128xf32>
    %slice3A_213 = vector.extract_strided_slice %get3A_212 {offsets = [0, 32], sizes = [512, 32], strides = [1, 1]} : vector<512x128xf32> to vector<512x32xf32>
    %get3A_214 = arith.constant 0 : index
    %get3A_215 = arith.constant 0 : index
    %get3A_216 = vector.load %arg19[%get3A_214, %get3A_215] : memref<512x128xf32, #tpu.memory_space<vmem>>, vector<512x128xf32>
    %slice3A_217 = vector.extract_strided_slice %get3A_216 {offsets = [0, 32], sizes = [512, 32], strides = [1, 1]} : vector<512x128xf32> to vector<512x32xf32>
    %get3A_218 = arith.constant 0 : index
    %get3A_219 = arith.constant 0 : index
    %get3A_220 = vector.load %arg20[%get3A_218, %get3A_219] : memref<512x128xf32, #tpu.memory_space<vmem>>, vector<512x128xf32>
    %slice3A_221 = vector.extract_strided_slice %get3A_220 {offsets = [0, 32], sizes = [512, 32], strides = [1, 1]} : vector<512x128xf32> to vector<512x32xf32>
    %get3A_222 = arith.constant 0 : index
    %get3A_223 = arith.constant 0 : index
    %get3A_224 = vector.load %arg21[%get3A_222, %get3A_223] : memref<512x128xf32, #tpu.memory_space<vmem>>, vector<512x128xf32>
    %slice3A_225 = vector.extract_strided_slice %get3A_224 {offsets = [0, 32], sizes = [512, 32], strides = [1, 1]} : vector<512x128xf32> to vector<512x32xf32>
    %concatenate3A_226 = tpu.concatenate %slice3A_145, %slice3A_149, %slice3A_153, %slice3A_157, %slice3A_161, %slice3A_165, %slice3A_169, %slice3A_173, %slice3A_177, %slice3A_181, %slice3A_185, %slice3A_189, %slice3A_193, %slice3A_197, %slice3A_201, %slice3A_205, %slice3A_209, %slice3A_213, %slice3A_217, %slice3A_221, %slice3A_225 in 1 : vector<512x32xf32>, vector<512x32xf32>, vector<512x32xf32>, vector<512x32xf32>, vector<512x32xf32>, vector<512x32xf32>, vector<512x32xf32>, vector<512x32xf32>, vector<512x32xf32>, vector<512x32xf32>, vector<512x32xf32>, vector<512x32xf32>, vector<512x32xf32>, vector<512x32xf32>, vector<512x32xf32>, vector<512x32xf32>, vector<512x32xf32>, vector<512x32xf32>, vector<512x32xf32>, vector<512x32xf32>, vector<512x32xf32> -> vector<512x672xf32>
    %get3A_227 = arith.constant 0 : index
    %get3A_228 = arith.constant 0 : index
    %get3A_229 = vector.load %arg1[%get3A_227, %get3A_228] : memref<512x128xf32, #tpu.memory_space<vmem>>, vector<512x128xf32>
    %slice3A_230 = vector.extract_strided_slice %get3A_229 {offsets = [0, 64], sizes = [512, 32], strides = [1, 1]} : vector<512x128xf32> to vector<512x32xf32>
    %get3A_231 = arith.constant 0 : index
    %get3A_232 = arith.constant 0 : index
    %get3A_233 = vector.load %arg2[%get3A_231, %get3A_232] : memref<512x128xf32, #tpu.memory_space<vmem>>, vector<512x128xf32>
    %slice3A_234 = vector.extract_strided_slice %get3A_233 {offsets = [0, 64], sizes = [512, 32], strides = [1, 1]} : vector<512x128xf32> to vector<512x32xf32>
    %get3A_235 = arith.constant 0 : index
    %get3A_236 = arith.constant 0 : index
    %get3A_237 = vector.load %arg3[%get3A_235, %get3A_236] : memref<512x128xf32, #tpu.memory_space<vmem>>, vector<512x128xf32>
    %slice3A_238 = vector.extract_strided_slice %get3A_237 {offsets = [0, 64], sizes = [512, 32], strides = [1, 1]} : vector<512x128xf32> to vector<512x32xf32>
    %get3A_239 = arith.constant 0 : index
    %get3A_240 = arith.constant 0 : index
    %get3A_241 = vector.load %arg4[%get3A_239, %get3A_240] : memref<512x128xf32, #tpu.memory_space<vmem>>, vector<512x128xf32>
    %slice3A_242 = vector.extract_strided_slice %get3A_241 {offsets = [0, 64], sizes = [512, 32], strides = [1, 1]} : vector<512x128xf32> to vector<512x32xf32>
    %get3A_243 = arith.constant 0 : index
    %get3A_244 = arith.constant 0 : index
    %get3A_245 = vector.load %arg5[%get3A_243, %get3A_244] : memref<512x128xf32, #tpu.memory_space<vmem>>, vector<512x128xf32>
    %slice3A_246 = vector.extract_strided_slice %get3A_245 {offsets = [0, 64], sizes = [512, 32], strides = [1, 1]} : vector<512x128xf32> to vector<512x32xf32>
    %get3A_247 = arith.constant 0 : index
    %get3A_248 = arith.constant 0 : index
    %get3A_249 = vector.load %arg6[%get3A_247, %get3A_248] : memref<512x128xf32, #tpu.memory_space<vmem>>, vector<512x128xf32>
    %slice3A_250 = vector.extract_strided_slice %get3A_249 {offsets = [0, 64], sizes = [512, 32], strides = [1, 1]} : vector<512x128xf32> to vector<512x32xf32>
    %get3A_251 = arith.constant 0 : index
    %get3A_252 = arith.constant 0 : index
    %get3A_253 = vector.load %arg7[%get3A_251, %get3A_252] : memref<512x128xf32, #tpu.memory_space<vmem>>, vector<512x128xf32>
    %slice3A_254 = vector.extract_strided_slice %get3A_253 {offsets = [0, 64], sizes = [512, 32], strides = [1, 1]} : vector<512x128xf32> to vector<512x32xf32>
    %get3A_255 = arith.constant 0 : index
    %get3A_256 = arith.constant 0 : index
    %get3A_257 = vector.load %arg8[%get3A_255, %get3A_256] : memref<512x128xf32, #tpu.memory_space<vmem>>, vector<512x128xf32>
    %slice3A_258 = vector.extract_strided_slice %get3A_257 {offsets = [0, 64], sizes = [512, 32], strides = [1, 1]} : vector<512x128xf32> to vector<512x32xf32>
    %get3A_259 = arith.constant 0 : index
    %get3A_260 = arith.constant 0 : index
    %get3A_261 = vector.load %arg9[%get3A_259, %get3A_260] : memref<512x128xf32, #tpu.memory_space<vmem>>, vector<512x128xf32>
    %slice3A_262 = vector.extract_strided_slice %get3A_261 {offsets = [0, 64], sizes = [512, 32], strides = [1, 1]} : vector<512x128xf32> to vector<512x32xf32>
    %get3A_263 = arith.constant 0 : index
    %get3A_264 = arith.constant 0 : index
    %get3A_265 = vector.load %arg10[%get3A_263, %get3A_264] : memref<512x128xf32, #tpu.memory_space<vmem>>, vector<512x128xf32>
    %slice3A_266 = vector.extract_strided_slice %get3A_265 {offsets = [0, 64], sizes = [512, 32], strides = [1, 1]} : vector<512x128xf32> to vector<512x32xf32>
    %get3A_267 = arith.constant 0 : index
    %get3A_268 = arith.constant 0 : index
    %get3A_269 = vector.load %arg11[%get3A_267, %get3A_268] : memref<512x128xf32, #tpu.memory_space<vmem>>, vector<512x128xf32>
    %slice3A_270 = vector.extract_strided_slice %get3A_269 {offsets = [0, 64], sizes = [512, 32], strides = [1, 1]} : vector<512x128xf32> to vector<512x32xf32>
    %get3A_271 = arith.constant 0 : index
    %get3A_272 = arith.constant 0 : index
    %get3A_273 = vector.load %arg12[%get3A_271, %get3A_272] : memref<512x128xf32, #tpu.memory_space<vmem>>, vector<512x128xf32>
    %slice3A_274 = vector.extract_strided_slice %get3A_273 {offsets = [0, 64], sizes = [512, 32], strides = [1, 1]} : vector<512x128xf32> to vector<512x32xf32>
    %get3A_275 = arith.constant 0 : index
    %get3A_276 = arith.constant 0 : index
    %get3A_277 = vector.load %arg13[%get3A_275, %get3A_276] : memref<512x128xf32, #tpu.memory_space<vmem>>, vector<512x128xf32>
    %slice3A_278 = vector.extract_strided_slice %get3A_277 {offsets = [0, 64], sizes = [512, 32], strides = [1, 1]} : vector<512x128xf32> to vector<512x32xf32>
    %get3A_279 = arith.constant 0 : index
    %get3A_280 = arith.constant 0 : index
    %get3A_281 = vector.load %arg14[%get3A_279, %get3A_280] : memref<512x128xf32, #tpu.memory_space<vmem>>, vector<512x128xf32>
    %slice3A_282 = vector.extract_strided_slice %get3A_281 {offsets = [0, 64], sizes = [512, 32], strides = [1, 1]} : vector<512x128xf32> to vector<512x32xf32>
    %get3A_283 = arith.constant 0 : index
    %get3A_284 = arith.constant 0 : index
    %get3A_285 = vector.load %arg15[%get3A_283, %get3A_284] : memref<512x128xf32, #tpu.memory_space<vmem>>, vector<512x128xf32>
    %slice3A_286 = vector.extract_strided_slice %get3A_285 {offsets = [0, 64], sizes = [512, 32], strides = [1, 1]} : vector<512x128xf32> to vector<512x32xf32>
    %get3A_287 = arith.constant 0 : index
    %get3A_288 = arith.constant 0 : index
    %get3A_289 = vector.load %arg16[%get3A_287, %get3A_288] : memref<512x128xf32, #tpu.memory_space<vmem>>, vector<512x128xf32>
    %slice3A_290 = vector.extract_strided_slice %get3A_289 {offsets = [0, 64], sizes = [512, 32], strides = [1, 1]} : vector<512x128xf32> to vector<512x32xf32>
    %get3A_291 = arith.constant 0 : index
    %get3A_292 = arith.constant 0 : index
    %get3A_293 = vector.load %arg17[%get3A_291, %get3A_292] : memref<512x128xf32, #tpu.memory_space<vmem>>, vector<512x128xf32>
    %slice3A_294 = vector.extract_strided_slice %get3A_293 {offsets = [0, 64], sizes = [512, 32], strides = [1, 1]} : vector<512x128xf32> to vector<512x32xf32>
    %get3A_295 = arith.constant 0 : index
    %get3A_296 = arith.constant 0 : index
    %get3A_297 = vector.load %arg18[%get3A_295, %get3A_296] : memref<512x128xf32, #tpu.memory_space<vmem>>, vector<512x128xf32>
    %slice3A_298 = vector.extract_strided_slice %get3A_297 {offsets = [0, 64], sizes = [512, 32], strides = [1, 1]} : vector<512x128xf32> to vector<512x32xf32>
    %get3A_299 = arith.constant 0 : index
    %get3A_300 = arith.constant 0 : index
    %get3A_301 = vector.load %arg19[%get3A_299, %get3A_300] : memref<512x128xf32, #tpu.memory_space<vmem>>, vector<512x128xf32>
    %slice3A_302 = vector.extract_strided_slice %get3A_301 {offsets = [0, 64], sizes = [512, 32], strides = [1, 1]} : vector<512x128xf32> to vector<512x32xf32>
    %get3A_303 = arith.constant 0 : index
    %get3A_304 = arith.constant 0 : index
    %get3A_305 = vector.load %arg20[%get3A_303, %get3A_304] : memref<512x128xf32, #tpu.memory_space<vmem>>, vector<512x128xf32>
    %slice3A_306 = vector.extract_strided_slice %get3A_305 {offsets = [0, 64], sizes = [512, 32], strides = [1, 1]} : vector<512x128xf32> to vector<512x32xf32>
    %get3A_307 = arith.constant 0 : index
    %get3A_308 = arith.constant 0 : index
    %get3A_309 = vector.load %arg21[%get3A_307, %get3A_308] : memref<512x128xf32, #tpu.memory_space<vmem>>, vector<512x128xf32>
    %slice3A_310 = vector.extract_strided_slice %get3A_309 {offsets = [0, 64], sizes = [512, 32], strides = [1, 1]} : vector<512x128xf32> to vector<512x32xf32>
    %concatenate3A_311 = tpu.concatenate %slice3A_230, %slice3A_234, %slice3A_238, %slice3A_242, %slice3A_246, %slice3A_250, %slice3A_254, %slice3A_258, %slice3A_262, %slice3A_266, %slice3A_270, %slice3A_274, %slice3A_278, %slice3A_282, %slice3A_286, %slice3A_290, %slice3A_294, %slice3A_298, %slice3A_302, %slice3A_306, %slice3A_310 in 1 : vector<512x32xf32>, vector<512x32xf32>, vector<512x32xf32>, vector<512x32xf32>, vector<512x32xf32>, vector<512x32xf32>, vector<512x32xf32>, vector<512x32xf32>, vector<512x32xf32>, vector<512x32xf32>, vector<512x32xf32>, vector<512x32xf32>, vector<512x32xf32>, vector<512x32xf32>, vector<512x32xf32>, vector<512x32xf32>, vector<512x32xf32>, vector<512x32xf32>, vector<512x32xf32>, vector<512x32xf32>, vector<512x32xf32> -> vector<512x672xf32>
    %get3A_312 = arith.constant 0 : index
    %get3A_313 = arith.constant 0 : index
    %get3A_314 = vector.load %arg1[%get3A_312, %get3A_313] : memref<512x128xf32, #tpu.memory_space<vmem>>, vector<512x128xf32>
    %slice3A_315 = vector.extract_strided_slice %get3A_314 {offsets = [0, 96], sizes = [512, 32], strides = [1, 1]} : vector<512x128xf32> to vector<512x32xf32>
    %get3A_316 = arith.constant 0 : index
    %get3A_317 = arith.constant 0 : index
    %get3A_318 = vector.load %arg2[%get3A_316, %get3A_317] : memref<512x128xf32, #tpu.memory_space<vmem>>, vector<512x128xf32>
    %slice3A_319 = vector.extract_strided_slice %get3A_318 {offsets = [0, 96], sizes = [512, 32], strides = [1, 1]} : vector<512x128xf32> to vector<512x32xf32>
    %get3A_320 = arith.constant 0 : index
    %get3A_321 = arith.constant 0 : index
    %get3A_322 = vector.load %arg3[%get3A_320, %get3A_321] : memref<512x128xf32, #tpu.memory_space<vmem>>, vector<512x128xf32>
    %slice3A_323 = vector.extract_strided_slice %get3A_322 {offsets = [0, 96], sizes = [512, 32], strides = [1, 1]} : vector<512x128xf32> to vector<512x32xf32>
    %get3A_324 = arith.constant 0 : index
    %get3A_325 = arith.constant 0 : index
    %get3A_326 = vector.load %arg4[%get3A_324, %get3A_325] : memref<512x128xf32, #tpu.memory_space<vmem>>, vector<512x128xf32>
    %slice3A_327 = vector.extract_strided_slice %get3A_326 {offsets = [0, 96], sizes = [512, 32], strides = [1, 1]} : vector<512x128xf32> to vector<512x32xf32>
    %get3A_328 = arith.constant 0 : index
    %get3A_329 = arith.constant 0 : index
    %get3A_330 = vector.load %arg5[%get3A_328, %get3A_329] : memref<512x128xf32, #tpu.memory_space<vmem>>, vector<512x128xf32>
    %slice3A_331 = vector.extract_strided_slice %get3A_330 {offsets = [0, 96], sizes = [512, 32], strides = [1, 1]} : vector<512x128xf32> to vector<512x32xf32>
    %get3A_332 = arith.constant 0 : index
    %get3A_333 = arith.constant 0 : index
    %get3A_334 = vector.load %arg6[%get3A_332, %get3A_333] : memref<512x128xf32, #tpu.memory_space<vmem>>, vector<512x128xf32>
    %slice3A_335 = vector.extract_strided_slice %get3A_334 {offsets = [0, 96], sizes = [512, 32], strides = [1, 1]} : vector<512x128xf32> to vector<512x32xf32>
    %get3A_336 = arith.constant 0 : index
    %get3A_337 = arith.constant 0 : index
    %get3A_338 = vector.load %arg7[%get3A_336, %get3A_337] : memref<512x128xf32, #tpu.memory_space<vmem>>, vector<512x128xf32>
    %slice3A_339 = vector.extract_strided_slice %get3A_338 {offsets = [0, 96], sizes = [512, 32], strides = [1, 1]} : vector<512x128xf32> to vector<512x32xf32>
    %get3A_340 = arith.constant 0 : index
    %get3A_341 = arith.constant 0 : index
    %get3A_342 = vector.load %arg8[%get3A_340, %get3A_341] : memref<512x128xf32, #tpu.memory_space<vmem>>, vector<512x128xf32>
    %slice3A_343 = vector.extract_strided_slice %get3A_342 {offsets = [0, 96], sizes = [512, 32], strides = [1, 1]} : vector<512x128xf32> to vector<512x32xf32>
    %get3A_344 = arith.constant 0 : index
    %get3A_345 = arith.constant 0 : index
    %get3A_346 = vector.load %arg9[%get3A_344, %get3A_345] : memref<512x128xf32, #tpu.memory_space<vmem>>, vector<512x128xf32>
    %slice3A_347 = vector.extract_strided_slice %get3A_346 {offsets = [0, 96], sizes = [512, 32], strides = [1, 1]} : vector<512x128xf32> to vector<512x32xf32>
    %get3A_348 = arith.constant 0 : index
    %get3A_349 = arith.constant 0 : index
    %get3A_350 = vector.load %arg10[%get3A_348, %get3A_349] : memref<512x128xf32, #tpu.memory_space<vmem>>, vector<512x128xf32>
    %slice3A_351 = vector.extract_strided_slice %get3A_350 {offsets = [0, 96], sizes = [512, 32], strides = [1, 1]} : vector<512x128xf32> to vector<512x32xf32>
    %get3A_352 = arith.constant 0 : index
    %get3A_353 = arith.constant 0 : index
    %get3A_354 = vector.load %arg11[%get3A_352, %get3A_353] : memref<512x128xf32, #tpu.memory_space<vmem>>, vector<512x128xf32>
    %slice3A_355 = vector.extract_strided_slice %get3A_354 {offsets = [0, 96], sizes = [512, 32], strides = [1, 1]} : vector<512x128xf32> to vector<512x32xf32>
    %get3A_356 = arith.constant 0 : index
    %get3A_357 = arith.constant 0 : index
    %get3A_358 = vector.load %arg12[%get3A_356, %get3A_357] : memref<512x128xf32, #tpu.memory_space<vmem>>, vector<512x128xf32>
    %slice3A_359 = vector.extract_strided_slice %get3A_358 {offsets = [0, 96], sizes = [512, 32], strides = [1, 1]} : vector<512x128xf32> to vector<512x32xf32>
    %get3A_360 = arith.constant 0 : index
    %get3A_361 = arith.constant 0 : index
    %get3A_362 = vector.load %arg13[%get3A_360, %get3A_361] : memref<512x128xf32, #tpu.memory_space<vmem>>, vector<512x128xf32>
    %slice3A_363 = vector.extract_strided_slice %get3A_362 {offsets = [0, 96], sizes = [512, 32], strides = [1, 1]} : vector<512x128xf32> to vector<512x32xf32>
    %get3A_364 = arith.constant 0 : index
    %get3A_365 = arith.constant 0 : index
    %get3A_366 = vector.load %arg14[%get3A_364, %get3A_365] : memref<512x128xf32, #tpu.memory_space<vmem>>, vector<512x128xf32>
    %slice3A_367 = vector.extract_strided_slice %get3A_366 {offsets = [0, 96], sizes = [512, 32], strides = [1, 1]} : vector<512x128xf32> to vector<512x32xf32>
    %get3A_368 = arith.constant 0 : index
    %get3A_369 = arith.constant 0 : index
    %get3A_370 = vector.load %arg15[%get3A_368, %get3A_369] : memref<512x128xf32, #tpu.memory_space<vmem>>, vector<512x128xf32>
    %slice3A_371 = vector.extract_strided_slice %get3A_370 {offsets = [0, 96], sizes = [512, 32], strides = [1, 1]} : vector<512x128xf32> to vector<512x32xf32>
    %get3A_372 = arith.constant 0 : index
    %get3A_373 = arith.constant 0 : index
    %get3A_374 = vector.load %arg16[%get3A_372, %get3A_373] : memref<512x128xf32, #tpu.memory_space<vmem>>, vector<512x128xf32>
    %slice3A_375 = vector.extract_strided_slice %get3A_374 {offsets = [0, 96], sizes = [512, 32], strides = [1, 1]} : vector<512x128xf32> to vector<512x32xf32>
    %get3A_376 = arith.constant 0 : index
    %get3A_377 = arith.constant 0 : index
    %get3A_378 = vector.load %arg17[%get3A_376, %get3A_377] : memref<512x128xf32, #tpu.memory_space<vmem>>, vector<512x128xf32>
    %slice3A_379 = vector.extract_strided_slice %get3A_378 {offsets = [0, 96], sizes = [512, 32], strides = [1, 1]} : vector<512x128xf32> to vector<512x32xf32>
    %get3A_380 = arith.constant 0 : index
    %get3A_381 = arith.constant 0 : index
    %get3A_382 = vector.load %arg18[%get3A_380, %get3A_381] : memref<512x128xf32, #tpu.memory_space<vmem>>, vector<512x128xf32>
    %slice3A_383 = vector.extract_strided_slice %get3A_382 {offsets = [0, 96], sizes = [512, 32], strides = [1, 1]} : vector<512x128xf32> to vector<512x32xf32>
    %get3A_384 = arith.constant 0 : index
    %get3A_385 = arith.constant 0 : index
    %get3A_386 = vector.load %arg19[%get3A_384, %get3A_385] : memref<512x128xf32, #tpu.memory_space<vmem>>, vector<512x128xf32>
    %slice3A_387 = vector.extract_strided_slice %get3A_386 {offsets = [0, 96], sizes = [512, 32], strides = [1, 1]} : vector<512x128xf32> to vector<512x32xf32>
    %get3A_388 = arith.constant 0 : index
    %get3A_389 = arith.constant 0 : index
    %get3A_390 = vector.load %arg20[%get3A_388, %get3A_389] : memref<512x128xf32, #tpu.memory_space<vmem>>, vector<512x128xf32>
    %slice3A_391 = vector.extract_strided_slice %get3A_390 {offsets = [0, 96], sizes = [512, 32], strides = [1, 1]} : vector<512x128xf32> to vector<512x32xf32>
    %get3A_392 = arith.constant 0 : index
    %get3A_393 = arith.constant 0 : index
    %get3A_394 = vector.load %arg21[%get3A_392, %get3A_393] : memref<512x128xf32, #tpu.memory_space<vmem>>, vector<512x128xf32>
    %slice3A_395 = vector.extract_strided_slice %get3A_394 {offsets = [0, 96], sizes = [512, 32], strides = [1, 1]} : vector<512x128xf32> to vector<512x32xf32>
    %concatenate3A_396 = tpu.concatenate %slice3A_315, %slice3A_319, %slice3A_323, %slice3A_327, %slice3A_331, %slice3A_335, %slice3A_339, %slice3A_343, %slice3A_347, %slice3A_351, %slice3A_355, %slice3A_359, %slice3A_363, %slice3A_367, %slice3A_371, %slice3A_375, %slice3A_379, %slice3A_383, %slice3A_387, %slice3A_391, %slice3A_395 in 1 : vector<512x32xf32>, vector<512x32xf32>, vector<512x32xf32>, vector<512x32xf32>, vector<512x32xf32>, vector<512x32xf32>, vector<512x32xf32>, vector<512x32xf32>, vector<512x32xf32>, vector<512x32xf32>, vector<512x32xf32>, vector<512x32xf32>, vector<512x32xf32>, vector<512x32xf32>, vector<512x32xf32>, vector<512x32xf32>, vector<512x32xf32>, vector<512x32xf32>, vector<512x32xf32>, vector<512x32xf32>, vector<512x32xf32> -> vector<512x672xf32>
    %and3A_397 = arith.constant 3 : i32
    %and3A_398 = vector.broadcast %and3A_397 : i32 to vector<512x672xi32>
    %and3A_399 = arith.andi %convert_element_type3A_30, %and3A_398 : vector<512x672xi32>
    %eq3A_400 = arith.constant 0 : i32
    %eq3A_401 = vector.broadcast %eq3A_400 : i32 to vector<512x672xi32>
    %eq3A_402 = arith.cmpi eq, %and3A_399, %eq3A_401 : vector<512x672xi32>
    %eq3A_403 = arith.constant 1 : i32
    %eq3A_404 = vector.broadcast %eq3A_403 : i32 to vector<512x672xi32>
    %eq3A_405 = arith.cmpi eq, %and3A_399, %eq3A_404 : vector<512x672xi32>
    %eq3A_406 = arith.constant 2 : i32
    %eq3A_407 = vector.broadcast %eq3A_406 : i32 to vector<512x672xi32>
    %eq3A_408 = arith.cmpi eq, %and3A_399, %eq3A_407 : vector<512x672xi32>
    %select_n3A_409 = arith.select %eq3A_408, %concatenate3A_311, %concatenate3A_396 : vector<512x672xi1>, vector<512x672xf32>
    %select_n3A_410 = arith.select %eq3A_405, %concatenate3A_226, %select_n3A_409 : vector<512x672xi1>, vector<512x672xf32>
    %select_n3A_411 = arith.select %eq3A_402, %concatenate3A, %select_n3A_410 : vector<512x672xi1>, vector<512x672xf32>
    %iota3A_412 = tpu.iota {dimensions = array<i32: 0>} : vector<512x512xi32>
    %iota3A_413 = tpu.iota {dimensions = array<i32: 1>} : vector<512x512xi32>
    %eq3A_414 = arith.cmpi eq, %iota3A_412, %iota3A_413 : vector<512x512xi32>
    %convert_element_type3A_415 = arith.extui %eq3A_414 : vector<512x512xi1> to vector<512x512xi32>
    %convert_element_type3A_416 = arith.sitofp %convert_element_type3A_415 : vector<512x512xi32> to vector<512x512xf32>
    %dot_general3A_417 = arith.constant dense<0.000000e+00> : vector<672x512xf32>
    %dot_general3A_418 = tpu.matmul %select_n3A_411, %convert_element_type3A_416, %dot_general3A_417 {dimension_numbers = #tpu.dot_dimension_numbers<[0], [0], [1], [1], [0, 1, 1, 1], [], []>, precision = #tpu.contract_precision<fp32>, transpose_lhs_hint = false} : vector<512x672xf32>, vector<512x512xf32>, vector<672x512xf32> -> vector<672x512xf32>
    %iota3A_419 = tpu.iota {dimensions = array<i32: 0>} : vector<24x512xi32>
    %broadcast_in_dim3A = arith.constant 0.000000e+00 : f32
    %broadcast_in_dim3A_420 = vector.broadcast %broadcast_in_dim3A : f32 to vector<24x512xf32>
    %broadcast_in_dim3A_421 = arith.constant 0 : i32
    %broadcast_in_dim3A_422 = vector.broadcast %broadcast_in_dim3A_421 : i32 to vector<24x512xi32>
    %reduce_max3A = arith.constant dense<0xFF800000> : vector<512xf32>
    %reduce_max3A_423 = vector.multi_reduction <maximumf>, %dot_general3A_418, %reduce_max3A [0] : vector<672x512xf32> to vector<512xf32>
    %broadcast_in_dim3A_424 = vector.shape_cast %reduce_max3A_423 : vector<512xf32> to vector<1x512xf32>
    %eq3A_425 = vector.broadcast %broadcast_in_dim3A_424 : vector<1x512xf32> to vector<672x512xf32>
    %eq3A_426 = arith.cmpf oeq, %dot_general3A_418, %eq3A_425 : vector<672x512xf32>
    %jit3A_427 = arith.constant 1073741824 : i32
    %broadcast_in_dim3A_428 = vector.broadcast %jit3A_427 : i32 to vector<672x512xi32>
    %select_n3A_429 = arith.select %eq3A_426, %add3A_58, %broadcast_in_dim3A_428 : vector<672x512xi1>, vector<672x512xi32>
    %reduce_min3A = arith.constant dense<2147483647> : vector<512xi32>
    %reduce_min3A_430 = vector.multi_reduction <minsi>, %select_n3A_429, %reduce_min3A [0] : vector<672x512xi32> to vector<512xi32>
    %broadcast_in_dim3A_431 = vector.shape_cast %reduce_min3A_430 : vector<512xi32> to vector<1x512xi32>
    %eq3A_432 = arith.constant 0 : i32
    %eq3A_433 = vector.broadcast %eq3A_432 : i32 to vector<24x512xi32>
    %eq3A_434 = arith.cmpi eq, %iota3A_419, %eq3A_433 : vector<24x512xi32>
    %max3A = arith.constant 0.000000e+00 : f32
    %max3A_435 = vector.broadcast %max3A : f32 to vector<1x512xf32>
    %max3A_436 = arith.maximumf %broadcast_in_dim3A_424, %max3A_435 : vector<1x512xf32>
    %broadcast_in_dim3A_437 = vector.shape_cast %max3A_436 : vector<1x512xf32> to vector<1x512xf32>
    %broadcast_in_dim3A_438 = vector.broadcast %broadcast_in_dim3A_437 : vector<1x512xf32> to vector<24x512xf32>
    %select_n3A_439 = arith.select %eq3A_434, %broadcast_in_dim3A_438, %broadcast_in_dim3A_420 : vector<24x512xi1>, vector<24x512xf32>
    %eq3A_440 = arith.constant 0 : i32
    %eq3A_441 = vector.broadcast %eq3A_440 : i32 to vector<24x512xi32>
    %eq3A_442 = arith.cmpi eq, %iota3A_419, %eq3A_441 : vector<24x512xi32>
    %broadcast_in_dim3A_443 = vector.shape_cast %broadcast_in_dim3A_431 : vector<1x512xi32> to vector<1x512xi32>
    %broadcast_in_dim3A_444 = vector.broadcast %broadcast_in_dim3A_443 : vector<1x512xi32> to vector<24x512xi32>
    %select_n3A_445 = arith.select %eq3A_442, %broadcast_in_dim3A_444, %broadcast_in_dim3A_422 : vector<24x512xi1>, vector<24x512xi32>
    %eq3A_446 = vector.broadcast %broadcast_in_dim3A_431 : vector<1x512xi32> to vector<672x512xi32>
    %eq3A_447 = arith.cmpi eq, %add3A_58, %eq3A_446 : vector<672x512xi32>
    %jit3A_448 = arith.constant -1.000000e+30 : f32
    %broadcast_in_dim3A_449 = vector.broadcast %jit3A_448 : f32 to vector<672x512xf32>
    %select_n3A_450 = arith.select %eq3A_447, %broadcast_in_dim3A_449, %dot_general3A_418 : vector<672x512xi1>, vector<672x512xf32>
    %reduce_max3A_451 = arith.constant dense<0xFF800000> : vector<512xf32>
    %reduce_max3A_452 = vector.multi_reduction <maximumf>, %select_n3A_450, %reduce_max3A_451 [0] : vector<672x512xf32> to vector<512xf32>
    %broadcast_in_dim3A_453 = vector.shape_cast %reduce_max3A_452 : vector<512xf32> to vector<1x512xf32>
    %eq3A_454 = vector.broadcast %broadcast_in_dim3A_453 : vector<1x512xf32> to vector<672x512xf32>
    %eq3A_455 = arith.cmpf oeq, %select_n3A_450, %eq3A_454 : vector<672x512xf32>
    %jit3A_456 = arith.constant 1073741824 : i32
    %broadcast_in_dim3A_457 = vector.broadcast %jit3A_456 : i32 to vector<672x512xi32>
    %select_n3A_458 = arith.select %eq3A_455, %add3A_58, %broadcast_in_dim3A_457 : vector<672x512xi1>, vector<672x512xi32>
    %reduce_min3A_459 = arith.constant dense<2147483647> : vector<512xi32>
    %reduce_min3A_460 = vector.multi_reduction <minsi>, %select_n3A_458, %reduce_min3A_459 [0] : vector<672x512xi32> to vector<512xi32>
    %broadcast_in_dim3A_461 = vector.shape_cast %reduce_min3A_460 : vector<512xi32> to vector<1x512xi32>
    %eq3A_462 = arith.constant 1 : i32
    %eq3A_463 = vector.broadcast %eq3A_462 : i32 to vector<24x512xi32>
    %eq3A_464 = arith.cmpi eq, %iota3A_419, %eq3A_463 : vector<24x512xi32>
    %max3A_465 = arith.constant 0.000000e+00 : f32
    %max3A_466 = vector.broadcast %max3A_465 : f32 to vector<1x512xf32>
    %max3A_467 = arith.maximumf %broadcast_in_dim3A_453, %max3A_466 : vector<1x512xf32>
    %broadcast_in_dim3A_468 = vector.shape_cast %max3A_467 : vector<1x512xf32> to vector<1x512xf32>
    %broadcast_in_dim3A_469 = vector.broadcast %broadcast_in_dim3A_468 : vector<1x512xf32> to vector<24x512xf32>
    %select_n3A_470 = arith.select %eq3A_464, %broadcast_in_dim3A_469, %select_n3A_439 : vector<24x512xi1>, vector<24x512xf32>
    %eq3A_471 = arith.constant 1 : i32
    %eq3A_472 = vector.broadcast %eq3A_471 : i32 to vector<24x512xi32>
    %eq3A_473 = arith.cmpi eq, %iota3A_419, %eq3A_472 : vector<24x512xi32>
    %broadcast_in_dim3A_474 = vector.shape_cast %broadcast_in_dim3A_461 : vector<1x512xi32> to vector<1x512xi32>
    %broadcast_in_dim3A_475 = vector.broadcast %broadcast_in_dim3A_474 : vector<1x512xi32> to vector<24x512xi32>
    %select_n3A_476 = arith.select %eq3A_473, %broadcast_in_dim3A_475, %select_n3A_445 : vector<24x512xi1>, vector<24x512xi32>
    %eq3A_477 = vector.broadcast %broadcast_in_dim3A_461 : vector<1x512xi32> to vector<672x512xi32>
    %eq3A_478 = arith.cmpi eq, %add3A_58, %eq3A_477 : vector<672x512xi32>
    %jit3A_479 = arith.constant -1.000000e+30 : f32
    %broadcast_in_dim3A_480 = vector.broadcast %jit3A_479 : f32 to vector<672x512xf32>
    %select_n3A_481 = arith.select %eq3A_478, %broadcast_in_dim3A_480, %select_n3A_450 : vector<672x512xi1>, vector<672x512xf32>
    %reduce_max3A_482 = arith.constant dense<0xFF800000> : vector<512xf32>
    %reduce_max3A_483 = vector.multi_reduction <maximumf>, %select_n3A_481, %reduce_max3A_482 [0] : vector<672x512xf32> to vector<512xf32>
    %broadcast_in_dim3A_484 = vector.shape_cast %reduce_max3A_483 : vector<512xf32> to vector<1x512xf32>
    %eq3A_485 = vector.broadcast %broadcast_in_dim3A_484 : vector<1x512xf32> to vector<672x512xf32>
    %eq3A_486 = arith.cmpf oeq, %select_n3A_481, %eq3A_485 : vector<672x512xf32>
    %jit3A_487 = arith.constant 1073741824 : i32
    %broadcast_in_dim3A_488 = vector.broadcast %jit3A_487 : i32 to vector<672x512xi32>
    %select_n3A_489 = arith.select %eq3A_486, %add3A_58, %broadcast_in_dim3A_488 : vector<672x512xi1>, vector<672x512xi32>
    %reduce_min3A_490 = arith.constant dense<2147483647> : vector<512xi32>
    %reduce_min3A_491 = vector.multi_reduction <minsi>, %select_n3A_489, %reduce_min3A_490 [0] : vector<672x512xi32> to vector<512xi32>
    %broadcast_in_dim3A_492 = vector.shape_cast %reduce_min3A_491 : vector<512xi32> to vector<1x512xi32>
    %eq3A_493 = arith.constant 2 : i32
    %eq3A_494 = vector.broadcast %eq3A_493 : i32 to vector<24x512xi32>
    %eq3A_495 = arith.cmpi eq, %iota3A_419, %eq3A_494 : vector<24x512xi32>
    %max3A_496 = arith.constant 0.000000e+00 : f32
    %max3A_497 = vector.broadcast %max3A_496 : f32 to vector<1x512xf32>
    %max3A_498 = arith.maximumf %broadcast_in_dim3A_484, %max3A_497 : vector<1x512xf32>
    %broadcast_in_dim3A_499 = vector.shape_cast %max3A_498 : vector<1x512xf32> to vector<1x512xf32>
    %broadcast_in_dim3A_500 = vector.broadcast %broadcast_in_dim3A_499 : vector<1x512xf32> to vector<24x512xf32>
    %select_n3A_501 = arith.select %eq3A_495, %broadcast_in_dim3A_500, %select_n3A_470 : vector<24x512xi1>, vector<24x512xf32>
    %eq3A_502 = arith.constant 2 : i32
    %eq3A_503 = vector.broadcast %eq3A_502 : i32 to vector<24x512xi32>
    %eq3A_504 = arith.cmpi eq, %iota3A_419, %eq3A_503 : vector<24x512xi32>
    %broadcast_in_dim3A_505 = vector.shape_cast %broadcast_in_dim3A_492 : vector<1x512xi32> to vector<1x512xi32>
    %broadcast_in_dim3A_506 = vector.broadcast %broadcast_in_dim3A_505 : vector<1x512xi32> to vector<24x512xi32>
    %select_n3A_507 = arith.select %eq3A_504, %broadcast_in_dim3A_506, %select_n3A_476 : vector<24x512xi1>, vector<24x512xi32>
    %eq3A_508 = vector.broadcast %broadcast_in_dim3A_492 : vector<1x512xi32> to vector<672x512xi32>
    %eq3A_509 = arith.cmpi eq, %add3A_58, %eq3A_508 : vector<672x512xi32>
    %jit3A_510 = arith.constant -1.000000e+30 : f32
    %broadcast_in_dim3A_511 = vector.broadcast %jit3A_510 : f32 to vector<672x512xf32>
    %select_n3A_512 = arith.select %eq3A_509, %broadcast_in_dim3A_511, %select_n3A_481 : vector<672x512xi1>, vector<672x512xf32>
    %reduce_max3A_513 = arith.constant dense<0xFF800000> : vector<512xf32>
    %reduce_max3A_514 = vector.multi_reduction <maximumf>, %select_n3A_512, %reduce_max3A_513 [0] : vector<672x512xf32> to vector<512xf32>
    %broadcast_in_dim3A_515 = vector.shape_cast %reduce_max3A_514 : vector<512xf32> to vector<1x512xf32>
    %eq3A_516 = vector.broadcast %broadcast_in_dim3A_515 : vector<1x512xf32> to vector<672x512xf32>
    %eq3A_517 = arith.cmpf oeq, %select_n3A_512, %eq3A_516 : vector<672x512xf32>
    %jit3A_518 = arith.constant 1073741824 : i32
    %broadcast_in_dim3A_519 = vector.broadcast %jit3A_518 : i32 to vector<672x512xi32>
    %select_n3A_520 = arith.select %eq3A_517, %add3A_58, %broadcast_in_dim3A_519 : vector<672x512xi1>, vector<672x512xi32>
    %reduce_min3A_521 = arith.constant dense<2147483647> : vector<512xi32>
    %reduce_min3A_522 = vector.multi_reduction <minsi>, %select_n3A_520, %reduce_min3A_521 [0] : vector<672x512xi32> to vector<512xi32>
    %broadcast_in_dim3A_523 = vector.shape_cast %reduce_min3A_522 : vector<512xi32> to vector<1x512xi32>
    %eq3A_524 = arith.constant 3 : i32
    %eq3A_525 = vector.broadcast %eq3A_524 : i32 to vector<24x512xi32>
    %eq3A_526 = arith.cmpi eq, %iota3A_419, %eq3A_525 : vector<24x512xi32>
    %max3A_527 = arith.constant 0.000000e+00 : f32
    %max3A_528 = vector.broadcast %max3A_527 : f32 to vector<1x512xf32>
    %max3A_529 = arith.maximumf %broadcast_in_dim3A_515, %max3A_528 : vector<1x512xf32>
    %broadcast_in_dim3A_530 = vector.shape_cast %max3A_529 : vector<1x512xf32> to vector<1x512xf32>
    %broadcast_in_dim3A_531 = vector.broadcast %broadcast_in_dim3A_530 : vector<1x512xf32> to vector<24x512xf32>
    %select_n3A_532 = arith.select %eq3A_526, %broadcast_in_dim3A_531, %select_n3A_501 : vector<24x512xi1>, vector<24x512xf32>
    %eq3A_533 = arith.constant 3 : i32
    %eq3A_534 = vector.broadcast %eq3A_533 : i32 to vector<24x512xi32>
    %eq3A_535 = arith.cmpi eq, %iota3A_419, %eq3A_534 : vector<24x512xi32>
    %broadcast_in_dim3A_536 = vector.shape_cast %broadcast_in_dim3A_523 : vector<1x512xi32> to vector<1x512xi32>
    %broadcast_in_dim3A_537 = vector.broadcast %broadcast_in_dim3A_536 : vector<1x512xi32> to vector<24x512xi32>
    %select_n3A_538 = arith.select %eq3A_535, %broadcast_in_dim3A_537, %select_n3A_507 : vector<24x512xi1>, vector<24x512xi32>
    %eq3A_539 = vector.broadcast %broadcast_in_dim3A_523 : vector<1x512xi32> to vector<672x512xi32>
    %eq3A_540 = arith.cmpi eq, %add3A_58, %eq3A_539 : vector<672x512xi32>
    %jit3A_541 = arith.constant -1.000000e+30 : f32
    %broadcast_in_dim3A_542 = vector.broadcast %jit3A_541 : f32 to vector<672x512xf32>
    %select_n3A_543 = arith.select %eq3A_540, %broadcast_in_dim3A_542, %select_n3A_512 : vector<672x512xi1>, vector<672x512xf32>
    %reduce_max3A_544 = arith.constant dense<0xFF800000> : vector<512xf32>
    %reduce_max3A_545 = vector.multi_reduction <maximumf>, %select_n3A_543, %reduce_max3A_544 [0] : vector<672x512xf32> to vector<512xf32>
    %broadcast_in_dim3A_546 = vector.shape_cast %reduce_max3A_545 : vector<512xf32> to vector<1x512xf32>
    %eq3A_547 = vector.broadcast %broadcast_in_dim3A_546 : vector<1x512xf32> to vector<672x512xf32>
    %eq3A_548 = arith.cmpf oeq, %select_n3A_543, %eq3A_547 : vector<672x512xf32>
    %jit3A_549 = arith.constant 1073741824 : i32
    %broadcast_in_dim3A_550 = vector.broadcast %jit3A_549 : i32 to vector<672x512xi32>
    %select_n3A_551 = arith.select %eq3A_548, %add3A_58, %broadcast_in_dim3A_550 : vector<672x512xi1>, vector<672x512xi32>
    %reduce_min3A_552 = arith.constant dense<2147483647> : vector<512xi32>
    %reduce_min3A_553 = vector.multi_reduction <minsi>, %select_n3A_551, %reduce_min3A_552 [0] : vector<672x512xi32> to vector<512xi32>
    %broadcast_in_dim3A_554 = vector.shape_cast %reduce_min3A_553 : vector<512xi32> to vector<1x512xi32>
    %eq3A_555 = arith.constant 4 : i32
    %eq3A_556 = vector.broadcast %eq3A_555 : i32 to vector<24x512xi32>
    %eq3A_557 = arith.cmpi eq, %iota3A_419, %eq3A_556 : vector<24x512xi32>
    %max3A_558 = arith.constant 0.000000e+00 : f32
    %max3A_559 = vector.broadcast %max3A_558 : f32 to vector<1x512xf32>
    %max3A_560 = arith.maximumf %broadcast_in_dim3A_546, %max3A_559 : vector<1x512xf32>
    %broadcast_in_dim3A_561 = vector.shape_cast %max3A_560 : vector<1x512xf32> to vector<1x512xf32>
    %broadcast_in_dim3A_562 = vector.broadcast %broadcast_in_dim3A_561 : vector<1x512xf32> to vector<24x512xf32>
    %select_n3A_563 = arith.select %eq3A_557, %broadcast_in_dim3A_562, %select_n3A_532 : vector<24x512xi1>, vector<24x512xf32>
    %eq3A_564 = arith.constant 4 : i32
    %eq3A_565 = vector.broadcast %eq3A_564 : i32 to vector<24x512xi32>
    %eq3A_566 = arith.cmpi eq, %iota3A_419, %eq3A_565 : vector<24x512xi32>
    %broadcast_in_dim3A_567 = vector.shape_cast %broadcast_in_dim3A_554 : vector<1x512xi32> to vector<1x512xi32>
    %broadcast_in_dim3A_568 = vector.broadcast %broadcast_in_dim3A_567 : vector<1x512xi32> to vector<24x512xi32>
    %select_n3A_569 = arith.select %eq3A_566, %broadcast_in_dim3A_568, %select_n3A_538 : vector<24x512xi1>, vector<24x512xi32>
    %eq3A_570 = vector.broadcast %broadcast_in_dim3A_554 : vector<1x512xi32> to vector<672x512xi32>
    %eq3A_571 = arith.cmpi eq, %add3A_58, %eq3A_570 : vector<672x512xi32>
    %jit3A_572 = arith.constant -1.000000e+30 : f32
    %broadcast_in_dim3A_573 = vector.broadcast %jit3A_572 : f32 to vector<672x512xf32>
    %select_n3A_574 = arith.select %eq3A_571, %broadcast_in_dim3A_573, %select_n3A_543 : vector<672x512xi1>, vector<672x512xf32>
    %reduce_max3A_575 = arith.constant dense<0xFF800000> : vector<512xf32>
    %reduce_max3A_576 = vector.multi_reduction <maximumf>, %select_n3A_574, %reduce_max3A_575 [0] : vector<672x512xf32> to vector<512xf32>
    %broadcast_in_dim3A_577 = vector.shape_cast %reduce_max3A_576 : vector<512xf32> to vector<1x512xf32>
    %eq3A_578 = vector.broadcast %broadcast_in_dim3A_577 : vector<1x512xf32> to vector<672x512xf32>
    %eq3A_579 = arith.cmpf oeq, %select_n3A_574, %eq3A_578 : vector<672x512xf32>
    %jit3A_580 = arith.constant 1073741824 : i32
    %broadcast_in_dim3A_581 = vector.broadcast %jit3A_580 : i32 to vector<672x512xi32>
    %select_n3A_582 = arith.select %eq3A_579, %add3A_58, %broadcast_in_dim3A_581 : vector<672x512xi1>, vector<672x512xi32>
    %reduce_min3A_583 = arith.constant dense<2147483647> : vector<512xi32>
    %reduce_min3A_584 = vector.multi_reduction <minsi>, %select_n3A_582, %reduce_min3A_583 [0] : vector<672x512xi32> to vector<512xi32>
    %broadcast_in_dim3A_585 = vector.shape_cast %reduce_min3A_584 : vector<512xi32> to vector<1x512xi32>
    %eq3A_586 = arith.constant 5 : i32
    %eq3A_587 = vector.broadcast %eq3A_586 : i32 to vector<24x512xi32>
    %eq3A_588 = arith.cmpi eq, %iota3A_419, %eq3A_587 : vector<24x512xi32>
    %max3A_589 = arith.constant 0.000000e+00 : f32
    %max3A_590 = vector.broadcast %max3A_589 : f32 to vector<1x512xf32>
    %max3A_591 = arith.maximumf %broadcast_in_dim3A_577, %max3A_590 : vector<1x512xf32>
    %broadcast_in_dim3A_592 = vector.shape_cast %max3A_591 : vector<1x512xf32> to vector<1x512xf32>
    %broadcast_in_dim3A_593 = vector.broadcast %broadcast_in_dim3A_592 : vector<1x512xf32> to vector<24x512xf32>
    %select_n3A_594 = arith.select %eq3A_588, %broadcast_in_dim3A_593, %select_n3A_563 : vector<24x512xi1>, vector<24x512xf32>
    %eq3A_595 = arith.constant 5 : i32
    %eq3A_596 = vector.broadcast %eq3A_595 : i32 to vector<24x512xi32>
    %eq3A_597 = arith.cmpi eq, %iota3A_419, %eq3A_596 : vector<24x512xi32>
    %broadcast_in_dim3A_598 = vector.shape_cast %broadcast_in_dim3A_585 : vector<1x512xi32> to vector<1x512xi32>
    %broadcast_in_dim3A_599 = vector.broadcast %broadcast_in_dim3A_598 : vector<1x512xi32> to vector<24x512xi32>
    %select_n3A_600 = arith.select %eq3A_597, %broadcast_in_dim3A_599, %select_n3A_569 : vector<24x512xi1>, vector<24x512xi32>
    %eq3A_601 = vector.broadcast %broadcast_in_dim3A_585 : vector<1x512xi32> to vector<672x512xi32>
    %eq3A_602 = arith.cmpi eq, %add3A_58, %eq3A_601 : vector<672x512xi32>
    %jit3A_603 = arith.constant -1.000000e+30 : f32
    %broadcast_in_dim3A_604 = vector.broadcast %jit3A_603 : f32 to vector<672x512xf32>
    %select_n3A_605 = arith.select %eq3A_602, %broadcast_in_dim3A_604, %select_n3A_574 : vector<672x512xi1>, vector<672x512xf32>
    %reduce_max3A_606 = arith.constant dense<0xFF800000> : vector<512xf32>
    %reduce_max3A_607 = vector.multi_reduction <maximumf>, %select_n3A_605, %reduce_max3A_606 [0] : vector<672x512xf32> to vector<512xf32>
    %broadcast_in_dim3A_608 = vector.shape_cast %reduce_max3A_607 : vector<512xf32> to vector<1x512xf32>
    %eq3A_609 = vector.broadcast %broadcast_in_dim3A_608 : vector<1x512xf32> to vector<672x512xf32>
    %eq3A_610 = arith.cmpf oeq, %select_n3A_605, %eq3A_609 : vector<672x512xf32>
    %jit3A_611 = arith.constant 1073741824 : i32
    %broadcast_in_dim3A_612 = vector.broadcast %jit3A_611 : i32 to vector<672x512xi32>
    %select_n3A_613 = arith.select %eq3A_610, %add3A_58, %broadcast_in_dim3A_612 : vector<672x512xi1>, vector<672x512xi32>
    %reduce_min3A_614 = arith.constant dense<2147483647> : vector<512xi32>
    %reduce_min3A_615 = vector.multi_reduction <minsi>, %select_n3A_613, %reduce_min3A_614 [0] : vector<672x512xi32> to vector<512xi32>
    %broadcast_in_dim3A_616 = vector.shape_cast %reduce_min3A_615 : vector<512xi32> to vector<1x512xi32>
    %eq3A_617 = arith.constant 6 : i32
    %eq3A_618 = vector.broadcast %eq3A_617 : i32 to vector<24x512xi32>
    %eq3A_619 = arith.cmpi eq, %iota3A_419, %eq3A_618 : vector<24x512xi32>
    %max3A_620 = arith.constant 0.000000e+00 : f32
    %max3A_621 = vector.broadcast %max3A_620 : f32 to vector<1x512xf32>
    %max3A_622 = arith.maximumf %broadcast_in_dim3A_608, %max3A_621 : vector<1x512xf32>
    %broadcast_in_dim3A_623 = vector.shape_cast %max3A_622 : vector<1x512xf32> to vector<1x512xf32>
    %broadcast_in_dim3A_624 = vector.broadcast %broadcast_in_dim3A_623 : vector<1x512xf32> to vector<24x512xf32>
    %select_n3A_625 = arith.select %eq3A_619, %broadcast_in_dim3A_624, %select_n3A_594 : vector<24x512xi1>, vector<24x512xf32>
    %eq3A_626 = arith.constant 6 : i32
    %eq3A_627 = vector.broadcast %eq3A_626 : i32 to vector<24x512xi32>
    %eq3A_628 = arith.cmpi eq, %iota3A_419, %eq3A_627 : vector<24x512xi32>
    %broadcast_in_dim3A_629 = vector.shape_cast %broadcast_in_dim3A_616 : vector<1x512xi32> to vector<1x512xi32>
    %broadcast_in_dim3A_630 = vector.broadcast %broadcast_in_dim3A_629 : vector<1x512xi32> to vector<24x512xi32>
    %select_n3A_631 = arith.select %eq3A_628, %broadcast_in_dim3A_630, %select_n3A_600 : vector<24x512xi1>, vector<24x512xi32>
    %eq3A_632 = vector.broadcast %broadcast_in_dim3A_616 : vector<1x512xi32> to vector<672x512xi32>
    %eq3A_633 = arith.cmpi eq, %add3A_58, %eq3A_632 : vector<672x512xi32>
    %jit3A_634 = arith.constant -1.000000e+30 : f32
    %broadcast_in_dim3A_635 = vector.broadcast %jit3A_634 : f32 to vector<672x512xf32>
    %select_n3A_636 = arith.select %eq3A_633, %broadcast_in_dim3A_635, %select_n3A_605 : vector<672x512xi1>, vector<672x512xf32>
    %reduce_max3A_637 = arith.constant dense<0xFF800000> : vector<512xf32>
    %reduce_max3A_638 = vector.multi_reduction <maximumf>, %select_n3A_636, %reduce_max3A_637 [0] : vector<672x512xf32> to vector<512xf32>
    %broadcast_in_dim3A_639 = vector.shape_cast %reduce_max3A_638 : vector<512xf32> to vector<1x512xf32>
    %eq3A_640 = vector.broadcast %broadcast_in_dim3A_639 : vector<1x512xf32> to vector<672x512xf32>
    %eq3A_641 = arith.cmpf oeq, %select_n3A_636, %eq3A_640 : vector<672x512xf32>
    %jit3A_642 = arith.constant 1073741824 : i32
    %broadcast_in_dim3A_643 = vector.broadcast %jit3A_642 : i32 to vector<672x512xi32>
    %select_n3A_644 = arith.select %eq3A_641, %add3A_58, %broadcast_in_dim3A_643 : vector<672x512xi1>, vector<672x512xi32>
    %reduce_min3A_645 = arith.constant dense<2147483647> : vector<512xi32>
    %reduce_min3A_646 = vector.multi_reduction <minsi>, %select_n3A_644, %reduce_min3A_645 [0] : vector<672x512xi32> to vector<512xi32>
    %broadcast_in_dim3A_647 = vector.shape_cast %reduce_min3A_646 : vector<512xi32> to vector<1x512xi32>
    %eq3A_648 = arith.constant 7 : i32
    %eq3A_649 = vector.broadcast %eq3A_648 : i32 to vector<24x512xi32>
    %eq3A_650 = arith.cmpi eq, %iota3A_419, %eq3A_649 : vector<24x512xi32>
    %max3A_651 = arith.constant 0.000000e+00 : f32
    %max3A_652 = vector.broadcast %max3A_651 : f32 to vector<1x512xf32>
    %max3A_653 = arith.maximumf %broadcast_in_dim3A_639, %max3A_652 : vector<1x512xf32>
    %broadcast_in_dim3A_654 = vector.shape_cast %max3A_653 : vector<1x512xf32> to vector<1x512xf32>
    %broadcast_in_dim3A_655 = vector.broadcast %broadcast_in_dim3A_654 : vector<1x512xf32> to vector<24x512xf32>
    %select_n3A_656 = arith.select %eq3A_650, %broadcast_in_dim3A_655, %select_n3A_625 : vector<24x512xi1>, vector<24x512xf32>
    %eq3A_657 = arith.constant 7 : i32
    %eq3A_658 = vector.broadcast %eq3A_657 : i32 to vector<24x512xi32>
    %eq3A_659 = arith.cmpi eq, %iota3A_419, %eq3A_658 : vector<24x512xi32>
    %broadcast_in_dim3A_660 = vector.shape_cast %broadcast_in_dim3A_647 : vector<1x512xi32> to vector<1x512xi32>
    %broadcast_in_dim3A_661 = vector.broadcast %broadcast_in_dim3A_660 : vector<1x512xi32> to vector<24x512xi32>
    %select_n3A_662 = arith.select %eq3A_659, %broadcast_in_dim3A_661, %select_n3A_631 : vector<24x512xi1>, vector<24x512xi32>
    %eq3A_663 = vector.broadcast %broadcast_in_dim3A_647 : vector<1x512xi32> to vector<672x512xi32>
    %eq3A_664 = arith.cmpi eq, %add3A_58, %eq3A_663 : vector<672x512xi32>
    %jit3A_665 = arith.constant -1.000000e+30 : f32
    %broadcast_in_dim3A_666 = vector.broadcast %jit3A_665 : f32 to vector<672x512xf32>
    %select_n3A_667 = arith.select %eq3A_664, %broadcast_in_dim3A_666, %select_n3A_636 : vector<672x512xi1>, vector<672x512xf32>
    %reduce_max3A_668 = arith.constant dense<0xFF800000> : vector<512xf32>
    %reduce_max3A_669 = vector.multi_reduction <maximumf>, %select_n3A_667, %reduce_max3A_668 [0] : vector<672x512xf32> to vector<512xf32>
    %broadcast_in_dim3A_670 = vector.shape_cast %reduce_max3A_669 : vector<512xf32> to vector<1x512xf32>
    %eq3A_671 = vector.broadcast %broadcast_in_dim3A_670 : vector<1x512xf32> to vector<672x512xf32>
    %eq3A_672 = arith.cmpf oeq, %select_n3A_667, %eq3A_671 : vector<672x512xf32>
    %jit3A_673 = arith.constant 1073741824 : i32
    %broadcast_in_dim3A_674 = vector.broadcast %jit3A_673 : i32 to vector<672x512xi32>
    %select_n3A_675 = arith.select %eq3A_672, %add3A_58, %broadcast_in_dim3A_674 : vector<672x512xi1>, vector<672x512xi32>
    %reduce_min3A_676 = arith.constant dense<2147483647> : vector<512xi32>
    %reduce_min3A_677 = vector.multi_reduction <minsi>, %select_n3A_675, %reduce_min3A_676 [0] : vector<672x512xi32> to vector<512xi32>
    %broadcast_in_dim3A_678 = vector.shape_cast %reduce_min3A_677 : vector<512xi32> to vector<1x512xi32>
    %eq3A_679 = arith.constant 8 : i32
    %eq3A_680 = vector.broadcast %eq3A_679 : i32 to vector<24x512xi32>
    %eq3A_681 = arith.cmpi eq, %iota3A_419, %eq3A_680 : vector<24x512xi32>
    %max3A_682 = arith.constant 0.000000e+00 : f32
    %max3A_683 = vector.broadcast %max3A_682 : f32 to vector<1x512xf32>
    %max3A_684 = arith.maximumf %broadcast_in_dim3A_670, %max3A_683 : vector<1x512xf32>
    %broadcast_in_dim3A_685 = vector.shape_cast %max3A_684 : vector<1x512xf32> to vector<1x512xf32>
    %broadcast_in_dim3A_686 = vector.broadcast %broadcast_in_dim3A_685 : vector<1x512xf32> to vector<24x512xf32>
    %select_n3A_687 = arith.select %eq3A_681, %broadcast_in_dim3A_686, %select_n3A_656 : vector<24x512xi1>, vector<24x512xf32>
    %eq3A_688 = arith.constant 8 : i32
    %eq3A_689 = vector.broadcast %eq3A_688 : i32 to vector<24x512xi32>
    %eq3A_690 = arith.cmpi eq, %iota3A_419, %eq3A_689 : vector<24x512xi32>
    %broadcast_in_dim3A_691 = vector.shape_cast %broadcast_in_dim3A_678 : vector<1x512xi32> to vector<1x512xi32>
    %broadcast_in_dim3A_692 = vector.broadcast %broadcast_in_dim3A_691 : vector<1x512xi32> to vector<24x512xi32>
    %select_n3A_693 = arith.select %eq3A_690, %broadcast_in_dim3A_692, %select_n3A_662 : vector<24x512xi1>, vector<24x512xi32>
    %eq3A_694 = vector.broadcast %broadcast_in_dim3A_678 : vector<1x512xi32> to vector<672x512xi32>
    %eq3A_695 = arith.cmpi eq, %add3A_58, %eq3A_694 : vector<672x512xi32>
    %jit3A_696 = arith.constant -1.000000e+30 : f32
    %broadcast_in_dim3A_697 = vector.broadcast %jit3A_696 : f32 to vector<672x512xf32>
    %select_n3A_698 = arith.select %eq3A_695, %broadcast_in_dim3A_697, %select_n3A_667 : vector<672x512xi1>, vector<672x512xf32>
    %reduce_max3A_699 = arith.constant dense<0xFF800000> : vector<512xf32>
    %reduce_max3A_700 = vector.multi_reduction <maximumf>, %select_n3A_698, %reduce_max3A_699 [0] : vector<672x512xf32> to vector<512xf32>
    %broadcast_in_dim3A_701 = vector.shape_cast %reduce_max3A_700 : vector<512xf32> to vector<1x512xf32>
    %eq3A_702 = vector.broadcast %broadcast_in_dim3A_701 : vector<1x512xf32> to vector<672x512xf32>
    %eq3A_703 = arith.cmpf oeq, %select_n3A_698, %eq3A_702 : vector<672x512xf32>
    %jit3A_704 = arith.constant 1073741824 : i32
    %broadcast_in_dim3A_705 = vector.broadcast %jit3A_704 : i32 to vector<672x512xi32>
    %select_n3A_706 = arith.select %eq3A_703, %add3A_58, %broadcast_in_dim3A_705 : vector<672x512xi1>, vector<672x512xi32>
    %reduce_min3A_707 = arith.constant dense<2147483647> : vector<512xi32>
    %reduce_min3A_708 = vector.multi_reduction <minsi>, %select_n3A_706, %reduce_min3A_707 [0] : vector<672x512xi32> to vector<512xi32>
    %broadcast_in_dim3A_709 = vector.shape_cast %reduce_min3A_708 : vector<512xi32> to vector<1x512xi32>
    %eq3A_710 = arith.constant 9 : i32
    %eq3A_711 = vector.broadcast %eq3A_710 : i32 to vector<24x512xi32>
    %eq3A_712 = arith.cmpi eq, %iota3A_419, %eq3A_711 : vector<24x512xi32>
    %max3A_713 = arith.constant 0.000000e+00 : f32
    %max3A_714 = vector.broadcast %max3A_713 : f32 to vector<1x512xf32>
    %max3A_715 = arith.maximumf %broadcast_in_dim3A_701, %max3A_714 : vector<1x512xf32>
    %broadcast_in_dim3A_716 = vector.shape_cast %max3A_715 : vector<1x512xf32> to vector<1x512xf32>
    %broadcast_in_dim3A_717 = vector.broadcast %broadcast_in_dim3A_716 : vector<1x512xf32> to vector<24x512xf32>
    %select_n3A_718 = arith.select %eq3A_712, %broadcast_in_dim3A_717, %select_n3A_687 : vector<24x512xi1>, vector<24x512xf32>
    %eq3A_719 = arith.constant 9 : i32
    %eq3A_720 = vector.broadcast %eq3A_719 : i32 to vector<24x512xi32>
    %eq3A_721 = arith.cmpi eq, %iota3A_419, %eq3A_720 : vector<24x512xi32>
    %broadcast_in_dim3A_722 = vector.shape_cast %broadcast_in_dim3A_709 : vector<1x512xi32> to vector<1x512xi32>
    %broadcast_in_dim3A_723 = vector.broadcast %broadcast_in_dim3A_722 : vector<1x512xi32> to vector<24x512xi32>
    %select_n3A_724 = arith.select %eq3A_721, %broadcast_in_dim3A_723, %select_n3A_693 : vector<24x512xi1>, vector<24x512xi32>
    %eq3A_725 = vector.broadcast %broadcast_in_dim3A_709 : vector<1x512xi32> to vector<672x512xi32>
    %eq3A_726 = arith.cmpi eq, %add3A_58, %eq3A_725 : vector<672x512xi32>
    %jit3A_727 = arith.constant -1.000000e+30 : f32
    %broadcast_in_dim3A_728 = vector.broadcast %jit3A_727 : f32 to vector<672x512xf32>
    %select_n3A_729 = arith.select %eq3A_726, %broadcast_in_dim3A_728, %select_n3A_698 : vector<672x512xi1>, vector<672x512xf32>
    %reduce_max3A_730 = arith.constant dense<0xFF800000> : vector<512xf32>
    %reduce_max3A_731 = vector.multi_reduction <maximumf>, %select_n3A_729, %reduce_max3A_730 [0] : vector<672x512xf32> to vector<512xf32>
    %broadcast_in_dim3A_732 = vector.shape_cast %reduce_max3A_731 : vector<512xf32> to vector<1x512xf32>
    %eq3A_733 = vector.broadcast %broadcast_in_dim3A_732 : vector<1x512xf32> to vector<672x512xf32>
    %eq3A_734 = arith.cmpf oeq, %select_n3A_729, %eq3A_733 : vector<672x512xf32>
    %jit3A_735 = arith.constant 1073741824 : i32
    %broadcast_in_dim3A_736 = vector.broadcast %jit3A_735 : i32 to vector<672x512xi32>
    %select_n3A_737 = arith.select %eq3A_734, %add3A_58, %broadcast_in_dim3A_736 : vector<672x512xi1>, vector<672x512xi32>
    %reduce_min3A_738 = arith.constant dense<2147483647> : vector<512xi32>
    %reduce_min3A_739 = vector.multi_reduction <minsi>, %select_n3A_737, %reduce_min3A_738 [0] : vector<672x512xi32> to vector<512xi32>
    %broadcast_in_dim3A_740 = vector.shape_cast %reduce_min3A_739 : vector<512xi32> to vector<1x512xi32>
    %eq3A_741 = arith.constant 10 : i32
    %eq3A_742 = vector.broadcast %eq3A_741 : i32 to vector<24x512xi32>
    %eq3A_743 = arith.cmpi eq, %iota3A_419, %eq3A_742 : vector<24x512xi32>
    %max3A_744 = arith.constant 0.000000e+00 : f32
    %max3A_745 = vector.broadcast %max3A_744 : f32 to vector<1x512xf32>
    %max3A_746 = arith.maximumf %broadcast_in_dim3A_732, %max3A_745 : vector<1x512xf32>
    %broadcast_in_dim3A_747 = vector.shape_cast %max3A_746 : vector<1x512xf32> to vector<1x512xf32>
    %broadcast_in_dim3A_748 = vector.broadcast %broadcast_in_dim3A_747 : vector<1x512xf32> to vector<24x512xf32>
    %select_n3A_749 = arith.select %eq3A_743, %broadcast_in_dim3A_748, %select_n3A_718 : vector<24x512xi1>, vector<24x512xf32>
    %eq3A_750 = arith.constant 10 : i32
    %eq3A_751 = vector.broadcast %eq3A_750 : i32 to vector<24x512xi32>
    %eq3A_752 = arith.cmpi eq, %iota3A_419, %eq3A_751 : vector<24x512xi32>
    %broadcast_in_dim3A_753 = vector.shape_cast %broadcast_in_dim3A_740 : vector<1x512xi32> to vector<1x512xi32>
    %broadcast_in_dim3A_754 = vector.broadcast %broadcast_in_dim3A_753 : vector<1x512xi32> to vector<24x512xi32>
    %select_n3A_755 = arith.select %eq3A_752, %broadcast_in_dim3A_754, %select_n3A_724 : vector<24x512xi1>, vector<24x512xi32>
    %eq3A_756 = vector.broadcast %broadcast_in_dim3A_740 : vector<1x512xi32> to vector<672x512xi32>
    %eq3A_757 = arith.cmpi eq, %add3A_58, %eq3A_756 : vector<672x512xi32>
    %jit3A_758 = arith.constant -1.000000e+30 : f32
    %broadcast_in_dim3A_759 = vector.broadcast %jit3A_758 : f32 to vector<672x512xf32>
    %select_n3A_760 = arith.select %eq3A_757, %broadcast_in_dim3A_759, %select_n3A_729 : vector<672x512xi1>, vector<672x512xf32>
    %reduce_max3A_761 = arith.constant dense<0xFF800000> : vector<512xf32>
    %reduce_max3A_762 = vector.multi_reduction <maximumf>, %select_n3A_760, %reduce_max3A_761 [0] : vector<672x512xf32> to vector<512xf32>
    %broadcast_in_dim3A_763 = vector.shape_cast %reduce_max3A_762 : vector<512xf32> to vector<1x512xf32>
    %eq3A_764 = vector.broadcast %broadcast_in_dim3A_763 : vector<1x512xf32> to vector<672x512xf32>
    %eq3A_765 = arith.cmpf oeq, %select_n3A_760, %eq3A_764 : vector<672x512xf32>
    %jit3A_766 = arith.constant 1073741824 : i32
    %broadcast_in_dim3A_767 = vector.broadcast %jit3A_766 : i32 to vector<672x512xi32>
    %select_n3A_768 = arith.select %eq3A_765, %add3A_58, %broadcast_in_dim3A_767 : vector<672x512xi1>, vector<672x512xi32>
    %reduce_min3A_769 = arith.constant dense<2147483647> : vector<512xi32>
    %reduce_min3A_770 = vector.multi_reduction <minsi>, %select_n3A_768, %reduce_min3A_769 [0] : vector<672x512xi32> to vector<512xi32>
    %broadcast_in_dim3A_771 = vector.shape_cast %reduce_min3A_770 : vector<512xi32> to vector<1x512xi32>
    %eq3A_772 = arith.constant 11 : i32
    %eq3A_773 = vector.broadcast %eq3A_772 : i32 to vector<24x512xi32>
    %eq3A_774 = arith.cmpi eq, %iota3A_419, %eq3A_773 : vector<24x512xi32>
    %max3A_775 = arith.constant 0.000000e+00 : f32
    %max3A_776 = vector.broadcast %max3A_775 : f32 to vector<1x512xf32>
    %max3A_777 = arith.maximumf %broadcast_in_dim3A_763, %max3A_776 : vector<1x512xf32>
    %broadcast_in_dim3A_778 = vector.shape_cast %max3A_777 : vector<1x512xf32> to vector<1x512xf32>
    %broadcast_in_dim3A_779 = vector.broadcast %broadcast_in_dim3A_778 : vector<1x512xf32> to vector<24x512xf32>
    %select_n3A_780 = arith.select %eq3A_774, %broadcast_in_dim3A_779, %select_n3A_749 : vector<24x512xi1>, vector<24x512xf32>
    %eq3A_781 = arith.constant 11 : i32
    %eq3A_782 = vector.broadcast %eq3A_781 : i32 to vector<24x512xi32>
    %eq3A_783 = arith.cmpi eq, %iota3A_419, %eq3A_782 : vector<24x512xi32>
    %broadcast_in_dim3A_784 = vector.shape_cast %broadcast_in_dim3A_771 : vector<1x512xi32> to vector<1x512xi32>
    %broadcast_in_dim3A_785 = vector.broadcast %broadcast_in_dim3A_784 : vector<1x512xi32> to vector<24x512xi32>
    %select_n3A_786 = arith.select %eq3A_783, %broadcast_in_dim3A_785, %select_n3A_755 : vector<24x512xi1>, vector<24x512xi32>
    %eq3A_787 = vector.broadcast %broadcast_in_dim3A_771 : vector<1x512xi32> to vector<672x512xi32>
    %eq3A_788 = arith.cmpi eq, %add3A_58, %eq3A_787 : vector<672x512xi32>
    %jit3A_789 = arith.constant -1.000000e+30 : f32
    %broadcast_in_dim3A_790 = vector.broadcast %jit3A_789 : f32 to vector<672x512xf32>
    %select_n3A_791 = arith.select %eq3A_788, %broadcast_in_dim3A_790, %select_n3A_760 : vector<672x512xi1>, vector<672x512xf32>
    %reduce_max3A_792 = arith.constant dense<0xFF800000> : vector<512xf32>
    %reduce_max3A_793 = vector.multi_reduction <maximumf>, %select_n3A_791, %reduce_max3A_792 [0] : vector<672x512xf32> to vector<512xf32>
    %broadcast_in_dim3A_794 = vector.shape_cast %reduce_max3A_793 : vector<512xf32> to vector<1x512xf32>
    %eq3A_795 = vector.broadcast %broadcast_in_dim3A_794 : vector<1x512xf32> to vector<672x512xf32>
    %eq3A_796 = arith.cmpf oeq, %select_n3A_791, %eq3A_795 : vector<672x512xf32>
    %jit3A_797 = arith.constant 1073741824 : i32
    %broadcast_in_dim3A_798 = vector.broadcast %jit3A_797 : i32 to vector<672x512xi32>
    %select_n3A_799 = arith.select %eq3A_796, %add3A_58, %broadcast_in_dim3A_798 : vector<672x512xi1>, vector<672x512xi32>
    %reduce_min3A_800 = arith.constant dense<2147483647> : vector<512xi32>
    %reduce_min3A_801 = vector.multi_reduction <minsi>, %select_n3A_799, %reduce_min3A_800 [0] : vector<672x512xi32> to vector<512xi32>
    %broadcast_in_dim3A_802 = vector.shape_cast %reduce_min3A_801 : vector<512xi32> to vector<1x512xi32>
    %eq3A_803 = arith.constant 12 : i32
    %eq3A_804 = vector.broadcast %eq3A_803 : i32 to vector<24x512xi32>
    %eq3A_805 = arith.cmpi eq, %iota3A_419, %eq3A_804 : vector<24x512xi32>
    %max3A_806 = arith.constant 0.000000e+00 : f32
    %max3A_807 = vector.broadcast %max3A_806 : f32 to vector<1x512xf32>
    %max3A_808 = arith.maximumf %broadcast_in_dim3A_794, %max3A_807 : vector<1x512xf32>
    %broadcast_in_dim3A_809 = vector.shape_cast %max3A_808 : vector<1x512xf32> to vector<1x512xf32>
    %broadcast_in_dim3A_810 = vector.broadcast %broadcast_in_dim3A_809 : vector<1x512xf32> to vector<24x512xf32>
    %select_n3A_811 = arith.select %eq3A_805, %broadcast_in_dim3A_810, %select_n3A_780 : vector<24x512xi1>, vector<24x512xf32>
    %eq3A_812 = arith.constant 12 : i32
    %eq3A_813 = vector.broadcast %eq3A_812 : i32 to vector<24x512xi32>
    %eq3A_814 = arith.cmpi eq, %iota3A_419, %eq3A_813 : vector<24x512xi32>
    %broadcast_in_dim3A_815 = vector.shape_cast %broadcast_in_dim3A_802 : vector<1x512xi32> to vector<1x512xi32>
    %broadcast_in_dim3A_816 = vector.broadcast %broadcast_in_dim3A_815 : vector<1x512xi32> to vector<24x512xi32>
    %select_n3A_817 = arith.select %eq3A_814, %broadcast_in_dim3A_816, %select_n3A_786 : vector<24x512xi1>, vector<24x512xi32>
    %eq3A_818 = vector.broadcast %broadcast_in_dim3A_802 : vector<1x512xi32> to vector<672x512xi32>
    %eq3A_819 = arith.cmpi eq, %add3A_58, %eq3A_818 : vector<672x512xi32>
    %jit3A_820 = arith.constant -1.000000e+30 : f32
    %broadcast_in_dim3A_821 = vector.broadcast %jit3A_820 : f32 to vector<672x512xf32>
    %select_n3A_822 = arith.select %eq3A_819, %broadcast_in_dim3A_821, %select_n3A_791 : vector<672x512xi1>, vector<672x512xf32>
    %reduce_max3A_823 = arith.constant dense<0xFF800000> : vector<512xf32>
    %reduce_max3A_824 = vector.multi_reduction <maximumf>, %select_n3A_822, %reduce_max3A_823 [0] : vector<672x512xf32> to vector<512xf32>
    %broadcast_in_dim3A_825 = vector.shape_cast %reduce_max3A_824 : vector<512xf32> to vector<1x512xf32>
    %eq3A_826 = vector.broadcast %broadcast_in_dim3A_825 : vector<1x512xf32> to vector<672x512xf32>
    %eq3A_827 = arith.cmpf oeq, %select_n3A_822, %eq3A_826 : vector<672x512xf32>
    %jit3A_828 = arith.constant 1073741824 : i32
    %broadcast_in_dim3A_829 = vector.broadcast %jit3A_828 : i32 to vector<672x512xi32>
    %select_n3A_830 = arith.select %eq3A_827, %add3A_58, %broadcast_in_dim3A_829 : vector<672x512xi1>, vector<672x512xi32>
    %reduce_min3A_831 = arith.constant dense<2147483647> : vector<512xi32>
    %reduce_min3A_832 = vector.multi_reduction <minsi>, %select_n3A_830, %reduce_min3A_831 [0] : vector<672x512xi32> to vector<512xi32>
    %broadcast_in_dim3A_833 = vector.shape_cast %reduce_min3A_832 : vector<512xi32> to vector<1x512xi32>
    %eq3A_834 = arith.constant 13 : i32
    %eq3A_835 = vector.broadcast %eq3A_834 : i32 to vector<24x512xi32>
    %eq3A_836 = arith.cmpi eq, %iota3A_419, %eq3A_835 : vector<24x512xi32>
    %max3A_837 = arith.constant 0.000000e+00 : f32
    %max3A_838 = vector.broadcast %max3A_837 : f32 to vector<1x512xf32>
    %max3A_839 = arith.maximumf %broadcast_in_dim3A_825, %max3A_838 : vector<1x512xf32>
    %broadcast_in_dim3A_840 = vector.shape_cast %max3A_839 : vector<1x512xf32> to vector<1x512xf32>
    %broadcast_in_dim3A_841 = vector.broadcast %broadcast_in_dim3A_840 : vector<1x512xf32> to vector<24x512xf32>
    %select_n3A_842 = arith.select %eq3A_836, %broadcast_in_dim3A_841, %select_n3A_811 : vector<24x512xi1>, vector<24x512xf32>
    %eq3A_843 = arith.constant 13 : i32
    %eq3A_844 = vector.broadcast %eq3A_843 : i32 to vector<24x512xi32>
    %eq3A_845 = arith.cmpi eq, %iota3A_419, %eq3A_844 : vector<24x512xi32>
    %broadcast_in_dim3A_846 = vector.shape_cast %broadcast_in_dim3A_833 : vector<1x512xi32> to vector<1x512xi32>
    %broadcast_in_dim3A_847 = vector.broadcast %broadcast_in_dim3A_846 : vector<1x512xi32> to vector<24x512xi32>
    %select_n3A_848 = arith.select %eq3A_845, %broadcast_in_dim3A_847, %select_n3A_817 : vector<24x512xi1>, vector<24x512xi32>
    %eq3A_849 = vector.broadcast %broadcast_in_dim3A_833 : vector<1x512xi32> to vector<672x512xi32>
    %eq3A_850 = arith.cmpi eq, %add3A_58, %eq3A_849 : vector<672x512xi32>
    %jit3A_851 = arith.constant -1.000000e+30 : f32
    %broadcast_in_dim3A_852 = vector.broadcast %jit3A_851 : f32 to vector<672x512xf32>
    %select_n3A_853 = arith.select %eq3A_850, %broadcast_in_dim3A_852, %select_n3A_822 : vector<672x512xi1>, vector<672x512xf32>
    %reduce_max3A_854 = arith.constant dense<0xFF800000> : vector<512xf32>
    %reduce_max3A_855 = vector.multi_reduction <maximumf>, %select_n3A_853, %reduce_max3A_854 [0] : vector<672x512xf32> to vector<512xf32>
    %broadcast_in_dim3A_856 = vector.shape_cast %reduce_max3A_855 : vector<512xf32> to vector<1x512xf32>
    %eq3A_857 = vector.broadcast %broadcast_in_dim3A_856 : vector<1x512xf32> to vector<672x512xf32>
    %eq3A_858 = arith.cmpf oeq, %select_n3A_853, %eq3A_857 : vector<672x512xf32>
    %jit3A_859 = arith.constant 1073741824 : i32
    %broadcast_in_dim3A_860 = vector.broadcast %jit3A_859 : i32 to vector<672x512xi32>
    %select_n3A_861 = arith.select %eq3A_858, %add3A_58, %broadcast_in_dim3A_860 : vector<672x512xi1>, vector<672x512xi32>
    %reduce_min3A_862 = arith.constant dense<2147483647> : vector<512xi32>
    %reduce_min3A_863 = vector.multi_reduction <minsi>, %select_n3A_861, %reduce_min3A_862 [0] : vector<672x512xi32> to vector<512xi32>
    %broadcast_in_dim3A_864 = vector.shape_cast %reduce_min3A_863 : vector<512xi32> to vector<1x512xi32>
    %eq3A_865 = arith.constant 14 : i32
    %eq3A_866 = vector.broadcast %eq3A_865 : i32 to vector<24x512xi32>
    %eq3A_867 = arith.cmpi eq, %iota3A_419, %eq3A_866 : vector<24x512xi32>
    %max3A_868 = arith.constant 0.000000e+00 : f32
    %max3A_869 = vector.broadcast %max3A_868 : f32 to vector<1x512xf32>
    %max3A_870 = arith.maximumf %broadcast_in_dim3A_856, %max3A_869 : vector<1x512xf32>
    %broadcast_in_dim3A_871 = vector.shape_cast %max3A_870 : vector<1x512xf32> to vector<1x512xf32>
    %broadcast_in_dim3A_872 = vector.broadcast %broadcast_in_dim3A_871 : vector<1x512xf32> to vector<24x512xf32>
    %select_n3A_873 = arith.select %eq3A_867, %broadcast_in_dim3A_872, %select_n3A_842 : vector<24x512xi1>, vector<24x512xf32>
    %eq3A_874 = arith.constant 14 : i32
    %eq3A_875 = vector.broadcast %eq3A_874 : i32 to vector<24x512xi32>
    %eq3A_876 = arith.cmpi eq, %iota3A_419, %eq3A_875 : vector<24x512xi32>
    %broadcast_in_dim3A_877 = vector.shape_cast %broadcast_in_dim3A_864 : vector<1x512xi32> to vector<1x512xi32>
    %broadcast_in_dim3A_878 = vector.broadcast %broadcast_in_dim3A_877 : vector<1x512xi32> to vector<24x512xi32>
    %select_n3A_879 = arith.select %eq3A_876, %broadcast_in_dim3A_878, %select_n3A_848 : vector<24x512xi1>, vector<24x512xi32>
    %eq3A_880 = vector.broadcast %broadcast_in_dim3A_864 : vector<1x512xi32> to vector<672x512xi32>
    %eq3A_881 = arith.cmpi eq, %add3A_58, %eq3A_880 : vector<672x512xi32>
    %jit3A_882 = arith.constant -1.000000e+30 : f32
    %broadcast_in_dim3A_883 = vector.broadcast %jit3A_882 : f32 to vector<672x512xf32>
    %select_n3A_884 = arith.select %eq3A_881, %broadcast_in_dim3A_883, %select_n3A_853 : vector<672x512xi1>, vector<672x512xf32>
    %reduce_max3A_885 = arith.constant dense<0xFF800000> : vector<512xf32>
    %reduce_max3A_886 = vector.multi_reduction <maximumf>, %select_n3A_884, %reduce_max3A_885 [0] : vector<672x512xf32> to vector<512xf32>
    %broadcast_in_dim3A_887 = vector.shape_cast %reduce_max3A_886 : vector<512xf32> to vector<1x512xf32>
    %eq3A_888 = vector.broadcast %broadcast_in_dim3A_887 : vector<1x512xf32> to vector<672x512xf32>
    %eq3A_889 = arith.cmpf oeq, %select_n3A_884, %eq3A_888 : vector<672x512xf32>
    %jit3A_890 = arith.constant 1073741824 : i32
    %broadcast_in_dim3A_891 = vector.broadcast %jit3A_890 : i32 to vector<672x512xi32>
    %select_n3A_892 = arith.select %eq3A_889, %add3A_58, %broadcast_in_dim3A_891 : vector<672x512xi1>, vector<672x512xi32>
    %reduce_min3A_893 = arith.constant dense<2147483647> : vector<512xi32>
    %reduce_min3A_894 = vector.multi_reduction <minsi>, %select_n3A_892, %reduce_min3A_893 [0] : vector<672x512xi32> to vector<512xi32>
    %broadcast_in_dim3A_895 = vector.shape_cast %reduce_min3A_894 : vector<512xi32> to vector<1x512xi32>
    %eq3A_896 = arith.constant 15 : i32
    %eq3A_897 = vector.broadcast %eq3A_896 : i32 to vector<24x512xi32>
    %eq3A_898 = arith.cmpi eq, %iota3A_419, %eq3A_897 : vector<24x512xi32>
    %max3A_899 = arith.constant 0.000000e+00 : f32
    %max3A_900 = vector.broadcast %max3A_899 : f32 to vector<1x512xf32>
    %max3A_901 = arith.maximumf %broadcast_in_dim3A_887, %max3A_900 : vector<1x512xf32>
    %broadcast_in_dim3A_902 = vector.shape_cast %max3A_901 : vector<1x512xf32> to vector<1x512xf32>
    %broadcast_in_dim3A_903 = vector.broadcast %broadcast_in_dim3A_902 : vector<1x512xf32> to vector<24x512xf32>
    %select_n3A_904 = arith.select %eq3A_898, %broadcast_in_dim3A_903, %select_n3A_873 : vector<24x512xi1>, vector<24x512xf32>
    %eq3A_905 = arith.constant 15 : i32
    %eq3A_906 = vector.broadcast %eq3A_905 : i32 to vector<24x512xi32>
    %eq3A_907 = arith.cmpi eq, %iota3A_419, %eq3A_906 : vector<24x512xi32>
    %broadcast_in_dim3A_908 = vector.shape_cast %broadcast_in_dim3A_895 : vector<1x512xi32> to vector<1x512xi32>
    %broadcast_in_dim3A_909 = vector.broadcast %broadcast_in_dim3A_908 : vector<1x512xi32> to vector<24x512xi32>
    %select_n3A_910 = arith.select %eq3A_907, %broadcast_in_dim3A_909, %select_n3A_879 : vector<24x512xi1>, vector<24x512xi32>
    %eq3A_911 = vector.broadcast %broadcast_in_dim3A_895 : vector<1x512xi32> to vector<672x512xi32>
    %eq3A_912 = arith.cmpi eq, %add3A_58, %eq3A_911 : vector<672x512xi32>
    %jit3A_913 = arith.constant -1.000000e+30 : f32
    %broadcast_in_dim3A_914 = vector.broadcast %jit3A_913 : f32 to vector<672x512xf32>
    %select_n3A_915 = arith.select %eq3A_912, %broadcast_in_dim3A_914, %select_n3A_884 : vector<672x512xi1>, vector<672x512xf32>
    %reduce_max3A_916 = arith.constant dense<0xFF800000> : vector<512xf32>
    %reduce_max3A_917 = vector.multi_reduction <maximumf>, %select_n3A_915, %reduce_max3A_916 [0] : vector<672x512xf32> to vector<512xf32>
    %broadcast_in_dim3A_918 = vector.shape_cast %reduce_max3A_917 : vector<512xf32> to vector<1x512xf32>
    %eq3A_919 = vector.broadcast %broadcast_in_dim3A_918 : vector<1x512xf32> to vector<672x512xf32>
    %eq3A_920 = arith.cmpf oeq, %select_n3A_915, %eq3A_919 : vector<672x512xf32>
    %jit3A_921 = arith.constant 1073741824 : i32
    %broadcast_in_dim3A_922 = vector.broadcast %jit3A_921 : i32 to vector<672x512xi32>
    %select_n3A_923 = arith.select %eq3A_920, %add3A_58, %broadcast_in_dim3A_922 : vector<672x512xi1>, vector<672x512xi32>
    %reduce_min3A_924 = arith.constant dense<2147483647> : vector<512xi32>
    %reduce_min3A_925 = vector.multi_reduction <minsi>, %select_n3A_923, %reduce_min3A_924 [0] : vector<672x512xi32> to vector<512xi32>
    %broadcast_in_dim3A_926 = vector.shape_cast %reduce_min3A_925 : vector<512xi32> to vector<1x512xi32>
    %eq3A_927 = arith.constant 16 : i32
    %eq3A_928 = vector.broadcast %eq3A_927 : i32 to vector<24x512xi32>
    %eq3A_929 = arith.cmpi eq, %iota3A_419, %eq3A_928 : vector<24x512xi32>
    %max3A_930 = arith.constant 0.000000e+00 : f32
    %max3A_931 = vector.broadcast %max3A_930 : f32 to vector<1x512xf32>
    %max3A_932 = arith.maximumf %broadcast_in_dim3A_918, %max3A_931 : vector<1x512xf32>
    %broadcast_in_dim3A_933 = vector.shape_cast %max3A_932 : vector<1x512xf32> to vector<1x512xf32>
    %broadcast_in_dim3A_934 = vector.broadcast %broadcast_in_dim3A_933 : vector<1x512xf32> to vector<24x512xf32>
    %select_n3A_935 = arith.select %eq3A_929, %broadcast_in_dim3A_934, %select_n3A_904 : vector<24x512xi1>, vector<24x512xf32>
    %eq3A_936 = arith.constant 16 : i32
    %eq3A_937 = vector.broadcast %eq3A_936 : i32 to vector<24x512xi32>
    %eq3A_938 = arith.cmpi eq, %iota3A_419, %eq3A_937 : vector<24x512xi32>
    %broadcast_in_dim3A_939 = vector.shape_cast %broadcast_in_dim3A_926 : vector<1x512xi32> to vector<1x512xi32>
    %broadcast_in_dim3A_940 = vector.broadcast %broadcast_in_dim3A_939 : vector<1x512xi32> to vector<24x512xi32>
    %select_n3A_941 = arith.select %eq3A_938, %broadcast_in_dim3A_940, %select_n3A_910 : vector<24x512xi1>, vector<24x512xi32>
    %eq3A_942 = vector.broadcast %broadcast_in_dim3A_926 : vector<1x512xi32> to vector<672x512xi32>
    %eq3A_943 = arith.cmpi eq, %add3A_58, %eq3A_942 : vector<672x512xi32>
    %jit3A_944 = arith.constant -1.000000e+30 : f32
    %broadcast_in_dim3A_945 = vector.broadcast %jit3A_944 : f32 to vector<672x512xf32>
    %select_n3A_946 = arith.select %eq3A_943, %broadcast_in_dim3A_945, %select_n3A_915 : vector<672x512xi1>, vector<672x512xf32>
    %reduce_max3A_947 = arith.constant dense<0xFF800000> : vector<512xf32>
    %reduce_max3A_948 = vector.multi_reduction <maximumf>, %select_n3A_946, %reduce_max3A_947 [0] : vector<672x512xf32> to vector<512xf32>
    %broadcast_in_dim3A_949 = vector.shape_cast %reduce_max3A_948 : vector<512xf32> to vector<1x512xf32>
    %eq3A_950 = vector.broadcast %broadcast_in_dim3A_949 : vector<1x512xf32> to vector<672x512xf32>
    %eq3A_951 = arith.cmpf oeq, %select_n3A_946, %eq3A_950 : vector<672x512xf32>
    %jit3A_952 = arith.constant 1073741824 : i32
    %broadcast_in_dim3A_953 = vector.broadcast %jit3A_952 : i32 to vector<672x512xi32>
    %select_n3A_954 = arith.select %eq3A_951, %add3A_58, %broadcast_in_dim3A_953 : vector<672x512xi1>, vector<672x512xi32>
    %reduce_min3A_955 = arith.constant dense<2147483647> : vector<512xi32>
    %reduce_min3A_956 = vector.multi_reduction <minsi>, %select_n3A_954, %reduce_min3A_955 [0] : vector<672x512xi32> to vector<512xi32>
    %broadcast_in_dim3A_957 = vector.shape_cast %reduce_min3A_956 : vector<512xi32> to vector<1x512xi32>
    %eq3A_958 = arith.constant 17 : i32
    %eq3A_959 = vector.broadcast %eq3A_958 : i32 to vector<24x512xi32>
    %eq3A_960 = arith.cmpi eq, %iota3A_419, %eq3A_959 : vector<24x512xi32>
    %max3A_961 = arith.constant 0.000000e+00 : f32
    %max3A_962 = vector.broadcast %max3A_961 : f32 to vector<1x512xf32>
    %max3A_963 = arith.maximumf %broadcast_in_dim3A_949, %max3A_962 : vector<1x512xf32>
    %broadcast_in_dim3A_964 = vector.shape_cast %max3A_963 : vector<1x512xf32> to vector<1x512xf32>
    %broadcast_in_dim3A_965 = vector.broadcast %broadcast_in_dim3A_964 : vector<1x512xf32> to vector<24x512xf32>
    %select_n3A_966 = arith.select %eq3A_960, %broadcast_in_dim3A_965, %select_n3A_935 : vector<24x512xi1>, vector<24x512xf32>
    %eq3A_967 = arith.constant 17 : i32
    %eq3A_968 = vector.broadcast %eq3A_967 : i32 to vector<24x512xi32>
    %eq3A_969 = arith.cmpi eq, %iota3A_419, %eq3A_968 : vector<24x512xi32>
    %broadcast_in_dim3A_970 = vector.shape_cast %broadcast_in_dim3A_957 : vector<1x512xi32> to vector<1x512xi32>
    %broadcast_in_dim3A_971 = vector.broadcast %broadcast_in_dim3A_970 : vector<1x512xi32> to vector<24x512xi32>
    %select_n3A_972 = arith.select %eq3A_969, %broadcast_in_dim3A_971, %select_n3A_941 : vector<24x512xi1>, vector<24x512xi32>
    %eq3A_973 = vector.broadcast %broadcast_in_dim3A_957 : vector<1x512xi32> to vector<672x512xi32>
    %eq3A_974 = arith.cmpi eq, %add3A_58, %eq3A_973 : vector<672x512xi32>
    %jit3A_975 = arith.constant -1.000000e+30 : f32
    %broadcast_in_dim3A_976 = vector.broadcast %jit3A_975 : f32 to vector<672x512xf32>
    %select_n3A_977 = arith.select %eq3A_974, %broadcast_in_dim3A_976, %select_n3A_946 : vector<672x512xi1>, vector<672x512xf32>
    %reduce_max3A_978 = arith.constant dense<0xFF800000> : vector<512xf32>
    %reduce_max3A_979 = vector.multi_reduction <maximumf>, %select_n3A_977, %reduce_max3A_978 [0] : vector<672x512xf32> to vector<512xf32>
    %broadcast_in_dim3A_980 = vector.shape_cast %reduce_max3A_979 : vector<512xf32> to vector<1x512xf32>
    %eq3A_981 = vector.broadcast %broadcast_in_dim3A_980 : vector<1x512xf32> to vector<672x512xf32>
    %eq3A_982 = arith.cmpf oeq, %select_n3A_977, %eq3A_981 : vector<672x512xf32>
    %jit3A_983 = arith.constant 1073741824 : i32
    %broadcast_in_dim3A_984 = vector.broadcast %jit3A_983 : i32 to vector<672x512xi32>
    %select_n3A_985 = arith.select %eq3A_982, %add3A_58, %broadcast_in_dim3A_984 : vector<672x512xi1>, vector<672x512xi32>
    %reduce_min3A_986 = arith.constant dense<2147483647> : vector<512xi32>
    %reduce_min3A_987 = vector.multi_reduction <minsi>, %select_n3A_985, %reduce_min3A_986 [0] : vector<672x512xi32> to vector<512xi32>
    %broadcast_in_dim3A_988 = vector.shape_cast %reduce_min3A_987 : vector<512xi32> to vector<1x512xi32>
    %eq3A_989 = arith.constant 18 : i32
    %eq3A_990 = vector.broadcast %eq3A_989 : i32 to vector<24x512xi32>
    %eq3A_991 = arith.cmpi eq, %iota3A_419, %eq3A_990 : vector<24x512xi32>
    %max3A_992 = arith.constant 0.000000e+00 : f32
    %max3A_993 = vector.broadcast %max3A_992 : f32 to vector<1x512xf32>
    %max3A_994 = arith.maximumf %broadcast_in_dim3A_980, %max3A_993 : vector<1x512xf32>
    %broadcast_in_dim3A_995 = vector.shape_cast %max3A_994 : vector<1x512xf32> to vector<1x512xf32>
    %broadcast_in_dim3A_996 = vector.broadcast %broadcast_in_dim3A_995 : vector<1x512xf32> to vector<24x512xf32>
    %select_n3A_997 = arith.select %eq3A_991, %broadcast_in_dim3A_996, %select_n3A_966 : vector<24x512xi1>, vector<24x512xf32>
    %eq3A_998 = arith.constant 18 : i32
    %eq3A_999 = vector.broadcast %eq3A_998 : i32 to vector<24x512xi32>
    %eq3A_1000 = arith.cmpi eq, %iota3A_419, %eq3A_999 : vector<24x512xi32>
    %broadcast_in_dim3A_1001 = vector.shape_cast %broadcast_in_dim3A_988 : vector<1x512xi32> to vector<1x512xi32>
    %broadcast_in_dim3A_1002 = vector.broadcast %broadcast_in_dim3A_1001 : vector<1x512xi32> to vector<24x512xi32>
    %select_n3A_1003 = arith.select %eq3A_1000, %broadcast_in_dim3A_1002, %select_n3A_972 : vector<24x512xi1>, vector<24x512xi32>
    %eq3A_1004 = vector.broadcast %broadcast_in_dim3A_988 : vector<1x512xi32> to vector<672x512xi32>
    %eq3A_1005 = arith.cmpi eq, %add3A_58, %eq3A_1004 : vector<672x512xi32>
    %jit3A_1006 = arith.constant -1.000000e+30 : f32
    %broadcast_in_dim3A_1007 = vector.broadcast %jit3A_1006 : f32 to vector<672x512xf32>
    %select_n3A_1008 = arith.select %eq3A_1005, %broadcast_in_dim3A_1007, %select_n3A_977 : vector<672x512xi1>, vector<672x512xf32>
    %reduce_max3A_1009 = arith.constant dense<0xFF800000> : vector<512xf32>
    %reduce_max3A_1010 = vector.multi_reduction <maximumf>, %select_n3A_1008, %reduce_max3A_1009 [0] : vector<672x512xf32> to vector<512xf32>
    %broadcast_in_dim3A_1011 = vector.shape_cast %reduce_max3A_1010 : vector<512xf32> to vector<1x512xf32>
    %eq3A_1012 = vector.broadcast %broadcast_in_dim3A_1011 : vector<1x512xf32> to vector<672x512xf32>
    %eq3A_1013 = arith.cmpf oeq, %select_n3A_1008, %eq3A_1012 : vector<672x512xf32>
    %jit3A_1014 = arith.constant 1073741824 : i32
    %broadcast_in_dim3A_1015 = vector.broadcast %jit3A_1014 : i32 to vector<672x512xi32>
    %select_n3A_1016 = arith.select %eq3A_1013, %add3A_58, %broadcast_in_dim3A_1015 : vector<672x512xi1>, vector<672x512xi32>
    %reduce_min3A_1017 = arith.constant dense<2147483647> : vector<512xi32>
    %reduce_min3A_1018 = vector.multi_reduction <minsi>, %select_n3A_1016, %reduce_min3A_1017 [0] : vector<672x512xi32> to vector<512xi32>
    %broadcast_in_dim3A_1019 = vector.shape_cast %reduce_min3A_1018 : vector<512xi32> to vector<1x512xi32>
    %eq3A_1020 = arith.constant 19 : i32
    %eq3A_1021 = vector.broadcast %eq3A_1020 : i32 to vector<24x512xi32>
    %eq3A_1022 = arith.cmpi eq, %iota3A_419, %eq3A_1021 : vector<24x512xi32>
    %max3A_1023 = arith.constant 0.000000e+00 : f32
    %max3A_1024 = vector.broadcast %max3A_1023 : f32 to vector<1x512xf32>
    %max3A_1025 = arith.maximumf %broadcast_in_dim3A_1011, %max3A_1024 : vector<1x512xf32>
    %broadcast_in_dim3A_1026 = vector.shape_cast %max3A_1025 : vector<1x512xf32> to vector<1x512xf32>
    %broadcast_in_dim3A_1027 = vector.broadcast %broadcast_in_dim3A_1026 : vector<1x512xf32> to vector<24x512xf32>
    %select_n3A_1028 = arith.select %eq3A_1022, %broadcast_in_dim3A_1027, %select_n3A_997 : vector<24x512xi1>, vector<24x512xf32>
    %eq3A_1029 = arith.constant 19 : i32
    %eq3A_1030 = vector.broadcast %eq3A_1029 : i32 to vector<24x512xi32>
    %eq3A_1031 = arith.cmpi eq, %iota3A_419, %eq3A_1030 : vector<24x512xi32>
    %broadcast_in_dim3A_1032 = vector.shape_cast %broadcast_in_dim3A_1019 : vector<1x512xi32> to vector<1x512xi32>
    %broadcast_in_dim3A_1033 = vector.broadcast %broadcast_in_dim3A_1032 : vector<1x512xi32> to vector<24x512xi32>
    %select_n3A_1034 = arith.select %eq3A_1031, %broadcast_in_dim3A_1033, %select_n3A_1003 : vector<24x512xi1>, vector<24x512xi32>
    %eq3A_1035 = vector.broadcast %broadcast_in_dim3A_1019 : vector<1x512xi32> to vector<672x512xi32>
    %eq3A_1036 = arith.cmpi eq, %add3A_58, %eq3A_1035 : vector<672x512xi32>
    %jit3A_1037 = arith.constant -1.000000e+30 : f32
    %broadcast_in_dim3A_1038 = vector.broadcast %jit3A_1037 : f32 to vector<672x512xf32>
    %select_n3A_1039 = arith.select %eq3A_1036, %broadcast_in_dim3A_1038, %select_n3A_1008 : vector<672x512xi1>, vector<672x512xf32>
    %reduce_max3A_1040 = arith.constant dense<0xFF800000> : vector<512xf32>
    %reduce_max3A_1041 = vector.multi_reduction <maximumf>, %select_n3A_1039, %reduce_max3A_1040 [0] : vector<672x512xf32> to vector<512xf32>
    %broadcast_in_dim3A_1042 = vector.shape_cast %reduce_max3A_1041 : vector<512xf32> to vector<1x512xf32>
    %eq3A_1043 = vector.broadcast %broadcast_in_dim3A_1042 : vector<1x512xf32> to vector<672x512xf32>
    %eq3A_1044 = arith.cmpf oeq, %select_n3A_1039, %eq3A_1043 : vector<672x512xf32>
    %jit3A_1045 = arith.constant 1073741824 : i32
    %broadcast_in_dim3A_1046 = vector.broadcast %jit3A_1045 : i32 to vector<672x512xi32>
    %select_n3A_1047 = arith.select %eq3A_1044, %add3A_58, %broadcast_in_dim3A_1046 : vector<672x512xi1>, vector<672x512xi32>
    %reduce_min3A_1048 = arith.constant dense<2147483647> : vector<512xi32>
    %reduce_min3A_1049 = vector.multi_reduction <minsi>, %select_n3A_1047, %reduce_min3A_1048 [0] : vector<672x512xi32> to vector<512xi32>
    %broadcast_in_dim3A_1050 = vector.shape_cast %reduce_min3A_1049 : vector<512xi32> to vector<1x512xi32>
    %eq3A_1051 = arith.constant 20 : i32
    %eq3A_1052 = vector.broadcast %eq3A_1051 : i32 to vector<24x512xi32>
    %eq3A_1053 = arith.cmpi eq, %iota3A_419, %eq3A_1052 : vector<24x512xi32>
    %max3A_1054 = arith.constant 0.000000e+00 : f32
    %max3A_1055 = vector.broadcast %max3A_1054 : f32 to vector<1x512xf32>
    %max3A_1056 = arith.maximumf %broadcast_in_dim3A_1042, %max3A_1055 : vector<1x512xf32>
    %broadcast_in_dim3A_1057 = vector.shape_cast %max3A_1056 : vector<1x512xf32> to vector<1x512xf32>
    %broadcast_in_dim3A_1058 = vector.broadcast %broadcast_in_dim3A_1057 : vector<1x512xf32> to vector<24x512xf32>
    %select_n3A_1059 = arith.select %eq3A_1053, %broadcast_in_dim3A_1058, %select_n3A_1028 : vector<24x512xi1>, vector<24x512xf32>
    %eq3A_1060 = arith.constant 20 : i32
    %eq3A_1061 = vector.broadcast %eq3A_1060 : i32 to vector<24x512xi32>
    %eq3A_1062 = arith.cmpi eq, %iota3A_419, %eq3A_1061 : vector<24x512xi32>
    %broadcast_in_dim3A_1063 = vector.shape_cast %broadcast_in_dim3A_1050 : vector<1x512xi32> to vector<1x512xi32>
    %broadcast_in_dim3A_1064 = vector.broadcast %broadcast_in_dim3A_1063 : vector<1x512xi32> to vector<24x512xi32>
    %select_n3A_1065 = arith.select %eq3A_1062, %broadcast_in_dim3A_1064, %select_n3A_1034 : vector<24x512xi1>, vector<24x512xi32>
    %dot_general3A_1066 = arith.constant dense<0.000000e+00> : vector<512x24xf32>
    %dot_general3A_1067 = tpu.matmul %convert_element_type3A_416, %select_n3A_1059, %dot_general3A_1066 {dimension_numbers = #tpu.dot_dimension_numbers<[1], [1], [0], [0], [0, 0, 1, 0], [], []>, precision = #tpu.contract_precision<fp32>, transpose_lhs_hint = false} : vector<512x512xf32>, vector<24x512xf32>, vector<512x24xf32> -> vector<512x24xf32>
    %convert_element_type3A_1068 = arith.sitofp %select_n3A_1065 : vector<24x512xi32> to vector<24x512xf32>
    %dot_general3A_1069 = arith.constant dense<0.000000e+00> : vector<512x24xf32>
    %dot_general3A_1070 = tpu.matmul %convert_element_type3A_416, %convert_element_type3A_1068, %dot_general3A_1069 {dimension_numbers = #tpu.dot_dimension_numbers<[1], [1], [0], [0], [0, 0, 1, 0], [], []>, precision = #tpu.contract_precision<fp32>, transpose_lhs_hint = false} : vector<512x512xf32>, vector<24x512xf32>, vector<512x24xf32> -> vector<512x24xf32>
    %convert_element_type3A_1071 = arith.fptosi %dot_general3A_1070 : vector<512x24xf32> to vector<512x24xi32>
    %slice3A_1072 = vector.extract_strided_slice %dot_general3A_1067 {offsets = [0, 0], sizes = [512, 21], strides = [1, 1]} : vector<512x24xf32> to vector<512x21xf32>
    %slice3A_1073 = vector.extract_strided_slice %convert_element_type3A_1071 {offsets = [0, 0], sizes = [512, 21], strides = [1, 1]} : vector<512x24xi32> to vector<512x21xi32>
    %mul3A_1074 = arith.constant 512 : i32
    %mul3A_1075 = arith.muli %add3A_0, %mul3A_1074 : i32
    %iota3A_1076 = tpu.iota {dimensions = array<i32: 0>} : vector<512x21xi32>
    %add3A_1077 = vector.broadcast %mul3A_1075 : i32 to vector<512x21xi32>
    %add3A_1078 = arith.addi %add3A_1077, %iota3A_1076 : vector<512x21xi32>
    %broadcast_in_dim3A_1079 = vector.shape_cast %add3A_1078 : vector<512x21xi32> to vector<1x512x21xi32>
    %broadcast_in_dim3A_1080 = vector.shape_cast %slice3A_1073 : vector<512x21xi32> to vector<1x512x21xi32>
    %broadcast_in_dim3A_1081 = vector.shape_cast %slice3A_1073 : vector<512x21xi32> to vector<1x512x21xi32>
    %broadcast_in_dim3A_1082 = vector.shape_cast %add3A_1078 : vector<512x21xi32> to vector<1x512x21xi32>
    %concatenate3A_1083 = tpu.concatenate %broadcast_in_dim3A_1079, %broadcast_in_dim3A_1080, %broadcast_in_dim3A_1081, %broadcast_in_dim3A_1082 in 0 : vector<1x512x21xi32>, vector<1x512x21xi32>, vector<1x512x21xi32>, vector<1x512x21xi32> -> vector<4x512x21xi32>
    %reshape3A = vector.shape_cast %concatenate3A_1083 : vector<4x512x21xi32> to vector<2x2x512x21xi32>
    %swap3A = arith.constant 0 : index
    %swap3A_1084 = arith.constant 0 : index
    %swap3A_1085 = arith.constant 0 : index
    %swap3A_1086 = arith.constant 0 : index
    %swap3A_1087 = vector.load %arg23[%swap3A, %swap3A_1084, %swap3A_1085, %swap3A_1086] : memref<2x2x512x21xi32, #tpu.memory_space<vmem>>, vector<2x2x512x21xi32>
    tpu.vector_store %arg23[%swap3A, %swap3A_1084, %swap3A_1085, %swap3A_1086], %reshape3A {strides = array<i32>} : memref<2x2x512x21xi32, #tpu.memory_space<vmem>>, vector<2x2x512x21xi32>,
    %broadcast_in_dim3A_1088 = vector.shape_cast %slice3A_1072 : vector<512x21xf32> to vector<1x512x21xf32>
    %broadcast_in_dim3A_1089 = vector.shape_cast %slice3A_1072 : vector<512x21xf32> to vector<1x512x21xf32>
    %concatenate3A_1090 = tpu.concatenate %broadcast_in_dim3A_1088, %broadcast_in_dim3A_1089 in 0 : vector<1x512x21xf32>, vector<1x512x21xf32> -> vector<2x512x21xf32>
    %swap3A_1091 = arith.constant 0 : index
    %swap3A_1092 = arith.constant 0 : index
    %swap3A_1093 = arith.constant 0 : index
    %swap3A_1094 = vector.load %arg24[%swap3A_1091, %swap3A_1092, %swap3A_1093] : memref<2x512x21xf32, #tpu.memory_space<vmem>>, vector<2x512x21xf32>
    tpu.vector_store %arg24[%swap3A_1091, %swap3A_1092, %swap3A_1093], %concatenate3A_1090 {strides = array<i32>} : memref<2x512x21xf32, #tpu.memory_space<vmem>>, vector<2x512x21xf32>,
    return
  }
  func.func @transform_0(%arg0: i32) -> (i32, i32) {
    %add3A = arith.constant 0 : i32
    %add3A_0 = arith.addi %add3A, %arg0 : i32
    %c0_i32 = arith.constant 0 : i32
    %c0_i32_1 = arith.constant 0 : i32
    return %add3A_0, %c0_i32 : i32, i32
  }
  func.func @transform_1(%arg0: i32) -> (i32, i32) {
    %add3A = arith.constant 10 : i32
    %add3A_0 = arith.addi %add3A, %arg0 : i32
    %c0_i32 = arith.constant 0 : i32
    %c0_i32_1 = arith.constant 0 : i32
    return %add3A_0, %c0_i32 : i32, i32
  }
  func.func @transform_2(%arg0: i32) -> (i32, i32) {
    %add3A = arith.constant 20 : i32
    %add3A_0 = arith.addi %add3A, %arg0 : i32
    %c0_i32 = arith.constant 0 : i32
    %c0_i32_1 = arith.constant 0 : i32
    return %add3A_0, %c0_i32 : i32, i32
  }
  func.func @transform_3(%arg0: i32) -> (i32, i32) {
    %add3A = arith.constant 30 : i32
    %add3A_0 = arith.addi %add3A, %arg0 : i32
    %c0_i32 = arith.constant 0 : i32
    %c0_i32_1 = arith.constant 0 : i32
    return %add3A_0, %c0_i32 : i32, i32
  }
  func.func @transform_4(%arg0: i32) -> (i32, i32) {
    %add3A = arith.constant 40 : i32
    %add3A_0 = arith.addi %add3A, %arg0 : i32
    %c0_i32 = arith.constant 0 : i32
    %c0_i32_1 = arith.constant 0 : i32
    return %add3A_0, %c0_i32 : i32, i32
  }
  func.func @transform_5(%arg0: i32) -> (i32, i32) {
    %add3A = arith.constant 50 : i32
    %add3A_0 = arith.addi %add3A, %arg0 : i32
    %c0_i32 = arith.constant 0 : i32
    %c0_i32_1 = arith.constant 0 : i32
    return %add3A_0, %c0_i32 : i32, i32
  }
  func.func @transform_6(%arg0: i32) -> (i32, i32) {
    %add3A = arith.constant 60 : i32
    %add3A_0 = arith.addi %add3A, %arg0 : i32
    %c0_i32 = arith.constant 0 : i32
    %c0_i32_1 = arith.constant 0 : i32
    return %add3A_0, %c0_i32 : i32, i32
  }
  func.func @transform_7(%arg0: i32) -> (i32, i32) {
    %add3A = arith.constant 70 : i32
    %add3A_0 = arith.addi %add3A, %arg0 : i32
    %c0_i32 = arith.constant 0 : i32
    %c0_i32_1 = arith.constant 0 : i32
    return %add3A_0, %c0_i32 : i32, i32
  }
  func.func @transform_8(%arg0: i32) -> (i32, i32) {
    %add3A = arith.constant 80 : i32
    %add3A_0 = arith.addi %add3A, %arg0 : i32
    %c0_i32 = arith.constant 0 : i32
    %c0_i32_1 = arith.constant 0 : i32
    return %add3A_0, %c0_i32 : i32, i32
  }
  func.func @transform_9(%arg0: i32) -> (i32, i32) {
    %add3A = arith.constant 90 : i32
    %add3A_0 = arith.addi %add3A, %arg0 : i32
    %c0_i32 = arith.constant 0 : i32
    %c0_i32_1 = arith.constant 0 : i32
    return %add3A_0, %c0_i32 : i32, i32
  }
  func.func @transform_10(%arg0: i32) -> (i32, i32) {
    %add3A = arith.constant 100 : i32
    %add3A_0 = arith.addi %add3A, %arg0 : i32
    %c0_i32 = arith.constant 0 : i32
    %c0_i32_1 = arith.constant 0 : i32
    return %add3A_0, %c0_i32 : i32, i32
  }
  func.func @transform_11(%arg0: i32) -> (i32, i32) {
    %add3A = arith.constant 110 : i32
    %add3A_0 = arith.addi %add3A, %arg0 : i32
    %c0_i32 = arith.constant 0 : i32
    %c0_i32_1 = arith.constant 0 : i32
    return %add3A_0, %c0_i32 : i32, i32
  }
  func.func @transform_12(%arg0: i32) -> (i32, i32) {
    %add3A = arith.constant 120 : i32
    %add3A_0 = arith.addi %add3A, %arg0 : i32
    %c0_i32 = arith.constant 0 : i32
    %c0_i32_1 = arith.constant 0 : i32
    return %add3A_0, %c0_i32 : i32, i32
  }
  func.func @transform_13(%arg0: i32) -> (i32, i32) {
    %add3A = arith.constant 130 : i32
    %add3A_0 = arith.addi %add3A, %arg0 : i32
    %c0_i32 = arith.constant 0 : i32
    %c0_i32_1 = arith.constant 0 : i32
    return %add3A_0, %c0_i32 : i32, i32
  }
  func.func @transform_14(%arg0: i32) -> (i32, i32) {
    %add3A = arith.constant 140 : i32
    %add3A_0 = arith.addi %add3A, %arg0 : i32
    %c0_i32 = arith.constant 0 : i32
    %c0_i32_1 = arith.constant 0 : i32
    return %add3A_0, %c0_i32 : i32, i32
  }
  func.func @transform_15(%arg0: i32) -> (i32, i32) {
    %add3A = arith.constant 150 : i32
    %add3A_0 = arith.addi %add3A, %arg0 : i32
    %c0_i32 = arith.constant 0 : i32
    %c0_i32_1 = arith.constant 0 : i32
    return %add3A_0, %c0_i32 : i32, i32
  }
  func.func @transform_16(%arg0: i32) -> (i32, i32) {
    %add3A = arith.constant 160 : i32
    %add3A_0 = arith.addi %add3A, %arg0 : i32
    %c0_i32 = arith.constant 0 : i32
    %c0_i32_1 = arith.constant 0 : i32
    return %add3A_0, %c0_i32 : i32, i32
  }
  func.func @transform_17(%arg0: i32) -> (i32, i32) {
    %add3A = arith.constant 170 : i32
    %add3A_0 = arith.addi %add3A, %arg0 : i32
    %c0_i32 = arith.constant 0 : i32
    %c0_i32_1 = arith.constant 0 : i32
    return %add3A_0, %c0_i32 : i32, i32
  }
  func.func @transform_18(%arg0: i32) -> (i32, i32) {
    %add3A = arith.constant 180 : i32
    %add3A_0 = arith.addi %add3A, %arg0 : i32
    %c0_i32 = arith.constant 0 : i32
    %c0_i32_1 = arith.constant 0 : i32
    return %add3A_0, %c0_i32 : i32, i32
  }
  func.func @transform_19(%arg0: i32) -> (i32, i32) {
    %add3A = arith.constant 190 : i32
    %add3A_0 = arith.addi %add3A, %arg0 : i32
    %c0_i32 = arith.constant 0 : i32
    %c0_i32_1 = arith.constant 0 : i32
    return %add3A_0, %c0_i32 : i32, i32
  }
  func.func @transform_20(%arg0: i32) -> (i32, i32) {
    %add3A = arith.constant 200 : i32
    %add3A_0 = arith.addi %add3A, %arg0 : i32
    %c0_i32 = arith.constant 0 : i32
    %c0_i32_1 = arith.constant 0 : i32
    return %add3A_0, %c0_i32 : i32, i32
  }
  func.func @transform_21(%arg0: i32) -> (i32, i32) {
    %c0_i32 = arith.constant 0 : i32
    %c0_i32_0 = arith.constant 0 : i32
    return %c0_i32, %arg0 : i32, i32
  }
  func.func @transform_22(%arg0: i32) -> (i32, i32, i32, i32) {
    %c0_i32 = arith.constant 0 : i32
    %c0_i32_0 = arith.constant 0 : i32
    %c0_i32_1 = arith.constant 0 : i32
    %c0_i32_2 = arith.constant 0 : i32
    return %c0_i32, %c0_i32_0, %arg0, %c0_i32_1 : i32, i32, i32, i32
  }
  func.func @transform_23(%arg0: i32) -> (i32, i32, i32) {
    %c0_i32 = arith.constant 0 : i32
    %c0_i32_0 = arith.constant 0 : i32
    %c0_i32_1 = arith.constant 0 : i32
    return %c0_i32, %arg0, %c0_i32_0 : i32, i32, i32
  }
}

module attributes {stable_mosaic.version = 14 : i64} {
  func.func @_final_topk_body(%arg0: i32, %arg1: memref<512x128xf32, #tpu.memory_space<vmem>>, %arg2: memref<512x128xf32, #tpu.memory_space<vmem>>, %arg3: memref<512x128xf32, #tpu.memory_space<vmem>>, %arg4: memref<512x128xf32, #tpu.memory_space<vmem>>, %arg5: memref<512x128xf32, #tpu.memory_space<vmem>>, %arg6: memref<512x128xf32, #tpu.memory_space<vmem>>, %arg7: memref<512x128xf32, #tpu.memory_space<vmem>>, %arg8: memref<512x128xf32, #tpu.memory_space<vmem>>, %arg9: memref<512x128xf32, #tpu.memory_space<vmem>>, %arg10: memref<512x128xf32, #tpu.memory_space<vmem>>, %arg11: memref<512x128xf32, #tpu.memory_space<vmem>>, %arg12: memref<512x128xf32, #tpu.memory_space<vmem>>, %arg13: memref<512x128xf32, #tpu.memory_space<vmem>>, %arg14: memref<512x128xf32, #tpu.memory_space<vmem>>, %arg15: memref<512x128xf32, #tpu.memory_space<vmem>>, %arg16: memref<512x128xf32, #tpu.memory_space<vmem>>, %arg17: memref<512x128xf32, #tpu.memory_space<vmem>>, %arg18: memref<512x128xf32, #tpu.memory_space<vmem>>, %arg19: memref<512x128xf32, #tpu.memory_space<vmem>>, %arg20: memref<512x128xf32, #tpu.memory_space<vmem>>, %arg21: memref<512x128xf32, #tpu.memory_space<vmem>>, %arg22: memref<24x512xi32, #tpu.memory_space<vmem>>, %arg23: memref<2x2x512x21xi32, #tpu.memory_space<vmem>>, %arg24: memref<2x512x21xf32, #tpu.memory_space<vmem>>) attributes {dimension_semantics = [#tpu.dimension_semantics<arbitrary>], iteration_bounds = array<i64: 10>, scalar_prefetch = 0 : i64, scratch_operands = 0 : i64, tpu.core_type = #tpu.core_type<tc>, window_params = [{transform_indices = @transform_0, window_bounds = array<i64: 512, 128>}, {transform_indices = @transform_1, window_bounds = array<i64: 512, 128>}, {transform_indices = @transform_2, window_bounds = array<i64: 512, 128>}, {transform_indices = @transform_3, window_bounds = array<i64: 512, 128>}, {transform_indices = @transform_4, window_bounds = array<i64: 512, 128>}, {transform_indices = @transform_5, window_bounds = array<i64: 512, 128>}, {transform_indices = @transform_6, window_bounds = array<i64: 512, 128>}, {transform_indices = @transform_7, window_bounds = array<i64: 512, 128>}, {transform_indices = @transform_8, window_bounds = array<i64: 512, 128>}, {transform_indices = @transform_9, window_bounds = array<i64: 512, 128>}, {transform_indices = @transform_10, window_bounds = array<i64: 512, 128>}, {transform_indices = @transform_11, window_bounds = array<i64: 512, 128>}, {transform_indices = @transform_12, window_bounds = array<i64: 512, 128>}, {transform_indices = @transform_13, window_bounds = array<i64: 512, 128>}, {transform_indices = @transform_14, window_bounds = array<i64: 512, 128>}, {transform_indices = @transform_15, window_bounds = array<i64: 512, 128>}, {transform_indices = @transform_16, window_bounds = array<i64: 512, 128>}, {transform_indices = @transform_17, window_bounds = array<i64: 512, 128>}, {transform_indices = @transform_18, window_bounds = array<i64: 512, 128>}, {transform_indices = @transform_19, window_bounds = array<i64: 512, 128>}, {transform_indices = @transform_20, window_bounds = array<i64: 512, 128>}, {transform_indices = @transform_21, window_bounds = array<i64: 24, 512>}, {transform_indices = @transform_22, window_bounds = array<i64: 2, 2, 512, 21>}, {transform_indices = @transform_23, window_bounds = array<i64: 2, 512, 21>}]} {
    %add3A = arith.constant 0 : i32
    %add3A_0 = arith.addi %add3A, %arg0 : i32
    %get3A = arith.constant 0 : index
    %get3A_1 = arith.constant 0 : index
    %get3A_2 = vector.load %arg22[%get3A, %get3A_1] : memref<24x512xi32, #tpu.memory_space<vmem>>, vector<24x512xi32>
    %convert_element_type3A = arith.sitofp %get3A_2 : vector<24x512xi32> to vector<24x512xf32>
    %iota3A = tpu.iota {dimensions = array<i32: 0>} : vector<24x672xi32>
    %iota3A_3 = tpu.iota {dimensions = array<i32: 1>} : vector<24x672xi32>
    %jit3A = arith.constant 32 : i32
    %div3A = vector.broadcast %jit3A : i32 to vector<24x672xi32>
    %div3A_4 = arith.divsi %iota3A_3, %div3A : vector<24x672xi32>
    %sign3A = arith.constant 0 : i32
    %sign3A_5 = vector.broadcast %sign3A : i32 to vector<24x672xi32>
    %sign3A_6 = arith.cmpi sgt, %iota3A_3, %sign3A_5 : vector<24x672xi32>
    %sign3A_7 = arith.extui %sign3A_6 : vector<24x672xi1> to vector<24x672xi32>
    %sign3A_8 = arith.constant 0 : i32
    %sign3A_9 = vector.broadcast %sign3A_8 : i32 to vector<24x672xi32>
    %sign3A_10 = arith.cmpi slt, %iota3A_3, %sign3A_9 : vector<24x672xi32>
    %sign3A_11 = arith.extui %sign3A_10 : vector<24x672xi1> to vector<24x672xi32>
    %sign3A_12 = arith.subi %sign3A_7, %sign3A_11 : vector<24x672xi32>
    %sign3A_13 = arith.constant 0 : i32
    %sign3A_14 = arith.cmpi sgt, %jit3A, %sign3A_13 : i32
    %sign3A_15 = arith.extui %sign3A_14 : i1 to i32
    %sign3A_16 = arith.constant 0 : i32
    %sign3A_17 = arith.cmpi slt, %jit3A, %sign3A_16 : i32
    %sign3A_18 = arith.extui %sign3A_17 : i1 to i32
    %sign3A_19 = arith.subi %sign3A_15, %sign3A_18 : i32
    %ne3A = vector.broadcast %sign3A_19 : i32 to vector<24x672xi32>
    %ne3A_20 = arith.cmpi ne, %sign3A_12, %ne3A : vector<24x672xi32>
    %rem3A = vector.broadcast %jit3A : i32 to vector<24x672xi32>
    %rem3A_21 = arith.remsi %iota3A_3, %rem3A : vector<24x672xi32>
    %ne3A_22 = arith.constant 0 : i32
    %ne3A_23 = vector.broadcast %ne3A_22 : i32 to vector<24x672xi32>
    %ne3A_24 = arith.cmpi ne, %rem3A_21, %ne3A_23 : vector<24x672xi32>
    %and3A = arith.andi %ne3A_20, %ne3A_24 : vector<24x672xi1>
    %sub3A = arith.constant 1 : i32
    %sub3A_25 = vector.broadcast %sub3A : i32 to vector<24x672xi32>
    %sub3A_26 = arith.subi %div3A_4, %sub3A_25 : vector<24x672xi32>
    %select_n3A = arith.select %and3A, %sub3A_26, %div3A_4 : vector<24x672xi1>, vector<24x672xi32>
    %eq3A = arith.cmpi eq, %iota3A, %select_n3A : vector<24x672xi32>
    %convert_element_type3A_27 = arith.extui %eq3A : vector<24x672xi1> to vector<24x672xi32>
    %convert_element_type3A_28 = arith.sitofp %convert_element_type3A_27 : vector<24x672xi32> to vector<24x672xf32>
    %dot_general3A = arith.constant dense<0.000000e+00> : vector<512x672xf32>
    %dot_general3A_29 = tpu.matmul %convert_element_type3A, %convert_element_type3A_28, %dot_general3A {dimension_numbers = #tpu.dot_dimension_numbers<[0], [0], [1], [1], [0, 1, 1, 1], [], []>, precision = #tpu.contract_precision<fp32>, transpose_lhs_hint = false} : vector<24x512xf32>, vector<24x672xf32>, vector<512x672xf32> -> vector<512x672xf32>
    %convert_element_type3A_30 = arith.fptosi %dot_general3A_29 : vector<512x672xf32> to vector<512x672xi32>
    %dot_general3A_31 = arith.constant dense<0.000000e+00> : vector<672x512xf32>
    %dot_general3A_32 = tpu.matmul %convert_element_type3A_28, %convert_element_type3A, %dot_general3A_31 {dimension_numbers = #tpu.dot_dimension_numbers<[0], [0], [1], [1], [0, 1, 1, 1], [], []>, precision = #tpu.contract_precision<fp32>, transpose_lhs_hint = false} : vector<24x672xf32>, vector<24x512xf32>, vector<672x512xf32> -> vector<672x512xf32>
    %convert_element_type3A_33 = arith.fptosi %dot_general3A_32 : vector<672x512xf32> to vector<672x512xi32>
    %iota3A_34 = tpu.iota {dimensions = array<i32: 0>} : vector<672x512xi32>
    %mul3A = arith.constant 32 : i32
    %mul3A_35 = vector.broadcast %mul3A : i32 to vector<672x512xi32>
    %mul3A_36 = arith.muli %convert_element_type3A_33, %mul3A_35 : vector<672x512xi32>
    %jit3A_37 = arith.constant 32 : i32
    %eq3A_38 = arith.constant 0 : i32
    %eq3A_39 = arith.cmpi eq, %jit3A_37, %eq3A_38 : i32
    %jit3A_40 = arith.constant 1 : i32
    %select_n3A_41 = arith.select %eq3A_39, %jit3A_40, %jit3A_37 : i32
    %rem3A_42 = vector.broadcast %select_n3A_41 : i32 to vector<672x512xi32>
    %rem3A_43 = arith.remsi %iota3A_34, %rem3A_42 : vector<672x512xi32>
    %ne3A_44 = arith.constant 0 : i32
    %ne3A_45 = vector.broadcast %ne3A_44 : i32 to vector<672x512xi32>
    %ne3A_46 = arith.cmpi ne, %rem3A_43, %ne3A_45 : vector<672x512xi32>
    %lt3A = arith.constant 0 : i32
    %lt3A_47 = vector.broadcast %lt3A : i32 to vector<672x512xi32>
    %lt3A_48 = arith.cmpi slt, %rem3A_43, %lt3A_47 : vector<672x512xi32>
    %lt3A_49 = arith.constant 0 : i32
    %lt3A_50 = arith.cmpi slt, %select_n3A_41, %lt3A_49 : i32
    %ne3A_51 = vector.broadcast %lt3A_50 : i1 to vector<672x512xi1>
    %ne3A_52 = vector.broadcast %ne3A_51 : vector<672x512xi1> to vector<672x512xi1>
    %ne3A_53 = arith.xori %lt3A_48, %ne3A_52 : vector<672x512xi1>
    %and3A_54 = arith.andi %ne3A_53, %ne3A_46 : vector<672x512xi1>
    %add3A_55 = vector.broadcast %select_n3A_41 : i32 to vector<672x512xi32>
    %add3A_56 = arith.addi %rem3A_43, %add3A_55 : vector<672x512xi32>
    %select_n3A_57 = arith.select %and3A_54, %add3A_56, %rem3A_43 : vector<672x512xi1>, vector<672x512xi32>
    %add3A_58 = arith.addi %mul3A_36, %select_n3A_57 : vector<672x512xi32>
    %get3A_59 = arith.constant 0 : index
    %get3A_60 = arith.constant 0 : index
    %get3A_61 = vector.load %arg1[%get3A_59, %get3A_60] : memref<512x128xf32, #tpu.memory_space<vmem>>, vector<512x128xf32>
    %slice3A = vector.extract_strided_slice %get3A_61 {offsets = [0, 0], sizes = [512, 32], strides = [1, 1]} : vector<512x128xf32> to vector<512x32xf32>
    %get3A_62 = arith.constant 0 : index
    %get3A_63 = arith.constant 0 : index
    %get3A_64 = vector.load %arg2[%get3A_62, %get3A_63] : memref<512x128xf32, #tpu.memory_space<vmem>>, vector<512x128xf32>
    %slice3A_65 = vector.extract_strided_slice %get3A_64 {offsets = [0, 0], sizes = [512, 32], strides = [1, 1]} : vector<512x128xf32> to vector<512x32xf32>
    %get3A_66 = arith.constant 0 : index
    %get3A_67 = arith.constant 0 : index
    %get3A_68 = vector.load %arg3[%get3A_66, %get3A_67] : memref<512x128xf32, #tpu.memory_space<vmem>>, vector<512x128xf32>
    %slice3A_69 = vector.extract_strided_slice %get3A_68 {offsets = [0, 0], sizes = [512, 32], strides = [1, 1]} : vector<512x128xf32> to vector<512x32xf32>
    %get3A_70 = arith.constant 0 : index
    %get3A_71 = arith.constant 0 : index
    %get3A_72 = vector.load %arg4[%get3A_70, %get3A_71] : memref<512x128xf32, #tpu.memory_space<vmem>>, vector<512x128xf32>
    %slice3A_73 = vector.extract_strided_slice %get3A_72 {offsets = [0, 0], sizes = [512, 32], strides = [1, 1]} : vector<512x128xf32> to vector<512x32xf32>
    %get3A_74 = arith.constant 0 : index
    %get3A_75 = arith.constant 0 : index
    %get3A_76 = vector.load %arg5[%get3A_74, %get3A_75] : memref<512x128xf32, #tpu.memory_space<vmem>>, vector<512x128xf32>
    %slice3A_77 = vector.extract_strided_slice %get3A_76 {offsets = [0, 0], sizes = [512, 32], strides = [1, 1]} : vector<512x128xf32> to vector<512x32xf32>
    %get3A_78 = arith.constant 0 : index
    %get3A_79 = arith.constant 0 : index
    %get3A_80 = vector.load %arg6[%get3A_78, %get3A_79] : memref<512x128xf32, #tpu.memory_space<vmem>>, vector<512x128xf32>
    %slice3A_81 = vector.extract_strided_slice %get3A_80 {offsets = [0, 0], sizes = [512, 32], strides = [1, 1]} : vector<512x128xf32> to vector<512x32xf32>
    %get3A_82 = arith.constant 0 : index
    %get3A_83 = arith.constant 0 : index
    %get3A_84 = vector.load %arg7[%get3A_82, %get3A_83] : memref<512x128xf32, #tpu.memory_space<vmem>>, vector<512x128xf32>
    %slice3A_85 = vector.extract_strided_slice %get3A_84 {offsets = [0, 0], sizes = [512, 32], strides = [1, 1]} : vector<512x128xf32> to vector<512x32xf32>
    %get3A_86 = arith.constant 0 : index
    %get3A_87 = arith.constant 0 : index
    %get3A_88 = vector.load %arg8[%get3A_86, %get3A_87] : memref<512x128xf32, #tpu.memory_space<vmem>>, vector<512x128xf32>
    %slice3A_89 = vector.extract_strided_slice %get3A_88 {offsets = [0, 0], sizes = [512, 32], strides = [1, 1]} : vector<512x128xf32> to vector<512x32xf32>
    %get3A_90 = arith.constant 0 : index
    %get3A_91 = arith.constant 0 : index
    %get3A_92 = vector.load %arg9[%get3A_90, %get3A_91] : memref<512x128xf32, #tpu.memory_space<vmem>>, vector<512x128xf32>
    %slice3A_93 = vector.extract_strided_slice %get3A_92 {offsets = [0, 0], sizes = [512, 32], strides = [1, 1]} : vector<512x128xf32> to vector<512x32xf32>
    %get3A_94 = arith.constant 0 : index
    %get3A_95 = arith.constant 0 : index
    %get3A_96 = vector.load %arg10[%get3A_94, %get3A_95] : memref<512x128xf32, #tpu.memory_space<vmem>>, vector<512x128xf32>
    %slice3A_97 = vector.extract_strided_slice %get3A_96 {offsets = [0, 0], sizes = [512, 32], strides = [1, 1]} : vector<512x128xf32> to vector<512x32xf32>
    %get3A_98 = arith.constant 0 : index
    %get3A_99 = arith.constant 0 : index
    %get3A_100 = vector.load %arg11[%get3A_98, %get3A_99] : memref<512x128xf32, #tpu.memory_space<vmem>>, vector<512x128xf32>
    %slice3A_101 = vector.extract_strided_slice %get3A_100 {offsets = [0, 0], sizes = [512, 32], strides = [1, 1]} : vector<512x128xf32> to vector<512x32xf32>
    %get3A_102 = arith.constant 0 : index
    %get3A_103 = arith.constant 0 : index
    %get3A_104 = vector.load %arg12[%get3A_102, %get3A_103] : memref<512x128xf32, #tpu.memory_space<vmem>>, vector<512x128xf32>
    %slice3A_105 = vector.extract_strided_slice %get3A_104 {offsets = [0, 0], sizes = [512, 32], strides = [1, 1]} : vector<512x128xf32> to vector<512x32xf32>
    %get3A_106 = arith.constant 0 : index
    %get3A_107 = arith.constant 0 : index
    %get3A_108 = vector.load %arg13[%get3A_106, %get3A_107] : memref<512x128xf32, #tpu.memory_space<vmem>>, vector<512x128xf32>
    %slice3A_109 = vector.extract_strided_slice %get3A_108 {offsets = [0, 0], sizes = [512, 32], strides = [1, 1]} : vector<512x128xf32> to vector<512x32xf32>
    %get3A_110 = arith.constant 0 : index
    %get3A_111 = arith.constant 0 : index
    %get3A_112 = vector.load %arg14[%get3A_110, %get3A_111] : memref<512x128xf32, #tpu.memory_space<vmem>>, vector<512x128xf32>
    %slice3A_113 = vector.extract_strided_slice %get3A_112 {offsets = [0, 0], sizes = [512, 32], strides = [1, 1]} : vector<512x128xf32> to vector<512x32xf32>
    %get3A_114 = arith.constant 0 : index
    %get3A_115 = arith.constant 0 : index
    %get3A_116 = vector.load %arg15[%get3A_114, %get3A_115] : memref<512x128xf32, #tpu.memory_space<vmem>>, vector<512x128xf32>
    %slice3A_117 = vector.extract_strided_slice %get3A_116 {offsets = [0, 0], sizes = [512, 32], strides = [1, 1]} : vector<512x128xf32> to vector<512x32xf32>
    %get3A_118 = arith.constant 0 : index
    %get3A_119 = arith.constant 0 : index
    %get3A_120 = vector.load %arg16[%get3A_118, %get3A_119] : memref<512x128xf32, #tpu.memory_space<vmem>>, vector<512x128xf32>
    %slice3A_121 = vector.extract_strided_slice %get3A_120 {offsets = [0, 0], sizes = [512, 32], strides = [1, 1]} : vector<512x128xf32> to vector<512x32xf32>
    %get3A_122 = arith.constant 0 : index
    %get3A_123 = arith.constant 0 : index
    %get3A_124 = vector.load %arg17[%get3A_122, %get3A_123] : memref<512x128xf32, #tpu.memory_space<vmem>>, vector<512x128xf32>
    %slice3A_125 = vector.extract_strided_slice %get3A_124 {offsets = [0, 0], sizes = [512, 32], strides = [1, 1]} : vector<512x128xf32> to vector<512x32xf32>
    %get3A_126 = arith.constant 0 : index
    %get3A_127 = arith.constant 0 : index
    %get3A_128 = vector.load %arg18[%get3A_126, %get3A_127] : memref<512x128xf32, #tpu.memory_space<vmem>>, vector<512x128xf32>
    %slice3A_129 = vector.extract_strided_slice %get3A_128 {offsets = [0, 0], sizes = [512, 32], strides = [1, 1]} : vector<512x128xf32> to vector<512x32xf32>
    %get3A_130 = arith.constant 0 : index
    %get3A_131 = arith.constant 0 : index
    %get3A_132 = vector.load %arg19[%get3A_130, %get3A_131] : memref<512x128xf32, #tpu.memory_space<vmem>>, vector<512x128xf32>
    %slice3A_133 = vector.extract_strided_slice %get3A_132 {offsets = [0, 0], sizes = [512, 32], strides = [1, 1]} : vector<512x128xf32> to vector<512x32xf32>
    %get3A_134 = arith.constant 0 : index
    %get3A_135 = arith.constant 0 : index
    %get3A_136 = vector.load %arg20[%get3A_134, %get3A_135] : memref<512x128xf32, #tpu.memory_space<vmem>>, vector<512x128xf32>
    %slice3A_137 = vector.extract_strided_slice %get3A_136 {offsets = [0, 0], sizes = [512, 32], strides = [1, 1]} : vector<512x128xf32> to vector<512x32xf32>
    %get3A_138 = arith.constant 0 : index
    %get3A_139 = arith.constant 0 : index
    %get3A_140 = vector.load %arg21[%get3A_138, %get3A_139] : memref<512x128xf32, #tpu.memory_space<vmem>>, vector<512x128xf32>
    %slice3A_141 = vector.extract_strided_slice %get3A_140 {offsets = [0, 0], sizes = [512, 32], strides = [1, 1]} : vector<512x128xf32> to vector<512x32xf32>
    %concatenate3A = tpu.concatenate %slice3A, %slice3A_65, %slice3A_69, %slice3A_73, %slice3A_77, %slice3A_81, %slice3A_85, %slice3A_89, %slice3A_93, %slice3A_97, %slice3A_101, %slice3A_105, %slice3A_109, %slice3A_113, %slice3A_117, %slice3A_121, %slice3A_125, %slice3A_129, %slice3A_133, %slice3A_137, %slice3A_141 in 1 : vector<512x32xf32>, vector<512x32xf32>, vector<512x32xf32>, vector<512x32xf32>, vector<512x32xf32>, vector<512x32xf32>, vector<512x32xf32>, vector<512x32xf32>, vector<512x32xf32>, vector<512x32xf32>, vector<512x32xf32>, vector<512x32xf32>, vector<512x32xf32>, vector<512x32xf32>, vector<512x32xf32>, vector<512x32xf32>, vector<512x32xf32>, vector<512x32xf32>, vector<512x32xf32>, vector<512x32xf32>, vector<512x32xf32> -> vector<512x672xf32>
    %get3A_142 = arith.constant 0 : index
    %get3A_143 = arith.constant 0 : index
    %get3A_144 = vector.load %arg1[%get3A_142, %get3A_143] : memref<512x128xf32, #tpu.memory_space<vmem>>, vector<512x128xf32>
    %slice3A_145 = vector.extract_strided_slice %get3A_144 {offsets = [0, 32], sizes = [512, 32], strides = [1, 1]} : vector<512x128xf32> to vector<512x32xf32>
    %get3A_146 = arith.constant 0 : index
    %get3A_147 = arith.constant 0 : index
    %get3A_148 = vector.load %arg2[%get3A_146, %get3A_147] : memref<512x128xf32, #tpu.memory_space<vmem>>, vector<512x128xf32>
    %slice3A_149 = vector.extract_strided_slice %get3A_148 {offsets = [0, 32], sizes = [512, 32], strides = [1, 1]} : vector<512x128xf32> to vector<512x32xf32>
    %get3A_150 = arith.constant 0 : index
    %get3A_151 = arith.constant 0 : index
    %get3A_152 = vector.load %arg3[%get3A_150, %get3A_151] : memref<512x128xf32, #tpu.memory_space<vmem>>, vector<512x128xf32>
    %slice3A_153 = vector.extract_strided_slice %get3A_152 {offsets = [0, 32], sizes = [512, 32], strides = [1, 1]} : vector<512x128xf32> to vector<512x32xf32>
    %get3A_154 = arith.constant 0 : index
    %get3A_155 = arith.constant 0 : index
    %get3A_156 = vector.load %arg4[%get3A_154, %get3A_155] : memref<512x128xf32, #tpu.memory_space<vmem>>, vector<512x128xf32>
    %slice3A_157 = vector.extract_strided_slice %get3A_156 {offsets = [0, 32], sizes = [512, 32], strides = [1, 1]} : vector<512x128xf32> to vector<512x32xf32>
    %get3A_158 = arith.constant 0 : index
    %get3A_159 = arith.constant 0 : index
    %get3A_160 = vector.load %arg5[%get3A_158, %get3A_159] : memref<512x128xf32, #tpu.memory_space<vmem>>, vector<512x128xf32>
    %slice3A_161 = vector.extract_strided_slice %get3A_160 {offsets = [0, 32], sizes = [512, 32], strides = [1, 1]} : vector<512x128xf32> to vector<512x32xf32>
    %get3A_162 = arith.constant 0 : index
    %get3A_163 = arith.constant 0 : index
    %get3A_164 = vector.load %arg6[%get3A_162, %get3A_163] : memref<512x128xf32, #tpu.memory_space<vmem>>, vector<512x128xf32>
    %slice3A_165 = vector.extract_strided_slice %get3A_164 {offsets = [0, 32], sizes = [512, 32], strides = [1, 1]} : vector<512x128xf32> to vector<512x32xf32>
    %get3A_166 = arith.constant 0 : index
    %get3A_167 = arith.constant 0 : index
    %get3A_168 = vector.load %arg7[%get3A_166, %get3A_167] : memref<512x128xf32, #tpu.memory_space<vmem>>, vector<512x128xf32>
    %slice3A_169 = vector.extract_strided_slice %get3A_168 {offsets = [0, 32], sizes = [512, 32], strides = [1, 1]} : vector<512x128xf32> to vector<512x32xf32>
    %get3A_170 = arith.constant 0 : index
    %get3A_171 = arith.constant 0 : index
    %get3A_172 = vector.load %arg8[%get3A_170, %get3A_171] : memref<512x128xf32, #tpu.memory_space<vmem>>, vector<512x128xf32>
    %slice3A_173 = vector.extract_strided_slice %get3A_172 {offsets = [0, 32], sizes = [512, 32], strides = [1, 1]} : vector<512x128xf32> to vector<512x32xf32>
    %get3A_174 = arith.constant 0 : index
    %get3A_175 = arith.constant 0 : index
    %get3A_176 = vector.load %arg9[%get3A_174, %get3A_175] : memref<512x128xf32, #tpu.memory_space<vmem>>, vector<512x128xf32>
    %slice3A_177 = vector.extract_strided_slice %get3A_176 {offsets = [0, 32], sizes = [512, 32], strides = [1, 1]} : vector<512x128xf32> to vector<512x32xf32>
    %get3A_178 = arith.constant 0 : index
    %get3A_179 = arith.constant 0 : index
    %get3A_180 = vector.load %arg10[%get3A_178, %get3A_179] : memref<512x128xf32, #tpu.memory_space<vmem>>, vector<512x128xf32>
    %slice3A_181 = vector.extract_strided_slice %get3A_180 {offsets = [0, 32], sizes = [512, 32], strides = [1, 1]} : vector<512x128xf32> to vector<512x32xf32>
    %get3A_182 = arith.constant 0 : index
    %get3A_183 = arith.constant 0 : index
    %get3A_184 = vector.load %arg11[%get3A_182, %get3A_183] : memref<512x128xf32, #tpu.memory_space<vmem>>, vector<512x128xf32>
    %slice3A_185 = vector.extract_strided_slice %get3A_184 {offsets = [0, 32], sizes = [512, 32], strides = [1, 1]} : vector<512x128xf32> to vector<512x32xf32>
    %get3A_186 = arith.constant 0 : index
    %get3A_187 = arith.constant 0 : index
    %get3A_188 = vector.load %arg12[%get3A_186, %get3A_187] : memref<512x128xf32, #tpu.memory_space<vmem>>, vector<512x128xf32>
    %slice3A_189 = vector.extract_strided_slice %get3A_188 {offsets = [0, 32], sizes = [512, 32], strides = [1, 1]} : vector<512x128xf32> to vector<512x32xf32>
    %get3A_190 = arith.constant 0 : index
    %get3A_191 = arith.constant 0 : index
    %get3A_192 = vector.load %arg13[%get3A_190, %get3A_191] : memref<512x128xf32, #tpu.memory_space<vmem>>, vector<512x128xf32>
    %slice3A_193 = vector.extract_strided_slice %get3A_192 {offsets = [0, 32], sizes = [512, 32], strides = [1, 1]} : vector<512x128xf32> to vector<512x32xf32>
    %get3A_194 = arith.constant 0 : index
    %get3A_195 = arith.constant 0 : index
    %get3A_196 = vector.load %arg14[%get3A_194, %get3A_195] : memref<512x128xf32, #tpu.memory_space<vmem>>, vector<512x128xf32>
    %slice3A_197 = vector.extract_strided_slice %get3A_196 {offsets = [0, 32], sizes = [512, 32], strides = [1, 1]} : vector<512x128xf32> to vector<512x32xf32>
    %get3A_198 = arith.constant 0 : index
    %get3A_199 = arith.constant 0 : index
    %get3A_200 = vector.load %arg15[%get3A_198, %get3A_199] : memref<512x128xf32, #tpu.memory_space<vmem>>, vector<512x128xf32>
    %slice3A_201 = vector.extract_strided_slice %get3A_200 {offsets = [0, 32], sizes = [512, 32], strides = [1, 1]} : vector<512x128xf32> to vector<512x32xf32>
    %get3A_202 = arith.constant 0 : index
    %get3A_203 = arith.constant 0 : index
    %get3A_204 = vector.load %arg16[%get3A_202, %get3A_203] : memref<512x128xf32, #tpu.memory_space<vmem>>, vector<512x128xf32>
    %slice3A_205 = vector.extract_strided_slice %get3A_204 {offsets = [0, 32], sizes = [512, 32], strides = [1, 1]} : vector<512x128xf32> to vector<512x32xf32>
    %get3A_206 = arith.constant 0 : index
    %get3A_207 = arith.constant 0 : index
    %get3A_208 = vector.load %arg17[%get3A_206, %get3A_207] : memref<512x128xf32, #tpu.memory_space<vmem>>, vector<512x128xf32>
    %slice3A_209 = vector.extract_strided_slice %get3A_208 {offsets = [0, 32], sizes = [512, 32], strides = [1, 1]} : vector<512x128xf32> to vector<512x32xf32>
    %get3A_210 = arith.constant 0 : index
    %get3A_211 = arith.constant 0 : index
    %get3A_212 = vector.load %arg18[%get3A_210, %get3A_211] : memref<512x128xf32, #tpu.memory_space<vmem>>, vector<512x128xf32>
    %slice3A_213 = vector.extract_strided_slice %get3A_212 {offsets = [0, 32], sizes = [512, 32], strides = [1, 1]} : vector<512x128xf32> to vector<512x32xf32>
    %get3A_214 = arith.constant 0 : index
    %get3A_215 = arith.constant 0 : index
    %get3A_216 = vector.load %arg19[%get3A_214, %get3A_215] : memref<512x128xf32, #tpu.memory_space<vmem>>, vector<512x128xf32>
    %slice3A_217 = vector.extract_strided_slice %get3A_216 {offsets = [0, 32], sizes = [512, 32], strides = [1, 1]} : vector<512x128xf32> to vector<512x32xf32>
    %get3A_218 = arith.constant 0 : index
    %get3A_219 = arith.constant 0 : index
    %get3A_220 = vector.load %arg20[%get3A_218, %get3A_219] : memref<512x128xf32, #tpu.memory_space<vmem>>, vector<512x128xf32>
    %slice3A_221 = vector.extract_strided_slice %get3A_220 {offsets = [0, 32], sizes = [512, 32], strides = [1, 1]} : vector<512x128xf32> to vector<512x32xf32>
    %get3A_222 = arith.constant 0 : index
    %get3A_223 = arith.constant 0 : index
    %get3A_224 = vector.load %arg21[%get3A_222, %get3A_223] : memref<512x128xf32, #tpu.memory_space<vmem>>, vector<512x128xf32>
    %slice3A_225 = vector.extract_strided_slice %get3A_224 {offsets = [0, 32], sizes = [512, 32], strides = [1, 1]} : vector<512x128xf32> to vector<512x32xf32>
    %concatenate3A_226 = tpu.concatenate %slice3A_145, %slice3A_149, %slice3A_153, %slice3A_157, %slice3A_161, %slice3A_165, %slice3A_169, %slice3A_173, %slice3A_177, %slice3A_181, %slice3A_185, %slice3A_189, %slice3A_193, %slice3A_197, %slice3A_201, %slice3A_205, %slice3A_209, %slice3A_213, %slice3A_217, %slice3A_221, %slice3A_225 in 1 : vector<512x32xf32>, vector<512x32xf32>, vector<512x32xf32>, vector<512x32xf32>, vector<512x32xf32>, vector<512x32xf32>, vector<512x32xf32>, vector<512x32xf32>, vector<512x32xf32>, vector<512x32xf32>, vector<512x32xf32>, vector<512x32xf32>, vector<512x32xf32>, vector<512x32xf32>, vector<512x32xf32>, vector<512x32xf32>, vector<512x32xf32>, vector<512x32xf32>, vector<512x32xf32>, vector<512x32xf32>, vector<512x32xf32> -> vector<512x672xf32>
    %get3A_227 = arith.constant 0 : index
    %get3A_228 = arith.constant 0 : index
    %get3A_229 = vector.load %arg1[%get3A_227, %get3A_228] : memref<512x128xf32, #tpu.memory_space<vmem>>, vector<512x128xf32>
    %slice3A_230 = vector.extract_strided_slice %get3A_229 {offsets = [0, 64], sizes = [512, 32], strides = [1, 1]} : vector<512x128xf32> to vector<512x32xf32>
    %get3A_231 = arith.constant 0 : index
    %get3A_232 = arith.constant 0 : index
    %get3A_233 = vector.load %arg2[%get3A_231, %get3A_232] : memref<512x128xf32, #tpu.memory_space<vmem>>, vector<512x128xf32>
    %slice3A_234 = vector.extract_strided_slice %get3A_233 {offsets = [0, 64], sizes = [512, 32], strides = [1, 1]} : vector<512x128xf32> to vector<512x32xf32>
    %get3A_235 = arith.constant 0 : index
    %get3A_236 = arith.constant 0 : index
    %get3A_237 = vector.load %arg3[%get3A_235, %get3A_236] : memref<512x128xf32, #tpu.memory_space<vmem>>, vector<512x128xf32>
    %slice3A_238 = vector.extract_strided_slice %get3A_237 {offsets = [0, 64], sizes = [512, 32], strides = [1, 1]} : vector<512x128xf32> to vector<512x32xf32>
    %get3A_239 = arith.constant 0 : index
    %get3A_240 = arith.constant 0 : index
    %get3A_241 = vector.load %arg4[%get3A_239, %get3A_240] : memref<512x128xf32, #tpu.memory_space<vmem>>, vector<512x128xf32>
    %slice3A_242 = vector.extract_strided_slice %get3A_241 {offsets = [0, 64], sizes = [512, 32], strides = [1, 1]} : vector<512x128xf32> to vector<512x32xf32>
    %get3A_243 = arith.constant 0 : index
    %get3A_244 = arith.constant 0 : index
    %get3A_245 = vector.load %arg5[%get3A_243, %get3A_244] : memref<512x128xf32, #tpu.memory_space<vmem>>, vector<512x128xf32>
    %slice3A_246 = vector.extract_strided_slice %get3A_245 {offsets = [0, 64], sizes = [512, 32], strides = [1, 1]} : vector<512x128xf32> to vector<512x32xf32>
    %get3A_247 = arith.constant 0 : index
    %get3A_248 = arith.constant 0 : index
    %get3A_249 = vector.load %arg6[%get3A_247, %get3A_248] : memref<512x128xf32, #tpu.memory_space<vmem>>, vector<512x128xf32>
    %slice3A_250 = vector.extract_strided_slice %get3A_249 {offsets = [0, 64], sizes = [512, 32], strides = [1, 1]} : vector<512x128xf32> to vector<512x32xf32>
    %get3A_251 = arith.constant 0 : index
    %get3A_252 = arith.constant 0 : index
    %get3A_253 = vector.load %arg7[%get3A_251, %get3A_252] : memref<512x128xf32, #tpu.memory_space<vmem>>, vector<512x128xf32>
    %slice3A_254 = vector.extract_strided_slice %get3A_253 {offsets = [0, 64], sizes = [512, 32], strides = [1, 1]} : vector<512x128xf32> to vector<512x32xf32>
    %get3A_255 = arith.constant 0 : index
    %get3A_256 = arith.constant 0 : index
    %get3A_257 = vector.load %arg8[%get3A_255, %get3A_256] : memref<512x128xf32, #tpu.memory_space<vmem>>, vector<512x128xf32>
    %slice3A_258 = vector.extract_strided_slice %get3A_257 {offsets = [0, 64], sizes = [512, 32], strides = [1, 1]} : vector<512x128xf32> to vector<512x32xf32>
    %get3A_259 = arith.constant 0 : index
    %get3A_260 = arith.constant 0 : index
    %get3A_261 = vector.load %arg9[%get3A_259, %get3A_260] : memref<512x128xf32, #tpu.memory_space<vmem>>, vector<512x128xf32>
    %slice3A_262 = vector.extract_strided_slice %get3A_261 {offsets = [0, 64], sizes = [512, 32], strides = [1, 1]} : vector<512x128xf32> to vector<512x32xf32>
    %get3A_263 = arith.constant 0 : index
    %get3A_264 = arith.constant 0 : index
    %get3A_265 = vector.load %arg10[%get3A_263, %get3A_264] : memref<512x128xf32, #tpu.memory_space<vmem>>, vector<512x128xf32>
    %slice3A_266 = vector.extract_strided_slice %get3A_265 {offsets = [0, 64], sizes = [512, 32], strides = [1, 1]} : vector<512x128xf32> to vector<512x32xf32>
    %get3A_267 = arith.constant 0 : index
    %get3A_268 = arith.constant 0 : index
    %get3A_269 = vector.load %arg11[%get3A_267, %get3A_268] : memref<512x128xf32, #tpu.memory_space<vmem>>, vector<512x128xf32>
    %slice3A_270 = vector.extract_strided_slice %get3A_269 {offsets = [0, 64], sizes = [512, 32], strides = [1, 1]} : vector<512x128xf32> to vector<512x32xf32>
    %get3A_271 = arith.constant 0 : index
    %get3A_272 = arith.constant 0 : index
    %get3A_273 = vector.load %arg12[%get3A_271, %get3A_272] : memref<512x128xf32, #tpu.memory_space<vmem>>, vector<512x128xf32>
    %slice3A_274 = vector.extract_strided_slice %get3A_273 {offsets = [0, 64], sizes = [512, 32], strides = [1, 1]} : vector<512x128xf32> to vector<512x32xf32>
    %get3A_275 = arith.constant 0 : index
    %get3A_276 = arith.constant 0 : index
    %get3A_277 = vector.load %arg13[%get3A_275, %get3A_276] : memref<512x128xf32, #tpu.memory_space<vmem>>, vector<512x128xf32>
    %slice3A_278 = vector.extract_strided_slice %get3A_277 {offsets = [0, 64], sizes = [512, 32], strides = [1, 1]} : vector<512x128xf32> to vector<512x32xf32>
    %get3A_279 = arith.constant 0 : index
    %get3A_280 = arith.constant 0 : index
    %get3A_281 = vector.load %arg14[%get3A_279, %get3A_280] : memref<512x128xf32, #tpu.memory_space<vmem>>, vector<512x128xf32>
    %slice3A_282 = vector.extract_strided_slice %get3A_281 {offsets = [0, 64], sizes = [512, 32], strides = [1, 1]} : vector<512x128xf32> to vector<512x32xf32>
    %get3A_283 = arith.constant 0 : index
    %get3A_284 = arith.constant 0 : index
    %get3A_285 = vector.load %arg15[%get3A_283, %get3A_284] : memref<512x128xf32, #tpu.memory_space<vmem>>, vector<512x128xf32>
    %slice3A_286 = vector.extract_strided_slice %get3A_285 {offsets = [0, 64], sizes = [512, 32], strides = [1, 1]} : vector<512x128xf32> to vector<512x32xf32>
    %get3A_287 = arith.constant 0 : index
    %get3A_288 = arith.constant 0 : index
    %get3A_289 = vector.load %arg16[%get3A_287, %get3A_288] : memref<512x128xf32, #tpu.memory_space<vmem>>, vector<512x128xf32>
    %slice3A_290 = vector.extract_strided_slice %get3A_289 {offsets = [0, 64], sizes = [512, 32], strides = [1, 1]} : vector<512x128xf32> to vector<512x32xf32>
    %get3A_291 = arith.constant 0 : index
    %get3A_292 = arith.constant 0 : index
    %get3A_293 = vector.load %arg17[%get3A_291, %get3A_292] : memref<512x128xf32, #tpu.memory_space<vmem>>, vector<512x128xf32>
    %slice3A_294 = vector.extract_strided_slice %get3A_293 {offsets = [0, 64], sizes = [512, 32], strides = [1, 1]} : vector<512x128xf32> to vector<512x32xf32>
    %get3A_295 = arith.constant 0 : index
    %get3A_296 = arith.constant 0 : index
    %get3A_297 = vector.load %arg18[%get3A_295, %get3A_296] : memref<512x128xf32, #tpu.memory_space<vmem>>, vector<512x128xf32>
    %slice3A_298 = vector.extract_strided_slice %get3A_297 {offsets = [0, 64], sizes = [512, 32], strides = [1, 1]} : vector<512x128xf32> to vector<512x32xf32>
    %get3A_299 = arith.constant 0 : index
    %get3A_300 = arith.constant 0 : index
    %get3A_301 = vector.load %arg19[%get3A_299, %get3A_300] : memref<512x128xf32, #tpu.memory_space<vmem>>, vector<512x128xf32>
    %slice3A_302 = vector.extract_strided_slice %get3A_301 {offsets = [0, 64], sizes = [512, 32], strides = [1, 1]} : vector<512x128xf32> to vector<512x32xf32>
    %get3A_303 = arith.constant 0 : index
    %get3A_304 = arith.constant 0 : index
    %get3A_305 = vector.load %arg20[%get3A_303, %get3A_304] : memref<512x128xf32, #tpu.memory_space<vmem>>, vector<512x128xf32>
    %slice3A_306 = vector.extract_strided_slice %get3A_305 {offsets = [0, 64], sizes = [512, 32], strides = [1, 1]} : vector<512x128xf32> to vector<512x32xf32>
    %get3A_307 = arith.constant 0 : index
    %get3A_308 = arith.constant 0 : index
    %get3A_309 = vector.load %arg21[%get3A_307, %get3A_308] : memref<512x128xf32, #tpu.memory_space<vmem>>, vector<512x128xf32>
    %slice3A_310 = vector.extract_strided_slice %get3A_309 {offsets = [0, 64], sizes = [512, 32], strides = [1, 1]} : vector<512x128xf32> to vector<512x32xf32>
    %concatenate3A_311 = tpu.concatenate %slice3A_230, %slice3A_234, %slice3A_238, %slice3A_242, %slice3A_246, %slice3A_250, %slice3A_254, %slice3A_258, %slice3A_262, %slice3A_266, %slice3A_270, %slice3A_274, %slice3A_278, %slice3A_282, %slice3A_286, %slice3A_290, %slice3A_294, %slice3A_298, %slice3A_302, %slice3A_306, %slice3A_310 in 1 : vector<512x32xf32>, vector<512x32xf32>, vector<512x32xf32>, vector<512x32xf32>, vector<512x32xf32>, vector<512x32xf32>, vector<512x32xf32>, vector<512x32xf32>, vector<512x32xf32>, vector<512x32xf32>, vector<512x32xf32>, vector<512x32xf32>, vector<512x32xf32>, vector<512x32xf32>, vector<512x32xf32>, vector<512x32xf32>, vector<512x32xf32>, vector<512x32xf32>, vector<512x32xf32>, vector<512x32xf32>, vector<512x32xf32> -> vector<512x672xf32>
    %get3A_312 = arith.constant 0 : index
    %get3A_313 = arith.constant 0 : index
    %get3A_314 = vector.load %arg1[%get3A_312, %get3A_313] : memref<512x128xf32, #tpu.memory_space<vmem>>, vector<512x128xf32>
    %slice3A_315 = vector.extract_strided_slice %get3A_314 {offsets = [0, 96], sizes = [512, 32], strides = [1, 1]} : vector<512x128xf32> to vector<512x32xf32>
    %get3A_316 = arith.constant 0 : index
    %get3A_317 = arith.constant 0 : index
    %get3A_318 = vector.load %arg2[%get3A_316, %get3A_317] : memref<512x128xf32, #tpu.memory_space<vmem>>, vector<512x128xf32>
    %slice3A_319 = vector.extract_strided_slice %get3A_318 {offsets = [0, 96], sizes = [512, 32], strides = [1, 1]} : vector<512x128xf32> to vector<512x32xf32>
    %get3A_320 = arith.constant 0 : index
    %get3A_321 = arith.constant 0 : index
    %get3A_322 = vector.load %arg3[%get3A_320, %get3A_321] : memref<512x128xf32, #tpu.memory_space<vmem>>, vector<512x128xf32>
    %slice3A_323 = vector.extract_strided_slice %get3A_322 {offsets = [0, 96], sizes = [512, 32], strides = [1, 1]} : vector<512x128xf32> to vector<512x32xf32>
    %get3A_324 = arith.constant 0 : index
    %get3A_325 = arith.constant 0 : index
    %get3A_326 = vector.load %arg4[%get3A_324, %get3A_325] : memref<512x128xf32, #tpu.memory_space<vmem>>, vector<512x128xf32>
    %slice3A_327 = vector.extract_strided_slice %get3A_326 {offsets = [0, 96], sizes = [512, 32], strides = [1, 1]} : vector<512x128xf32> to vector<512x32xf32>
    %get3A_328 = arith.constant 0 : index
    %get3A_329 = arith.constant 0 : index
    %get3A_330 = vector.load %arg5[%get3A_328, %get3A_329] : memref<512x128xf32, #tpu.memory_space<vmem>>, vector<512x128xf32>
    %slice3A_331 = vector.extract_strided_slice %get3A_330 {offsets = [0, 96], sizes = [512, 32], strides = [1, 1]} : vector<512x128xf32> to vector<512x32xf32>
    %get3A_332 = arith.constant 0 : index
    %get3A_333 = arith.constant 0 : index
    %get3A_334 = vector.load %arg6[%get3A_332, %get3A_333] : memref<512x128xf32, #tpu.memory_space<vmem>>, vector<512x128xf32>
    %slice3A_335 = vector.extract_strided_slice %get3A_334 {offsets = [0, 96], sizes = [512, 32], strides = [1, 1]} : vector<512x128xf32> to vector<512x32xf32>
    %get3A_336 = arith.constant 0 : index
    %get3A_337 = arith.constant 0 : index
    %get3A_338 = vector.load %arg7[%get3A_336, %get3A_337] : memref<512x128xf32, #tpu.memory_space<vmem>>, vector<512x128xf32>
    %slice3A_339 = vector.extract_strided_slice %get3A_338 {offsets = [0, 96], sizes = [512, 32], strides = [1, 1]} : vector<512x128xf32> to vector<512x32xf32>
    %get3A_340 = arith.constant 0 : index
    %get3A_341 = arith.constant 0 : index
    %get3A_342 = vector.load %arg8[%get3A_340, %get3A_341] : memref<512x128xf32, #tpu.memory_space<vmem>>, vector<512x128xf32>
    %slice3A_343 = vector.extract_strided_slice %get3A_342 {offsets = [0, 96], sizes = [512, 32], strides = [1, 1]} : vector<512x128xf32> to vector<512x32xf32>
    %get3A_344 = arith.constant 0 : index
    %get3A_345 = arith.constant 0 : index
    %get3A_346 = vector.load %arg9[%get3A_344, %get3A_345] : memref<512x128xf32, #tpu.memory_space<vmem>>, vector<512x128xf32>
    %slice3A_347 = vector.extract_strided_slice %get3A_346 {offsets = [0, 96], sizes = [512, 32], strides = [1, 1]} : vector<512x128xf32> to vector<512x32xf32>
    %get3A_348 = arith.constant 0 : index
    %get3A_349 = arith.constant 0 : index
    %get3A_350 = vector.load %arg10[%get3A_348, %get3A_349] : memref<512x128xf32, #tpu.memory_space<vmem>>, vector<512x128xf32>
    %slice3A_351 = vector.extract_strided_slice %get3A_350 {offsets = [0, 96], sizes = [512, 32], strides = [1, 1]} : vector<512x128xf32> to vector<512x32xf32>
    %get3A_352 = arith.constant 0 : index
    %get3A_353 = arith.constant 0 : index
    %get3A_354 = vector.load %arg11[%get3A_352, %get3A_353] : memref<512x128xf32, #tpu.memory_space<vmem>>, vector<512x128xf32>
    %slice3A_355 = vector.extract_strided_slice %get3A_354 {offsets = [0, 96], sizes = [512, 32], strides = [1, 1]} : vector<512x128xf32> to vector<512x32xf32>
    %get3A_356 = arith.constant 0 : index
    %get3A_357 = arith.constant 0 : index
    %get3A_358 = vector.load %arg12[%get3A_356, %get3A_357] : memref<512x128xf32, #tpu.memory_space<vmem>>, vector<512x128xf32>
    %slice3A_359 = vector.extract_strided_slice %get3A_358 {offsets = [0, 96], sizes = [512, 32], strides = [1, 1]} : vector<512x128xf32> to vector<512x32xf32>
    %get3A_360 = arith.constant 0 : index
    %get3A_361 = arith.constant 0 : index
    %get3A_362 = vector.load %arg13[%get3A_360, %get3A_361] : memref<512x128xf32, #tpu.memory_space<vmem>>, vector<512x128xf32>
    %slice3A_363 = vector.extract_strided_slice %get3A_362 {offsets = [0, 96], sizes = [512, 32], strides = [1, 1]} : vector<512x128xf32> to vector<512x32xf32>
    %get3A_364 = arith.constant 0 : index
    %get3A_365 = arith.constant 0 : index
    %get3A_366 = vector.load %arg14[%get3A_364, %get3A_365] : memref<512x128xf32, #tpu.memory_space<vmem>>, vector<512x128xf32>
    %slice3A_367 = vector.extract_strided_slice %get3A_366 {offsets = [0, 96], sizes = [512, 32], strides = [1, 1]} : vector<512x128xf32> to vector<512x32xf32>
    %get3A_368 = arith.constant 0 : index
    %get3A_369 = arith.constant 0 : index
    %get3A_370 = vector.load %arg15[%get3A_368, %get3A_369] : memref<512x128xf32, #tpu.memory_space<vmem>>, vector<512x128xf32>
    %slice3A_371 = vector.extract_strided_slice %get3A_370 {offsets = [0, 96], sizes = [512, 32], strides = [1, 1]} : vector<512x128xf32> to vector<512x32xf32>
    %get3A_372 = arith.constant 0 : index
    %get3A_373 = arith.constant 0 : index
    %get3A_374 = vector.load %arg16[%get3A_372, %get3A_373] : memref<512x128xf32, #tpu.memory_space<vmem>>, vector<512x128xf32>
    %slice3A_375 = vector.extract_strided_slice %get3A_374 {offsets = [0, 96], sizes = [512, 32], strides = [1, 1]} : vector<512x128xf32> to vector<512x32xf32>
    %get3A_376 = arith.constant 0 : index
    %get3A_377 = arith.constant 0 : index
    %get3A_378 = vector.load %arg17[%get3A_376, %get3A_377] : memref<512x128xf32, #tpu.memory_space<vmem>>, vector<512x128xf32>
    %slice3A_379 = vector.extract_strided_slice %get3A_378 {offsets = [0, 96], sizes = [512, 32], strides = [1, 1]} : vector<512x128xf32> to vector<512x32xf32>
    %get3A_380 = arith.constant 0 : index
    %get3A_381 = arith.constant 0 : index
    %get3A_382 = vector.load %arg18[%get3A_380, %get3A_381] : memref<512x128xf32, #tpu.memory_space<vmem>>, vector<512x128xf32>
    %slice3A_383 = vector.extract_strided_slice %get3A_382 {offsets = [0, 96], sizes = [512, 32], strides = [1, 1]} : vector<512x128xf32> to vector<512x32xf32>
    %get3A_384 = arith.constant 0 : index
    %get3A_385 = arith.constant 0 : index
    %get3A_386 = vector.load %arg19[%get3A_384, %get3A_385] : memref<512x128xf32, #tpu.memory_space<vmem>>, vector<512x128xf32>
    %slice3A_387 = vector.extract_strided_slice %get3A_386 {offsets = [0, 96], sizes = [512, 32], strides = [1, 1]} : vector<512x128xf32> to vector<512x32xf32>
    %get3A_388 = arith.constant 0 : index
    %get3A_389 = arith.constant 0 : index
    %get3A_390 = vector.load %arg20[%get3A_388, %get3A_389] : memref<512x128xf32, #tpu.memory_space<vmem>>, vector<512x128xf32>
    %slice3A_391 = vector.extract_strided_slice %get3A_390 {offsets = [0, 96], sizes = [512, 32], strides = [1, 1]} : vector<512x128xf32> to vector<512x32xf32>
    %get3A_392 = arith.constant 0 : index
    %get3A_393 = arith.constant 0 : index
    %get3A_394 = vector.load %arg21[%get3A_392, %get3A_393] : memref<512x128xf32, #tpu.memory_space<vmem>>, vector<512x128xf32>
    %slice3A_395 = vector.extract_strided_slice %get3A_394 {offsets = [0, 96], sizes = [512, 32], strides = [1, 1]} : vector<512x128xf32> to vector<512x32xf32>
    %concatenate3A_396 = tpu.concatenate %slice3A_315, %slice3A_319, %slice3A_323, %slice3A_327, %slice3A_331, %slice3A_335, %slice3A_339, %slice3A_343, %slice3A_347, %slice3A_351, %slice3A_355, %slice3A_359, %slice3A_363, %slice3A_367, %slice3A_371, %slice3A_375, %slice3A_379, %slice3A_383, %slice3A_387, %slice3A_391, %slice3A_395 in 1 : vector<512x32xf32>, vector<512x32xf32>, vector<512x32xf32>, vector<512x32xf32>, vector<512x32xf32>, vector<512x32xf32>, vector<512x32xf32>, vector<512x32xf32>, vector<512x32xf32>, vector<512x32xf32>, vector<512x32xf32>, vector<512x32xf32>, vector<512x32xf32>, vector<512x32xf32>, vector<512x32xf32>, vector<512x32xf32>, vector<512x32xf32>, vector<512x32xf32>, vector<512x32xf32>, vector<512x32xf32>, vector<512x32xf32> -> vector<512x672xf32>
    %and3A_397 = arith.constant 3 : i32
    %and3A_398 = vector.broadcast %and3A_397 : i32 to vector<512x672xi32>
    %and3A_399 = arith.andi %convert_element_type3A_30, %and3A_398 : vector<512x672xi32>
    %eq3A_400 = arith.constant 0 : i32
    %eq3A_401 = vector.broadcast %eq3A_400 : i32 to vector<512x672xi32>
    %eq3A_402 = arith.cmpi eq, %and3A_399, %eq3A_401 : vector<512x672xi32>
    %eq3A_403 = arith.constant 1 : i32
    %eq3A_404 = vector.broadcast %eq3A_403 : i32 to vector<512x672xi32>
    %eq3A_405 = arith.cmpi eq, %and3A_399, %eq3A_404 : vector<512x672xi32>
    %eq3A_406 = arith.constant 2 : i32
    %eq3A_407 = vector.broadcast %eq3A_406 : i32 to vector<512x672xi32>
    %eq3A_408 = arith.cmpi eq, %and3A_399, %eq3A_407 : vector<512x672xi32>
    %select_n3A_409 = arith.select %eq3A_408, %concatenate3A_311, %concatenate3A_396 : vector<512x672xi1>, vector<512x672xf32>
    %select_n3A_410 = arith.select %eq3A_405, %concatenate3A_226, %select_n3A_409 : vector<512x672xi1>, vector<512x672xf32>
    %select_n3A_411 = arith.select %eq3A_402, %concatenate3A, %select_n3A_410 : vector<512x672xi1>, vector<512x672xf32>
    %iota3A_412 = tpu.iota {dimensions = array<i32: 0>} : vector<512x512xi32>
    %iota3A_413 = tpu.iota {dimensions = array<i32: 1>} : vector<512x512xi32>
    %eq3A_414 = arith.cmpi eq, %iota3A_412, %iota3A_413 : vector<512x512xi32>
    %convert_element_type3A_415 = arith.extui %eq3A_414 : vector<512x512xi1> to vector<512x512xi32>
    %convert_element_type3A_416 = arith.sitofp %convert_element_type3A_415 : vector<512x512xi32> to vector<512x512xf32>
    %dot_general3A_417 = arith.constant dense<0.000000e+00> : vector<672x512xf32>
    %dot_general3A_418 = tpu.matmul %select_n3A_411, %convert_element_type3A_416, %dot_general3A_417 {dimension_numbers = #tpu.dot_dimension_numbers<[0], [0], [1], [1], [0, 1, 1, 1], [], []>, precision = #tpu.contract_precision<fp32>, transpose_lhs_hint = false} : vector<512x672xf32>, vector<512x512xf32>, vector<672x512xf32> -> vector<672x512xf32>
    %iota3A_419 = tpu.iota {dimensions = array<i32: 0>} : vector<24x512xi32>
    %broadcast_in_dim3A = arith.constant 0.000000e+00 : f32
    %broadcast_in_dim3A_420 = vector.broadcast %broadcast_in_dim3A : f32 to vector<24x512xf32>
    %broadcast_in_dim3A_421 = arith.constant 0 : i32
    %broadcast_in_dim3A_422 = vector.broadcast %broadcast_in_dim3A_421 : i32 to vector<24x512xi32>
    %reduce_max3A = arith.constant dense<0xFF800000> : vector<512xf32>
    %reduce_max3A_423 = vector.multi_reduction <maximumf>, %dot_general3A_418, %reduce_max3A [0] : vector<672x512xf32> to vector<512xf32>
    %broadcast_in_dim3A_424 = vector.shape_cast %reduce_max3A_423 : vector<512xf32> to vector<1x512xf32>
    %eq3A_425 = vector.broadcast %broadcast_in_dim3A_424 : vector<1x512xf32> to vector<672x512xf32>
    %eq3A_426 = arith.cmpf oeq, %dot_general3A_418, %eq3A_425 : vector<672x512xf32>
    %jit3A_427 = arith.constant 1073741824 : i32
    %broadcast_in_dim3A_428 = vector.broadcast %jit3A_427 : i32 to vector<672x512xi32>
    %select_n3A_429 = arith.select %eq3A_426, %add3A_58, %broadcast_in_dim3A_428 : vector<672x512xi1>, vector<672x512xi32>
    %reduce_min3A = arith.constant dense<2147483647> : vector<512xi32>
    %reduce_min3A_430 = vector.multi_reduction <minsi>, %select_n3A_429, %reduce_min3A [0] : vector<672x512xi32> to vector<512xi32>
    %broadcast_in_dim3A_431 = vector.shape_cast %reduce_min3A_430 : vector<512xi32> to vector<1x512xi32>
    %eq3A_432 = arith.constant 0 : i32
    %eq3A_433 = vector.broadcast %eq3A_432 : i32 to vector<24x512xi32>
    %eq3A_434 = arith.cmpi eq, %iota3A_419, %eq3A_433 : vector<24x512xi32>
    %max3A = arith.constant 0.000000e+00 : f32
    %max3A_435 = vector.broadcast %max3A : f32 to vector<1x512xf32>
    %max3A_436 = arith.maximumf %broadcast_in_dim3A_424, %max3A_435 : vector<1x512xf32>
    %broadcast_in_dim3A_437 = vector.shape_cast %max3A_436 : vector<1x512xf32> to vector<1x512xf32>
    %broadcast_in_dim3A_438 = vector.broadcast %broadcast_in_dim3A_437 : vector<1x512xf32> to vector<24x512xf32>
    %select_n3A_439 = arith.select %eq3A_434, %broadcast_in_dim3A_438, %broadcast_in_dim3A_420 : vector<24x512xi1>, vector<24x512xf32>
    %eq3A_440 = arith.constant 0 : i32
    %eq3A_441 = vector.broadcast %eq3A_440 : i32 to vector<24x512xi32>
    %eq3A_442 = arith.cmpi eq, %iota3A_419, %eq3A_441 : vector<24x512xi32>
    %broadcast_in_dim3A_443 = vector.shape_cast %broadcast_in_dim3A_431 : vector<1x512xi32> to vector<1x512xi32>
    %broadcast_in_dim3A_444 = vector.broadcast %broadcast_in_dim3A_443 : vector<1x512xi32> to vector<24x512xi32>
    %select_n3A_445 = arith.select %eq3A_442, %broadcast_in_dim3A_444, %broadcast_in_dim3A_422 : vector<24x512xi1>, vector<24x512xi32>
    %eq3A_446 = vector.broadcast %broadcast_in_dim3A_431 : vector<1x512xi32> to vector<672x512xi32>
    %eq3A_447 = arith.cmpi eq, %add3A_58, %eq3A_446 : vector<672x512xi32>
    %jit3A_448 = arith.constant -1.000000e+30 : f32
    %broadcast_in_dim3A_449 = vector.broadcast %jit3A_448 : f32 to vector<672x512xf32>
    %select_n3A_450 = arith.select %eq3A_447, %broadcast_in_dim3A_449, %dot_general3A_418 : vector<672x512xi1>, vector<672x512xf32>
    %reduce_max3A_451 = arith.constant dense<0xFF800000> : vector<512xf32>
    %reduce_max3A_452 = vector.multi_reduction <maximumf>, %select_n3A_450, %reduce_max3A_451 [0] : vector<672x512xf32> to vector<512xf32>
    %broadcast_in_dim3A_453 = vector.shape_cast %reduce_max3A_452 : vector<512xf32> to vector<1x512xf32>
    %eq3A_454 = vector.broadcast %broadcast_in_dim3A_453 : vector<1x512xf32> to vector<672x512xf32>
    %eq3A_455 = arith.cmpf oeq, %select_n3A_450, %eq3A_454 : vector<672x512xf32>
    %jit3A_456 = arith.constant 1073741824 : i32
    %broadcast_in_dim3A_457 = vector.broadcast %jit3A_456 : i32 to vector<672x512xi32>
    %select_n3A_458 = arith.select %eq3A_455, %add3A_58, %broadcast_in_dim3A_457 : vector<672x512xi1>, vector<672x512xi32>
    %reduce_min3A_459 = arith.constant dense<2147483647> : vector<512xi32>
    %reduce_min3A_460 = vector.multi_reduction <minsi>, %select_n3A_458, %reduce_min3A_459 [0] : vector<672x512xi32> to vector<512xi32>
    %broadcast_in_dim3A_461 = vector.shape_cast %reduce_min3A_460 : vector<512xi32> to vector<1x512xi32>
    %eq3A_462 = arith.constant 1 : i32
    %eq3A_463 = vector.broadcast %eq3A_462 : i32 to vector<24x512xi32>
    %eq3A_464 = arith.cmpi eq, %iota3A_419, %eq3A_463 : vector<24x512xi32>
    %max3A_465 = arith.constant 0.000000e+00 : f32
    %max3A_466 = vector.broadcast %max3A_465 : f32 to vector<1x512xf32>
    %max3A_467 = arith.maximumf %broadcast_in_dim3A_453, %max3A_466 : vector<1x512xf32>
    %broadcast_in_dim3A_468 = vector.shape_cast %max3A_467 : vector<1x512xf32> to vector<1x512xf32>
    %broadcast_in_dim3A_469 = vector.broadcast %broadcast_in_dim3A_468 : vector<1x512xf32> to vector<24x512xf32>
    %select_n3A_470 = arith.select %eq3A_464, %broadcast_in_dim3A_469, %select_n3A_439 : vector<24x512xi1>, vector<24x512xf32>
    %eq3A_471 = arith.constant 1 : i32
    %eq3A_472 = vector.broadcast %eq3A_471 : i32 to vector<24x512xi32>
    %eq3A_473 = arith.cmpi eq, %iota3A_419, %eq3A_472 : vector<24x512xi32>
    %broadcast_in_dim3A_474 = vector.shape_cast %broadcast_in_dim3A_461 : vector<1x512xi32> to vector<1x512xi32>
    %broadcast_in_dim3A_475 = vector.broadcast %broadcast_in_dim3A_474 : vector<1x512xi32> to vector<24x512xi32>
    %select_n3A_476 = arith.select %eq3A_473, %broadcast_in_dim3A_475, %select_n3A_445 : vector<24x512xi1>, vector<24x512xi32>
    %eq3A_477 = vector.broadcast %broadcast_in_dim3A_461 : vector<1x512xi32> to vector<672x512xi32>
    %eq3A_478 = arith.cmpi eq, %add3A_58, %eq3A_477 : vector<672x512xi32>
    %jit3A_479 = arith.constant -1.000000e+30 : f32
    %broadcast_in_dim3A_480 = vector.broadcast %jit3A_479 : f32 to vector<672x512xf32>
    %select_n3A_481 = arith.select %eq3A_478, %broadcast_in_dim3A_480, %select_n3A_450 : vector<672x512xi1>, vector<672x512xf32>
    %reduce_max3A_482 = arith.constant dense<0xFF800000> : vector<512xf32>
    %reduce_max3A_483 = vector.multi_reduction <maximumf>, %select_n3A_481, %reduce_max3A_482 [0] : vector<672x512xf32> to vector<512xf32>
    %broadcast_in_dim3A_484 = vector.shape_cast %reduce_max3A_483 : vector<512xf32> to vector<1x512xf32>
    %eq3A_485 = vector.broadcast %broadcast_in_dim3A_484 : vector<1x512xf32> to vector<672x512xf32>
    %eq3A_486 = arith.cmpf oeq, %select_n3A_481, %eq3A_485 : vector<672x512xf32>
    %jit3A_487 = arith.constant 1073741824 : i32
    %broadcast_in_dim3A_488 = vector.broadcast %jit3A_487 : i32 to vector<672x512xi32>
    %select_n3A_489 = arith.select %eq3A_486, %add3A_58, %broadcast_in_dim3A_488 : vector<672x512xi1>, vector<672x512xi32>
    %reduce_min3A_490 = arith.constant dense<2147483647> : vector<512xi32>
    %reduce_min3A_491 = vector.multi_reduction <minsi>, %select_n3A_489, %reduce_min3A_490 [0] : vector<672x512xi32> to vector<512xi32>
    %broadcast_in_dim3A_492 = vector.shape_cast %reduce_min3A_491 : vector<512xi32> to vector<1x512xi32>
    %eq3A_493 = arith.constant 2 : i32
    %eq3A_494 = vector.broadcast %eq3A_493 : i32 to vector<24x512xi32>
    %eq3A_495 = arith.cmpi eq, %iota3A_419, %eq3A_494 : vector<24x512xi32>
    %max3A_496 = arith.constant 0.000000e+00 : f32
    %max3A_497 = vector.broadcast %max3A_496 : f32 to vector<1x512xf32>
    %max3A_498 = arith.maximumf %broadcast_in_dim3A_484, %max3A_497 : vector<1x512xf32>
    %broadcast_in_dim3A_499 = vector.shape_cast %max3A_498 : vector<1x512xf32> to vector<1x512xf32>
    %broadcast_in_dim3A_500 = vector.broadcast %broadcast_in_dim3A_499 : vector<1x512xf32> to vector<24x512xf32>
    %select_n3A_501 = arith.select %eq3A_495, %broadcast_in_dim3A_500, %select_n3A_470 : vector<24x512xi1>, vector<24x512xf32>
    %eq3A_502 = arith.constant 2 : i32
    %eq3A_503 = vector.broadcast %eq3A_502 : i32 to vector<24x512xi32>
    %eq3A_504 = arith.cmpi eq, %iota3A_419, %eq3A_503 : vector<24x512xi32>
    %broadcast_in_dim3A_505 = vector.shape_cast %broadcast_in_dim3A_492 : vector<1x512xi32> to vector<1x512xi32>
    %broadcast_in_dim3A_506 = vector.broadcast %broadcast_in_dim3A_505 : vector<1x512xi32> to vector<24x512xi32>
    %select_n3A_507 = arith.select %eq3A_504, %broadcast_in_dim3A_506, %select_n3A_476 : vector<24x512xi1>, vector<24x512xi32>
    %eq3A_508 = vector.broadcast %broadcast_in_dim3A_492 : vector<1x512xi32> to vector<672x512xi32>
    %eq3A_509 = arith.cmpi eq, %add3A_58, %eq3A_508 : vector<672x512xi32>
    %jit3A_510 = arith.constant -1.000000e+30 : f32
    %broadcast_in_dim3A_511 = vector.broadcast %jit3A_510 : f32 to vector<672x512xf32>
    %select_n3A_512 = arith.select %eq3A_509, %broadcast_in_dim3A_511, %select_n3A_481 : vector<672x512xi1>, vector<672x512xf32>
    %reduce_max3A_513 = arith.constant dense<0xFF800000> : vector<512xf32>
    %reduce_max3A_514 = vector.multi_reduction <maximumf>, %select_n3A_512, %reduce_max3A_513 [0] : vector<672x512xf32> to vector<512xf32>
    %broadcast_in_dim3A_515 = vector.shape_cast %reduce_max3A_514 : vector<512xf32> to vector<1x512xf32>
    %eq3A_516 = vector.broadcast %broadcast_in_dim3A_515 : vector<1x512xf32> to vector<672x512xf32>
    %eq3A_517 = arith.cmpf oeq, %select_n3A_512, %eq3A_516 : vector<672x512xf32>
    %jit3A_518 = arith.constant 1073741824 : i32
    %broadcast_in_dim3A_519 = vector.broadcast %jit3A_518 : i32 to vector<672x512xi32>
    %select_n3A_520 = arith.select %eq3A_517, %add3A_58, %broadcast_in_dim3A_519 : vector<672x512xi1>, vector<672x512xi32>
    %reduce_min3A_521 = arith.constant dense<2147483647> : vector<512xi32>
    %reduce_min3A_522 = vector.multi_reduction <minsi>, %select_n3A_520, %reduce_min3A_521 [0] : vector<672x512xi32> to vector<512xi32>
    %broadcast_in_dim3A_523 = vector.shape_cast %reduce_min3A_522 : vector<512xi32> to vector<1x512xi32>
    %eq3A_524 = arith.constant 3 : i32
    %eq3A_525 = vector.broadcast %eq3A_524 : i32 to vector<24x512xi32>
    %eq3A_526 = arith.cmpi eq, %iota3A_419, %eq3A_525 : vector<24x512xi32>
    %max3A_527 = arith.constant 0.000000e+00 : f32
    %max3A_528 = vector.broadcast %max3A_527 : f32 to vector<1x512xf32>
    %max3A_529 = arith.maximumf %broadcast_in_dim3A_515, %max3A_528 : vector<1x512xf32>
    %broadcast_in_dim3A_530 = vector.shape_cast %max3A_529 : vector<1x512xf32> to vector<1x512xf32>
    %broadcast_in_dim3A_531 = vector.broadcast %broadcast_in_dim3A_530 : vector<1x512xf32> to vector<24x512xf32>
    %select_n3A_532 = arith.select %eq3A_526, %broadcast_in_dim3A_531, %select_n3A_501 : vector<24x512xi1>, vector<24x512xf32>
    %eq3A_533 = arith.constant 3 : i32
    %eq3A_534 = vector.broadcast %eq3A_533 : i32 to vector<24x512xi32>
    %eq3A_535 = arith.cmpi eq, %iota3A_419, %eq3A_534 : vector<24x512xi32>
    %broadcast_in_dim3A_536 = vector.shape_cast %broadcast_in_dim3A_523 : vector<1x512xi32> to vector<1x512xi32>
    %broadcast_in_dim3A_537 = vector.broadcast %broadcast_in_dim3A_536 : vector<1x512xi32> to vector<24x512xi32>
    %select_n3A_538 = arith.select %eq3A_535, %broadcast_in_dim3A_537, %select_n3A_507 : vector<24x512xi1>, vector<24x512xi32>
    %eq3A_539 = vector.broadcast %broadcast_in_dim3A_523 : vector<1x512xi32> to vector<672x512xi32>
    %eq3A_540 = arith.cmpi eq, %add3A_58, %eq3A_539 : vector<672x512xi32>
    %jit3A_541 = arith.constant -1.000000e+30 : f32
    %broadcast_in_dim3A_542 = vector.broadcast %jit3A_541 : f32 to vector<672x512xf32>
    %select_n3A_543 = arith.select %eq3A_540, %broadcast_in_dim3A_542, %select_n3A_512 : vector<672x512xi1>, vector<672x512xf32>
    %reduce_max3A_544 = arith.constant dense<0xFF800000> : vector<512xf32>
    %reduce_max3A_545 = vector.multi_reduction <maximumf>, %select_n3A_543, %reduce_max3A_544 [0] : vector<672x512xf32> to vector<512xf32>
    %broadcast_in_dim3A_546 = vector.shape_cast %reduce_max3A_545 : vector<512xf32> to vector<1x512xf32>
    %eq3A_547 = vector.broadcast %broadcast_in_dim3A_546 : vector<1x512xf32> to vector<672x512xf32>
    %eq3A_548 = arith.cmpf oeq, %select_n3A_543, %eq3A_547 : vector<672x512xf32>
    %jit3A_549 = arith.constant 1073741824 : i32
    %broadcast_in_dim3A_550 = vector.broadcast %jit3A_549 : i32 to vector<672x512xi32>
    %select_n3A_551 = arith.select %eq3A_548, %add3A_58, %broadcast_in_dim3A_550 : vector<672x512xi1>, vector<672x512xi32>
    %reduce_min3A_552 = arith.constant dense<2147483647> : vector<512xi32>
    %reduce_min3A_553 = vector.multi_reduction <minsi>, %select_n3A_551, %reduce_min3A_552 [0] : vector<672x512xi32> to vector<512xi32>
    %broadcast_in_dim3A_554 = vector.shape_cast %reduce_min3A_553 : vector<512xi32> to vector<1x512xi32>
    %eq3A_555 = arith.constant 4 : i32
    %eq3A_556 = vector.broadcast %eq3A_555 : i32 to vector<24x512xi32>
    %eq3A_557 = arith.cmpi eq, %iota3A_419, %eq3A_556 : vector<24x512xi32>
    %max3A_558 = arith.constant 0.000000e+00 : f32
    %max3A_559 = vector.broadcast %max3A_558 : f32 to vector<1x512xf32>
    %max3A_560 = arith.maximumf %broadcast_in_dim3A_546, %max3A_559 : vector<1x512xf32>
    %broadcast_in_dim3A_561 = vector.shape_cast %max3A_560 : vector<1x512xf32> to vector<1x512xf32>
    %broadcast_in_dim3A_562 = vector.broadcast %broadcast_in_dim3A_561 : vector<1x512xf32> to vector<24x512xf32>
    %select_n3A_563 = arith.select %eq3A_557, %broadcast_in_dim3A_562, %select_n3A_532 : vector<24x512xi1>, vector<24x512xf32>
    %eq3A_564 = arith.constant 4 : i32
    %eq3A_565 = vector.broadcast %eq3A_564 : i32 to vector<24x512xi32>
    %eq3A_566 = arith.cmpi eq, %iota3A_419, %eq3A_565 : vector<24x512xi32>
    %broadcast_in_dim3A_567 = vector.shape_cast %broadcast_in_dim3A_554 : vector<1x512xi32> to vector<1x512xi32>
    %broadcast_in_dim3A_568 = vector.broadcast %broadcast_in_dim3A_567 : vector<1x512xi32> to vector<24x512xi32>
    %select_n3A_569 = arith.select %eq3A_566, %broadcast_in_dim3A_568, %select_n3A_538 : vector<24x512xi1>, vector<24x512xi32>
    %eq3A_570 = vector.broadcast %broadcast_in_dim3A_554 : vector<1x512xi32> to vector<672x512xi32>
    %eq3A_571 = arith.cmpi eq, %add3A_58, %eq3A_570 : vector<672x512xi32>
    %jit3A_572 = arith.constant -1.000000e+30 : f32
    %broadcast_in_dim3A_573 = vector.broadcast %jit3A_572 : f32 to vector<672x512xf32>
    %select_n3A_574 = arith.select %eq3A_571, %broadcast_in_dim3A_573, %select_n3A_543 : vector<672x512xi1>, vector<672x512xf32>
    %reduce_max3A_575 = arith.constant dense<0xFF800000> : vector<512xf32>
    %reduce_max3A_576 = vector.multi_reduction <maximumf>, %select_n3A_574, %reduce_max3A_575 [0] : vector<672x512xf32> to vector<512xf32>
    %broadcast_in_dim3A_577 = vector.shape_cast %reduce_max3A_576 : vector<512xf32> to vector<1x512xf32>
    %eq3A_578 = vector.broadcast %broadcast_in_dim3A_577 : vector<1x512xf32> to vector<672x512xf32>
    %eq3A_579 = arith.cmpf oeq, %select_n3A_574, %eq3A_578 : vector<672x512xf32>
    %jit3A_580 = arith.constant 1073741824 : i32
    %broadcast_in_dim3A_581 = vector.broadcast %jit3A_580 : i32 to vector<672x512xi32>
    %select_n3A_582 = arith.select %eq3A_579, %add3A_58, %broadcast_in_dim3A_581 : vector<672x512xi1>, vector<672x512xi32>
    %reduce_min3A_583 = arith.constant dense<2147483647> : vector<512xi32>
    %reduce_min3A_584 = vector.multi_reduction <minsi>, %select_n3A_582, %reduce_min3A_583 [0] : vector<672x512xi32> to vector<512xi32>
    %broadcast_in_dim3A_585 = vector.shape_cast %reduce_min3A_584 : vector<512xi32> to vector<1x512xi32>
    %eq3A_586 = arith.constant 5 : i32
    %eq3A_587 = vector.broadcast %eq3A_586 : i32 to vector<24x512xi32>
    %eq3A_588 = arith.cmpi eq, %iota3A_419, %eq3A_587 : vector<24x512xi32>
    %max3A_589 = arith.constant 0.000000e+00 : f32
    %max3A_590 = vector.broadcast %max3A_589 : f32 to vector<1x512xf32>
    %max3A_591 = arith.maximumf %broadcast_in_dim3A_577, %max3A_590 : vector<1x512xf32>
    %broadcast_in_dim3A_592 = vector.shape_cast %max3A_591 : vector<1x512xf32> to vector<1x512xf32>
    %broadcast_in_dim3A_593 = vector.broadcast %broadcast_in_dim3A_592 : vector<1x512xf32> to vector<24x512xf32>
    %select_n3A_594 = arith.select %eq3A_588, %broadcast_in_dim3A_593, %select_n3A_563 : vector<24x512xi1>, vector<24x512xf32>
    %eq3A_595 = arith.constant 5 : i32
    %eq3A_596 = vector.broadcast %eq3A_595 : i32 to vector<24x512xi32>
    %eq3A_597 = arith.cmpi eq, %iota3A_419, %eq3A_596 : vector<24x512xi32>
    %broadcast_in_dim3A_598 = vector.shape_cast %broadcast_in_dim3A_585 : vector<1x512xi32> to vector<1x512xi32>
    %broadcast_in_dim3A_599 = vector.broadcast %broadcast_in_dim3A_598 : vector<1x512xi32> to vector<24x512xi32>
    %select_n3A_600 = arith.select %eq3A_597, %broadcast_in_dim3A_599, %select_n3A_569 : vector<24x512xi1>, vector<24x512xi32>
    %eq3A_601 = vector.broadcast %broadcast_in_dim3A_585 : vector<1x512xi32> to vector<672x512xi32>
    %eq3A_602 = arith.cmpi eq, %add3A_58, %eq3A_601 : vector<672x512xi32>
    %jit3A_603 = arith.constant -1.000000e+30 : f32
    %broadcast_in_dim3A_604 = vector.broadcast %jit3A_603 : f32 to vector<672x512xf32>
    %select_n3A_605 = arith.select %eq3A_602, %broadcast_in_dim3A_604, %select_n3A_574 : vector<672x512xi1>, vector<672x512xf32>
    %reduce_max3A_606 = arith.constant dense<0xFF800000> : vector<512xf32>
    %reduce_max3A_607 = vector.multi_reduction <maximumf>, %select_n3A_605, %reduce_max3A_606 [0] : vector<672x512xf32> to vector<512xf32>
    %broadcast_in_dim3A_608 = vector.shape_cast %reduce_max3A_607 : vector<512xf32> to vector<1x512xf32>
    %eq3A_609 = vector.broadcast %broadcast_in_dim3A_608 : vector<1x512xf32> to vector<672x512xf32>
    %eq3A_610 = arith.cmpf oeq, %select_n3A_605, %eq3A_609 : vector<672x512xf32>
    %jit3A_611 = arith.constant 1073741824 : i32
    %broadcast_in_dim3A_612 = vector.broadcast %jit3A_611 : i32 to vector<672x512xi32>
    %select_n3A_613 = arith.select %eq3A_610, %add3A_58, %broadcast_in_dim3A_612 : vector<672x512xi1>, vector<672x512xi32>
    %reduce_min3A_614 = arith.constant dense<2147483647> : vector<512xi32>
    %reduce_min3A_615 = vector.multi_reduction <minsi>, %select_n3A_613, %reduce_min3A_614 [0] : vector<672x512xi32> to vector<512xi32>
    %broadcast_in_dim3A_616 = vector.shape_cast %reduce_min3A_615 : vector<512xi32> to vector<1x512xi32>
    %eq3A_617 = arith.constant 6 : i32
    %eq3A_618 = vector.broadcast %eq3A_617 : i32 to vector<24x512xi32>
    %eq3A_619 = arith.cmpi eq, %iota3A_419, %eq3A_618 : vector<24x512xi32>
    %max3A_620 = arith.constant 0.000000e+00 : f32
    %max3A_621 = vector.broadcast %max3A_620 : f32 to vector<1x512xf32>
    %max3A_622 = arith.maximumf %broadcast_in_dim3A_608, %max3A_621 : vector<1x512xf32>
    %broadcast_in_dim3A_623 = vector.shape_cast %max3A_622 : vector<1x512xf32> to vector<1x512xf32>
    %broadcast_in_dim3A_624 = vector.broadcast %broadcast_in_dim3A_623 : vector<1x512xf32> to vector<24x512xf32>
    %select_n3A_625 = arith.select %eq3A_619, %broadcast_in_dim3A_624, %select_n3A_594 : vector<24x512xi1>, vector<24x512xf32>
    %eq3A_626 = arith.constant 6 : i32
    %eq3A_627 = vector.broadcast %eq3A_626 : i32 to vector<24x512xi32>
    %eq3A_628 = arith.cmpi eq, %iota3A_419, %eq3A_627 : vector<24x512xi32>
    %broadcast_in_dim3A_629 = vector.shape_cast %broadcast_in_dim3A_616 : vector<1x512xi32> to vector<1x512xi32>
    %broadcast_in_dim3A_630 = vector.broadcast %broadcast_in_dim3A_629 : vector<1x512xi32> to vector<24x512xi32>
    %select_n3A_631 = arith.select %eq3A_628, %broadcast_in_dim3A_630, %select_n3A_600 : vector<24x512xi1>, vector<24x512xi32>
    %eq3A_632 = vector.broadcast %broadcast_in_dim3A_616 : vector<1x512xi32> to vector<672x512xi32>
    %eq3A_633 = arith.cmpi eq, %add3A_58, %eq3A_632 : vector<672x512xi32>
    %jit3A_634 = arith.constant -1.000000e+30 : f32
    %broadcast_in_dim3A_635 = vector.broadcast %jit3A_634 : f32 to vector<672x512xf32>
    %select_n3A_636 = arith.select %eq3A_633, %broadcast_in_dim3A_635, %select_n3A_605 : vector<672x512xi1>, vector<672x512xf32>
    %reduce_max3A_637 = arith.constant dense<0xFF800000> : vector<512xf32>
    %reduce_max3A_638 = vector.multi_reduction <maximumf>, %select_n3A_636, %reduce_max3A_637 [0] : vector<672x512xf32> to vector<512xf32>
    %broadcast_in_dim3A_639 = vector.shape_cast %reduce_max3A_638 : vector<512xf32> to vector<1x512xf32>
    %eq3A_640 = vector.broadcast %broadcast_in_dim3A_639 : vector<1x512xf32> to vector<672x512xf32>
    %eq3A_641 = arith.cmpf oeq, %select_n3A_636, %eq3A_640 : vector<672x512xf32>
    %jit3A_642 = arith.constant 1073741824 : i32
    %broadcast_in_dim3A_643 = vector.broadcast %jit3A_642 : i32 to vector<672x512xi32>
    %select_n3A_644 = arith.select %eq3A_641, %add3A_58, %broadcast_in_dim3A_643 : vector<672x512xi1>, vector<672x512xi32>
    %reduce_min3A_645 = arith.constant dense<2147483647> : vector<512xi32>
    %reduce_min3A_646 = vector.multi_reduction <minsi>, %select_n3A_644, %reduce_min3A_645 [0] : vector<672x512xi32> to vector<512xi32>
    %broadcast_in_dim3A_647 = vector.shape_cast %reduce_min3A_646 : vector<512xi32> to vector<1x512xi32>
    %eq3A_648 = arith.constant 7 : i32
    %eq3A_649 = vector.broadcast %eq3A_648 : i32 to vector<24x512xi32>
    %eq3A_650 = arith.cmpi eq, %iota3A_419, %eq3A_649 : vector<24x512xi32>
    %max3A_651 = arith.constant 0.000000e+00 : f32
    %max3A_652 = vector.broadcast %max3A_651 : f32 to vector<1x512xf32>
    %max3A_653 = arith.maximumf %broadcast_in_dim3A_639, %max3A_652 : vector<1x512xf32>
    %broadcast_in_dim3A_654 = vector.shape_cast %max3A_653 : vector<1x512xf32> to vector<1x512xf32>
    %broadcast_in_dim3A_655 = vector.broadcast %broadcast_in_dim3A_654 : vector<1x512xf32> to vector<24x512xf32>
    %select_n3A_656 = arith.select %eq3A_650, %broadcast_in_dim3A_655, %select_n3A_625 : vector<24x512xi1>, vector<24x512xf32>
    %eq3A_657 = arith.constant 7 : i32
    %eq3A_658 = vector.broadcast %eq3A_657 : i32 to vector<24x512xi32>
    %eq3A_659 = arith.cmpi eq, %iota3A_419, %eq3A_658 : vector<24x512xi32>
    %broadcast_in_dim3A_660 = vector.shape_cast %broadcast_in_dim3A_647 : vector<1x512xi32> to vector<1x512xi32>
    %broadcast_in_dim3A_661 = vector.broadcast %broadcast_in_dim3A_660 : vector<1x512xi32> to vector<24x512xi32>
    %select_n3A_662 = arith.select %eq3A_659, %broadcast_in_dim3A_661, %select_n3A_631 : vector<24x512xi1>, vector<24x512xi32>
    %eq3A_663 = vector.broadcast %broadcast_in_dim3A_647 : vector<1x512xi32> to vector<672x512xi32>
    %eq3A_664 = arith.cmpi eq, %add3A_58, %eq3A_663 : vector<672x512xi32>
    %jit3A_665 = arith.constant -1.000000e+30 : f32
    %broadcast_in_dim3A_666 = vector.broadcast %jit3A_665 : f32 to vector<672x512xf32>
    %select_n3A_667 = arith.select %eq3A_664, %broadcast_in_dim3A_666, %select_n3A_636 : vector<672x512xi1>, vector<672x512xf32>
    %reduce_max3A_668 = arith.constant dense<0xFF800000> : vector<512xf32>
    %reduce_max3A_669 = vector.multi_reduction <maximumf>, %select_n3A_667, %reduce_max3A_668 [0] : vector<672x512xf32> to vector<512xf32>
    %broadcast_in_dim3A_670 = vector.shape_cast %reduce_max3A_669 : vector<512xf32> to vector<1x512xf32>
    %eq3A_671 = vector.broadcast %broadcast_in_dim3A_670 : vector<1x512xf32> to vector<672x512xf32>
    %eq3A_672 = arith.cmpf oeq, %select_n3A_667, %eq3A_671 : vector<672x512xf32>
    %jit3A_673 = arith.constant 1073741824 : i32
    %broadcast_in_dim3A_674 = vector.broadcast %jit3A_673 : i32 to vector<672x512xi32>
    %select_n3A_675 = arith.select %eq3A_672, %add3A_58, %broadcast_in_dim3A_674 : vector<672x512xi1>, vector<672x512xi32>
    %reduce_min3A_676 = arith.constant dense<2147483647> : vector<512xi32>
    %reduce_min3A_677 = vector.multi_reduction <minsi>, %select_n3A_675, %reduce_min3A_676 [0] : vector<672x512xi32> to vector<512xi32>
    %broadcast_in_dim3A_678 = vector.shape_cast %reduce_min3A_677 : vector<512xi32> to vector<1x512xi32>
    %eq3A_679 = arith.constant 8 : i32
    %eq3A_680 = vector.broadcast %eq3A_679 : i32 to vector<24x512xi32>
    %eq3A_681 = arith.cmpi eq, %iota3A_419, %eq3A_680 : vector<24x512xi32>
    %max3A_682 = arith.constant 0.000000e+00 : f32
    %max3A_683 = vector.broadcast %max3A_682 : f32 to vector<1x512xf32>
    %max3A_684 = arith.maximumf %broadcast_in_dim3A_670, %max3A_683 : vector<1x512xf32>
    %broadcast_in_dim3A_685 = vector.shape_cast %max3A_684 : vector<1x512xf32> to vector<1x512xf32>
    %broadcast_in_dim3A_686 = vector.broadcast %broadcast_in_dim3A_685 : vector<1x512xf32> to vector<24x512xf32>
    %select_n3A_687 = arith.select %eq3A_681, %broadcast_in_dim3A_686, %select_n3A_656 : vector<24x512xi1>, vector<24x512xf32>
    %eq3A_688 = arith.constant 8 : i32
    %eq3A_689 = vector.broadcast %eq3A_688 : i32 to vector<24x512xi32>
    %eq3A_690 = arith.cmpi eq, %iota3A_419, %eq3A_689 : vector<24x512xi32>
    %broadcast_in_dim3A_691 = vector.shape_cast %broadcast_in_dim3A_678 : vector<1x512xi32> to vector<1x512xi32>
    %broadcast_in_dim3A_692 = vector.broadcast %broadcast_in_dim3A_691 : vector<1x512xi32> to vector<24x512xi32>
    %select_n3A_693 = arith.select %eq3A_690, %broadcast_in_dim3A_692, %select_n3A_662 : vector<24x512xi1>, vector<24x512xi32>
    %eq3A_694 = vector.broadcast %broadcast_in_dim3A_678 : vector<1x512xi32> to vector<672x512xi32>
    %eq3A_695 = arith.cmpi eq, %add3A_58, %eq3A_694 : vector<672x512xi32>
    %jit3A_696 = arith.constant -1.000000e+30 : f32
    %broadcast_in_dim3A_697 = vector.broadcast %jit3A_696 : f32 to vector<672x512xf32>
    %select_n3A_698 = arith.select %eq3A_695, %broadcast_in_dim3A_697, %select_n3A_667 : vector<672x512xi1>, vector<672x512xf32>
    %reduce_max3A_699 = arith.constant dense<0xFF800000> : vector<512xf32>
    %reduce_max3A_700 = vector.multi_reduction <maximumf>, %select_n3A_698, %reduce_max3A_699 [0] : vector<672x512xf32> to vector<512xf32>
    %broadcast_in_dim3A_701 = vector.shape_cast %reduce_max3A_700 : vector<512xf32> to vector<1x512xf32>
    %eq3A_702 = vector.broadcast %broadcast_in_dim3A_701 : vector<1x512xf32> to vector<672x512xf32>
    %eq3A_703 = arith.cmpf oeq, %select_n3A_698, %eq3A_702 : vector<672x512xf32>
    %jit3A_704 = arith.constant 1073741824 : i32
    %broadcast_in_dim3A_705 = vector.broadcast %jit3A_704 : i32 to vector<672x512xi32>
    %select_n3A_706 = arith.select %eq3A_703, %add3A_58, %broadcast_in_dim3A_705 : vector<672x512xi1>, vector<672x512xi32>
    %reduce_min3A_707 = arith.constant dense<2147483647> : vector<512xi32>
    %reduce_min3A_708 = vector.multi_reduction <minsi>, %select_n3A_706, %reduce_min3A_707 [0] : vector<672x512xi32> to vector<512xi32>
    %broadcast_in_dim3A_709 = vector.shape_cast %reduce_min3A_708 : vector<512xi32> to vector<1x512xi32>
    %eq3A_710 = arith.constant 9 : i32
    %eq3A_711 = vector.broadcast %eq3A_710 : i32 to vector<24x512xi32>
    %eq3A_712 = arith.cmpi eq, %iota3A_419, %eq3A_711 : vector<24x512xi32>
    %max3A_713 = arith.constant 0.000000e+00 : f32
    %max3A_714 = vector.broadcast %max3A_713 : f32 to vector<1x512xf32>
    %max3A_715 = arith.maximumf %broadcast_in_dim3A_701, %max3A_714 : vector<1x512xf32>
    %broadcast_in_dim3A_716 = vector.shape_cast %max3A_715 : vector<1x512xf32> to vector<1x512xf32>
    %broadcast_in_dim3A_717 = vector.broadcast %broadcast_in_dim3A_716 : vector<1x512xf32> to vector<24x512xf32>
    %select_n3A_718 = arith.select %eq3A_712, %broadcast_in_dim3A_717, %select_n3A_687 : vector<24x512xi1>, vector<24x512xf32>
    %eq3A_719 = arith.constant 9 : i32
    %eq3A_720 = vector.broadcast %eq3A_719 : i32 to vector<24x512xi32>
    %eq3A_721 = arith.cmpi eq, %iota3A_419, %eq3A_720 : vector<24x512xi32>
    %broadcast_in_dim3A_722 = vector.shape_cast %broadcast_in_dim3A_709 : vector<1x512xi32> to vector<1x512xi32>
    %broadcast_in_dim3A_723 = vector.broadcast %broadcast_in_dim3A_722 : vector<1x512xi32> to vector<24x512xi32>
    %select_n3A_724 = arith.select %eq3A_721, %broadcast_in_dim3A_723, %select_n3A_693 : vector<24x512xi1>, vector<24x512xi32>
    %eq3A_725 = vector.broadcast %broadcast_in_dim3A_709 : vector<1x512xi32> to vector<672x512xi32>
    %eq3A_726 = arith.cmpi eq, %add3A_58, %eq3A_725 : vector<672x512xi32>
    %jit3A_727 = arith.constant -1.000000e+30 : f32
    %broadcast_in_dim3A_728 = vector.broadcast %jit3A_727 : f32 to vector<672x512xf32>
    %select_n3A_729 = arith.select %eq3A_726, %broadcast_in_dim3A_728, %select_n3A_698 : vector<672x512xi1>, vector<672x512xf32>
    %reduce_max3A_730 = arith.constant dense<0xFF800000> : vector<512xf32>
    %reduce_max3A_731 = vector.multi_reduction <maximumf>, %select_n3A_729, %reduce_max3A_730 [0] : vector<672x512xf32> to vector<512xf32>
    %broadcast_in_dim3A_732 = vector.shape_cast %reduce_max3A_731 : vector<512xf32> to vector<1x512xf32>
    %eq3A_733 = vector.broadcast %broadcast_in_dim3A_732 : vector<1x512xf32> to vector<672x512xf32>
    %eq3A_734 = arith.cmpf oeq, %select_n3A_729, %eq3A_733 : vector<672x512xf32>
    %jit3A_735 = arith.constant 1073741824 : i32
    %broadcast_in_dim3A_736 = vector.broadcast %jit3A_735 : i32 to vector<672x512xi32>
    %select_n3A_737 = arith.select %eq3A_734, %add3A_58, %broadcast_in_dim3A_736 : vector<672x512xi1>, vector<672x512xi32>
    %reduce_min3A_738 = arith.constant dense<2147483647> : vector<512xi32>
    %reduce_min3A_739 = vector.multi_reduction <minsi>, %select_n3A_737, %reduce_min3A_738 [0] : vector<672x512xi32> to vector<512xi32>
    %broadcast_in_dim3A_740 = vector.shape_cast %reduce_min3A_739 : vector<512xi32> to vector<1x512xi32>
    %eq3A_741 = arith.constant 10 : i32
    %eq3A_742 = vector.broadcast %eq3A_741 : i32 to vector<24x512xi32>
    %eq3A_743 = arith.cmpi eq, %iota3A_419, %eq3A_742 : vector<24x512xi32>
    %max3A_744 = arith.constant 0.000000e+00 : f32
    %max3A_745 = vector.broadcast %max3A_744 : f32 to vector<1x512xf32>
    %max3A_746 = arith.maximumf %broadcast_in_dim3A_732, %max3A_745 : vector<1x512xf32>
    %broadcast_in_dim3A_747 = vector.shape_cast %max3A_746 : vector<1x512xf32> to vector<1x512xf32>
    %broadcast_in_dim3A_748 = vector.broadcast %broadcast_in_dim3A_747 : vector<1x512xf32> to vector<24x512xf32>
    %select_n3A_749 = arith.select %eq3A_743, %broadcast_in_dim3A_748, %select_n3A_718 : vector<24x512xi1>, vector<24x512xf32>
    %eq3A_750 = arith.constant 10 : i32
    %eq3A_751 = vector.broadcast %eq3A_750 : i32 to vector<24x512xi32>
    %eq3A_752 = arith.cmpi eq, %iota3A_419, %eq3A_751 : vector<24x512xi32>
    %broadcast_in_dim3A_753 = vector.shape_cast %broadcast_in_dim3A_740 : vector<1x512xi32> to vector<1x512xi32>
    %broadcast_in_dim3A_754 = vector.broadcast %broadcast_in_dim3A_753 : vector<1x512xi32> to vector<24x512xi32>
    %select_n3A_755 = arith.select %eq3A_752, %broadcast_in_dim3A_754, %select_n3A_724 : vector<24x512xi1>, vector<24x512xi32>
    %eq3A_756 = vector.broadcast %broadcast_in_dim3A_740 : vector<1x512xi32> to vector<672x512xi32>
    %eq3A_757 = arith.cmpi eq, %add3A_58, %eq3A_756 : vector<672x512xi32>
    %jit3A_758 = arith.constant -1.000000e+30 : f32
    %broadcast_in_dim3A_759 = vector.broadcast %jit3A_758 : f32 to vector<672x512xf32>
    %select_n3A_760 = arith.select %eq3A_757, %broadcast_in_dim3A_759, %select_n3A_729 : vector<672x512xi1>, vector<672x512xf32>
    %reduce_max3A_761 = arith.constant dense<0xFF800000> : vector<512xf32>
    %reduce_max3A_762 = vector.multi_reduction <maximumf>, %select_n3A_760, %reduce_max3A_761 [0] : vector<672x512xf32> to vector<512xf32>
    %broadcast_in_dim3A_763 = vector.shape_cast %reduce_max3A_762 : vector<512xf32> to vector<1x512xf32>
    %eq3A_764 = vector.broadcast %broadcast_in_dim3A_763 : vector<1x512xf32> to vector<672x512xf32>
    %eq3A_765 = arith.cmpf oeq, %select_n3A_760, %eq3A_764 : vector<672x512xf32>
    %jit3A_766 = arith.constant 1073741824 : i32
    %broadcast_in_dim3A_767 = vector.broadcast %jit3A_766 : i32 to vector<672x512xi32>
    %select_n3A_768 = arith.select %eq3A_765, %add3A_58, %broadcast_in_dim3A_767 : vector<672x512xi1>, vector<672x512xi32>
    %reduce_min3A_769 = arith.constant dense<2147483647> : vector<512xi32>
    %reduce_min3A_770 = vector.multi_reduction <minsi>, %select_n3A_768, %reduce_min3A_769 [0] : vector<672x512xi32> to vector<512xi32>
    %broadcast_in_dim3A_771 = vector.shape_cast %reduce_min3A_770 : vector<512xi32> to vector<1x512xi32>
    %eq3A_772 = arith.constant 11 : i32
    %eq3A_773 = vector.broadcast %eq3A_772 : i32 to vector<24x512xi32>
    %eq3A_774 = arith.cmpi eq, %iota3A_419, %eq3A_773 : vector<24x512xi32>
    %max3A_775 = arith.constant 0.000000e+00 : f32
    %max3A_776 = vector.broadcast %max3A_775 : f32 to vector<1x512xf32>
    %max3A_777 = arith.maximumf %broadcast_in_dim3A_763, %max3A_776 : vector<1x512xf32>
    %broadcast_in_dim3A_778 = vector.shape_cast %max3A_777 : vector<1x512xf32> to vector<1x512xf32>
    %broadcast_in_dim3A_779 = vector.broadcast %broadcast_in_dim3A_778 : vector<1x512xf32> to vector<24x512xf32>
    %select_n3A_780 = arith.select %eq3A_774, %broadcast_in_dim3A_779, %select_n3A_749 : vector<24x512xi1>, vector<24x512xf32>
    %eq3A_781 = arith.constant 11 : i32
    %eq3A_782 = vector.broadcast %eq3A_781 : i32 to vector<24x512xi32>
    %eq3A_783 = arith.cmpi eq, %iota3A_419, %eq3A_782 : vector<24x512xi32>
    %broadcast_in_dim3A_784 = vector.shape_cast %broadcast_in_dim3A_771 : vector<1x512xi32> to vector<1x512xi32>
    %broadcast_in_dim3A_785 = vector.broadcast %broadcast_in_dim3A_784 : vector<1x512xi32> to vector<24x512xi32>
    %select_n3A_786 = arith.select %eq3A_783, %broadcast_in_dim3A_785, %select_n3A_755 : vector<24x512xi1>, vector<24x512xi32>
    %eq3A_787 = vector.broadcast %broadcast_in_dim3A_771 : vector<1x512xi32> to vector<672x512xi32>
    %eq3A_788 = arith.cmpi eq, %add3A_58, %eq3A_787 : vector<672x512xi32>
    %jit3A_789 = arith.constant -1.000000e+30 : f32
    %broadcast_in_dim3A_790 = vector.broadcast %jit3A_789 : f32 to vector<672x512xf32>
    %select_n3A_791 = arith.select %eq3A_788, %broadcast_in_dim3A_790, %select_n3A_760 : vector<672x512xi1>, vector<672x512xf32>
    %reduce_max3A_792 = arith.constant dense<0xFF800000> : vector<512xf32>
    %reduce_max3A_793 = vector.multi_reduction <maximumf>, %select_n3A_791, %reduce_max3A_792 [0] : vector<672x512xf32> to vector<512xf32>
    %broadcast_in_dim3A_794 = vector.shape_cast %reduce_max3A_793 : vector<512xf32> to vector<1x512xf32>
    %eq3A_795 = vector.broadcast %broadcast_in_dim3A_794 : vector<1x512xf32> to vector<672x512xf32>
    %eq3A_796 = arith.cmpf oeq, %select_n3A_791, %eq3A_795 : vector<672x512xf32>
    %jit3A_797 = arith.constant 1073741824 : i32
    %broadcast_in_dim3A_798 = vector.broadcast %jit3A_797 : i32 to vector<672x512xi32>
    %select_n3A_799 = arith.select %eq3A_796, %add3A_58, %broadcast_in_dim3A_798 : vector<672x512xi1>, vector<672x512xi32>
    %reduce_min3A_800 = arith.constant dense<2147483647> : vector<512xi32>
    %reduce_min3A_801 = vector.multi_reduction <minsi>, %select_n3A_799, %reduce_min3A_800 [0] : vector<672x512xi32> to vector<512xi32>
    %broadcast_in_dim3A_802 = vector.shape_cast %reduce_min3A_801 : vector<512xi32> to vector<1x512xi32>
    %eq3A_803 = arith.constant 12 : i32
    %eq3A_804 = vector.broadcast %eq3A_803 : i32 to vector<24x512xi32>
    %eq3A_805 = arith.cmpi eq, %iota3A_419, %eq3A_804 : vector<24x512xi32>
    %max3A_806 = arith.constant 0.000000e+00 : f32
    %max3A_807 = vector.broadcast %max3A_806 : f32 to vector<1x512xf32>
    %max3A_808 = arith.maximumf %broadcast_in_dim3A_794, %max3A_807 : vector<1x512xf32>
    %broadcast_in_dim3A_809 = vector.shape_cast %max3A_808 : vector<1x512xf32> to vector<1x512xf32>
    %broadcast_in_dim3A_810 = vector.broadcast %broadcast_in_dim3A_809 : vector<1x512xf32> to vector<24x512xf32>
    %select_n3A_811 = arith.select %eq3A_805, %broadcast_in_dim3A_810, %select_n3A_780 : vector<24x512xi1>, vector<24x512xf32>
    %eq3A_812 = arith.constant 12 : i32
    %eq3A_813 = vector.broadcast %eq3A_812 : i32 to vector<24x512xi32>
    %eq3A_814 = arith.cmpi eq, %iota3A_419, %eq3A_813 : vector<24x512xi32>
    %broadcast_in_dim3A_815 = vector.shape_cast %broadcast_in_dim3A_802 : vector<1x512xi32> to vector<1x512xi32>
    %broadcast_in_dim3A_816 = vector.broadcast %broadcast_in_dim3A_815 : vector<1x512xi32> to vector<24x512xi32>
    %select_n3A_817 = arith.select %eq3A_814, %broadcast_in_dim3A_816, %select_n3A_786 : vector<24x512xi1>, vector<24x512xi32>
    %eq3A_818 = vector.broadcast %broadcast_in_dim3A_802 : vector<1x512xi32> to vector<672x512xi32>
    %eq3A_819 = arith.cmpi eq, %add3A_58, %eq3A_818 : vector<672x512xi32>
    %jit3A_820 = arith.constant -1.000000e+30 : f32
    %broadcast_in_dim3A_821 = vector.broadcast %jit3A_820 : f32 to vector<672x512xf32>
    %select_n3A_822 = arith.select %eq3A_819, %broadcast_in_dim3A_821, %select_n3A_791 : vector<672x512xi1>, vector<672x512xf32>
    %reduce_max3A_823 = arith.constant dense<0xFF800000> : vector<512xf32>
    %reduce_max3A_824 = vector.multi_reduction <maximumf>, %select_n3A_822, %reduce_max3A_823 [0] : vector<672x512xf32> to vector<512xf32>
    %broadcast_in_dim3A_825 = vector.shape_cast %reduce_max3A_824 : vector<512xf32> to vector<1x512xf32>
    %eq3A_826 = vector.broadcast %broadcast_in_dim3A_825 : vector<1x512xf32> to vector<672x512xf32>
    %eq3A_827 = arith.cmpf oeq, %select_n3A_822, %eq3A_826 : vector<672x512xf32>
    %jit3A_828 = arith.constant 1073741824 : i32
    %broadcast_in_dim3A_829 = vector.broadcast %jit3A_828 : i32 to vector<672x512xi32>
    %select_n3A_830 = arith.select %eq3A_827, %add3A_58, %broadcast_in_dim3A_829 : vector<672x512xi1>, vector<672x512xi32>
    %reduce_min3A_831 = arith.constant dense<2147483647> : vector<512xi32>
    %reduce_min3A_832 = vector.multi_reduction <minsi>, %select_n3A_830, %reduce_min3A_831 [0] : vector<672x512xi32> to vector<512xi32>
    %broadcast_in_dim3A_833 = vector.shape_cast %reduce_min3A_832 : vector<512xi32> to vector<1x512xi32>
    %eq3A_834 = arith.constant 13 : i32
    %eq3A_835 = vector.broadcast %eq3A_834 : i32 to vector<24x512xi32>
    %eq3A_836 = arith.cmpi eq, %iota3A_419, %eq3A_835 : vector<24x512xi32>
    %max3A_837 = arith.constant 0.000000e+00 : f32
    %max3A_838 = vector.broadcast %max3A_837 : f32 to vector<1x512xf32>
    %max3A_839 = arith.maximumf %broadcast_in_dim3A_825, %max3A_838 : vector<1x512xf32>
    %broadcast_in_dim3A_840 = vector.shape_cast %max3A_839 : vector<1x512xf32> to vector<1x512xf32>
    %broadcast_in_dim3A_841 = vector.broadcast %broadcast_in_dim3A_840 : vector<1x512xf32> to vector<24x512xf32>
    %select_n3A_842 = arith.select %eq3A_836, %broadcast_in_dim3A_841, %select_n3A_811 : vector<24x512xi1>, vector<24x512xf32>
    %eq3A_843 = arith.constant 13 : i32
    %eq3A_844 = vector.broadcast %eq3A_843 : i32 to vector<24x512xi32>
    %eq3A_845 = arith.cmpi eq, %iota3A_419, %eq3A_844 : vector<24x512xi32>
    %broadcast_in_dim3A_846 = vector.shape_cast %broadcast_in_dim3A_833 : vector<1x512xi32> to vector<1x512xi32>
    %broadcast_in_dim3A_847 = vector.broadcast %broadcast_in_dim3A_846 : vector<1x512xi32> to vector<24x512xi32>
    %select_n3A_848 = arith.select %eq3A_845, %broadcast_in_dim3A_847, %select_n3A_817 : vector<24x512xi1>, vector<24x512xi32>
    %eq3A_849 = vector.broadcast %broadcast_in_dim3A_833 : vector<1x512xi32> to vector<672x512xi32>
    %eq3A_850 = arith.cmpi eq, %add3A_58, %eq3A_849 : vector<672x512xi32>
    %jit3A_851 = arith.constant -1.000000e+30 : f32
    %broadcast_in_dim3A_852 = vector.broadcast %jit3A_851 : f32 to vector<672x512xf32>
    %select_n3A_853 = arith.select %eq3A_850, %broadcast_in_dim3A_852, %select_n3A_822 : vector<672x512xi1>, vector<672x512xf32>
    %reduce_max3A_854 = arith.constant dense<0xFF800000> : vector<512xf32>
    %reduce_max3A_855 = vector.multi_reduction <maximumf>, %select_n3A_853, %reduce_max3A_854 [0] : vector<672x512xf32> to vector<512xf32>
    %broadcast_in_dim3A_856 = vector.shape_cast %reduce_max3A_855 : vector<512xf32> to vector<1x512xf32>
    %eq3A_857 = vector.broadcast %broadcast_in_dim3A_856 : vector<1x512xf32> to vector<672x512xf32>
    %eq3A_858 = arith.cmpf oeq, %select_n3A_853, %eq3A_857 : vector<672x512xf32>
    %jit3A_859 = arith.constant 1073741824 : i32
    %broadcast_in_dim3A_860 = vector.broadcast %jit3A_859 : i32 to vector<672x512xi32>
    %select_n3A_861 = arith.select %eq3A_858, %add3A_58, %broadcast_in_dim3A_860 : vector<672x512xi1>, vector<672x512xi32>
    %reduce_min3A_862 = arith.constant dense<2147483647> : vector<512xi32>
    %reduce_min3A_863 = vector.multi_reduction <minsi>, %select_n3A_861, %reduce_min3A_862 [0] : vector<672x512xi32> to vector<512xi32>
    %broadcast_in_dim3A_864 = vector.shape_cast %reduce_min3A_863 : vector<512xi32> to vector<1x512xi32>
    %eq3A_865 = arith.constant 14 : i32
    %eq3A_866 = vector.broadcast %eq3A_865 : i32 to vector<24x512xi32>
    %eq3A_867 = arith.cmpi eq, %iota3A_419, %eq3A_866 : vector<24x512xi32>
    %max3A_868 = arith.constant 0.000000e+00 : f32
    %max3A_869 = vector.broadcast %max3A_868 : f32 to vector<1x512xf32>
    %max3A_870 = arith.maximumf %broadcast_in_dim3A_856, %max3A_869 : vector<1x512xf32>
    %broadcast_in_dim3A_871 = vector.shape_cast %max3A_870 : vector<1x512xf32> to vector<1x512xf32>
    %broadcast_in_dim3A_872 = vector.broadcast %broadcast_in_dim3A_871 : vector<1x512xf32> to vector<24x512xf32>
    %select_n3A_873 = arith.select %eq3A_867, %broadcast_in_dim3A_872, %select_n3A_842 : vector<24x512xi1>, vector<24x512xf32>
    %eq3A_874 = arith.constant 14 : i32
    %eq3A_875 = vector.broadcast %eq3A_874 : i32 to vector<24x512xi32>
    %eq3A_876 = arith.cmpi eq, %iota3A_419, %eq3A_875 : vector<24x512xi32>
    %broadcast_in_dim3A_877 = vector.shape_cast %broadcast_in_dim3A_864 : vector<1x512xi32> to vector<1x512xi32>
    %broadcast_in_dim3A_878 = vector.broadcast %broadcast_in_dim3A_877 : vector<1x512xi32> to vector<24x512xi32>
    %select_n3A_879 = arith.select %eq3A_876, %broadcast_in_dim3A_878, %select_n3A_848 : vector<24x512xi1>, vector<24x512xi32>
    %eq3A_880 = vector.broadcast %broadcast_in_dim3A_864 : vector<1x512xi32> to vector<672x512xi32>
    %eq3A_881 = arith.cmpi eq, %add3A_58, %eq3A_880 : vector<672x512xi32>
    %jit3A_882 = arith.constant -1.000000e+30 : f32
    %broadcast_in_dim3A_883 = vector.broadcast %jit3A_882 : f32 to vector<672x512xf32>
    %select_n3A_884 = arith.select %eq3A_881, %broadcast_in_dim3A_883, %select_n3A_853 : vector<672x512xi1>, vector<672x512xf32>
    %reduce_max3A_885 = arith.constant dense<0xFF800000> : vector<512xf32>
    %reduce_max3A_886 = vector.multi_reduction <maximumf>, %select_n3A_884, %reduce_max3A_885 [0] : vector<672x512xf32> to vector<512xf32>
    %broadcast_in_dim3A_887 = vector.shape_cast %reduce_max3A_886 : vector<512xf32> to vector<1x512xf32>
    %eq3A_888 = vector.broadcast %broadcast_in_dim3A_887 : vector<1x512xf32> to vector<672x512xf32>
    %eq3A_889 = arith.cmpf oeq, %select_n3A_884, %eq3A_888 : vector<672x512xf32>
    %jit3A_890 = arith.constant 1073741824 : i32
    %broadcast_in_dim3A_891 = vector.broadcast %jit3A_890 : i32 to vector<672x512xi32>
    %select_n3A_892 = arith.select %eq3A_889, %add3A_58, %broadcast_in_dim3A_891 : vector<672x512xi1>, vector<672x512xi32>
    %reduce_min3A_893 = arith.constant dense<2147483647> : vector<512xi32>
    %reduce_min3A_894 = vector.multi_reduction <minsi>, %select_n3A_892, %reduce_min3A_893 [0] : vector<672x512xi32> to vector<512xi32>
    %broadcast_in_dim3A_895 = vector.shape_cast %reduce_min3A_894 : vector<512xi32> to vector<1x512xi32>
    %eq3A_896 = arith.constant 15 : i32
    %eq3A_897 = vector.broadcast %eq3A_896 : i32 to vector<24x512xi32>
    %eq3A_898 = arith.cmpi eq, %iota3A_419, %eq3A_897 : vector<24x512xi32>
    %max3A_899 = arith.constant 0.000000e+00 : f32
    %max3A_900 = vector.broadcast %max3A_899 : f32 to vector<1x512xf32>
    %max3A_901 = arith.maximumf %broadcast_in_dim3A_887, %max3A_900 : vector<1x512xf32>
    %broadcast_in_dim3A_902 = vector.shape_cast %max3A_901 : vector<1x512xf32> to vector<1x512xf32>
    %broadcast_in_dim3A_903 = vector.broadcast %broadcast_in_dim3A_902 : vector<1x512xf32> to vector<24x512xf32>
    %select_n3A_904 = arith.select %eq3A_898, %broadcast_in_dim3A_903, %select_n3A_873 : vector<24x512xi1>, vector<24x512xf32>
    %eq3A_905 = arith.constant 15 : i32
    %eq3A_906 = vector.broadcast %eq3A_905 : i32 to vector<24x512xi32>
    %eq3A_907 = arith.cmpi eq, %iota3A_419, %eq3A_906 : vector<24x512xi32>
    %broadcast_in_dim3A_908 = vector.shape_cast %broadcast_in_dim3A_895 : vector<1x512xi32> to vector<1x512xi32>
    %broadcast_in_dim3A_909 = vector.broadcast %broadcast_in_dim3A_908 : vector<1x512xi32> to vector<24x512xi32>
    %select_n3A_910 = arith.select %eq3A_907, %broadcast_in_dim3A_909, %select_n3A_879 : vector<24x512xi1>, vector<24x512xi32>
    %eq3A_911 = vector.broadcast %broadcast_in_dim3A_895 : vector<1x512xi32> to vector<672x512xi32>
    %eq3A_912 = arith.cmpi eq, %add3A_58, %eq3A_911 : vector<672x512xi32>
    %jit3A_913 = arith.constant -1.000000e+30 : f32
    %broadcast_in_dim3A_914 = vector.broadcast %jit3A_913 : f32 to vector<672x512xf32>
    %select_n3A_915 = arith.select %eq3A_912, %broadcast_in_dim3A_914, %select_n3A_884 : vector<672x512xi1>, vector<672x512xf32>
    %reduce_max3A_916 = arith.constant dense<0xFF800000> : vector<512xf32>
    %reduce_max3A_917 = vector.multi_reduction <maximumf>, %select_n3A_915, %reduce_max3A_916 [0] : vector<672x512xf32> to vector<512xf32>
    %broadcast_in_dim3A_918 = vector.shape_cast %reduce_max3A_917 : vector<512xf32> to vector<1x512xf32>
    %eq3A_919 = vector.broadcast %broadcast_in_dim3A_918 : vector<1x512xf32> to vector<672x512xf32>
    %eq3A_920 = arith.cmpf oeq, %select_n3A_915, %eq3A_919 : vector<672x512xf32>
    %jit3A_921 = arith.constant 1073741824 : i32
    %broadcast_in_dim3A_922 = vector.broadcast %jit3A_921 : i32 to vector<672x512xi32>
    %select_n3A_923 = arith.select %eq3A_920, %add3A_58, %broadcast_in_dim3A_922 : vector<672x512xi1>, vector<672x512xi32>
    %reduce_min3A_924 = arith.constant dense<2147483647> : vector<512xi32>
    %reduce_min3A_925 = vector.multi_reduction <minsi>, %select_n3A_923, %reduce_min3A_924 [0] : vector<672x512xi32> to vector<512xi32>
    %broadcast_in_dim3A_926 = vector.shape_cast %reduce_min3A_925 : vector<512xi32> to vector<1x512xi32>
    %eq3A_927 = arith.constant 16 : i32
    %eq3A_928 = vector.broadcast %eq3A_927 : i32 to vector<24x512xi32>
    %eq3A_929 = arith.cmpi eq, %iota3A_419, %eq3A_928 : vector<24x512xi32>
    %max3A_930 = arith.constant 0.000000e+00 : f32
    %max3A_931 = vector.broadcast %max3A_930 : f32 to vector<1x512xf32>
    %max3A_932 = arith.maximumf %broadcast_in_dim3A_918, %max3A_931 : vector<1x512xf32>
    %broadcast_in_dim3A_933 = vector.shape_cast %max3A_932 : vector<1x512xf32> to vector<1x512xf32>
    %broadcast_in_dim3A_934 = vector.broadcast %broadcast_in_dim3A_933 : vector<1x512xf32> to vector<24x512xf32>
    %select_n3A_935 = arith.select %eq3A_929, %broadcast_in_dim3A_934, %select_n3A_904 : vector<24x512xi1>, vector<24x512xf32>
    %eq3A_936 = arith.constant 16 : i32
    %eq3A_937 = vector.broadcast %eq3A_936 : i32 to vector<24x512xi32>
    %eq3A_938 = arith.cmpi eq, %iota3A_419, %eq3A_937 : vector<24x512xi32>
    %broadcast_in_dim3A_939 = vector.shape_cast %broadcast_in_dim3A_926 : vector<1x512xi32> to vector<1x512xi32>
    %broadcast_in_dim3A_940 = vector.broadcast %broadcast_in_dim3A_939 : vector<1x512xi32> to vector<24x512xi32>
    %select_n3A_941 = arith.select %eq3A_938, %broadcast_in_dim3A_940, %select_n3A_910 : vector<24x512xi1>, vector<24x512xi32>
    %eq3A_942 = vector.broadcast %broadcast_in_dim3A_926 : vector<1x512xi32> to vector<672x512xi32>
    %eq3A_943 = arith.cmpi eq, %add3A_58, %eq3A_942 : vector<672x512xi32>
    %jit3A_944 = arith.constant -1.000000e+30 : f32
    %broadcast_in_dim3A_945 = vector.broadcast %jit3A_944 : f32 to vector<672x512xf32>
    %select_n3A_946 = arith.select %eq3A_943, %broadcast_in_dim3A_945, %select_n3A_915 : vector<672x512xi1>, vector<672x512xf32>
    %reduce_max3A_947 = arith.constant dense<0xFF800000> : vector<512xf32>
    %reduce_max3A_948 = vector.multi_reduction <maximumf>, %select_n3A_946, %reduce_max3A_947 [0] : vector<672x512xf32> to vector<512xf32>
    %broadcast_in_dim3A_949 = vector.shape_cast %reduce_max3A_948 : vector<512xf32> to vector<1x512xf32>
    %eq3A_950 = vector.broadcast %broadcast_in_dim3A_949 : vector<1x512xf32> to vector<672x512xf32>
    %eq3A_951 = arith.cmpf oeq, %select_n3A_946, %eq3A_950 : vector<672x512xf32>
    %jit3A_952 = arith.constant 1073741824 : i32
    %broadcast_in_dim3A_953 = vector.broadcast %jit3A_952 : i32 to vector<672x512xi32>
    %select_n3A_954 = arith.select %eq3A_951, %add3A_58, %broadcast_in_dim3A_953 : vector<672x512xi1>, vector<672x512xi32>
    %reduce_min3A_955 = arith.constant dense<2147483647> : vector<512xi32>
    %reduce_min3A_956 = vector.multi_reduction <minsi>, %select_n3A_954, %reduce_min3A_955 [0] : vector<672x512xi32> to vector<512xi32>
    %broadcast_in_dim3A_957 = vector.shape_cast %reduce_min3A_956 : vector<512xi32> to vector<1x512xi32>
    %eq3A_958 = arith.constant 17 : i32
    %eq3A_959 = vector.broadcast %eq3A_958 : i32 to vector<24x512xi32>
    %eq3A_960 = arith.cmpi eq, %iota3A_419, %eq3A_959 : vector<24x512xi32>
    %max3A_961 = arith.constant 0.000000e+00 : f32
    %max3A_962 = vector.broadcast %max3A_961 : f32 to vector<1x512xf32>
    %max3A_963 = arith.maximumf %broadcast_in_dim3A_949, %max3A_962 : vector<1x512xf32>
    %broadcast_in_dim3A_964 = vector.shape_cast %max3A_963 : vector<1x512xf32> to vector<1x512xf32>
    %broadcast_in_dim3A_965 = vector.broadcast %broadcast_in_dim3A_964 : vector<1x512xf32> to vector<24x512xf32>
    %select_n3A_966 = arith.select %eq3A_960, %broadcast_in_dim3A_965, %select_n3A_935 : vector<24x512xi1>, vector<24x512xf32>
    %eq3A_967 = arith.constant 17 : i32
    %eq3A_968 = vector.broadcast %eq3A_967 : i32 to vector<24x512xi32>
    %eq3A_969 = arith.cmpi eq, %iota3A_419, %eq3A_968 : vector<24x512xi32>
    %broadcast_in_dim3A_970 = vector.shape_cast %broadcast_in_dim3A_957 : vector<1x512xi32> to vector<1x512xi32>
    %broadcast_in_dim3A_971 = vector.broadcast %broadcast_in_dim3A_970 : vector<1x512xi32> to vector<24x512xi32>
    %select_n3A_972 = arith.select %eq3A_969, %broadcast_in_dim3A_971, %select_n3A_941 : vector<24x512xi1>, vector<24x512xi32>
    %eq3A_973 = vector.broadcast %broadcast_in_dim3A_957 : vector<1x512xi32> to vector<672x512xi32>
    %eq3A_974 = arith.cmpi eq, %add3A_58, %eq3A_973 : vector<672x512xi32>
    %jit3A_975 = arith.constant -1.000000e+30 : f32
    %broadcast_in_dim3A_976 = vector.broadcast %jit3A_975 : f32 to vector<672x512xf32>
    %select_n3A_977 = arith.select %eq3A_974, %broadcast_in_dim3A_976, %select_n3A_946 : vector<672x512xi1>, vector<672x512xf32>
    %reduce_max3A_978 = arith.constant dense<0xFF800000> : vector<512xf32>
    %reduce_max3A_979 = vector.multi_reduction <maximumf>, %select_n3A_977, %reduce_max3A_978 [0] : vector<672x512xf32> to vector<512xf32>
    %broadcast_in_dim3A_980 = vector.shape_cast %reduce_max3A_979 : vector<512xf32> to vector<1x512xf32>
    %eq3A_981 = vector.broadcast %broadcast_in_dim3A_980 : vector<1x512xf32> to vector<672x512xf32>
    %eq3A_982 = arith.cmpf oeq, %select_n3A_977, %eq3A_981 : vector<672x512xf32>
    %jit3A_983 = arith.constant 1073741824 : i32
    %broadcast_in_dim3A_984 = vector.broadcast %jit3A_983 : i32 to vector<672x512xi32>
    %select_n3A_985 = arith.select %eq3A_982, %add3A_58, %broadcast_in_dim3A_984 : vector<672x512xi1>, vector<672x512xi32>
    %reduce_min3A_986 = arith.constant dense<2147483647> : vector<512xi32>
    %reduce_min3A_987 = vector.multi_reduction <minsi>, %select_n3A_985, %reduce_min3A_986 [0] : vector<672x512xi32> to vector<512xi32>
    %broadcast_in_dim3A_988 = vector.shape_cast %reduce_min3A_987 : vector<512xi32> to vector<1x512xi32>
    %eq3A_989 = arith.constant 18 : i32
    %eq3A_990 = vector.broadcast %eq3A_989 : i32 to vector<24x512xi32>
    %eq3A_991 = arith.cmpi eq, %iota3A_419, %eq3A_990 : vector<24x512xi32>
    %max3A_992 = arith.constant 0.000000e+00 : f32
    %max3A_993 = vector.broadcast %max3A_992 : f32 to vector<1x512xf32>
    %max3A_994 = arith.maximumf %broadcast_in_dim3A_980, %max3A_993 : vector<1x512xf32>
    %broadcast_in_dim3A_995 = vector.shape_cast %max3A_994 : vector<1x512xf32> to vector<1x512xf32>
    %broadcast_in_dim3A_996 = vector.broadcast %broadcast_in_dim3A_995 : vector<1x512xf32> to vector<24x512xf32>
    %select_n3A_997 = arith.select %eq3A_991, %broadcast_in_dim3A_996, %select_n3A_966 : vector<24x512xi1>, vector<24x512xf32>
    %eq3A_998 = arith.constant 18 : i32
    %eq3A_999 = vector.broadcast %eq3A_998 : i32 to vector<24x512xi32>
    %eq3A_1000 = arith.cmpi eq, %iota3A_419, %eq3A_999 : vector<24x512xi32>
    %broadcast_in_dim3A_1001 = vector.shape_cast %broadcast_in_dim3A_988 : vector<1x512xi32> to vector<1x512xi32>
    %broadcast_in_dim3A_1002 = vector.broadcast %broadcast_in_dim3A_1001 : vector<1x512xi32> to vector<24x512xi32>
    %select_n3A_1003 = arith.select %eq3A_1000, %broadcast_in_dim3A_1002, %select_n3A_972 : vector<24x512xi1>, vector<24x512xi32>
    %eq3A_1004 = vector.broadcast %broadcast_in_dim3A_988 : vector<1x512xi32> to vector<672x512xi32>
    %eq3A_1005 = arith.cmpi eq, %add3A_58, %eq3A_1004 : vector<672x512xi32>
    %jit3A_1006 = arith.constant -1.000000e+30 : f32
    %broadcast_in_dim3A_1007 = vector.broadcast %jit3A_1006 : f32 to vector<672x512xf32>
    %select_n3A_1008 = arith.select %eq3A_1005, %broadcast_in_dim3A_1007, %select_n3A_977 : vector<672x512xi1>, vector<672x512xf32>
    %reduce_max3A_1009 = arith.constant dense<0xFF800000> : vector<512xf32>
    %reduce_max3A_1010 = vector.multi_reduction <maximumf>, %select_n3A_1008, %reduce_max3A_1009 [0] : vector<672x512xf32> to vector<512xf32>
    %broadcast_in_dim3A_1011 = vector.shape_cast %reduce_max3A_1010 : vector<512xf32> to vector<1x512xf32>
    %eq3A_1012 = vector.broadcast %broadcast_in_dim3A_1011 : vector<1x512xf32> to vector<672x512xf32>
    %eq3A_1013 = arith.cmpf oeq, %select_n3A_1008, %eq3A_1012 : vector<672x512xf32>
    %jit3A_1014 = arith.constant 1073741824 : i32
    %broadcast_in_dim3A_1015 = vector.broadcast %jit3A_1014 : i32 to vector<672x512xi32>
    %select_n3A_1016 = arith.select %eq3A_1013, %add3A_58, %broadcast_in_dim3A_1015 : vector<672x512xi1>, vector<672x512xi32>
    %reduce_min3A_1017 = arith.constant dense<2147483647> : vector<512xi32>
    %reduce_min3A_1018 = vector.multi_reduction <minsi>, %select_n3A_1016, %reduce_min3A_1017 [0] : vector<672x512xi32> to vector<512xi32>
    %broadcast_in_dim3A_1019 = vector.shape_cast %reduce_min3A_1018 : vector<512xi32> to vector<1x512xi32>
    %eq3A_1020 = arith.constant 19 : i32
    %eq3A_1021 = vector.broadcast %eq3A_1020 : i32 to vector<24x512xi32>
    %eq3A_1022 = arith.cmpi eq, %iota3A_419, %eq3A_1021 : vector<24x512xi32>
    %max3A_1023 = arith.constant 0.000000e+00 : f32
    %max3A_1024 = vector.broadcast %max3A_1023 : f32 to vector<1x512xf32>
    %max3A_1025 = arith.maximumf %broadcast_in_dim3A_1011, %max3A_1024 : vector<1x512xf32>
    %broadcast_in_dim3A_1026 = vector.shape_cast %max3A_1025 : vector<1x512xf32> to vector<1x512xf32>
    %broadcast_in_dim3A_1027 = vector.broadcast %broadcast_in_dim3A_1026 : vector<1x512xf32> to vector<24x512xf32>
    %select_n3A_1028 = arith.select %eq3A_1022, %broadcast_in_dim3A_1027, %select_n3A_997 : vector<24x512xi1>, vector<24x512xf32>
    %eq3A_1029 = arith.constant 19 : i32
    %eq3A_1030 = vector.broadcast %eq3A_1029 : i32 to vector<24x512xi32>
    %eq3A_1031 = arith.cmpi eq, %iota3A_419, %eq3A_1030 : vector<24x512xi32>
    %broadcast_in_dim3A_1032 = vector.shape_cast %broadcast_in_dim3A_1019 : vector<1x512xi32> to vector<1x512xi32>
    %broadcast_in_dim3A_1033 = vector.broadcast %broadcast_in_dim3A_1032 : vector<1x512xi32> to vector<24x512xi32>
    %select_n3A_1034 = arith.select %eq3A_1031, %broadcast_in_dim3A_1033, %select_n3A_1003 : vector<24x512xi1>, vector<24x512xi32>
    %eq3A_1035 = vector.broadcast %broadcast_in_dim3A_1019 : vector<1x512xi32> to vector<672x512xi32>
    %eq3A_1036 = arith.cmpi eq, %add3A_58, %eq3A_1035 : vector<672x512xi32>
    %jit3A_1037 = arith.constant -1.000000e+30 : f32
    %broadcast_in_dim3A_1038 = vector.broadcast %jit3A_1037 : f32 to vector<672x512xf32>
    %select_n3A_1039 = arith.select %eq3A_1036, %broadcast_in_dim3A_1038, %select_n3A_1008 : vector<672x512xi1>, vector<672x512xf32>
    %reduce_max3A_1040 = arith.constant dense<0xFF800000> : vector<512xf32>
    %reduce_max3A_1041 = vector.multi_reduction <maximumf>, %select_n3A_1039, %reduce_max3A_1040 [0] : vector<672x512xf32> to vector<512xf32>
    %broadcast_in_dim3A_1042 = vector.shape_cast %reduce_max3A_1041 : vector<512xf32> to vector<1x512xf32>
    %eq3A_1043 = vector.broadcast %broadcast_in_dim3A_1042 : vector<1x512xf32> to vector<672x512xf32>
    %eq3A_1044 = arith.cmpf oeq, %select_n3A_1039, %eq3A_1043 : vector<672x512xf32>
    %jit3A_1045 = arith.constant 1073741824 : i32
    %broadcast_in_dim3A_1046 = vector.broadcast %jit3A_1045 : i32 to vector<672x512xi32>
    %select_n3A_1047 = arith.select %eq3A_1044, %add3A_58, %broadcast_in_dim3A_1046 : vector<672x512xi1>, vector<672x512xi32>
    %reduce_min3A_1048 = arith.constant dense<2147483647> : vector<512xi32>
    %reduce_min3A_1049 = vector.multi_reduction <minsi>, %select_n3A_1047, %reduce_min3A_1048 [0] : vector<672x512xi32> to vector<512xi32>
    %broadcast_in_dim3A_1050 = vector.shape_cast %reduce_min3A_1049 : vector<512xi32> to vector<1x512xi32>
    %eq3A_1051 = arith.constant 20 : i32
    %eq3A_1052 = vector.broadcast %eq3A_1051 : i32 to vector<24x512xi32>
    %eq3A_1053 = arith.cmpi eq, %iota3A_419, %eq3A_1052 : vector<24x512xi32>
    %max3A_1054 = arith.constant 0.000000e+00 : f32
    %max3A_1055 = vector.broadcast %max3A_1054 : f32 to vector<1x512xf32>
    %max3A_1056 = arith.maximumf %broadcast_in_dim3A_1042, %max3A_1055 : vector<1x512xf32>
    %broadcast_in_dim3A_1057 = vector.shape_cast %max3A_1056 : vector<1x512xf32> to vector<1x512xf32>
    %broadcast_in_dim3A_1058 = vector.broadcast %broadcast_in_dim3A_1057 : vector<1x512xf32> to vector<24x512xf32>
    %select_n3A_1059 = arith.select %eq3A_1053, %broadcast_in_dim3A_1058, %select_n3A_1028 : vector<24x512xi1>, vector<24x512xf32>
    %eq3A_1060 = arith.constant 20 : i32
    %eq3A_1061 = vector.broadcast %eq3A_1060 : i32 to vector<24x512xi32>
    %eq3A_1062 = arith.cmpi eq, %iota3A_419, %eq3A_1061 : vector<24x512xi32>
    %broadcast_in_dim3A_1063 = vector.shape_cast %broadcast_in_dim3A_1050 : vector<1x512xi32> to vector<1x512xi32>
    %broadcast_in_dim3A_1064 = vector.broadcast %broadcast_in_dim3A_1063 : vector<1x512xi32> to vector<24x512xi32>
    %select_n3A_1065 = arith.select %eq3A_1062, %broadcast_in_dim3A_1064, %select_n3A_1034 : vector<24x512xi1>, vector<24x512xi32>
    %dot_general3A_1066 = arith.constant dense<0.000000e+00> : vector<512x24xf32>
    %dot_general3A_1067 = tpu.matmul %convert_element_type3A_416, %select_n3A_1059, %dot_general3A_1066 {dimension_numbers = #tpu.dot_dimension_numbers<[1], [1], [0], [0], [0, 0, 1, 0], [], []>, precision = #tpu.contract_precision<fp32>, transpose_lhs_hint = false} : vector<512x512xf32>, vector<24x512xf32>, vector<512x24xf32> -> vector<512x24xf32>
    %convert_element_type3A_1068 = arith.sitofp %select_n3A_1065 : vector<24x512xi32> to vector<24x512xf32>
    %dot_general3A_1069 = arith.constant dense<0.000000e+00> : vector<512x24xf32>
    %dot_general3A_1070 = tpu.matmul %convert_element_type3A_416, %convert_element_type3A_1068, %dot_general3A_1069 {dimension_numbers = #tpu.dot_dimension_numbers<[1], [1], [0], [0], [0, 0, 1, 0], [], []>, precision = #tpu.contract_precision<fp32>, transpose_lhs_hint = false} : vector<512x512xf32>, vector<24x512xf32>, vector<512x24xf32> -> vector<512x24xf32>
    %convert_element_type3A_1071 = arith.fptosi %dot_general3A_1070 : vector<512x24xf32> to vector<512x24xi32>
    %slice3A_1072 = vector.extract_strided_slice %dot_general3A_1067 {offsets = [0, 0], sizes = [512, 21], strides = [1, 1]} : vector<512x24xf32> to vector<512x21xf32>
    %slice3A_1073 = vector.extract_strided_slice %convert_element_type3A_1071 {offsets = [0, 0], sizes = [512, 21], strides = [1, 1]} : vector<512x24xi32> to vector<512x21xi32>
    %mul3A_1074 = arith.constant 512 : i32
    %mul3A_1075 = arith.muli %add3A_0, %mul3A_1074 : i32
    %iota3A_1076 = tpu.iota {dimensions = array<i32: 0>} : vector<512x21xi32>
    %add3A_1077 = vector.broadcast %mul3A_1075 : i32 to vector<512x21xi32>
    %add3A_1078 = arith.addi %add3A_1077, %iota3A_1076 : vector<512x21xi32>
    %broadcast_in_dim3A_1079 = vector.shape_cast %add3A_1078 : vector<512x21xi32> to vector<1x512x21xi32>
    %broadcast_in_dim3A_1080 = vector.shape_cast %slice3A_1073 : vector<512x21xi32> to vector<1x512x21xi32>
    %broadcast_in_dim3A_1081 = vector.shape_cast %slice3A_1073 : vector<512x21xi32> to vector<1x512x21xi32>
    %broadcast_in_dim3A_1082 = vector.shape_cast %add3A_1078 : vector<512x21xi32> to vector<1x512x21xi32>
    %concatenate3A_1083 = tpu.concatenate %broadcast_in_dim3A_1079, %broadcast_in_dim3A_1080, %broadcast_in_dim3A_1081, %broadcast_in_dim3A_1082 in 0 : vector<1x512x21xi32>, vector<1x512x21xi32>, vector<1x512x21xi32>, vector<1x512x21xi32> -> vector<4x512x21xi32>
    %reshape3A = vector.shape_cast %concatenate3A_1083 : vector<4x512x21xi32> to vector<2x2x512x21xi32>
    %swap3A = arith.constant 0 : index
    %swap3A_1084 = arith.constant 0 : index
    %swap3A_1085 = arith.constant 0 : index
    %swap3A_1086 = arith.constant 0 : index
    %swap3A_1087 = vector.load %arg23[%swap3A, %swap3A_1084, %swap3A_1085, %swap3A_1086] : memref<2x2x512x21xi32, #tpu.memory_space<vmem>>, vector<2x2x512x21xi32>
    tpu.vector_store %arg23[%swap3A, %swap3A_1084, %swap3A_1085, %swap3A_1086], %reshape3A {strides = array<i32>} : memref<2x2x512x21xi32, #tpu.memory_space<vmem>>, vector<2x2x512x21xi32>,
    %broadcast_in_dim3A_1088 = vector.shape_cast %slice3A_1072 : vector<512x21xf32> to vector<1x512x21xf32>
    %broadcast_in_dim3A_1089 = vector.shape_cast %slice3A_1072 : vector<512x21xf32> to vector<1x512x21xf32>
    %concatenate3A_1090 = tpu.concatenate %broadcast_in_dim3A_1088, %broadcast_in_dim3A_1089 in 0 : vector<1x512x21xf32>, vector<1x512x21xf32> -> vector<2x512x21xf32>
    %swap3A_1091 = arith.constant 0 : index
    %swap3A_1092 = arith.constant 0 : index
    %swap3A_1093 = arith.constant 0 : index
    %swap3A_1094 = vector.load %arg24[%swap3A_1091, %swap3A_1092, %swap3A_1093] : memref<2x512x21xf32, #tpu.memory_space<vmem>>, vector<2x512x21xf32>
    tpu.vector_store %arg24[%swap3A_1091, %swap3A_1092, %swap3A_1093], %concatenate3A_1090 {strides = array<i32>} : memref<2x512x21xf32, #tpu.memory_space<vmem>>, vector<2x512x21xf32>,
    return
  }
  func.func @transform_0(%arg0: i32) -> (i32, i32) {
    %add3A = arith.constant 0 : i32
    %add3A_0 = arith.addi %add3A, %arg0 : i32
    %c0_i32 = arith.constant 0 : i32
    %c0_i32_1 = arith.constant 0 : i32
    return %add3A_0, %c0_i32 : i32, i32
  }
  func.func @transform_1(%arg0: i32) -> (i32, i32) {
    %add3A = arith.constant 10 : i32
    %add3A_0 = arith.addi %add3A, %arg0 : i32
    %c0_i32 = arith.constant 0 : i32
    %c0_i32_1 = arith.constant 0 : i32
    return %add3A_0, %c0_i32 : i32, i32
  }
  func.func @transform_2(%arg0: i32) -> (i32, i32) {
    %add3A = arith.constant 20 : i32
    %add3A_0 = arith.addi %add3A, %arg0 : i32
    %c0_i32 = arith.constant 0 : i32
    %c0_i32_1 = arith.constant 0 : i32
    return %add3A_0, %c0_i32 : i32, i32
  }
  func.func @transform_3(%arg0: i32) -> (i32, i32) {
    %add3A = arith.constant 30 : i32
    %add3A_0 = arith.addi %add3A, %arg0 : i32
    %c0_i32 = arith.constant 0 : i32
    %c0_i32_1 = arith.constant 0 : i32
    return %add3A_0, %c0_i32 : i32, i32
  }
  func.func @transform_4(%arg0: i32) -> (i32, i32) {
    %add3A = arith.constant 40 : i32
    %add3A_0 = arith.addi %add3A, %arg0 : i32
    %c0_i32 = arith.constant 0 : i32
    %c0_i32_1 = arith.constant 0 : i32
    return %add3A_0, %c0_i32 : i32, i32
  }
  func.func @transform_5(%arg0: i32) -> (i32, i32) {
    %add3A = arith.constant 50 : i32
    %add3A_0 = arith.addi %add3A, %arg0 : i32
    %c0_i32 = arith.constant 0 : i32
    %c0_i32_1 = arith.constant 0 : i32
    return %add3A_0, %c0_i32 : i32, i32
  }
  func.func @transform_6(%arg0: i32) -> (i32, i32) {
    %add3A = arith.constant 60 : i32
    %add3A_0 = arith.addi %add3A, %arg0 : i32
    %c0_i32 = arith.constant 0 : i32
    %c0_i32_1 = arith.constant 0 : i32
    return %add3A_0, %c0_i32 : i32, i32
  }
  func.func @transform_7(%arg0: i32) -> (i32, i32) {
    %add3A = arith.constant 70 : i32
    %add3A_0 = arith.addi %add3A, %arg0 : i32
    %c0_i32 = arith.constant 0 : i32
    %c0_i32_1 = arith.constant 0 : i32
    return %add3A_0, %c0_i32 : i32, i32
  }
  func.func @transform_8(%arg0: i32) -> (i32, i32) {
    %add3A = arith.constant 80 : i32
    %add3A_0 = arith.addi %add3A, %arg0 : i32
    %c0_i32 = arith.constant 0 : i32
    %c0_i32_1 = arith.constant 0 : i32
    return %add3A_0, %c0_i32 : i32, i32
  }
  func.func @transform_9(%arg0: i32) -> (i32, i32) {
    %add3A = arith.constant 90 : i32
    %add3A_0 = arith.addi %add3A, %arg0 : i32
    %c0_i32 = arith.constant 0 : i32
    %c0_i32_1 = arith.constant 0 : i32
    return %add3A_0, %c0_i32 : i32, i32
  }
  func.func @transform_10(%arg0: i32) -> (i32, i32) {
    %add3A = arith.constant 100 : i32
    %add3A_0 = arith.addi %add3A, %arg0 : i32
    %c0_i32 = arith.constant 0 : i32
    %c0_i32_1 = arith.constant 0 : i32
    return %add3A_0, %c0_i32 : i32, i32
  }
  func.func @transform_11(%arg0: i32) -> (i32, i32) {
    %add3A = arith.constant 110 : i32
    %add3A_0 = arith.addi %add3A, %arg0 : i32
    %c0_i32 = arith.constant 0 : i32
    %c0_i32_1 = arith.constant 0 : i32
    return %add3A_0, %c0_i32 : i32, i32
  }
  func.func @transform_12(%arg0: i32) -> (i32, i32) {
    %add3A = arith.constant 120 : i32
    %add3A_0 = arith.addi %add3A, %arg0 : i32
    %c0_i32 = arith.constant 0 : i32
    %c0_i32_1 = arith.constant 0 : i32
    return %add3A_0, %c0_i32 : i32, i32
  }
  func.func @transform_13(%arg0: i32) -> (i32, i32) {
    %add3A = arith.constant 130 : i32
    %add3A_0 = arith.addi %add3A, %arg0 : i32
    %c0_i32 = arith.constant 0 : i32
    %c0_i32_1 = arith.constant 0 : i32
    return %add3A_0, %c0_i32 : i32, i32
  }
  func.func @transform_14(%arg0: i32) -> (i32, i32) {
    %add3A = arith.constant 140 : i32
    %add3A_0 = arith.addi %add3A, %arg0 : i32
    %c0_i32 = arith.constant 0 : i32
    %c0_i32_1 = arith.constant 0 : i32
    return %add3A_0, %c0_i32 : i32, i32
  }
  func.func @transform_15(%arg0: i32) -> (i32, i32) {
    %add3A = arith.constant 150 : i32
    %add3A_0 = arith.addi %add3A, %arg0 : i32
    %c0_i32 = arith.constant 0 : i32
    %c0_i32_1 = arith.constant 0 : i32
    return %add3A_0, %c0_i32 : i32, i32
  }
  func.func @transform_16(%arg0: i32) -> (i32, i32) {
    %add3A = arith.constant 160 : i32
    %add3A_0 = arith.addi %add3A, %arg0 : i32
    %c0_i32 = arith.constant 0 : i32
    %c0_i32_1 = arith.constant 0 : i32
    return %add3A_0, %c0_i32 : i32, i32
  }
  func.func @transform_17(%arg0: i32) -> (i32, i32) {
    %add3A = arith.constant 170 : i32
    %add3A_0 = arith.addi %add3A, %arg0 : i32
    %c0_i32 = arith.constant 0 : i32
    %c0_i32_1 = arith.constant 0 : i32
    return %add3A_0, %c0_i32 : i32, i32
  }
  func.func @transform_18(%arg0: i32) -> (i32, i32) {
    %add3A = arith.constant 180 : i32
    %add3A_0 = arith.addi %add3A, %arg0 : i32
    %c0_i32 = arith.constant 0 : i32
    %c0_i32_1 = arith.constant 0 : i32
    return %add3A_0, %c0_i32 : i32, i32
  }
  func.func @transform_19(%arg0: i32) -> (i32, i32) {
    %add3A = arith.constant 190 : i32
    %add3A_0 = arith.addi %add3A, %arg0 : i32
    %c0_i32 = arith.constant 0 : i32
    %c0_i32_1 = arith.constant 0 : i32
    return %add3A_0, %c0_i32 : i32, i32
  }
  func.func @transform_20(%arg0: i32) -> (i32, i32) {
    %add3A = arith.constant 200 : i32
    %add3A_0 = arith.addi %add3A, %arg0 : i32
    %c0_i32 = arith.constant 0 : i32
    %c0_i32_1 = arith.constant 0 : i32
    return %add3A_0, %c0_i32 : i32, i32
  }
  func.func @transform_21(%arg0: i32) -> (i32, i32) {
    %c0_i32 = arith.constant 0 : i32
    %c0_i32_0 = arith.constant 0 : i32
    return %c0_i32, %arg0 : i32, i32
  }
  func.func @transform_22(%arg0: i32) -> (i32, i32, i32, i32) {
    %c0_i32 = arith.constant 0 : i32
    %c0_i32_0 = arith.constant 0 : i32
    %c0_i32_1 = arith.constant 0 : i32
    %c0_i32_2 = arith.constant 0 : i32
    return %c0_i32, %c0_i32_0, %arg0, %c0_i32_1 : i32, i32, i32, i32
  }
  func.func @transform_23(%arg0: i32) -> (i32, i32, i32) {
    %c0_i32 = arith.constant 0 : i32
    %c0_i32_0 = arith.constant 0 : i32
    %c0_i32_1 = arith.constant 0 : i32
    return %c0_i32, %arg0, %c0_i32_0 : i32, i32, i32
  }
}

</mosaic_0001>

<sc_bundles>
// kernel: kernel.10.cloned.1.call-start
scs
__scs_entry_jumppad:
0x0: {  	(pc) =	sbr.rel $0x88, $3  }
0x1: {  	(tag) =	ssettag $0x0;
	lr =	simm.s32 $0x1  }
0x2: {  	[smem:$0x3F9C] =	sst lr;
	_ =	strace $0xD0000000  }
0x3: {  	_ = 	snop  }
0x4: {  	_ = 	snop  }
0x5: {  	_ = 	snop  }
0x6: {  	_ = 	snop  }
0x7: {  	_ = 	snop  }
__scs_overlays_trampoline_lowered:
0x8: {  	[smem:$0x3FAB] =	sst s0  }
0x9: {  	[smem:$0x3FAC] =	sst s1  }
0xa: {  	[smem:$0x3FAD] =	sst s2  }
0xb: {  	[smem:$0x3FAE] =	sst s3  }
0xc: {  	[smem:$0x3FAF] =	sst s4  }
0xd: {  	[smem:$0x3FB0] =	sst s5  }
0xe: {  	[smem:$0x3FB1] =	sst s6  }
0xf: {  	[smem:$0x3FB2] =	sst s7  }
0x10: {  	[smem:$0x3FB3] =	sst s8  }
0x11: {  	[smem:$0x3FB4] =	sst s9;
	s0 =	simm.s32 @!p0 $0x0  }
0x12: {  	s1 =	sld [smem:$0x3F9A];
	s0 =	simm.s32 @p0 $0x1  }
0x13: {  	[smem:$0x3FB5] =	sst s0;
	s0 =	simm.s32 @!p1 $0x0  }
0x14: {  	s2 =	sld [smem:$0x3F99];
	s0 =	simm.s32 @p1 $0x1  }
0x15: {  	[smem:$0x3FB6] =	sst s0;
	s0 =	simm.s32 @!p2 $0x0  }
0x16: {  	s3 =	sld [smem:$0x3FDB];
	s0 =	simm.s32 @p2 $0x1  }
0x17: {  	s4 =	simm.s32 $0x1BF5;
	[smem:$0x3FB8] =	sst s0  }
0x18: {  	s0 =	sld [smem:$0x3F9B];
	_ =	swait.ge [sflag:s4], $0x0  }
0x19: {  	s7 =	sld [smem:$0x3F9C]  }
0x1a: {  	s8 =	sadd.s32 $0xFFFFE003, lr  }
0x1b: {  	s9 =	sadd.s32 $0xFFFFFEF7, lr;
	s5 =	simm.s32 $0xFFFFFFFF;
	p2 =	slt.u32 s8, $0xFFFFF086  }
0x1c: {  	p1 =	slt.u32 s9, $0xF7A;
	s5 =	simm.s32 @!p2 $0x0  }
0x1d: {  	s5 =	simm.s32 @p1 $0x1;
	p0 =	seq.s32 s7, s2  }
0x1e: {  	s7 =	smul.u32 @!p0 $0xF7A, s2;
	p2 =	seq.s32 @!p0 s5, $0x0  }
0x1f: {  	s9 =	smul.u32 $0xF7A, s1;
	s8 =	simm.s32 @!p0 $0x1BF5;
	p2 =	por !p2, p0  }
0x20: {  	[sflag:s8] =	ssyncset.s32 @!p0 $0xFFFFF086;
	s6 =	sadd.s32 @!p0 s3, s7;
	s7 =	simm.s32 @!p0 $0x108  }
0x21: {  	s3 =	sadd.s32 s3, s9;
	s6 =	sadd.s32 @!p0 $0x88, s6;
	s7 =	simm.s32 @p2 $0x1082  }
0x22: {  	[simem:s7], [sflag:s8] =	dma.local @!p0 [hbm:s6], $0xF7A  }
0x23: {  	s9 =	sor.u32 $0xD0000000, s2;
	s6 =	simm.s32 $0x108;
	_ =	swait.ge @!p0 [sflag:s8], $0x0  }
0x24: {  	s3 =	sadd.s32 $0x88, s3;
	s6 =	simm.s32 @!p1 $0x1082;
	[sflag:s4] =	ssyncset.s32 $0xFFFFF086  }
0x25: {  	[simem:s6], [sflag:s4] =	dma.local [hbm:s3], $0xF7A  }
0x26: {  	[smem:$0x3F9C] =	sst s1;
	(tag) =	ssettag s2;
	_ =	strace s9  }
0x27: {  	s1 =	sld [smem:$0x3FAC]  }
0x28: {  	s2 =	sld [smem:$0x3FAD]  }
0x29: {  	s4 =	sld [smem:$0x3FAF]  }
0x2a: {  	p0 =	seq.s32 s5, $0x0;
	s5 =	sld [smem:$0x3FB0]  }
0x2b: {  	s6 =	sld [smem:$0x3FB1]  }
0x2c: {  	s7 =	sld [smem:$0x3FB2]  }
0x2d: {  	s3 =	simm.s32 $0x108;
	s8 =	sld [smem:$0x3FB3]  }
0x2e: {  	s3 =	simm.s32 @!p0 $0x1082;
	s9 =	sld [smem:$0x3FB4]  }
0x2f: {  	lr =	sadd.s32 s0, s3;
	s0 =	sld [smem:$0x3FAB]  }
0x30: {  	s3 =	sld [smem:$0x3FAE]  }
0x31: {  	[smem:$0x3FB7] =	sst s10  }
0x32: {  	s10 =	sld [smem:$0x3FB5];
	_ =	sdelay $0x3  }
0x33: {  	p0 =	seq.s32 s10, $0x1;
	s10 =	sld [smem:$0x3FB7];
	_ =	sdelay $0x3  }
0x34: {  	[smem:$0x3FB7] =	sst s10  }
0x35: {  	s10 =	sld [smem:$0x3FB6];
	_ =	sdelay $0x3  }
0x36: {  	p1 =	seq.s32 s10, $0x1;
	s10 =	sld [smem:$0x3FB7];
	_ =	sdelay $0x3  }
0x37: {  	[smem:$0x3FB7] =	sst s10  }
0x38: {  	s10 =	sld [smem:$0x3FB8]  }
0x39: {  	_ = 	snop;
	(pc) =	sbr.ind lr, $3  }
0x3a: {  	_ = 	snop  }
0x3b: {  	_ = 	snop  }
0x3c: {  	p2 =	seq.s32 s10, $0x1;
	s10 =	sld [smem:$0x3FB7]  }
0x3d: {  	_ =	shalt  }
0x3e: {  	_ =	shalt  }
0x3f: {  	_ =	shalt  }
0x40: {  	_ =	shalt  }
0x41: {  	_ =	shalt  }
0x42: {  	_ =	shalt  }
0x43: {  	_ =	shalt  }
0x44: {  	_ =	shalt  }
0x45: {  	_ =	shalt  }
0x46: {  	_ =	shalt  }
0x47: {  	_ =	shalt  }
0x48: {  	_ =	shalt  }
0x49: {  	_ =	shalt  }
0x4a: {  	_ =	shalt  }
0x4b: {  	_ =	shalt  }
0x4c: {  	_ =	shalt  }
0x4d: {  	_ =	shalt  }
0x4e: {  	_ =	shalt  }
0x4f: {  	_ =	shalt  }
0x50: {  	_ =	shalt  }
0x51: {  	_ =	shalt  }
0x52: {  	_ =	shalt  }
0x53: {  	_ =	shalt  }
0x54: {  	_ =	shalt  }
0x55: {  	_ =	shalt  }
0x56: {  	_ =	shalt  }
0x57: {  	_ =	shalt  }
0x58: {  	_ =	shalt  }
0x59: {  	_ =	shalt  }
0x5a: {  	_ =	shalt  }
0x5b: {  	_ =	shalt  }
0x5c: {  	_ =	shalt  }
0x5d: {  	_ =	shalt  }
0x5e: {  	_ =	shalt  }
0x5f: {  	_ =	shalt  }
0x60: {  	_ =	shalt  }
0x61: {  	_ =	shalt  }
0x62: {  	_ =	shalt  }
0x63: {  	_ =	shalt  }
0x64: {  	_ =	shalt  }
0x65: {  	_ =	shalt  }
0x66: {  	_ =	shalt  }
0x67: {  	_ =	shalt  }
0x68: {  	_ =	shalt  }
0x69: {  	_ =	shalt  }
0x6a: {  	_ =	shalt  }
0x6b: {  	_ =	shalt  }
0x6c: {  	_ =	shalt  }
0x6d: {  	_ =	shalt  }
0x6e: {  	_ =	shalt  }
0x6f: {  	_ =	shalt  }
0x70: {  	_ =	shalt  }
0x71: {  	_ =	shalt  }
0x72: {  	_ =	shalt  }
0x73: {  	_ =	shalt  }
0x74: {  	_ =	shalt  }
0x75: {  	_ =	shalt  }
0x76: {  	_ =	shalt  }
0x77: {  	_ =	shalt  }
0x78: {  	_ =	shalt  }
0x79: {  	_ =	shalt  }
0x7a: {  	_ =	shalt  }
0x7b: {  	_ =	shalt  }
0x7c: {  	_ =	shalt  }
0x7d: {  	_ =	shalt  }
0x7e: {  	_ =	shalt  }
0x7f: {  	_ =	shalt  }
0x80: {  	_ =	shalt  }
0x81: {  	_ =	shalt  }
0x82: {  	_ =	shalt  }
0x83: {  	_ =	shalt  }
0x84: {  	_ =	shalt  }
0x85: {  	_ =	shalt  }
0x86: {  	_ =	shalt  }
0x87: {  	_ =	shalt  }
.Lfunc_end0:
.L_simem_size_0:
called_computation_lowered:
.L_overlay_start_0:
0x88: {  	s2 =	sld [smem:$0x3FD9]  }
0x89: {  	s3 =	sld [smem:$0x3FFE];
	_ =	sdelay $0x1  }
0x8a: {  	s1 =	srdreg.scid  }
0x8b: {  	s0 =	sand.u32 $0x1, s1  }
0x8c: {  	s17 =	sshll.u32 s0, $0xA;
	s2 =	sadd.s32 s3, s2  }
0x8d: {  	s2 =	sadd.s32 s2, s17  }
0x8e: {  	[smem:$0x3FC3] =	sst s2  }
0x8f: {  	_ = 	snop  }
0x90: {  	(tm) =	ssettm $0x1  }
0x91: {  	s18 =	sld [smem:$0x3FFB];
	_ =	sdelay $0x3  }
0x92: {  	_ =	strace s18  }
0x93: {  	s2 =	sld [smem:$0x3FFC];
	_ =	sdelay $0x3  }
0x94: {  	_ =	strace s2  }
0x95: {  	s2 =	sld [smem:$0x3FFD];
	_ =	sdelay $0x3  }
0x96: {  	_ =	strace s2  }
0x97: {  	_ =	strace $0x8FFFFFFF  }
0x98: {  	s19 =	sld [smem:$0x3FDB];
	_ =	sdelay $0x1  }
0x99: {  	s20 =	simm.s32 $_scs_section_size  }
0x9a: {  	s4 =	simm.s32 $_size__tile_overlayer_lowered;
	s5 =	simm.s32 $_tile_overlayer_lowered  }
0x9b: {  	s6 =	simm.s32 $0x1BFF;
	s21 =	sshll.u32 s5, $0x1;
	s3 =	sadd.s32 s20, s19  }
0x9c: {  	s22 =	simm.s32 $0x0;
	s4 =	sshll.u32 s4, $0x1;
	s5 =	sadd.s32 s21, s3  }
0x9d: {  	[timem:s22], [sflag:s6] =	dma.local [hbm:s5], s4  }
0x9e: {  	_ =	swait.ge [sflag:s6], s4  }
0x9f: {  	s4 =	ssub.s32 $0x0, s4;
	[sflag:s6] =	ssyncset.done $0x0  }
0xa0: {  	[sflag:s6] =	ssyncadd.s32 s4;
	_ =	sdelay $0x1  }
0xa1: {  	s23 =	simm.s32 $0x1B8B  }
0xa2: {  	_ =	swait.ge [sflag:s23], $0x1  }
0xa3: {  	[sflag:s23] =	ssyncset.done $0x0  }
0xa4: {  	[sflag:s23] =	ssyncadd.s32 $0xFFFFFFFF  }
0xa5: {  	s4 =	sld [smem:$0x0]  }
0xa6: {  	s5 =	sand.u32 $0xFFFFFFFE, s1  }
0xa7: {  	p0 =	sne.s32 s1, s5  }
0xa8: {  	s5 =	sshll.u32 @p0 s5, $0xE  }
0xa9: {  	s5 =	sadd.s32 @p0 $0x11B8D, s5;
	s6 =	sshll.u32 @p0 s4, $0x11  }
0xaa: {  	s5 =	sor.u32 @p0 s6, s5  }
0xab: {  	[sflag:s5] =	ssyncadd.remote.s32 @p0 $0x1;
	_ =	sdelay $0x1  }
0xac: {  	s5 =	simm.s32 @p0 $0x1B8D  }
0xad: {  	_ =	swait.eq @p0 [sflag:s5], $0x1  }
0xae: {  	[sflag:s5] =	ssyncadd.s32 @p0 $0xFFFFFFFF  }
0xaf: {  	s6 =	sshll.u32 @!p0 s1, $0xE  }
0xb0: {  	s6 =	sor.u32 @!p0 $0x4000, s6;
	s5 =	simm.s32 @!p0 $0x1B8D  }
0xb1: {  	s4 =	sshll.u32 @!p0 s4, $0x11;
	s6 =	sadd.s32 @!p0 $0x11B8D, s6;
	_ =	swait.eq @!p0 [sflag:s5], $0x1  }
0xb2: {  	s4 =	sor.u32 @!p0 s4, s6;
	[sflag:s5] =	ssyncadd.s32 @!p0 $0xFFFFFFFF  }
0xb3: {  	s25 =	simm.s32 $0x1B8E;
	s24 =	sld [smem:$0x3FFE];
	[sflag:s4] =	ssyncadd.remote.s32 @!p0 $0x1  }
0xb4: {  	s26 =	simm.s32 $execute0_lowered;
	[smem:$0x3FD2] =	sst s25  }
0xb5: {  	s5 =	sshll.u32 s26, $0x1;
	_ =	strace $0x80000049;
	[dreg:$0x1] =	wrdreg $0xFFFFFFFF  }
0xb6: {  	s28 =	simm.s32 $_size_execute0_lowered;
	s3 =	sadd.s32 s3, s5;
	[dreg:$0x0] =	wrdreg $0x0  }
0xb7: {  	s5 =	sshll.u32 s28, $0x1;
	[dreg:$0x2] =	wrdreg s3  }
0xb8: {  	[dreg:$0x3] =	wrdreg s5  }
0xb9: {  	[dreg:$0x4] =	wrdreg $0xC0  }
0xba: {  	_ =	task [dreg:s22], $0x5FFFF  }
0xbb: {  	[dreg:$0x1] =	wrdreg $0xFFFFFFFF  }
0xbc: {  	[dreg:$0x0] =	wrdreg $0x60  }
0xbd: {  	[dreg:$0x2] =	wrdreg s24  }
0xbe: {  	[dreg:$0x3] =	wrdreg $0x9  }
0xbf: {  	_ =	task.clear_ibuf [dreg:s22], $0x4FFFF;
	_ =	strace $0x90000049  }
0xc0: {  	s29 =	simm.s32 $0x9;
	_ =	strace $0x8000004B  }
0xc1: {  	_ =	swait.ge [sflag:s29], $0x1  }
0xc2: {  	[sflag:s29] =	ssyncadd.s32 $0xFFFFFFFF  }
0xc3: {  	_ =	strace $0x9000004B  }
0xc4: {  	_ =	sfence  }
0xc5: {  	s30 =	sld [smem:$0x0];
	_ =	sdelay $0x2  }
0xc6: {  	s31 =	sshll.u32 s1, $0xD;
	s1 =	sshrl.u32 s1, $0x2  }
0xc7: {  	s4 =	sand.u32 $0x4000, s31;
	s1 =	sadd.s32 s1, s30  }
0xc8: {  	s0 =	sor.u32 s4, s0;
	s1 =	sshll.u32 s1, $0x11  }
0xc9: {  	s0 =	sor.u32 s1, s0  }
0xca: {  	s0 =	sadd.s32 $0x8F2B, s0  }
0xcb: {  	[sflag:s0] =	ssyncadd.remote.s32 $0x1  }
0xcc: {  	_ =	sfence.sel $0xFFFF  }
0xcd: {  	[dreg:$0x0] =	wrdreg $0xFFFFFFFF;
	(pc) =	sbr.abs _section_cstart, $3  }
0xce: {  	[dreg:$0x1] =	wrdreg $0xFFFFFFFF  }
0xcf: {  	_ =	task.clear_ibuf [dreg:s22], $0x2FFFF;
	_ =	strace $0x9FFFFFFF  }
0xd0: {  	(tm) =	ssettm $0x7FFFFFFF  }
0xd1: {  	_ =	shalt  }
tec
execute0_lowered:
.L_overlay_start_1:
0x0: {  	(tag) =	ssettag $0x1  }
0x1: {  	s1 =	stileid.u32  }
0x2: {  	p0 =	seq.s32 s1, $0xF  }
.Ltmp0:
0x3: {  	_ = 	snop;
	(pc) =	sbr.rel @p0 .LBB2_5-.Ltmp0, $4  }
0x4: {  	_ = 	snop  }
0x5: {  	s4 =	rddreg [dreg:$0x0];
	s2 =	simm.s32 $0x0  }
0x6: {  	[smem:$0x7FF] =	sst s2  }
0x7: {  	s0 =	rddreg [dreg:$0x1];
	_ =	strace $0x8000004A  }
0x8: {  	s5 =	srdreg.scid  }
0x9: {  	s3 =	sadd.s32 $0x3C00, s4;
	s29 =	sshll.u32 s1, $0x1;
	s7 =	sadd.s32 $0xC83C00, s4  }
0xa: {  	s9 =	sadd.s32 $0xEC7C00, s4;
	s31 =	sshll.u32 s1, $0x11;
	s10 =	simm.s32 $0x5000  }
0xb: {  	s11 =	simm.s32 $0x9000;
	s12 =	simm.s32 $0xD000;
	s6 =	sand.u32 $0x1, s5  }
0xc: {  	s13 =	simm.s32 $0x1;
	s5 =	sor.u32 s6, s29;
	s8 =	ssub.s32 $0x2, s6  }
0xd: {  	s14 =	simm.s32 $0x0;
	s30 =	sshrl.u32 s8, $0x1;
	s5 =	sshll.u32 s5, $0x9  }
0xe: {  	s6 =	sshll.u32 s6, $0x10;
	s8 =	ssub.s32 s8, s30;
	s4 =	sadd.s32 s7, s5  }
0xf: {  	s7 =	sadd.s32 s31, s9;
	s9 =	simm.s32 $0x1000;
	s5 =	smax.u32 s8, $0x1  }
0x10: {  	s6 =	sadd.s32 s6, s7;
	s7 =	simm.s32 $0x2;
	s8 =	simm.s32 $0x80  }
.LBB2_2:
0x11: {  	s15 =	simm.s32 $0x0  }
0x12: {  	[tilespmem:s15], [sflag:$0x2] =	stream.linear.gather [hbm4b:s4+s15], $0x1000, $0x38;
	[tilespmem:$0x11000] =	vst v63  }
0x13: {  	_ =	swait.ge [sflag:s7], $0x1000  }
0x14: {  	[sflag:s7] =	ssyncset.done $0x0  }
0x15: {  	s26 =	simm.s32 $0x0;
	[sflag:s7] =	ssyncadd.s32 $0xFFFFF000  }
0x16: {  	[tilespmem:s9], [sflag:$0x1] =	stream.indirect.gather [hbm4b:s3+s8], $0x80, s26, s8, $0xb8;
	[tilespmem:$0x11000] =	vst v63  }
0x17: {  	s28 =	simm.s32 $0x80  }
0x18: {  	[tilespmem:s10], [sflag:$0x1] =	stream.indirect.gather [hbm4b:s3+s8], $0x80, s28, s8, $0xb8;
	[tilespmem:$0x11000] =	vst v63  }
0x19: {  	s29 =	simm.s32 $0x100  }
0x1a: {  	[tilespmem:s11], [sflag:$0x1] =	stream.indirect.gather [hbm4b:s3+s8], $0x80, s29, s8, $0xb8;
	[tilespmem:$0x11000] =	vst v63  }
0x1b: {  	s30 =	simm.s32 $0x180  }
0x1c: {  	[tilespmem:s12], [sflag:$0x1] =	stream.indirect.gather [hbm4b:s3+s8], $0x80, s30, s8, $0xb8;
	[tilespmem:$0x11000] =	vst v63  }
0x1d: {  	_ =	swait.ge [sflag:s13], $0x4000  }
0x1e: {  	[sflag:s13] =	ssyncset.done $0x0  }
0x1f: {  	[sflag:s13] =	ssyncadd.s32 $0xFFFFC000  }
0x20: {  	_ =	swait.ge [sflag:s13], $0x4000  }
0x21: {  	[sflag:s13] =	ssyncset.done $0x0  }
0x22: {  	[sflag:s13] =	ssyncadd.s32 $0xFFFFC000  }
0x23: {  	_ =	swait.ge [sflag:s13], $0x4000  }
0x24: {  	[sflag:s13] =	ssyncset.done $0x0  }
0x25: {  	[sflag:s13] =	ssyncadd.s32 $0xFFFFC000  }
0x26: {  	_ =	swait.ge [sflag:s13], $0x4000  }
0x27: {  	[sflag:s13] =	ssyncset.done $0x0  }
0x28: {  	s31 =	sadd.s32 $0x0, s6;
	[sflag:s13] =	ssyncadd.s32 $0xFFFFC000  }
0x29: {  	[hbm4b:s31+s2] =	stream.linear.scatter [tilespmem:s9], [sflag:$0x2], $0x10000, $0x38;
	[tilespmem:$0x11000] =	vst v63  }
0x2a: {  	s17 =	simm.s32 $0x4000;
	_ =	swait.ge [sflag:s7], $0x10000  }
0x2b: {  	s16 =	simm.s32 $0x380;
	s15 =	simm.s32 $0x2000;
	[sflag:s7] =	ssyncset.done $0x0  }
.LBB2_3:
0x2c: {  	p0 =	sne.s32 s17, $0xE000;
	s18 =	sadd.s32 $0xFFFFFE80, s16;
	[sflag:s7] =	ssyncadd.s32 $0xFFFF0000  }
0x2d: {  	[tilespmem:s9], [sflag:$0x1] =	stream.indirect.gather [hbm4b:s3+s8], $0x80, s18, s8, $0xb8;
	[tilespmem:$0x11000] =	vst v63  }
0x2e: {  	s19 =	smov.u32 s17;
	s17 =	sadd.s32 $0x2000, s17;
	s18 =	sadd.s32 $0xFFFFFF00, s16  }
0x2f: {  	[tilespmem:s10], [sflag:$0x1] =	stream.indirect.gather [hbm4b:s3+s8], $0x80, s18, s8, $0xb8;
	[tilespmem:$0x11000] =	vst v63  }
0x30: {  	s18 =	sadd.s32 $0xFFFFFF80, s16  }
0x31: {  	[tilespmem:s11], [sflag:$0x1] =	stream.indirect.gather [hbm4b:s3+s8], $0x80, s18, s8, $0xb8;
	[tilespmem:$0x11000] =	vst v63  }
0x32: {  	_ = 	snop  }
0x33: {  	[tilespmem:s12], [sflag:$0x1] =	stream.indirect.gather [hbm4b:s3+s8], $0x80, s16, s8, $0xb8;
	[tilespmem:$0x11000] =	vst v63  }
0x34: {  	_ =	swait.ge [sflag:s13], $0x4000  }
0x35: {  	[sflag:s13] =	ssyncset.done $0x0  }
0x36: {  	[sflag:s13] =	ssyncadd.s32 $0xFFFFC000  }
0x37: {  	_ =	swait.ge [sflag:s13], $0x4000  }
0x38: {  	[sflag:s13] =	ssyncset.done $0x0  }
0x39: {  	[sflag:s13] =	ssyncadd.s32 $0xFFFFC000  }
0x3a: {  	_ =	swait.ge [sflag:s13], $0x4000  }
0x3b: {  	[sflag:s13] =	ssyncset.done $0x0  }
0x3c: {  	[sflag:s13] =	ssyncadd.s32 $0xFFFFC000  }
0x3d: {  	_ =	swait.ge [sflag:s13], $0x4000  }
.Ltmp1:
0x3e: {  	[sflag:s13] =	ssyncset.done $0x0;
	(pc) =	sbr.rel @p0 .LBB2_3-.Ltmp1, $4  }
0x3f: {  	s18 =	sadd.s32 s15, s6;
	s15 =	smov.u32 s19;
	[sflag:s13] =	ssyncadd.s32 $0xFFFFC000  }
0x40: {  	[hbm4b:s18+s2] =	stream.linear.scatter [tilespmem:s9], [sflag:$0x2], $0x10000, $0x38;
	[tilespmem:$0x11000] =	vst v63  }
0x41: {  	_ =	swait.ge [sflag:s7], $0x10000  }
0x42: {  	s16 =	sadd.s32 $0x200, s16;
	[sflag:s7] =	ssyncset.done $0x0  }
0x43: {  	s17 =	sadd.s32 $0xFFFFFE80, s16;
	[sflag:s7] =	ssyncadd.s32 $0xFFFF0000  }
0x44: {  	[tilespmem:s9], [sflag:$0x1] =	stream.indirect.gather [hbm4b:s3+s8], $0x80, s17, s8, $0xb8;
	[tilespmem:$0x11000] =	vst v63  }
0x45: {  	s30 =	sadd.s32 $0xFFFFFF00, s16  }
0x46: {  	[tilespmem:s10], [sflag:$0x1] =	stream.indirect.gather [hbm4b:s3+s8], $0x80, s30, s8, $0xb8;
	[tilespmem:$0x11000] =	vst v63  }
0x47: {  	s31 =	sadd.s32 $0xFFFFFF80, s16  }
0x48: {  	[tilespmem:s11], [sflag:$0x1] =	stream.indirect.gather [hbm4b:s3+s8], $0x80, s31, s8, $0xb8;
	[tilespmem:$0x11000] =	vst v63  }
0x49: {  	_ = 	snop  }
0x4a: {  	[tilespmem:s12], [sflag:$0x1] =	stream.indirect.gather [hbm4b:s3+s8], $0x80, s16, s8, $0xb8;
	[tilespmem:$0x11000] =	vst v63  }
0x4b: {  	_ =	swait.ge [sflag:s13], $0x4000  }
0x4c: {  	[sflag:s13] =	ssyncset.done $0x0  }
0x4d: {  	[sflag:s13] =	ssyncadd.s32 $0xFFFFC000  }
0x4e: {  	_ =	swait.ge [sflag:s13], $0x4000  }
0x4f: {  	[sflag:s13] =	ssyncset.done $0x0  }
0x50: {  	[sflag:s13] =	ssyncadd.s32 $0xFFFFC000  }
0x51: {  	_ =	swait.ge [sflag:s13], $0x4000  }
0x52: {  	[sflag:s13] =	ssyncset.done $0x0  }
0x53: {  	[sflag:s13] =	ssyncadd.s32 $0xFFFFC000  }
0x54: {  	s14 =	sadd.s32 $0x1, s14;
	_ =	swait.ge [sflag:s13], $0x4000  }
0x55: {  	p0 =	sne.s32 s14, s5;
	[sflag:s13] =	ssyncset.done $0x0  }
.Ltmp2:
0x56: {  	s15 =	sadd.s32 s15, s6;
	[sflag:s13] =	ssyncadd.s32 $0xFFFFC000;
	(pc) =	sbr.rel @p0 .LBB2_2-.Ltmp2, $4  }
0x57: {  	[hbm4b:s15+s2] =	stream.linear.scatter [tilespmem:s9], [sflag:$0x2], $0x10000, $0x38;
	[tilespmem:$0x11000] =	vst v63  }
0x58: {  	_ =	swait.ge [sflag:s7], $0x10000  }
0x59: {  	[sflag:s7] =	ssyncset.done $0x0  }
0x5a: {  	[sflag:s7] =	ssyncadd.s32 $0xFFFF0000  }
.LBB2_5:
0x5b: {  	_ =	sfence.sel $0x180000  }
0x5c: {  	[bflag:$0x0] =	sbarrier.arrive $0xFFFF  }
0x5d: {  	p0 =	sne.s32 s1, $0x0;
	_ =	strace $0x9000004A  }
0x5e: {  	s0 =	sadd.s32 @!p0 $0x100000, s0;
	[bflag:$0x2] =	sbarrier.arrive $0xFFFF  }
0x5f: {  	[sflag:s0] =	ssyncadd.tile.s32 @!p0 $0x1;
	_ =	shalt  }
.Lfunc_end2:
_tile_overlayer_lowered:
.L_overlay_start_2:
0x60: {  	(tag) =	ssettag $0x2  }
0x61: {  	s0 =	rddreg [dreg:$0x0];
	s2 =	stileid.u32  }
0x62: {  	s1 =	rddreg [dreg:$0x1];
	p0 =	sne.s32 s2, $0x0  }
0x63: {  	s3 =	rddreg [dreg:$0x2];
	[bflag:$0x3] =	sbarrier.arrive $0xFFFF;
	s2 =	simm.s32 @!p0 $0x1C02  }
0x64: {  	[timem:s3], [sflag:s2] =	dma.local @!p0 [hbm:s0], s1  }
0x65: {  	s0 =	simm.s32 @!p0 $0x2  }
0x66: {  	_ =	swait.ge @!p0 [sflag:s0], s1  }
0x67: {  	s1 =	ssub.s32 @!p0 $0x0, s1;
	[sflag:s0] =	ssyncset.done @!p0 $0x0  }
0x68: {  	[sflag:s0] =	ssyncadd.s32 @!p0 s1  }
0x69: {  	[bflag:$0x3] =	sbarrier.arrive $0xFFFF  }
0x6a: {  	_ =	shalt  }

// kernel: kernel.13.cloned.1.call-start
scs
__scs_entry_jumppad:
0x0: {  	(pc) =	sbr.rel $0x88, $3  }
0x1: {  	(tag) =	ssettag $0x0;
	lr =	simm.s32 $0x1  }
0x2: {  	[smem:$0x3F9C] =	sst lr;
	_ =	strace $0xD0000000  }
0x3: {  	_ = 	snop  }
0x4: {  	_ = 	snop  }
0x5: {  	_ = 	snop  }
0x6: {  	_ = 	snop  }
0x7: {  	_ = 	snop  }
__scs_overlays_trampoline_lowered:
0x8: {  	[smem:$0x3FAB] =	sst s0  }
0x9: {  	[smem:$0x3FAC] =	sst s1  }
0xa: {  	[smem:$0x3FAD] =	sst s2  }
0xb: {  	[smem:$0x3FAE] =	sst s3  }
0xc: {  	[smem:$0x3FAF] =	sst s4  }
0xd: {  	[smem:$0x3FB0] =	sst s5  }
0xe: {  	[smem:$0x3FB1] =	sst s6  }
0xf: {  	[smem:$0x3FB2] =	sst s7  }
0x10: {  	[smem:$0x3FB3] =	sst s8  }
0x11: {  	[smem:$0x3FB4] =	sst s9;
	s0 =	simm.s32 @!p0 $0x0  }
0x12: {  	s1 =	sld [smem:$0x3F9A];
	s0 =	simm.s32 @p0 $0x1  }
0x13: {  	[smem:$0x3FB5] =	sst s0;
	s0 =	simm.s32 @!p1 $0x0  }
0x14: {  	s2 =	sld [smem:$0x3F99];
	s0 =	simm.s32 @p1 $0x1  }
0x15: {  	[smem:$0x3FB6] =	sst s0;
	s0 =	simm.s32 @!p2 $0x0  }
0x16: {  	s3 =	sld [smem:$0x3FDB];
	s0 =	simm.s32 @p2 $0x1  }
0x17: {  	s4 =	simm.s32 $0x1BF5;
	[smem:$0x3FB8] =	sst s0  }
0x18: {  	s0 =	sld [smem:$0x3F9B];
	_ =	swait.ge [sflag:s4], $0x0  }
0x19: {  	s7 =	sld [smem:$0x3F9C]  }
0x1a: {  	s8 =	sadd.s32 $0xFFFFE003, lr  }
0x1b: {  	s9 =	sadd.s32 $0xFFFFFEF7, lr;
	s5 =	simm.s32 $0xFFFFFFFF;
	p2 =	slt.u32 s8, $0xFFFFF086  }
0x1c: {  	p1 =	slt.u32 s9, $0xF7A;
	s5 =	simm.s32 @!p2 $0x0  }
0x1d: {  	s5 =	simm.s32 @p1 $0x1;
	p0 =	seq.s32 s7, s2  }
0x1e: {  	s7 =	smul.u32 @!p0 $0xF7A, s2;
	p2 =	seq.s32 @!p0 s5, $0x0  }
0x1f: {  	s9 =	smul.u32 $0xF7A, s1;
	s8 =	simm.s32 @!p0 $0x1BF5;
	p2 =	por !p2, p0  }
0x20: {  	[sflag:s8] =	ssyncset.s32 @!p0 $0xFFFFF086;
	s6 =	sadd.s32 @!p0 s3, s7;
	s7 =	simm.s32 @!p0 $0x108  }
0x21: {  	s3 =	sadd.s32 s3, s9;
	s6 =	sadd.s32 @!p0 $0x88, s6;
	s7 =	simm.s32 @p2 $0x1082  }
0x22: {  	[simem:s7], [sflag:s8] =	dma.local @!p0 [hbm:s6], $0xF7A  }
0x23: {  	s9 =	sor.u32 $0xD0000000, s2;
	s6 =	simm.s32 $0x108;
	_ =	swait.ge @!p0 [sflag:s8], $0x0  }
0x24: {  	s3 =	sadd.s32 $0x88, s3;
	s6 =	simm.s32 @!p1 $0x1082;
	[sflag:s4] =	ssyncset.s32 $0xFFFFF086  }
0x25: {  	[simem:s6], [sflag:s4] =	dma.local [hbm:s3], $0xF7A  }
0x26: {  	[smem:$0x3F9C] =	sst s1;
	(tag) =	ssettag s2;
	_ =	strace s9  }
0x27: {  	s1 =	sld [smem:$0x3FAC]  }
0x28: {  	s2 =	sld [smem:$0x3FAD]  }
0x29: {  	s4 =	sld [smem:$0x3FAF]  }
0x2a: {  	p0 =	seq.s32 s5, $0x0;
	s5 =	sld [smem:$0x3FB0]  }
0x2b: {  	s6 =	sld [smem:$0x3FB1]  }
0x2c: {  	s7 =	sld [smem:$0x3FB2]  }
0x2d: {  	s3 =	simm.s32 $0x108;
	s8 =	sld [smem:$0x3FB3]  }
0x2e: {  	s3 =	simm.s32 @!p0 $0x1082;
	s9 =	sld [smem:$0x3FB4]  }
0x2f: {  	lr =	sadd.s32 s0, s3;
	s0 =	sld [smem:$0x3FAB]  }
0x30: {  	s3 =	sld [smem:$0x3FAE]  }
0x31: {  	[smem:$0x3FB7] =	sst s10  }
0x32: {  	s10 =	sld [smem:$0x3FB5];
	_ =	sdelay $0x3  }
0x33: {  	p0 =	seq.s32 s10, $0x1;
	s10 =	sld [smem:$0x3FB7];
	_ =	sdelay $0x3  }
0x34: {  	[smem:$0x3FB7] =	sst s10  }
0x35: {  	s10 =	sld [smem:$0x3FB6];
	_ =	sdelay $0x3  }
0x36: {  	p1 =	seq.s32 s10, $0x1;
	s10 =	sld [smem:$0x3FB7];
	_ =	sdelay $0x3  }
0x37: {  	[smem:$0x3FB7] =	sst s10  }
0x38: {  	s10 =	sld [smem:$0x3FB8]  }
0x39: {  	_ = 	snop;
	(pc) =	sbr.ind lr, $3  }
0x3a: {  	_ = 	snop  }
0x3b: {  	_ = 	snop  }
0x3c: {  	p2 =	seq.s32 s10, $0x1;
	s10 =	sld [smem:$0x3FB7]  }
0x3d: {  	_ =	shalt  }
0x3e: {  	_ =	shalt  }
0x3f: {  	_ =	shalt  }
0x40: {  	_ =	shalt  }
0x41: {  	_ =	shalt  }
0x42: {  	_ =	shalt  }
0x43: {  	_ =	shalt  }
0x44: {  	_ =	shalt  }
0x45: {  	_ =	shalt  }
0x46: {  	_ =	shalt  }
0x47: {  	_ =	shalt  }
0x48: {  	_ =	shalt  }
0x49: {  	_ =	shalt  }
0x4a: {  	_ =	shalt  }
0x4b: {  	_ =	shalt  }
0x4c: {  	_ =	shalt  }
0x4d: {  	_ =	shalt  }
0x4e: {  	_ =	shalt  }
0x4f: {  	_ =	shalt  }
0x50: {  	_ =	shalt  }
0x51: {  	_ =	shalt  }
0x52: {  	_ =	shalt  }
0x53: {  	_ =	shalt  }
0x54: {  	_ =	shalt  }
0x55: {  	_ =	shalt  }
0x56: {  	_ =	shalt  }
0x57: {  	_ =	shalt  }
0x58: {  	_ =	shalt  }
0x59: {  	_ =	shalt  }
0x5a: {  	_ =	shalt  }
0x5b: {  	_ =	shalt  }
0x5c: {  	_ =	shalt  }
0x5d: {  	_ =	shalt  }
0x5e: {  	_ =	shalt  }
0x5f: {  	_ =	shalt  }
0x60: {  	_ =	shalt  }
0x61: {  	_ =	shalt  }
0x62: {  	_ =	shalt  }
0x63: {  	_ =	shalt  }
0x64: {  	_ =	shalt  }
0x65: {  	_ =	shalt  }
0x66: {  	_ =	shalt  }
0x67: {  	_ =	shalt  }
0x68: {  	_ =	shalt  }
0x69: {  	_ =	shalt  }
0x6a: {  	_ =	shalt  }
0x6b: {  	_ =	shalt  }
0x6c: {  	_ =	shalt  }
0x6d: {  	_ =	shalt  }
0x6e: {  	_ =	shalt  }
0x6f: {  	_ =	shalt  }
0x70: {  	_ =	shalt  }
0x71: {  	_ =	shalt  }
0x72: {  	_ =	shalt  }
0x73: {  	_ =	shalt  }
0x74: {  	_ =	shalt  }
0x75: {  	_ =	shalt  }
0x76: {  	_ =	shalt  }
0x77: {  	_ =	shalt  }
0x78: {  	_ =	shalt  }
0x79: {  	_ =	shalt  }
0x7a: {  	_ =	shalt  }
0x7b: {  	_ =	shalt  }
0x7c: {  	_ =	shalt  }
0x7d: {  	_ =	shalt  }
0x7e: {  	_ =	shalt  }
0x7f: {  	_ =	shalt  }
0x80: {  	_ =	shalt  }
0x81: {  	_ =	shalt  }
0x82: {  	_ =	shalt  }
0x83: {  	_ =	shalt  }
0x84: {  	_ =	shalt  }
0x85: {  	_ =	shalt  }
0x86: {  	_ =	shalt  }
0x87: {  	_ =	shalt  }
.Lfunc_end0:
.L_simem_size_0:
called_computation.1_lowered:
.L_overlay_start_0:
0x88: {  	s2 =	sld [smem:$0x3FD9]  }
0x89: {  	s3 =	sld [smem:$0x3FFE];
	_ =	sdelay $0x1  }
0x8a: {  	s1 =	srdreg.scid  }
0x8b: {  	s0 =	sand.u32 $0x1, s1  }
0x8c: {  	s14 =	sshll.u32 s0, $0xA;
	s2 =	sadd.s32 s3, s2  }
0x8d: {  	s2 =	sadd.s32 s2, s14  }
0x8e: {  	[smem:$0x3FC3] =	sst s2  }
0x8f: {  	_ = 	snop  }
0x90: {  	s2 =	sld [smem:$0x3FD0];
	_ =	sdelay $0x2  }
0x91: {  	s15 =	simm.s32 $0xB;
	s4 =	simm.s32 $0x10  }
0x92: {  	[smem:s4], [sflag:s15] =	dma.local [hbm:s2], $0x1  }
0x93: {  	_ =	swait.eq [sflag:s15], $0x1  }
0x94: {  	[sflag:s15] =	ssyncset.done $0x0  }
0x95: {  	[sflag:s15] =	ssyncadd.s32 $0xFFFFFFFF  }
0x96: {  	s16 =	sld [smem:$0x11];
	(tm) =	ssettm $0x1  }
0x97: {  	s17 =	sld [smem:$0x3FFB];
	_ =	sdelay $0x3  }
0x98: {  	_ =	strace s17  }
0x99: {  	s3 =	sld [smem:$0x3FFC];
	_ =	sdelay $0x3  }
0x9a: {  	_ =	strace s3  }
0x9b: {  	s3 =	sld [smem:$0x3FFD];
	_ =	sdelay $0x3  }
0x9c: {  	_ =	strace s3  }
0x9d: {  	_ =	strace $0x8FFFFFFF  }
0x9e: {  	s18 =	sld [smem:$0x3FDB];
	_ =	sdelay $0x1  }
0x9f: {  	s19 =	simm.s32 $_scs_section_size  }
0xa0: {  	s5 =	simm.s32 $_size__tile_overlayer_lowered;
	s6 =	simm.s32 $_tile_overlayer_lowered  }
0xa1: {  	s22 =	simm.s32 $0x1BFF;
	s21 =	sshll.u32 s6, $0x1;
	s3 =	sadd.s32 s19, s18  }
0xa2: {  	s7 =	simm.s32 $0x0;
	s20 =	sshll.u32 s5, $0x1;
	s5 =	sadd.s32 s21, s3  }
0xa3: {  	[timem:s7], [sflag:s22] =	dma.local [hbm:s5], s20  }
0xa4: {  	_ =	swait.ge [sflag:s22], s20  }
0xa5: {  	s4 =	ssub.s32 $0x0, s20;
	[sflag:s22] =	ssyncset.done $0x0  }
0xa6: {  	[sflag:s22] =	ssyncadd.s32 s4;
	_ =	sdelay $0x1  }
0xa7: {  	s23 =	simm.s32 $0x1B8B  }
0xa8: {  	_ =	swait.ge [sflag:s23], $0x1  }
0xa9: {  	[sflag:s23] =	ssyncset.done $0x0  }
0xaa: {  	s25 =	simm.s32 $0x1B8E;
	s24 =	sld [smem:$0x3FFE];
	[sflag:s23] =	ssyncadd.s32 $0xFFFFFFFF  }
0xab: {  	s26 =	simm.s32 $execute0_lowered;
	[smem:$0x3FD2] =	sst s25  }
0xac: {  	s5 =	sshll.u32 s26, $0x1;
	_ =	strace $0x80000046;
	[dreg:$0x1] =	wrdreg $0xFFFFFFFF  }
0xad: {  	s28 =	simm.s32 $_size_execute0_lowered;
	s3 =	sadd.s32 s3, s5;
	[dreg:$0x0] =	wrdreg $0x0  }
0xae: {  	s5 =	sshll.u32 s28, $0x1;
	[dreg:$0x2] =	wrdreg s3  }
0xaf: {  	[dreg:$0x3] =	wrdreg s5  }
0xb0: {  	[dreg:$0x4] =	wrdreg $0xC0  }
0xb1: {  	_ =	task [dreg:s7], $0x5FFFF  }
0xb2: {  	[dreg:$0x1] =	wrdreg $0xFFFFFFFF  }
0xb3: {  	[dreg:$0x0] =	wrdreg $0x60  }
0xb4: {  	[dreg:$0x2] =	wrdreg s24  }
0xb5: {  	[dreg:$0x3] =	wrdreg s16  }
0xb6: {  	[dreg:$0x4] =	wrdreg $0xA  }
0xb7: {  	_ =	task.clear_ibuf [dreg:s7], $0x5FFFF;
	_ =	strace $0x90000046  }
0xb8: {  	s29 =	simm.s32 $0xA;
	_ =	strace $0x80000048  }
0xb9: {  	_ =	swait.ge [sflag:s29], $0x1  }
0xba: {  	[sflag:s29] =	ssyncadd.s32 $0xFFFFFFFF  }
0xbb: {  	_ =	strace $0x90000048  }
0xbc: {  	_ =	sfence  }
0xbd: {  	s30 =	sld [smem:$0x0];
	_ =	sdelay $0x2  }
0xbe: {  	s31 =	sshll.u32 s1, $0xD;
	s1 =	sshrl.u32 s1, $0x2  }
0xbf: {  	s3 =	sand.u32 $0x4000, s31;
	s1 =	sadd.s32 s1, s30  }
0xc0: {  	s0 =	sor.u32 s3, s0;
	s1 =	sshll.u32 s1, $0x11  }
0xc1: {  	s0 =	sor.u32 s1, s0  }
0xc2: {  	s0 =	sadd.s32 $0x8F2B, s0  }
0xc3: {  	[sflag:s0] =	ssyncadd.remote.s32 $0x1  }
0xc4: {  	_ =	sfence.sel $0xFFFF  }
0xc5: {  	[dreg:$0x0] =	wrdreg $0xFFFFFFFF;
	(pc) =	sbr.abs _section_cstart, $3  }
0xc6: {  	[dreg:$0x1] =	wrdreg $0xFFFFFFFF  }
0xc7: {  	_ =	task.clear_ibuf [dreg:s7], $0x2FFFF;
	_ =	strace $0x9FFFFFFF  }
0xc8: {  	(tm) =	ssettm $0x7FFFFFFF  }
0xc9: {  	_ =	shalt  }
tec
execute0_lowered:
.L_overlay_start_1:
0x0: {  	(tag) =	ssettag $0x1  }
0x1: {  	s1 =	stileid.u32  }
0x2: {  	p0 =	seq.s32 s1, $0xF  }
.Ltmp0:
0x3: {  	_ = 	snop;
	(pc) =	sbr.rel @p0 .LBB2_5-.Ltmp0, $4  }
0x4: {  	s5 =	rddreg [dreg:$0x0]  }
0x5: {  	s4 =	rddreg [dreg:$0x1];
	s2 =	simm.s32 $0x0  }
0x6: {  	[smem:$0x7FF] =	sst s2  }
0x7: {  	s0 =	rddreg [dreg:$0x2];
	_ =	strace $0x80000047  }
0x8: {  	s3 =	srdreg.scid;
	s7 =	sshll.u32 s1, $0x1;
	s9 =	sadd.s32 $0xCE7C00, s5  }
0x9: {  	s31 =	sshll.u32 s1, $0x11;
	s10 =	simm.s32 $0x5000;
	s11 =	simm.s32 $0x9000  }
0xa: {  	s12 =	simm.s32 $0xD000;
	s13 =	simm.s32 $0x1;
	s6 =	sand.u32 $0x1, s3  }
0xb: {  	s14 =	simm.s32 $0x0;
	s7 =	sor.u32 s6, s7;
	s8 =	ssub.s32 $0x2, s6  }
0xc: {  	s3 =	sadd.s32 $0x3C00, s5;
	s30 =	sshrl.u32 s8, $0x1;
	s7 =	sshll.u32 s7, $0x9  }
0xd: {  	s6 =	sshll.u32 s6, $0x10;
	s5 =	ssub.s32 s8, s30;
	s4 =	sadd.s32 s4, s7  }
0xe: {  	s7 =	sadd.s32 s31, s9;
	s8 =	simm.s32 $0x80;
	s9 =	simm.s32 $0x1000  }
0xf: {  	s5 =	smax.u32 s5, $0x1;
	s6 =	sadd.s32 s6, s7;
	s7 =	simm.s32 $0x2  }
.LBB2_2:
0x10: {  	s15 =	simm.s32 $0x0  }
0x11: {  	[tilespmem:s15], [sflag:$0x2] =	stream.linear.gather [hbm4b:s4+s15], $0x1000, $0x38;
	[tilespmem:$0x11000] =	vst v63  }
0x12: {  	_ =	swait.ge [sflag:s7], $0x1000  }
0x13: {  	[sflag:s7] =	ssyncset.done $0x0  }
0x14: {  	s26 =	simm.s32 $0x0;
	[sflag:s7] =	ssyncadd.s32 $0xFFFFF000  }
0x15: {  	[tilespmem:s9], [sflag:$0x1] =	stream.indirect.gather [hbm4b:s3+s8], $0x80, s26, s8, $0xb8;
	[tilespmem:$0x11000] =	vst v63  }
0x16: {  	s28 =	simm.s32 $0x80  }
0x17: {  	[tilespmem:s10], [sflag:$0x1] =	stream.indirect.gather [hbm4b:s3+s8], $0x80, s28, s8, $0xb8;
	[tilespmem:$0x11000] =	vst v63  }
0x18: {  	s29 =	simm.s32 $0x100  }
0x19: {  	[tilespmem:s11], [sflag:$0x1] =	stream.indirect.gather [hbm4b:s3+s8], $0x80, s29, s8, $0xb8;
	[tilespmem:$0x11000] =	vst v63  }
0x1a: {  	s30 =	simm.s32 $0x180  }
0x1b: {  	[tilespmem:s12], [sflag:$0x1] =	stream.indirect.gather [hbm4b:s3+s8], $0x80, s30, s8, $0xb8;
	[tilespmem:$0x11000] =	vst v63  }
0x1c: {  	_ =	swait.ge [sflag:s13], $0x4000  }
0x1d: {  	[sflag:s13] =	ssyncset.done $0x0  }
0x1e: {  	[sflag:s13] =	ssyncadd.s32 $0xFFFFC000  }
0x1f: {  	_ =	swait.ge [sflag:s13], $0x4000  }
0x20: {  	[sflag:s13] =	ssyncset.done $0x0  }
0x21: {  	[sflag:s13] =	ssyncadd.s32 $0xFFFFC000  }
0x22: {  	_ =	swait.ge [sflag:s13], $0x4000  }
0x23: {  	[sflag:s13] =	ssyncset.done $0x0  }
0x24: {  	[sflag:s13] =	ssyncadd.s32 $0xFFFFC000  }
0x25: {  	_ =	swait.ge [sflag:s13], $0x4000  }
0x26: {  	[sflag:s13] =	ssyncset.done $0x0  }
0x27: {  	s31 =	sadd.s32 $0x0, s6;
	[sflag:s13] =	ssyncadd.s32 $0xFFFFC000  }
0x28: {  	[hbm4b:s31+s2] =	stream.linear.scatter [tilespmem:s9], [sflag:$0x2], $0x10000, $0x38;
	[tilespmem:$0x11000] =	vst v63  }
0x29: {  	s17 =	simm.s32 $0x4000;
	_ =	swait.ge [sflag:s7], $0x10000  }
0x2a: {  	s16 =	simm.s32 $0x380;
	s15 =	simm.s32 $0x2000;
	[sflag:s7] =	ssyncset.done $0x0  }
.LBB2_3:
0x2b: {  	p0 =	sne.s32 s17, $0xE000;
	s18 =	sadd.s32 $0xFFFFFE80, s16;
	[sflag:s7] =	ssyncadd.s32 $0xFFFF0000  }
0x2c: {  	[tilespmem:s9], [sflag:$0x1] =	stream.indirect.gather [hbm4b:s3+s8], $0x80, s18, s8, $0xb8;
	[tilespmem:$0x11000] =	vst v63  }
0x2d: {  	s19 =	smov.u32 s17;
	s17 =	sadd.s32 $0x2000, s17;
	s18 =	sadd.s32 $0xFFFFFF00, s16  }
0x2e: {  	[tilespmem:s10], [sflag:$0x1] =	stream.indirect.gather [hbm4b:s3+s8], $0x80, s18, s8, $0xb8;
	[tilespmem:$0x11000] =	vst v63  }
0x2f: {  	s18 =	sadd.s32 $0xFFFFFF80, s16  }
0x30: {  	[tilespmem:s11], [sflag:$0x1] =	stream.indirect.gather [hbm4b:s3+s8], $0x80, s18, s8, $0xb8;
	[tilespmem:$0x11000] =	vst v63  }
0x31: {  	_ = 	snop  }
0x32: {  	[tilespmem:s12], [sflag:$0x1] =	stream.indirect.gather [hbm4b:s3+s8], $0x80, s16, s8, $0xb8;
	[tilespmem:$0x11000] =	vst v63  }
0x33: {  	_ =	swait.ge [sflag:s13], $0x4000  }
0x34: {  	[sflag:s13] =	ssyncset.done $0x0  }
0x35: {  	[sflag:s13] =	ssyncadd.s32 $0xFFFFC000  }
0x36: {  	_ =	swait.ge [sflag:s13], $0x4000  }
0x37: {  	[sflag:s13] =	ssyncset.done $0x0  }
0x38: {  	[sflag:s13] =	ssyncadd.s32 $0xFFFFC000  }
0x39: {  	_ =	swait.ge [sflag:s13], $0x4000  }
0x3a: {  	[sflag:s13] =	ssyncset.done $0x0  }
0x3b: {  	[sflag:s13] =	ssyncadd.s32 $0xFFFFC000  }
0x3c: {  	_ =	swait.ge [sflag:s13], $0x4000  }
.Ltmp1:
0x3d: {  	[sflag:s13] =	ssyncset.done $0x0;
	(pc) =	sbr.rel @p0 .LBB2_3-.Ltmp1, $4  }
0x3e: {  	s18 =	sadd.s32 s15, s6;
	s15 =	smov.u32 s19;
	[sflag:s13] =	ssyncadd.s32 $0xFFFFC000  }
0x3f: {  	[hbm4b:s18+s2] =	stream.linear.scatter [tilespmem:s9], [sflag:$0x2], $0x10000, $0x38;
	[tilespmem:$0x11000] =	vst v63  }
0x40: {  	_ =	swait.ge [sflag:s7], $0x10000  }
0x41: {  	s16 =	sadd.s32 $0x200, s16;
	[sflag:s7] =	ssyncset.done $0x0  }
0x42: {  	s17 =	sadd.s32 $0xFFFFFE80, s16;
	[sflag:s7] =	ssyncadd.s32 $0xFFFF0000  }
0x43: {  	[tilespmem:s9], [sflag:$0x1] =	stream.indirect.gather [hbm4b:s3+s8], $0x80, s17, s8, $0xb8;
	[tilespmem:$0x11000] =	vst v63  }
0x44: {  	s30 =	sadd.s32 $0xFFFFFF00, s16  }
0x45: {  	[tilespmem:s10], [sflag:$0x1] =	stream.indirect.gather [hbm4b:s3+s8], $0x80, s30, s8, $0xb8;
	[tilespmem:$0x11000] =	vst v63  }
0x46: {  	s31 =	sadd.s32 $0xFFFFFF80, s16  }
0x47: {  	[tilespmem:s11], [sflag:$0x1] =	stream.indirect.gather [hbm4b:s3+s8], $0x80, s31, s8, $0xb8;
	[tilespmem:$0x11000] =	vst v63  }
0x48: {  	_ = 	snop  }
0x49: {  	[tilespmem:s12], [sflag:$0x1] =	stream.indirect.gather [hbm4b:s3+s8], $0x80, s16, s8, $0xb8;
	[tilespmem:$0x11000] =	vst v63  }
0x4a: {  	_ =	swait.ge [sflag:s13], $0x4000  }
0x4b: {  	[sflag:s13] =	ssyncset.done $0x0  }
0x4c: {  	[sflag:s13] =	ssyncadd.s32 $0xFFFFC000  }
0x4d: {  	_ =	swait.ge [sflag:s13], $0x4000  }
0x4e: {  	[sflag:s13] =	ssyncset.done $0x0  }
0x4f: {  	[sflag:s13] =	ssyncadd.s32 $0xFFFFC000  }
0x50: {  	_ =	swait.ge [sflag:s13], $0x4000  }
0x51: {  	[sflag:s13] =	ssyncset.done $0x0  }
0x52: {  	[sflag:s13] =	ssyncadd.s32 $0xFFFFC000  }
0x53: {  	s14 =	sadd.s32 $0x1, s14;
	_ =	swait.ge [sflag:s13], $0x4000  }
0x54: {  	p0 =	sne.s32 s14, s5;
	[sflag:s13] =	ssyncset.done $0x0  }
.Ltmp2:
0x55: {  	s15 =	sadd.s32 s15, s6;
	[sflag:s13] =	ssyncadd.s32 $0xFFFFC000;
	(pc) =	sbr.rel @p0 .LBB2_2-.Ltmp2, $4  }
0x56: {  	[hbm4b:s15+s2] =	stream.linear.scatter [tilespmem:s9], [sflag:$0x2], $0x10000, $0x38;
	[tilespmem:$0x11000] =	vst v63  }
0x57: {  	_ =	swait.ge [sflag:s7], $0x10000  }
0x58: {  	[sflag:s7] =	ssyncset.done $0x0  }
0x59: {  	[sflag:s7] =	ssyncadd.s32 $0xFFFF0000  }
.LBB2_5:
0x5a: {  	_ =	sfence.sel $0x180000  }
0x5b: {  	[bflag:$0x0] =	sbarrier.arrive $0xFFFF  }
0x5c: {  	p0 =	sne.s32 s1, $0x0;
	_ =	strace $0x90000047  }
0x5d: {  	s0 =	sadd.s32 @!p0 $0x100000, s0;
	[bflag:$0x2] =	sbarrier.arrive $0xFFFF  }
0x5e: {  	[sflag:s0] =	ssyncadd.tile.s32 @!p0 $0x1;
	_ =	shalt  }
.Lfunc_end2:
_tile_overlayer_lowered:
.L_overlay_start_2:
0x5f: {  	(tag) =	ssettag $0x2  }
0x60: {  	s0 =	rddreg [dreg:$0x0];
	s2 =	stileid.u32  }
0x61: {  	s1 =	rddreg [dreg:$0x1];
	p0 =	sne.s32 s2, $0x0  }
0x62: {  	s3 =	rddreg [dreg:$0x2];
	[bflag:$0x3] =	sbarrier.arrive $0xFFFF;
	s2 =	simm.s32 @!p0 $0x1C02  }
0x63: {  	[timem:s3], [sflag:s2] =	dma.local @!p0 [hbm:s0], s1  }
0x64: {  	s0 =	simm.s32 @!p0 $0x2  }
0x65: {  	_ =	swait.ge @!p0 [sflag:s0], s1  }
0x66: {  	s1 =	ssub.s32 @!p0 $0x0, s1;
	[sflag:s0] =	ssyncset.done @!p0 $0x0  }
0x67: {  	[sflag:s0] =	ssyncadd.s32 @!p0 s1  }
0x68: {  	[bflag:$0x3] =	sbarrier.arrive $0xFFFF  }
0x69: {  	_ =	shalt  }

</sc_bundles>
